<compile_context>
chip_gen: v7x
topology: tpu7x:2x2x1
jax: 0.10.2.dev20260603
libtpu: 0.0.44.dev20260713+nightly
codegen_flags: <defaults>
</compile_context>

<pallas_src>
import jax
import jax.numpy as jnp
from jax import lax
from jax.experimental import pallas as pl
from jax.experimental.pallas import tpu as pltpu, tpu_sc as plsc
import functools

N = 6400000
NSEG = 100000
NC = 2
NS = 16
NW = NC * NS
APW = N // NW
CHUNK = 10000
CPW = APW // CHUNK
STEPS = CHUNK // 16
LSTRIDE = STEPS
NBUF = 4
ACCW = 20000
SEG_PAD = 100096
SEG_SP = 120192
SLICE = SEG_SP // NS
UNROLL = 5


def _sc_body(vals_hbm, idx_hbm, out_hbm, vbuf0, vbuf1, vbuf2, vbuf3,
             ibuf0, ibuf1, ibuf2, ibuf3, accl, acc_sp,
             vsem0, vsem1, vsem2, vsem3, isem0, isem1, isem2, isem3):
    c = lax.axis_index("c")
    s = lax.axis_index("s")
    wid = s * NC + c
    base_el = wid * APW
    vbufs = (vbuf0, vbuf1, vbuf2, vbuf3)
    ibufs = (ibuf0, ibuf1, ibuf2, ibuf3)
    vsems = (vsem0, vsem1, vsem2, vsem3)
    isems = (isem0, isem1, isem2, isem3)

    zvec = jnp.zeros((16,), jnp.float32)

    def zfill_v3(i, _):
        b = i * 80
        for u in range(UNROLL):
            vbuf3[pl.ds(b + u * 16, 16)] = zvec
        return 0
    lax.fori_loop(0, CHUNK // 80, zfill_v3, 0)
    pltpu.sync_copy(vbuf3.at[pl.ds(0, SLICE)],
                    acc_sp.at[pl.ds(s * SLICE, SLICE)])

    def issue_load(k):
        b = k % NBUF
        el0 = base_el + k * CHUNK
        dv = pltpu.async_copy(vals_hbm.at[pl.ds(el0, CHUNK)],
                              vbufs[b], vsems[b])
        di = pltpu.async_copy(idx_hbm.at[pl.ds(el0, CHUNK)],
                              ibufs[b], isems[b])
        return dv, di

    descs = [issue_load(k) for k in range(NBUF)]
    plsc.subcore_barrier()

    def zfill_acc(i, _):
        b = i * 80
        for u in range(UNROLL):
            accl[pl.ds(b + u * 16, 16)] = zvec
        return 0
    lax.fori_loop(0, ACCW // 80, zfill_acc, 0)

    loff = lax.iota(jnp.int32, 16) * LSTRIDE

    def do_chunk_local(vb, ib, wstart):
        def step(tt, _):
            t0 = tt * UNROLL
            gs = [loff + (t0 + u) for u in range(UNROLL)]
            vs = [plsc.load_gather(vb, [g]) for g in gs]
            rs = [plsc.load_gather(ib, [g]) - wstart for g in gs]
            for u in range(UNROLL):
                plsc.addupdate_scatter(accl, [rs[u]], vs[u])
            return 0
        lax.fori_loop(0, STEPS // UNROLL, step, 0)

    wstart = None
    for k in range(CPW):
        b = k % NBUF
        dv, di = descs[b]
        dv.wait()
        di.wait()
        if k == 0:
            dmin = ibufs[0][pl.ds(0, 16)][0]
            wstart = (dmin // 8) * 8
        cmax = ibufs[b][pl.ds(CHUNK - 16, 16)][15]
        in_window = cmax < wstart + ACCW

        @pl.when(in_window)
        def _():
            do_chunk_local(vbufs[b], ibufs[b], wstart)

        @pl.when(jnp.logical_not(in_window))
        def _():
            pltpu.sync_copy(vbufs[b], acc_sp.at[ibufs[b]], add=True)
        if k + NBUF < CPW:
            descs[b] = issue_load(k + NBUF)

    def ifill(i, _):
        base = lax.iota(jnp.int32, 16) + wstart + i * 16
        ibuf0[pl.ds(i * 16, 16)] = base
        ibuf1[pl.ds(i * 16, 16)] = base + CHUNK
        return 0
    lax.fori_loop(0, STEPS, ifill, 0)
    pltpu.sync_copy(accl.at[pl.ds(0, CHUNK)], acc_sp.at[ibuf0], add=True)
    pltpu.sync_copy(accl.at[pl.ds(CHUNK, CHUNK)], acc_sp.at[ibuf1],
                    add=True)
    plsc.subcore_barrier()

    pltpu.sync_copy(acc_sp.at[pl.ds(s * SLICE, SLICE)],
                    vbuf0.at[pl.ds(0, SLICE)])
    pltpu.sync_copy(vbuf0.at[pl.ds(0, SLICE)],
                    out_hbm.at[pl.ds(c * SEG_SP + s * SLICE, SLICE)])


@functools.partial(
    pl.kernel,
    out_type=jax.ShapeDtypeStruct((NC * SEG_SP,), jnp.float32),
    mesh=plsc.VectorSubcoreMesh(core_axis_name="c", subcore_axis_name="s",
                                num_cores=NC, num_subcores=NS),
    scratch_types=[
        pltpu.VMEM((CHUNK,), jnp.float32),
        pltpu.VMEM((CHUNK,), jnp.float32),
        pltpu.VMEM((CHUNK,), jnp.float32),
        pltpu.VMEM((CHUNK,), jnp.float32),
        pltpu.VMEM((CHUNK,), jnp.int32),
        pltpu.VMEM((CHUNK,), jnp.int32),
        pltpu.VMEM((CHUNK,), jnp.int32),
        pltpu.VMEM((CHUNK,), jnp.int32),
        pltpu.VMEM((ACCW,), jnp.float32),
        pltpu.VMEM_SHARED((SEG_SP,), jnp.float32),
        pltpu.SemaphoreType.DMA,
        pltpu.SemaphoreType.DMA,
        pltpu.SemaphoreType.DMA,
        pltpu.SemaphoreType.DMA,
        pltpu.SemaphoreType.DMA,
        pltpu.SemaphoreType.DMA,
        pltpu.SemaphoreType.DMA,
        pltpu.SemaphoreType.DMA,
    ],
    compiler_params=pltpu.CompilerParams(needs_layout_passes=False),
)
def _sc_segment_sum(vals_hbm, idx_hbm, out_hbm, vbuf0, vbuf1, vbuf2, vbuf3,
                    ibuf0, ibuf1, ibuf2, ibuf3, accl, acc_sp,
                    vsem0, vsem1, vsem2, vsem3, isem0, isem1, isem2, isem3):
    _sc_body(vals_hbm, idx_hbm, out_hbm, vbuf0, vbuf1, vbuf2, vbuf3,
             ibuf0, ibuf1, ibuf2, ibuf3, accl, acc_sp,
             vsem0, vsem1, vsem2, vsem3, isem0, isem1, isem2, isem3)


def _combine_body(p_ref, o_ref):
    o_ref[...] = (p_ref[pl.ds(0, SEG_PAD)]
                  + p_ref[pl.ds(SEG_SP, SEG_PAD)])


def kernel(atom_specific_values, index):
    vals = atom_specific_values
    idx = index.astype(jnp.int32)
    partials = _sc_segment_sum(vals, idx)
    out = pl.pallas_call(
        _combine_body,
        out_shape=jax.ShapeDtypeStruct((SEG_PAD,), jnp.float32),
    )(partials)
    return out[:NSEG]

# --- scband reference (transcript-rebuilt; emitter-appended) ---
"""Pipeline reference for scband-core-network-22359599743219 (READ-ONLY COPY).

The authoritative reference and input builder live on the scoring server;
editing this copy changes nothing except your own understanding.
"""

import jax, jax.numpy as jnp
import numpy as np

N_ATOMS = 6400000
NUM_SEGMENTS = 100000

def setup_inputs(seed: int = 0) -> dict:
    key = jax.random.key(seed)
    k1, k2 = jax.random.split(key)
    atom_specific_values = jax.random.normal(k1, (N_ATOMS,), dtype=jnp.float32)
    index = jnp.sort(jax.random.randint(k2, (N_ATOMS,), 0, NUM_SEGMENTS)).astype(jnp.int64)
    return {"atom_specific_values": atom_specific_values, "index": index}

def reference(atom_specific_values, index):
    # CoreNetwork._readout: FromAtomToMoleculeReduction -> per-molecule energy via
    # scatter-add of per-atom energies E_i over atomic_subsystem_indices.
    E = jax.ops.segment_sum(atom_specific_values, index, num_segments=NUM_SEGMENTS)
    return E

if __name__ == "__main__":
    import jax
    _d = setup_inputs()
    print(jax.jit(kernel)(*tuple(_d.values())))

</pallas_src>

<mosaic_0001>
#map = affine_map<(d0, d1) -> (0)>
module attributes {stable_mosaic.version = 14 : i64} {
  func.func @_sc_segment_sum(%arg0: i32, %arg1: i32, %arg2: memref<6400000xf32, #tpu.memory_space<hbm>>, %arg3: memref<6400000xi32, #tpu.memory_space<hbm>>, %arg4: memref<240384xf32, #tpu.memory_space<hbm>>, %arg5: memref<10000xf32, #tpu.memory_space<vmem>>, %arg6: memref<10000xf32, #tpu.memory_space<vmem>>, %arg7: memref<10000xf32, #tpu.memory_space<vmem>>, %arg8: memref<10000xf32, #tpu.memory_space<vmem>>, %arg9: memref<10000xi32, #tpu.memory_space<vmem>>, %arg10: memref<10000xi32, #tpu.memory_space<vmem>>, %arg11: memref<10000xi32, #tpu.memory_space<vmem>>, %arg12: memref<10000xi32, #tpu.memory_space<vmem>>, %arg13: memref<20000xf32, #tpu.memory_space<vmem>>, %arg14: memref<120192xf32, #tpu.memory_space<vmem_shared>>, %arg15: memref<!tpu.dma_semaphore, #tpu.memory_space<semaphore_mem>>, %arg16: memref<!tpu.dma_semaphore, #tpu.memory_space<semaphore_mem>>, %arg17: memref<!tpu.dma_semaphore, #tpu.memory_space<semaphore_mem>>, %arg18: memref<!tpu.dma_semaphore, #tpu.memory_space<semaphore_mem>>, %arg19: memref<!tpu.dma_semaphore, #tpu.memory_space<semaphore_mem>>, %arg20: memref<!tpu.dma_semaphore, #tpu.memory_space<semaphore_mem>>, %arg21: memref<!tpu.dma_semaphore, #tpu.memory_space<semaphore_mem>>, %arg22: memref<!tpu.dma_semaphore, #tpu.memory_space<semaphore_mem>>) attributes {dimension_semantics = [#tpu.dimension_semantics<core_parallel>, #tpu.dimension_semantics<subcore_parallel>], iteration_bounds = array<i64: 2, 16>, scalar_prefetch = 0 : i64, scratch_operands = 18 : i64, tpu.core_type = #tpu.core_type<sc_vector_subcore>, window_params = [{transform_indices = #map}, {transform_indices = #map}, {transform_indices = #map}]} {
    %mul3A = arith.constant 2 : i32
    %mul3A_0 = arith.muli %arg1, %mul3A : i32
    %add3A = arith.addi %mul3A_0, %arg0 : i32
    %mul3A_1 = arith.constant 200000 : i32
    %mul3A_2 = arith.muli %add3A, %mul3A_1 : i32
    %broadcast_in_dim3A = arith.constant 0.000000e+00 : f32
    %broadcast_in_dim3A_3 = vector.broadcast %broadcast_in_dim3A : f32 to vector<16xf32>
    %scan3A = arith.constant 0 : i32
    %scan3A_4 = arith.constant 0 : i32
    %scan3A_5 = arith.constant 125 : i32
    %scan3A_6 = arith.addi %scan3A_4, %scan3A_5 : i32
    %scan3A_7 = arith.constant 1 : i32
    %scan3A_8 = scf.for %scan3A_550 = %scan3A_4 to %scan3A_6 step %scan3A_7 iter_args(%scan3A_551 = %scan3A) -> (i32)  : i32 {
      %mul3A_552 = arith.constant 80 : i32
      %mul3A_553 = arith.muli %scan3A_550, %mul3A_552 : i32
      %add3A_554 = arith.constant 0 : i32
      %add3A_555 = arith.addi %mul3A_553, %add3A_554 : i32
      %swap3A = arith.index_cast %add3A_555 : i32 to index
      %swap3A_556 = tpu.vector_load %arg8[%swap3A] {strides = array<i32>} : memref<10000xf32, #tpu.memory_space<vmem>>, vector<16xf32>,
      tpu.vector_store %arg8[%swap3A], %broadcast_in_dim3A_3 {strides = array<i32>} : memref<10000xf32, #tpu.memory_space<vmem>>, vector<16xf32>,
      %add3A_557 = arith.constant 16 : i32
      %add3A_558 = arith.addi %mul3A_553, %add3A_557 : i32
      %swap3A_559 = arith.index_cast %add3A_558 : i32 to index
      %swap3A_560 = tpu.vector_load %arg8[%swap3A_559] {strides = array<i32>} : memref<10000xf32, #tpu.memory_space<vmem>>, vector<16xf32>,
      tpu.vector_store %arg8[%swap3A_559], %broadcast_in_dim3A_3 {strides = array<i32>} : memref<10000xf32, #tpu.memory_space<vmem>>, vector<16xf32>,
      %add3A_561 = arith.constant 32 : i32
      %add3A_562 = arith.addi %mul3A_553, %add3A_561 : i32
      %swap3A_563 = arith.index_cast %add3A_562 : i32 to index
      %swap3A_564 = tpu.vector_load %arg8[%swap3A_563] {strides = array<i32>} : memref<10000xf32, #tpu.memory_space<vmem>>, vector<16xf32>,
      tpu.vector_store %arg8[%swap3A_563], %broadcast_in_dim3A_3 {strides = array<i32>} : memref<10000xf32, #tpu.memory_space<vmem>>, vector<16xf32>,
      %add3A_565 = arith.constant 48 : i32
      %add3A_566 = arith.addi %mul3A_553, %add3A_565 : i32
      %swap3A_567 = arith.index_cast %add3A_566 : i32 to index
      %swap3A_568 = tpu.vector_load %arg8[%swap3A_567] {strides = array<i32>} : memref<10000xf32, #tpu.memory_space<vmem>>, vector<16xf32>,
      tpu.vector_store %arg8[%swap3A_567], %broadcast_in_dim3A_3 {strides = array<i32>} : memref<10000xf32, #tpu.memory_space<vmem>>, vector<16xf32>,
      %add3A_569 = arith.constant 64 : i32
      %add3A_570 = arith.addi %mul3A_553, %add3A_569 : i32
      %swap3A_571 = arith.index_cast %add3A_570 : i32 to index
      %swap3A_572 = tpu.vector_load %arg8[%swap3A_571] {strides = array<i32>} : memref<10000xf32, #tpu.memory_space<vmem>>, vector<16xf32>,
      tpu.vector_store %arg8[%swap3A_571], %broadcast_in_dim3A_3 {strides = array<i32>} : memref<10000xf32, #tpu.memory_space<vmem>>, vector<16xf32>,
      %scan3A_573 = arith.constant 0 : i32
      scf.yield %scan3A_573 : i32
    }
    %scan3A_9 = arith.constant 125 : i32
    %mul3A_10 = arith.constant 7512 : i32
    %mul3A_11 = arith.muli %arg1, %mul3A_10 : i32
    "tpu.region"() ({
      %run_scoped3A = tpu.sem_alloc : memref<!tpu.dma_semaphore, #tpu.memory_space<semaphore_mem>>
      %dma_start3A_550 = arith.constant 0 : i32
      %dma_start3A_551 = tpu.memref_slice %arg8[%dma_start3A_550] : memref<10000xf32, #tpu.memory_space<vmem>> -> memref<7512xf32, #tpu.memory_space<vmem>>
      %dma_start3A_552 = tpu.memref_slice %arg14[%mul3A_11] : memref<120192xf32, #tpu.memory_space<vmem_shared>> -> memref<7512xf32, #tpu.memory_space<vmem_shared>>
      %dma_start3A_553 = tpu.memref_slice %arg14[%mul3A_11] : memref<120192xf32, #tpu.memory_space<vmem_shared>> -> memref<7512xf32, #tpu.memory_space<vmem_shared>>
      %dma_start3A_554 = arith.constant 0 : i32
      %dma_start3A_555 = tpu.memref_slice %arg8[%dma_start3A_554] : memref<10000xf32, #tpu.memory_space<vmem>> -> memref<7512xf32, #tpu.memory_space<vmem>>
      tpu.enqueue_dma source(%dma_start3A_555 : memref<7512xf32, #tpu.memory_space<vmem>>) target(%dma_start3A_553 : memref<7512xf32, #tpu.memory_space<vmem_shared>>) target_semaphore(%run_scoped3A : memref<!tpu.dma_semaphore, #tpu.memory_space<semaphore_mem>>)
      %dma_wait3A_556 = arith.constant 0 : i32
      %dma_wait3A_557 = tpu.memref_slice %arg8[%dma_wait3A_556] : memref<10000xf32, #tpu.memory_space<vmem>> -> memref<7512xf32, #tpu.memory_space<vmem>>
      %dma_wait3A_558 = tpu.memref_slice %arg14[%mul3A_11] : memref<120192xf32, #tpu.memory_space<vmem_shared>> -> memref<7512xf32, #tpu.memory_space<vmem_shared>>
      %dma_wait3A_559 = tpu.memref_slice %arg14[%mul3A_11] : memref<120192xf32, #tpu.memory_space<vmem_shared>> -> memref<7512xf32, #tpu.memory_space<vmem_shared>>
      %dma_wait3A_560 = arith.constant 0 : i32
      %dma_wait3A_561 = tpu.memref_slice %arg8[%dma_wait3A_560] : memref<10000xf32, #tpu.memory_space<vmem>> -> memref<7512xf32, #tpu.memory_space<vmem>>
      tpu.wait_dma2 semaphore(%run_scoped3A : memref<!tpu.dma_semaphore, #tpu.memory_space<semaphore_mem>>) src(%dma_wait3A_561 : memref<7512xf32, #tpu.memory_space<vmem>>) dst(%dma_wait3A_559 : memref<7512xf32, #tpu.memory_space<vmem_shared>>)
      tpu.yield
    }) : () -> ()
    %add3A_12 = arith.constant 0 : i32
    %add3A_13 = arith.addi %mul3A_2, %add3A_12 : i32
    %dma_start3A = tpu.memref_slice %arg2[%add3A_13] : memref<6400000xf32, #tpu.memory_space<hbm>> -> memref<10000xf32, #tpu.memory_space<hbm>>
    %dma_start3A_14 = tpu.memref_slice %arg2[%add3A_13] : memref<6400000xf32, #tpu.memory_space<hbm>> -> memref<10000xf32, #tpu.memory_space<hbm>>
    tpu.enqueue_dma source(%dma_start3A_14 : memref<10000xf32, #tpu.memory_space<hbm>>) target(%arg5 : memref<10000xf32, #tpu.memory_space<vmem>>) target_semaphore(%arg15 : memref<!tpu.dma_semaphore, #tpu.memory_space<semaphore_mem>>)
    %dma_start3A_15 = tpu.memref_slice %arg3[%add3A_13] : memref<6400000xi32, #tpu.memory_space<hbm>> -> memref<10000xi32, #tpu.memory_space<hbm>>
    %dma_start3A_16 = tpu.memref_slice %arg3[%add3A_13] : memref<6400000xi32, #tpu.memory_space<hbm>> -> memref<10000xi32, #tpu.memory_space<hbm>>
    tpu.enqueue_dma source(%dma_start3A_16 : memref<10000xi32, #tpu.memory_space<hbm>>) target(%arg9 : memref<10000xi32, #tpu.memory_space<vmem>>) target_semaphore(%arg19 : memref<!tpu.dma_semaphore, #tpu.memory_space<semaphore_mem>>)
    %add3A_17 = arith.constant 10000 : i32
    %add3A_18 = arith.addi %mul3A_2, %add3A_17 : i32
    %dma_start3A_19 = tpu.memref_slice %arg2[%add3A_18] : memref<6400000xf32, #tpu.memory_space<hbm>> -> memref<10000xf32, #tpu.memory_space<hbm>>
    %dma_start3A_20 = tpu.memref_slice %arg2[%add3A_18] : memref<6400000xf32, #tpu.memory_space<hbm>> -> memref<10000xf32, #tpu.memory_space<hbm>>
    tpu.enqueue_dma source(%dma_start3A_20 : memref<10000xf32, #tpu.memory_space<hbm>>) target(%arg6 : memref<10000xf32, #tpu.memory_space<vmem>>) target_semaphore(%arg16 : memref<!tpu.dma_semaphore, #tpu.memory_space<semaphore_mem>>)
    %dma_start3A_21 = tpu.memref_slice %arg3[%add3A_18] : memref<6400000xi32, #tpu.memory_space<hbm>> -> memref<10000xi32, #tpu.memory_space<hbm>>
    %dma_start3A_22 = tpu.memref_slice %arg3[%add3A_18] : memref<6400000xi32, #tpu.memory_space<hbm>> -> memref<10000xi32, #tpu.memory_space<hbm>>
    tpu.enqueue_dma source(%dma_start3A_22 : memref<10000xi32, #tpu.memory_space<hbm>>) target(%arg10 : memref<10000xi32, #tpu.memory_space<vmem>>) target_semaphore(%arg20 : memref<!tpu.dma_semaphore, #tpu.memory_space<semaphore_mem>>)
    %add3A_23 = arith.constant 20000 : i32
    %add3A_24 = arith.addi %mul3A_2, %add3A_23 : i32
    %dma_start3A_25 = tpu.memref_slice %arg2[%add3A_24] : memref<6400000xf32, #tpu.memory_space<hbm>> -> memref<10000xf32, #tpu.memory_space<hbm>>
    %dma_start3A_26 = tpu.memref_slice %arg2[%add3A_24] : memref<6400000xf32, #tpu.memory_space<hbm>> -> memref<10000xf32, #tpu.memory_space<hbm>>
    tpu.enqueue_dma source(%dma_start3A_26 : memref<10000xf32, #tpu.memory_space<hbm>>) target(%arg7 : memref<10000xf32, #tpu.memory_space<vmem>>) target_semaphore(%arg17 : memref<!tpu.dma_semaphore, #tpu.memory_space<semaphore_mem>>)
    %dma_start3A_27 = tpu.memref_slice %arg3[%add3A_24] : memref<6400000xi32, #tpu.memory_space<hbm>> -> memref<10000xi32, #tpu.memory_space<hbm>>
    %dma_start3A_28 = tpu.memref_slice %arg3[%add3A_24] : memref<6400000xi32, #tpu.memory_space<hbm>> -> memref<10000xi32, #tpu.memory_space<hbm>>
    tpu.enqueue_dma source(%dma_start3A_28 : memref<10000xi32, #tpu.memory_space<hbm>>) target(%arg11 : memref<10000xi32, #tpu.memory_space<vmem>>) target_semaphore(%arg21 : memref<!tpu.dma_semaphore, #tpu.memory_space<semaphore_mem>>)
    %add3A_29 = arith.constant 30000 : i32
    %add3A_30 = arith.addi %mul3A_2, %add3A_29 : i32
    %dma_start3A_31 = tpu.memref_slice %arg2[%add3A_30] : memref<6400000xf32, #tpu.memory_space<hbm>> -> memref<10000xf32, #tpu.memory_space<hbm>>
    %dma_start3A_32 = tpu.memref_slice %arg2[%add3A_30] : memref<6400000xf32, #tpu.memory_space<hbm>> -> memref<10000xf32, #tpu.memory_space<hbm>>
    tpu.enqueue_dma source(%dma_start3A_32 : memref<10000xf32, #tpu.memory_space<hbm>>) target(%arg8 : memref<10000xf32, #tpu.memory_space<vmem>>) target_semaphore(%arg18 : memref<!tpu.dma_semaphore, #tpu.memory_space<semaphore_mem>>)
    %dma_start3A_33 = tpu.memref_slice %arg3[%add3A_30] : memref<6400000xi32, #tpu.memory_space<hbm>> -> memref<10000xi32, #tpu.memory_space<hbm>>
    %dma_start3A_34 = tpu.memref_slice %arg3[%add3A_30] : memref<6400000xi32, #tpu.memory_space<hbm>> -> memref<10000xi32, #tpu.memory_space<hbm>>
    tpu.enqueue_dma source(%dma_start3A_34 : memref<10000xi32, #tpu.memory_space<hbm>>) target(%arg12 : memref<10000xi32, #tpu.memory_space<vmem>>) target_semaphore(%arg22 : memref<!tpu.dma_semaphore, #tpu.memory_space<semaphore_mem>>)
    %barrier3A = arith.constant 0 : index
    tpu.barrier barrier_id(%barrier3A)
    %scan3A_35 = arith.constant 0 : i32
    %scan3A_36 = arith.constant 0 : i32
    %scan3A_37 = arith.constant 250 : i32
    %scan3A_38 = arith.addi %scan3A_36, %scan3A_37 : i32
    %scan3A_39 = arith.constant 1 : i32
    %scan3A_40 = scf.for %scan3A_550 = %scan3A_36 to %scan3A_38 step %scan3A_39 iter_args(%scan3A_551 = %scan3A_35) -> (i32)  : i32 {
      %mul3A_552 = arith.constant 80 : i32
      %mul3A_553 = arith.muli %scan3A_550, %mul3A_552 : i32
      %add3A_554 = arith.constant 0 : i32
      %add3A_555 = arith.addi %mul3A_553, %add3A_554 : i32
      %swap3A = arith.index_cast %add3A_555 : i32 to index
      %swap3A_556 = tpu.vector_load %arg13[%swap3A] {strides = array<i32>} : memref<20000xf32, #tpu.memory_space<vmem>>, vector<16xf32>,
      tpu.vector_store %arg13[%swap3A], %broadcast_in_dim3A_3 {strides = array<i32>} : memref<20000xf32, #tpu.memory_space<vmem>>, vector<16xf32>,
      %add3A_557 = arith.constant 16 : i32
      %add3A_558 = arith.addi %mul3A_553, %add3A_557 : i32
      %swap3A_559 = arith.index_cast %add3A_558 : i32 to index
      %swap3A_560 = tpu.vector_load %arg13[%swap3A_559] {strides = array<i32>} : memref<20000xf32, #tpu.memory_space<vmem>>, vector<16xf32>,
      tpu.vector_store %arg13[%swap3A_559], %broadcast_in_dim3A_3 {strides = array<i32>} : memref<20000xf32, #tpu.memory_space<vmem>>, vector<16xf32>,
      %add3A_561 = arith.constant 32 : i32
      %add3A_562 = arith.addi %mul3A_553, %add3A_561 : i32
      %swap3A_563 = arith.index_cast %add3A_562 : i32 to index
      %swap3A_564 = tpu.vector_load %arg13[%swap3A_563] {strides = array<i32>} : memref<20000xf32, #tpu.memory_space<vmem>>, vector<16xf32>,
      tpu.vector_store %arg13[%swap3A_563], %broadcast_in_dim3A_3 {strides = array<i32>} : memref<20000xf32, #tpu.memory_space<vmem>>, vector<16xf32>,
      %add3A_565 = arith.constant 48 : i32
      %add3A_566 = arith.addi %mul3A_553, %add3A_565 : i32
      %swap3A_567 = arith.index_cast %add3A_566 : i32 to index
      %swap3A_568 = tpu.vector_load %arg13[%swap3A_567] {strides = array<i32>} : memref<20000xf32, #tpu.memory_space<vmem>>, vector<16xf32>,
      tpu.vector_store %arg13[%swap3A_567], %broadcast_in_dim3A_3 {strides = array<i32>} : memref<20000xf32, #tpu.memory_space<vmem>>, vector<16xf32>,
      %add3A_569 = arith.constant 64 : i32
      %add3A_570 = arith.addi %mul3A_553, %add3A_569 : i32
      %swap3A_571 = arith.index_cast %add3A_570 : i32 to index
      %swap3A_572 = tpu.vector_load %arg13[%swap3A_571] {strides = array<i32>} : memref<20000xf32, #tpu.memory_space<vmem>>, vector<16xf32>,
      tpu.vector_store %arg13[%swap3A_571], %broadcast_in_dim3A_3 {strides = array<i32>} : memref<20000xf32, #tpu.memory_space<vmem>>, vector<16xf32>,
      %scan3A_573 = arith.constant 0 : i32
      scf.yield %scan3A_573 : i32
    }
    %scan3A_41 = arith.constant 250 : i32
    %iota3A = tpu.iota {dimensions = array<i32: 0>} : vector<16xi32>
    %mul3A_42 = arith.constant 625 : i32
    %mul3A_43 = vector.broadcast %mul3A_42 : i32 to vector<16xi32>
    %mul3A_44 = arith.muli %iota3A, %mul3A_43 : vector<16xi32>
    %dma_wait3A = tpu.memref_slice %arg2[%add3A_13] : memref<6400000xf32, #tpu.memory_space<hbm>> -> memref<10000xf32, #tpu.memory_space<hbm>>
    %dma_wait3A_45 = tpu.memref_slice %arg2[%add3A_13] : memref<6400000xf32, #tpu.memory_space<hbm>> -> memref<10000xf32, #tpu.memory_space<hbm>>
    tpu.wait_dma2 semaphore(%arg15 : memref<!tpu.dma_semaphore, #tpu.memory_space<semaphore_mem>>) src(%dma_wait3A_45 : memref<10000xf32, #tpu.memory_space<hbm>>) dst(%arg5 : memref<10000xf32, #tpu.memory_space<vmem>>)
    %dma_wait3A_46 = tpu.memref_slice %arg3[%add3A_13] : memref<6400000xi32, #tpu.memory_space<hbm>> -> memref<10000xi32, #tpu.memory_space<hbm>>
    %dma_wait3A_47 = tpu.memref_slice %arg3[%add3A_13] : memref<6400000xi32, #tpu.memory_space<hbm>> -> memref<10000xi32, #tpu.memory_space<hbm>>
    tpu.wait_dma2 semaphore(%arg19 : memref<!tpu.dma_semaphore, #tpu.memory_space<semaphore_mem>>) src(%dma_wait3A_47 : memref<10000xi32, #tpu.memory_space<hbm>>) dst(%arg9 : memref<10000xi32, #tpu.memory_space<vmem>>)
    %get3A = arith.constant 0 : index
    %get3A_48 = tpu.vector_load %arg9[%get3A] {strides = array<i32>} : memref<10000xi32, #tpu.memory_space<vmem>>, vector<16xi32>,
    %slice3A = vector.extract_strided_slice %get3A_48 {offsets = [0], sizes = [1], strides = [1]} : vector<16xi32> to vector<1xi32>
    %squeeze3A = vector.extract %slice3A[0] : i32 from vector<1xi32>
    %jit3A = arith.constant 8 : i32
    %div3A = arith.divsi %squeeze3A, %jit3A : i32
    %sign3A = arith.constant 0 : i32
    %sign3A_49 = arith.cmpi sgt, %squeeze3A, %sign3A : i32
    %sign3A_50 = arith.extui %sign3A_49 : i1 to i32
    %sign3A_51 = arith.constant 0 : i32
    %sign3A_52 = arith.cmpi slt, %squeeze3A, %sign3A_51 : i32
    %sign3A_53 = arith.extui %sign3A_52 : i1 to i32
    %sign3A_54 = arith.subi %sign3A_50, %sign3A_53 : i32
    %sign3A_55 = arith.constant 0 : i32
    %sign3A_56 = arith.cmpi sgt, %jit3A, %sign3A_55 : i32
    %sign3A_57 = arith.extui %sign3A_56 : i1 to i32
    %sign3A_58 = arith.constant 0 : i32
    %sign3A_59 = arith.cmpi slt, %jit3A, %sign3A_58 : i32
    %sign3A_60 = arith.extui %sign3A_59 : i1 to i32
    %sign3A_61 = arith.subi %sign3A_57, %sign3A_60 : i32
    %ne3A = arith.cmpi ne, %sign3A_54, %sign3A_61 : i32
    %rem3A = arith.remsi %squeeze3A, %jit3A : i32
    %ne3A_62 = arith.constant 0 : i32
    %ne3A_63 = arith.cmpi ne, %rem3A, %ne3A_62 : i32
    %and3A = arith.andi %ne3A, %ne3A_63 : i1
    %sub3A = arith.constant 1 : i32
    %sub3A_64 = arith.subi %div3A, %sub3A : i32
    %select_n3A = arith.select %and3A, %sub3A_64, %div3A : i32
    %mul3A_65 = arith.constant 8 : i32
    %mul3A_66 = arith.muli %select_n3A, %mul3A_65 : i32
    %get3A_67 = arith.constant 9984 : index
    %get3A_68 = tpu.vector_load %arg9[%get3A_67] {strides = array<i32>} : memref<10000xi32, #tpu.memory_space<vmem>>, vector<16xi32>,
    %slice3A_69 = vector.extract_strided_slice %get3A_68 {offsets = [15], sizes = [1], strides = [1]} : vector<16xi32> to vector<1xi32>
    %squeeze3A_70 = vector.extract %slice3A_69[0] : i32 from vector<1xi32>
    %add3A_71 = arith.constant 20000 : i32
    %add3A_72 = arith.addi %mul3A_66, %add3A_71 : i32
    %lt3A = arith.cmpi slt, %squeeze3A_70, %add3A_72 : i32
    %convert_element_type3A = arith.extui %lt3A : i1 to i32
    %cond3A = arith.constant 0 : i32
    %cond3A_73 = arith.cmpi ne, %convert_element_type3A, %cond3A : i32
    scf.if %cond3A_73 {
      %scan3A_550 = arith.constant 0 : i32
      %scan3A_551 = arith.constant 0 : i32
      %scan3A_552 = arith.constant 125 : i32
      %scan3A_553 = arith.addi %scan3A_551, %scan3A_552 : i32
      %scan3A_554 = arith.constant 1 : i32
      %scan3A_555 = scf.for %scan3A_557 = %scan3A_551 to %scan3A_553 step %scan3A_554 iter_args(%scan3A_558 = %scan3A_550) -> (i32)  : i32 {
        %mul3A_559 = arith.constant 5 : i32
        %mul3A_560 = arith.muli %scan3A_557, %mul3A_559 : i32
        %add3A_561 = arith.constant 0 : i32
        %add3A_562 = arith.addi %mul3A_560, %add3A_561 : i32
        %add3A_563 = vector.broadcast %add3A_562 : i32 to vector<16xi32>
        %add3A_564 = arith.addi %mul3A_44, %add3A_563 : vector<16xi32>
        %add3A_565 = arith.constant 1 : i32
        %add3A_566 = arith.addi %mul3A_560, %add3A_565 : i32
        %add3A_567 = vector.broadcast %add3A_566 : i32 to vector<16xi32>
        %add3A_568 = arith.addi %mul3A_44, %add3A_567 : vector<16xi32>
        %add3A_569 = arith.constant 2 : i32
        %add3A_570 = arith.addi %mul3A_560, %add3A_569 : i32
        %add3A_571 = vector.broadcast %add3A_570 : i32 to vector<16xi32>
        %add3A_572 = arith.addi %mul3A_44, %add3A_571 : vector<16xi32>
        %add3A_573 = arith.constant 3 : i32
        %add3A_574 = arith.addi %mul3A_560, %add3A_573 : i32
        %add3A_575 = vector.broadcast %add3A_574 : i32 to vector<16xi32>
        %add3A_576 = arith.addi %mul3A_44, %add3A_575 : vector<16xi32>
        %add3A_577 = arith.constant 4 : i32
        %add3A_578 = arith.addi %mul3A_560, %add3A_577 : i32
        %add3A_579 = vector.broadcast %add3A_578 : i32 to vector<16xi32>
        %add3A_580 = arith.addi %mul3A_44, %add3A_579 : vector<16xi32>
        %gather3A = tpu.vector_load_idx %arg5[%add3A_564] : memref<10000xf32, #tpu.memory_space<vmem>>[vector<16xi32>], vector<16xf32>,
        %gather3A_581 = tpu.vector_load_idx %arg5[%add3A_568] : memref<10000xf32, #tpu.memory_space<vmem>>[vector<16xi32>], vector<16xf32>,
        %gather3A_582 = tpu.vector_load_idx %arg5[%add3A_572] : memref<10000xf32, #tpu.memory_space<vmem>>[vector<16xi32>], vector<16xf32>,
        %gather3A_583 = tpu.vector_load_idx %arg5[%add3A_576] : memref<10000xf32, #tpu.memory_space<vmem>>[vector<16xi32>], vector<16xf32>,
        %gather3A_584 = tpu.vector_load_idx %arg5[%add3A_580] : memref<10000xf32, #tpu.memory_space<vmem>>[vector<16xi32>], vector<16xf32>,
        %gather3A_585 = tpu.vector_load_idx %arg9[%add3A_564] : memref<10000xi32, #tpu.memory_space<vmem>>[vector<16xi32>], vector<16xi32>,
        %sub3A_586 = vector.broadcast %mul3A_66 : i32 to vector<16xi32>
        %sub3A_587 = arith.subi %gather3A_585, %sub3A_586 : vector<16xi32>
        %gather3A_588 = tpu.vector_load_idx %arg9[%add3A_568] : memref<10000xi32, #tpu.memory_space<vmem>>[vector<16xi32>], vector<16xi32>,
        %sub3A_589 = vector.broadcast %mul3A_66 : i32 to vector<16xi32>
        %sub3A_590 = arith.subi %gather3A_588, %sub3A_589 : vector<16xi32>
        %gather3A_591 = tpu.vector_load_idx %arg9[%add3A_572] : memref<10000xi32, #tpu.memory_space<vmem>>[vector<16xi32>], vector<16xi32>,
        %sub3A_592 = vector.broadcast %mul3A_66 : i32 to vector<16xi32>
        %sub3A_593 = arith.subi %gather3A_591, %sub3A_592 : vector<16xi32>
        %gather3A_594 = tpu.vector_load_idx %arg9[%add3A_576] : memref<10000xi32, #tpu.memory_space<vmem>>[vector<16xi32>], vector<16xi32>,
        %sub3A_595 = vector.broadcast %mul3A_66 : i32 to vector<16xi32>
        %sub3A_596 = arith.subi %gather3A_594, %sub3A_595 : vector<16xi32>
        %gather3A_597 = tpu.vector_load_idx %arg9[%add3A_580] : memref<10000xi32, #tpu.memory_space<vmem>>[vector<16xi32>], vector<16xi32>,
        %sub3A_598 = vector.broadcast %mul3A_66 : i32 to vector<16xi32>
        %sub3A_599 = arith.subi %gather3A_597, %sub3A_598 : vector<16xi32>
        tpu.vector_store_idx %arg13[%sub3A_587], %gather3A {add = true} : memref<20000xf32, #tpu.memory_space<vmem>>[vector<16xi32>], vector<16xf32>,
        tpu.vector_store_idx %arg13[%sub3A_590], %gather3A_581 {add = true} : memref<20000xf32, #tpu.memory_space<vmem>>[vector<16xi32>], vector<16xf32>,
        tpu.vector_store_idx %arg13[%sub3A_593], %gather3A_582 {add = true} : memref<20000xf32, #tpu.memory_space<vmem>>[vector<16xi32>], vector<16xf32>,
        tpu.vector_store_idx %arg13[%sub3A_596], %gather3A_583 {add = true} : memref<20000xf32, #tpu.memory_space<vmem>>[vector<16xi32>], vector<16xf32>,
        tpu.vector_store_idx %arg13[%sub3A_599], %gather3A_584 {add = true} : memref<20000xf32, #tpu.memory_space<vmem>>[vector<16xi32>], vector<16xf32>,
        %scan3A_600 = arith.constant 0 : i32
        scf.yield %scan3A_600 : i32
      }
      %scan3A_556 = arith.constant 125 : i32
    } else {
    }
    %not3A = arith.constant true
    %not3A_74 = arith.xori %lt3A, %not3A : i1
    %convert_element_type3A_75 = arith.extui %not3A_74 : i1 to i32
    %cond3A_76 = arith.constant 0 : i32
    %cond3A_77 = arith.cmpi ne, %convert_element_type3A_75, %cond3A_76 : i32
    scf.if %cond3A_77 {
      "tpu.region"() ({
        %run_scoped3A = tpu.sem_alloc : memref<!tpu.dma_semaphore, #tpu.memory_space<semaphore_mem>>
        %dma_start3A_550 = arith.constant 0 : i32
        %dma_start3A_551 = tpu.memref_slice %arg14[%dma_start3A_550] : memref<120192xf32, #tpu.memory_space<vmem_shared>> -> memref<120192xf32, #tpu.memory_space<vmem_shared>>
        tpu.enqueue_indirect_dma source(%arg5 : memref<10000xf32, #tpu.memory_space<vmem>>) target(%dma_start3A_551 : memref<120192xf32, #tpu.memory_space<vmem_shared>>) offsets(%arg9 : memref<10000xi32, #tpu.memory_space<vmem>>) semaphore(%run_scoped3A : memref<!tpu.dma_semaphore, #tpu.memory_space<semaphore_mem>>) {add = true}
        %dma_wait3A_552 = arith.constant 0 : i32
        %dma_wait3A_553 = tpu.memref_slice %arg14[%dma_wait3A_552] : memref<120192xf32, #tpu.memory_space<vmem_shared>> -> memref<120192xf32, #tpu.memory_space<vmem_shared>>
        tpu.wait_indirect_dma semaphore(%run_scoped3A : memref<!tpu.dma_semaphore, #tpu.memory_space<semaphore_mem>>) src(%arg5 : memref<10000xf32, #tpu.memory_space<vmem>>) dst(%dma_wait3A_553 : memref<120192xf32, #tpu.memory_space<vmem_shared>>)
        tpu.yield
      }) : () -> ()
    } else {
    }
    %add3A_78 = arith.constant 40000 : i32
    %add3A_79 = arith.addi %mul3A_2, %add3A_78 : i32
    %dma_start3A_80 = tpu.memref_slice %arg2[%add3A_79] : memref<6400000xf32, #tpu.memory_space<hbm>> -> memref<10000xf32, #tpu.memory_space<hbm>>
    %dma_start3A_81 = tpu.memref_slice %arg2[%add3A_79] : memref<6400000xf32, #tpu.memory_space<hbm>> -> memref<10000xf32, #tpu.memory_space<hbm>>
    tpu.enqueue_dma source(%dma_start3A_81 : memref<10000xf32, #tpu.memory_space<hbm>>) target(%arg5 : memref<10000xf32, #tpu.memory_space<vmem>>) target_semaphore(%arg15 : memref<!tpu.dma_semaphore, #tpu.memory_space<semaphore_mem>>)
    %dma_start3A_82 = tpu.memref_slice %arg3[%add3A_79] : memref<6400000xi32, #tpu.memory_space<hbm>> -> memref<10000xi32, #tpu.memory_space<hbm>>
    %dma_start3A_83 = tpu.memref_slice %arg3[%add3A_79] : memref<6400000xi32, #tpu.memory_space<hbm>> -> memref<10000xi32, #tpu.memory_space<hbm>>
    tpu.enqueue_dma source(%dma_start3A_83 : memref<10000xi32, #tpu.memory_space<hbm>>) target(%arg9 : memref<10000xi32, #tpu.memory_space<vmem>>) target_semaphore(%arg19 : memref<!tpu.dma_semaphore, #tpu.memory_space<semaphore_mem>>)
    %dma_wait3A_84 = tpu.memref_slice %arg2[%add3A_18] : memref<6400000xf32, #tpu.memory_space<hbm>> -> memref<10000xf32, #tpu.memory_space<hbm>>
    %dma_wait3A_85 = tpu.memref_slice %arg2[%add3A_18] : memref<6400000xf32, #tpu.memory_space<hbm>> -> memref<10000xf32, #tpu.memory_space<hbm>>
    tpu.wait_dma2 semaphore(%arg16 : memref<!tpu.dma_semaphore, #tpu.memory_space<semaphore_mem>>) src(%dma_wait3A_85 : memref<10000xf32, #tpu.memory_space<hbm>>) dst(%arg6 : memref<10000xf32, #tpu.memory_space<vmem>>)
    %dma_wait3A_86 = tpu.memref_slice %arg3[%add3A_18] : memref<6400000xi32, #tpu.memory_space<hbm>> -> memref<10000xi32, #tpu.memory_space<hbm>>
    %dma_wait3A_87 = tpu.memref_slice %arg3[%add3A_18] : memref<6400000xi32, #tpu.memory_space<hbm>> -> memref<10000xi32, #tpu.memory_space<hbm>>
    tpu.wait_dma2 semaphore(%arg20 : memref<!tpu.dma_semaphore, #tpu.memory_space<semaphore_mem>>) src(%dma_wait3A_87 : memref<10000xi32, #tpu.memory_space<hbm>>) dst(%arg10 : memref<10000xi32, #tpu.memory_space<vmem>>)
    %get3A_88 = arith.constant 9984 : index
    %get3A_89 = tpu.vector_load %arg10[%get3A_88] {strides = array<i32>} : memref<10000xi32, #tpu.memory_space<vmem>>, vector<16xi32>,
    %slice3A_90 = vector.extract_strided_slice %get3A_89 {offsets = [15], sizes = [1], strides = [1]} : vector<16xi32> to vector<1xi32>
    %squeeze3A_91 = vector.extract %slice3A_90[0] : i32 from vector<1xi32>
    %add3A_92 = arith.constant 20000 : i32
    %add3A_93 = arith.addi %mul3A_66, %add3A_92 : i32
    %lt3A_94 = arith.cmpi slt, %squeeze3A_91, %add3A_93 : i32
    %convert_element_type3A_95 = arith.extui %lt3A_94 : i1 to i32
    %cond3A_96 = arith.constant 0 : i32
    %cond3A_97 = arith.cmpi ne, %convert_element_type3A_95, %cond3A_96 : i32
    scf.if %cond3A_97 {
      %scan3A_550 = arith.constant 0 : i32
      %scan3A_551 = arith.constant 0 : i32
      %scan3A_552 = arith.constant 125 : i32
      %scan3A_553 = arith.addi %scan3A_551, %scan3A_552 : i32
      %scan3A_554 = arith.constant 1 : i32
      %scan3A_555 = scf.for %scan3A_557 = %scan3A_551 to %scan3A_553 step %scan3A_554 iter_args(%scan3A_558 = %scan3A_550) -> (i32)  : i32 {
        %mul3A_559 = arith.constant 5 : i32
        %mul3A_560 = arith.muli %scan3A_557, %mul3A_559 : i32
        %add3A_561 = arith.constant 0 : i32
        %add3A_562 = arith.addi %mul3A_560, %add3A_561 : i32
        %add3A_563 = vector.broadcast %add3A_562 : i32 to vector<16xi32>
        %add3A_564 = arith.addi %mul3A_44, %add3A_563 : vector<16xi32>
        %add3A_565 = arith.constant 1 : i32
        %add3A_566 = arith.addi %mul3A_560, %add3A_565 : i32
        %add3A_567 = vector.broadcast %add3A_566 : i32 to vector<16xi32>
        %add3A_568 = arith.addi %mul3A_44, %add3A_567 : vector<16xi32>
        %add3A_569 = arith.constant 2 : i32
        %add3A_570 = arith.addi %mul3A_560, %add3A_569 : i32
        %add3A_571 = vector.broadcast %add3A_570 : i32 to vector<16xi32>
        %add3A_572 = arith.addi %mul3A_44, %add3A_571 : vector<16xi32>
        %add3A_573 = arith.constant 3 : i32
        %add3A_574 = arith.addi %mul3A_560, %add3A_573 : i32
        %add3A_575 = vector.broadcast %add3A_574 : i32 to vector<16xi32>
        %add3A_576 = arith.addi %mul3A_44, %add3A_575 : vector<16xi32>
        %add3A_577 = arith.constant 4 : i32
        %add3A_578 = arith.addi %mul3A_560, %add3A_577 : i32
        %add3A_579 = vector.broadcast %add3A_578 : i32 to vector<16xi32>
        %add3A_580 = arith.addi %mul3A_44, %add3A_579 : vector<16xi32>
        %gather3A = tpu.vector_load_idx %arg6[%add3A_564] : memref<10000xf32, #tpu.memory_space<vmem>>[vector<16xi32>], vector<16xf32>,
        %gather3A_581 = tpu.vector_load_idx %arg6[%add3A_568] : memref<10000xf32, #tpu.memory_space<vmem>>[vector<16xi32>], vector<16xf32>,
        %gather3A_582 = tpu.vector_load_idx %arg6[%add3A_572] : memref<10000xf32, #tpu.memory_space<vmem>>[vector<16xi32>], vector<16xf32>,
        %gather3A_583 = tpu.vector_load_idx %arg6[%add3A_576] : memref<10000xf32, #tpu.memory_space<vmem>>[vector<16xi32>], vector<16xf32>,
        %gather3A_584 = tpu.vector_load_idx %arg6[%add3A_580] : memref<10000xf32, #tpu.memory_space<vmem>>[vector<16xi32>], vector<16xf32>,
        %gather3A_585 = tpu.vector_load_idx %arg10[%add3A_564] : memref<10000xi32, #tpu.memory_space<vmem>>[vector<16xi32>], vector<16xi32>,
        %sub3A_586 = vector.broadcast %mul3A_66 : i32 to vector<16xi32>
        %sub3A_587 = arith.subi %gather3A_585, %sub3A_586 : vector<16xi32>
        %gather3A_588 = tpu.vector_load_idx %arg10[%add3A_568] : memref<10000xi32, #tpu.memory_space<vmem>>[vector<16xi32>], vector<16xi32>,
        %sub3A_589 = vector.broadcast %mul3A_66 : i32 to vector<16xi32>
        %sub3A_590 = arith.subi %gather3A_588, %sub3A_589 : vector<16xi32>
        %gather3A_591 = tpu.vector_load_idx %arg10[%add3A_572] : memref<10000xi32, #tpu.memory_space<vmem>>[vector<16xi32>], vector<16xi32>,
        %sub3A_592 = vector.broadcast %mul3A_66 : i32 to vector<16xi32>
        %sub3A_593 = arith.subi %gather3A_591, %sub3A_592 : vector<16xi32>
        %gather3A_594 = tpu.vector_load_idx %arg10[%add3A_576] : memref<10000xi32, #tpu.memory_space<vmem>>[vector<16xi32>], vector<16xi32>,
        %sub3A_595 = vector.broadcast %mul3A_66 : i32 to vector<16xi32>
        %sub3A_596 = arith.subi %gather3A_594, %sub3A_595 : vector<16xi32>
        %gather3A_597 = tpu.vector_load_idx %arg10[%add3A_580] : memref<10000xi32, #tpu.memory_space<vmem>>[vector<16xi32>], vector<16xi32>,
        %sub3A_598 = vector.broadcast %mul3A_66 : i32 to vector<16xi32>
        %sub3A_599 = arith.subi %gather3A_597, %sub3A_598 : vector<16xi32>
        tpu.vector_store_idx %arg13[%sub3A_587], %gather3A {add = true} : memref<20000xf32, #tpu.memory_space<vmem>>[vector<16xi32>], vector<16xf32>,
        tpu.vector_store_idx %arg13[%sub3A_590], %gather3A_581 {add = true} : memref<20000xf32, #tpu.memory_space<vmem>>[vector<16xi32>], vector<16xf32>,
        tpu.vector_store_idx %arg13[%sub3A_593], %gather3A_582 {add = true} : memref<20000xf32, #tpu.memory_space<vmem>>[vector<16xi32>], vector<16xf32>,
        tpu.vector_store_idx %arg13[%sub3A_596], %gather3A_583 {add = true} : memref<20000xf32, #tpu.memory_space<vmem>>[vector<16xi32>], vector<16xf32>,
        tpu.vector_store_idx %arg13[%sub3A_599], %gather3A_584 {add = true} : memref<20000xf32, #tpu.memory_space<vmem>>[vector<16xi32>], vector<16xf32>,
        %scan3A_600 = arith.constant 0 : i32
        scf.yield %scan3A_600 : i32
      }
      %scan3A_556 = arith.constant 125 : i32
    } else {
    }
    %not3A_98 = arith.constant true
    %not3A_99 = arith.xori %lt3A_94, %not3A_98 : i1
    %convert_element_type3A_100 = arith.extui %not3A_99 : i1 to i32
    %cond3A_101 = arith.constant 0 : i32
    %cond3A_102 = arith.cmpi ne, %convert_element_type3A_100, %cond3A_101 : i32
    scf.if %cond3A_102 {
      "tpu.region"() ({
        %run_scoped3A = tpu.sem_alloc : memref<!tpu.dma_semaphore, #tpu.memory_space<semaphore_mem>>
        %dma_start3A_550 = arith.constant 0 : i32
        %dma_start3A_551 = tpu.memref_slice %arg14[%dma_start3A_550] : memref<120192xf32, #tpu.memory_space<vmem_shared>> -> memref<120192xf32, #tpu.memory_space<vmem_shared>>
        tpu.enqueue_indirect_dma source(%arg6 : memref<10000xf32, #tpu.memory_space<vmem>>) target(%dma_start3A_551 : memref<120192xf32, #tpu.memory_space<vmem_shared>>) offsets(%arg10 : memref<10000xi32, #tpu.memory_space<vmem>>) semaphore(%run_scoped3A : memref<!tpu.dma_semaphore, #tpu.memory_space<semaphore_mem>>) {add = true}
        %dma_wait3A_552 = arith.constant 0 : i32
        %dma_wait3A_553 = tpu.memref_slice %arg14[%dma_wait3A_552] : memref<120192xf32, #tpu.memory_space<vmem_shared>> -> memref<120192xf32, #tpu.memory_space<vmem_shared>>
        tpu.wait_indirect_dma semaphore(%run_scoped3A : memref<!tpu.dma_semaphore, #tpu.memory_space<semaphore_mem>>) src(%arg6 : memref<10000xf32, #tpu.memory_space<vmem>>) dst(%dma_wait3A_553 : memref<120192xf32, #tpu.memory_space<vmem_shared>>)
        tpu.yield
      }) : () -> ()
    } else {
    }
    %add3A_103 = arith.constant 50000 : i32
    %add3A_104 = arith.addi %mul3A_2, %add3A_103 : i32
    %dma_start3A_105 = tpu.memref_slice %arg2[%add3A_104] : memref<6400000xf32, #tpu.memory_space<hbm>> -> memref<10000xf32, #tpu.memory_space<hbm>>
    %dma_start3A_106 = tpu.memref_slice %arg2[%add3A_104] : memref<6400000xf32, #tpu.memory_space<hbm>> -> memref<10000xf32, #tpu.memory_space<hbm>>
    tpu.enqueue_dma source(%dma_start3A_106 : memref<10000xf32, #tpu.memory_space<hbm>>) target(%arg6 : memref<10000xf32, #tpu.memory_space<vmem>>) target_semaphore(%arg16 : memref<!tpu.dma_semaphore, #tpu.memory_space<semaphore_mem>>)
    %dma_start3A_107 = tpu.memref_slice %arg3[%add3A_104] : memref<6400000xi32, #tpu.memory_space<hbm>> -> memref<10000xi32, #tpu.memory_space<hbm>>
    %dma_start3A_108 = tpu.memref_slice %arg3[%add3A_104] : memref<6400000xi32, #tpu.memory_space<hbm>> -> memref<10000xi32, #tpu.memory_space<hbm>>
    tpu.enqueue_dma source(%dma_start3A_108 : memref<10000xi32, #tpu.memory_space<hbm>>) target(%arg10 : memref<10000xi32, #tpu.memory_space<vmem>>) target_semaphore(%arg20 : memref<!tpu.dma_semaphore, #tpu.memory_space<semaphore_mem>>)
    %dma_wait3A_109 = tpu.memref_slice %arg2[%add3A_24] : memref<6400000xf32, #tpu.memory_space<hbm>> -> memref<10000xf32, #tpu.memory_space<hbm>>
    %dma_wait3A_110 = tpu.memref_slice %arg2[%add3A_24] : memref<6400000xf32, #tpu.memory_space<hbm>> -> memref<10000xf32, #tpu.memory_space<hbm>>
    tpu.wait_dma2 semaphore(%arg17 : memref<!tpu.dma_semaphore, #tpu.memory_space<semaphore_mem>>) src(%dma_wait3A_110 : memref<10000xf32, #tpu.memory_space<hbm>>) dst(%arg7 : memref<10000xf32, #tpu.memory_space<vmem>>)
    %dma_wait3A_111 = tpu.memref_slice %arg3[%add3A_24] : memref<6400000xi32, #tpu.memory_space<hbm>> -> memref<10000xi32, #tpu.memory_space<hbm>>
    %dma_wait3A_112 = tpu.memref_slice %arg3[%add3A_24] : memref<6400000xi32, #tpu.memory_space<hbm>> -> memref<10000xi32, #tpu.memory_space<hbm>>
    tpu.wait_dma2 semaphore(%arg21 : memref<!tpu.dma_semaphore, #tpu.memory_space<semaphore_mem>>) src(%dma_wait3A_112 : memref<10000xi32, #tpu.memory_space<hbm>>) dst(%arg11 : memref<10000xi32, #tpu.memory_space<vmem>>)
    %get3A_113 = arith.constant 9984 : index
    %get3A_114 = tpu.vector_load %arg11[%get3A_113] {strides = array<i32>} : memref<10000xi32, #tpu.memory_space<vmem>>, vector<16xi32>,
    %slice3A_115 = vector.extract_strided_slice %get3A_114 {offsets = [15], sizes = [1], strides = [1]} : vector<16xi32> to vector<1xi32>
    %squeeze3A_116 = vector.extract %slice3A_115[0] : i32 from vector<1xi32>
    %add3A_117 = arith.constant 20000 : i32
    %add3A_118 = arith.addi %mul3A_66, %add3A_117 : i32
    %lt3A_119 = arith.cmpi slt, %squeeze3A_116, %add3A_118 : i32
    %convert_element_type3A_120 = arith.extui %lt3A_119 : i1 to i32
    %cond3A_121 = arith.constant 0 : i32
    %cond3A_122 = arith.cmpi ne, %convert_element_type3A_120, %cond3A_121 : i32
    scf.if %cond3A_122 {
      %scan3A_550 = arith.constant 0 : i32
      %scan3A_551 = arith.constant 0 : i32
      %scan3A_552 = arith.constant 125 : i32
      %scan3A_553 = arith.addi %scan3A_551, %scan3A_552 : i32
      %scan3A_554 = arith.constant 1 : i32
      %scan3A_555 = scf.for %scan3A_557 = %scan3A_551 to %scan3A_553 step %scan3A_554 iter_args(%scan3A_558 = %scan3A_550) -> (i32)  : i32 {
        %mul3A_559 = arith.constant 5 : i32
        %mul3A_560 = arith.muli %scan3A_557, %mul3A_559 : i32
        %add3A_561 = arith.constant 0 : i32
        %add3A_562 = arith.addi %mul3A_560, %add3A_561 : i32
        %add3A_563 = vector.broadcast %add3A_562 : i32 to vector<16xi32>
        %add3A_564 = arith.addi %mul3A_44, %add3A_563 : vector<16xi32>
        %add3A_565 = arith.constant 1 : i32
        %add3A_566 = arith.addi %mul3A_560, %add3A_565 : i32
        %add3A_567 = vector.broadcast %add3A_566 : i32 to vector<16xi32>
        %add3A_568 = arith.addi %mul3A_44, %add3A_567 : vector<16xi32>
        %add3A_569 = arith.constant 2 : i32
        %add3A_570 = arith.addi %mul3A_560, %add3A_569 : i32
        %add3A_571 = vector.broadcast %add3A_570 : i32 to vector<16xi32>
        %add3A_572 = arith.addi %mul3A_44, %add3A_571 : vector<16xi32>
        %add3A_573 = arith.constant 3 : i32
        %add3A_574 = arith.addi %mul3A_560, %add3A_573 : i32
        %add3A_575 = vector.broadcast %add3A_574 : i32 to vector<16xi32>
        %add3A_576 = arith.addi %mul3A_44, %add3A_575 : vector<16xi32>
        %add3A_577 = arith.constant 4 : i32
        %add3A_578 = arith.addi %mul3A_560, %add3A_577 : i32
        %add3A_579 = vector.broadcast %add3A_578 : i32 to vector<16xi32>
        %add3A_580 = arith.addi %mul3A_44, %add3A_579 : vector<16xi32>
        %gather3A = tpu.vector_load_idx %arg7[%add3A_564] : memref<10000xf32, #tpu.memory_space<vmem>>[vector<16xi32>], vector<16xf32>,
        %gather3A_581 = tpu.vector_load_idx %arg7[%add3A_568] : memref<10000xf32, #tpu.memory_space<vmem>>[vector<16xi32>], vector<16xf32>,
        %gather3A_582 = tpu.vector_load_idx %arg7[%add3A_572] : memref<10000xf32, #tpu.memory_space<vmem>>[vector<16xi32>], vector<16xf32>,
        %gather3A_583 = tpu.vector_load_idx %arg7[%add3A_576] : memref<10000xf32, #tpu.memory_space<vmem>>[vector<16xi32>], vector<16xf32>,
        %gather3A_584 = tpu.vector_load_idx %arg7[%add3A_580] : memref<10000xf32, #tpu.memory_space<vmem>>[vector<16xi32>], vector<16xf32>,
        %gather3A_585 = tpu.vector_load_idx %arg11[%add3A_564] : memref<10000xi32, #tpu.memory_space<vmem>>[vector<16xi32>], vector<16xi32>,
        %sub3A_586 = vector.broadcast %mul3A_66 : i32 to vector<16xi32>
        %sub3A_587 = arith.subi %gather3A_585, %sub3A_586 : vector<16xi32>
        %gather3A_588 = tpu.vector_load_idx %arg11[%add3A_568] : memref<10000xi32, #tpu.memory_space<vmem>>[vector<16xi32>], vector<16xi32>,
        %sub3A_589 = vector.broadcast %mul3A_66 : i32 to vector<16xi32>
        %sub3A_590 = arith.subi %gather3A_588, %sub3A_589 : vector<16xi32>
        %gather3A_591 = tpu.vector_load_idx %arg11[%add3A_572] : memref<10000xi32, #tpu.memory_space<vmem>>[vector<16xi32>], vector<16xi32>,
        %sub3A_592 = vector.broadcast %mul3A_66 : i32 to vector<16xi32>
        %sub3A_593 = arith.subi %gather3A_591, %sub3A_592 : vector<16xi32>
        %gather3A_594 = tpu.vector_load_idx %arg11[%add3A_576] : memref<10000xi32, #tpu.memory_space<vmem>>[vector<16xi32>], vector<16xi32>,
        %sub3A_595 = vector.broadcast %mul3A_66 : i32 to vector<16xi32>
        %sub3A_596 = arith.subi %gather3A_594, %sub3A_595 : vector<16xi32>
        %gather3A_597 = tpu.vector_load_idx %arg11[%add3A_580] : memref<10000xi32, #tpu.memory_space<vmem>>[vector<16xi32>], vector<16xi32>,
        %sub3A_598 = vector.broadcast %mul3A_66 : i32 to vector<16xi32>
        %sub3A_599 = arith.subi %gather3A_597, %sub3A_598 : vector<16xi32>
        tpu.vector_store_idx %arg13[%sub3A_587], %gather3A {add = true} : memref<20000xf32, #tpu.memory_space<vmem>>[vector<16xi32>], vector<16xf32>,
        tpu.vector_store_idx %arg13[%sub3A_590], %gather3A_581 {add = true} : memref<20000xf32, #tpu.memory_space<vmem>>[vector<16xi32>], vector<16xf32>,
        tpu.vector_store_idx %arg13[%sub3A_593], %gather3A_582 {add = true} : memref<20000xf32, #tpu.memory_space<vmem>>[vector<16xi32>], vector<16xf32>,
        tpu.vector_store_idx %arg13[%sub3A_596], %gather3A_583 {add = true} : memref<20000xf32, #tpu.memory_space<vmem>>[vector<16xi32>], vector<16xf32>,
        tpu.vector_store_idx %arg13[%sub3A_599], %gather3A_584 {add = true} : memref<20000xf32, #tpu.memory_space<vmem>>[vector<16xi32>], vector<16xf32>,
        %scan3A_600 = arith.constant 0 : i32
        scf.yield %scan3A_600 : i32
      }
      %scan3A_556 = arith.constant 125 : i32
    } else {
    }
    %not3A_123 = arith.constant true
    %not3A_124 = arith.xori %lt3A_119, %not3A_123 : i1
    %convert_element_type3A_125 = arith.extui %not3A_124 : i1 to i32
    %cond3A_126 = arith.constant 0 : i32
    %cond3A_127 = arith.cmpi ne, %convert_element_type3A_125, %cond3A_126 : i32
    scf.if %cond3A_127 {
      "tpu.region"() ({
        %run_scoped3A = tpu.sem_alloc : memref<!tpu.dma_semaphore, #tpu.memory_space<semaphore_mem>>
        %dma_start3A_550 = arith.constant 0 : i32
        %dma_start3A_551 = tpu.memref_slice %arg14[%dma_start3A_550] : memref<120192xf32, #tpu.memory_space<vmem_shared>> -> memref<120192xf32, #tpu.memory_space<vmem_shared>>
        tpu.enqueue_indirect_dma source(%arg7 : memref<10000xf32, #tpu.memory_space<vmem>>) target(%dma_start3A_551 : memref<120192xf32, #tpu.memory_space<vmem_shared>>) offsets(%arg11 : memref<10000xi32, #tpu.memory_space<vmem>>) semaphore(%run_scoped3A : memref<!tpu.dma_semaphore, #tpu.memory_space<semaphore_mem>>) {add = true}
        %dma_wait3A_552 = arith.constant 0 : i32
        %dma_wait3A_553 = tpu.memref_slice %arg14[%dma_wait3A_552] : memref<120192xf32, #tpu.memory_space<vmem_shared>> -> memref<120192xf32, #tpu.memory_space<vmem_shared>>
        tpu.wait_indirect_dma semaphore(%run_scoped3A : memref<!tpu.dma_semaphore, #tpu.memory_space<semaphore_mem>>) src(%arg7 : memref<10000xf32, #tpu.memory_space<vmem>>) dst(%dma_wait3A_553 : memref<120192xf32, #tpu.memory_space<vmem_shared>>)
        tpu.yield
      }) : () -> ()
    } else {
    }
    %add3A_128 = arith.constant 60000 : i32
    %add3A_129 = arith.addi %mul3A_2, %add3A_128 : i32
    %dma_start3A_130 = tpu.memref_slice %arg2[%add3A_129] : memref<6400000xf32, #tpu.memory_space<hbm>> -> memref<10000xf32, #tpu.memory_space<hbm>>
    %dma_start3A_131 = tpu.memref_slice %arg2[%add3A_129] : memref<6400000xf32, #tpu.memory_space<hbm>> -> memref<10000xf32, #tpu.memory_space<hbm>>
    tpu.enqueue_dma source(%dma_start3A_131 : memref<10000xf32, #tpu.memory_space<hbm>>) target(%arg7 : memref<10000xf32, #tpu.memory_space<vmem>>) target_semaphore(%arg17 : memref<!tpu.dma_semaphore, #tpu.memory_space<semaphore_mem>>)
    %dma_start3A_132 = tpu.memref_slice %arg3[%add3A_129] : memref<6400000xi32, #tpu.memory_space<hbm>> -> memref<10000xi32, #tpu.memory_space<hbm>>
    %dma_start3A_133 = tpu.memref_slice %arg3[%add3A_129] : memref<6400000xi32, #tpu.memory_space<hbm>> -> memref<10000xi32, #tpu.memory_space<hbm>>
    tpu.enqueue_dma source(%dma_start3A_133 : memref<10000xi32, #tpu.memory_space<hbm>>) target(%arg11 : memref<10000xi32, #tpu.memory_space<vmem>>) target_semaphore(%arg21 : memref<!tpu.dma_semaphore, #tpu.memory_space<semaphore_mem>>)
    %dma_wait3A_134 = tpu.memref_slice %arg2[%add3A_30] : memref<6400000xf32, #tpu.memory_space<hbm>> -> memref<10000xf32, #tpu.memory_space<hbm>>
    %dma_wait3A_135 = tpu.memref_slice %arg2[%add3A_30] : memref<6400000xf32, #tpu.memory_space<hbm>> -> memref<10000xf32, #tpu.memory_space<hbm>>
    tpu.wait_dma2 semaphore(%arg18 : memref<!tpu.dma_semaphore, #tpu.memory_space<semaphore_mem>>) src(%dma_wait3A_135 : memref<10000xf32, #tpu.memory_space<hbm>>) dst(%arg8 : memref<10000xf32, #tpu.memory_space<vmem>>)
    %dma_wait3A_136 = tpu.memref_slice %arg3[%add3A_30] : memref<6400000xi32, #tpu.memory_space<hbm>> -> memref<10000xi32, #tpu.memory_space<hbm>>
    %dma_wait3A_137 = tpu.memref_slice %arg3[%add3A_30] : memref<6400000xi32, #tpu.memory_space<hbm>> -> memref<10000xi32, #tpu.memory_space<hbm>>
    tpu.wait_dma2 semaphore(%arg22 : memref<!tpu.dma_semaphore, #tpu.memory_space<semaphore_mem>>) src(%dma_wait3A_137 : memref<10000xi32, #tpu.memory_space<hbm>>) dst(%arg12 : memref<10000xi32, #tpu.memory_space<vmem>>)
    %get3A_138 = arith.constant 9984 : index
    %get3A_139 = tpu.vector_load %arg12[%get3A_138] {strides = array<i32>} : memref<10000xi32, #tpu.memory_space<vmem>>, vector<16xi32>,
    %slice3A_140 = vector.extract_strided_slice %get3A_139 {offsets = [15], sizes = [1], strides = [1]} : vector<16xi32> to vector<1xi32>
    %squeeze3A_141 = vector.extract %slice3A_140[0] : i32 from vector<1xi32>
    %add3A_142 = arith.constant 20000 : i32
    %add3A_143 = arith.addi %mul3A_66, %add3A_142 : i32
    %lt3A_144 = arith.cmpi slt, %squeeze3A_141, %add3A_143 : i32
    %convert_element_type3A_145 = arith.extui %lt3A_144 : i1 to i32
    %cond3A_146 = arith.constant 0 : i32
    %cond3A_147 = arith.cmpi ne, %convert_element_type3A_145, %cond3A_146 : i32
    scf.if %cond3A_147 {
      %scan3A_550 = arith.constant 0 : i32
      %scan3A_551 = arith.constant 0 : i32
      %scan3A_552 = arith.constant 125 : i32
      %scan3A_553 = arith.addi %scan3A_551, %scan3A_552 : i32
      %scan3A_554 = arith.constant 1 : i32
      %scan3A_555 = scf.for %scan3A_557 = %scan3A_551 to %scan3A_553 step %scan3A_554 iter_args(%scan3A_558 = %scan3A_550) -> (i32)  : i32 {
        %mul3A_559 = arith.constant 5 : i32
        %mul3A_560 = arith.muli %scan3A_557, %mul3A_559 : i32
        %add3A_561 = arith.constant 0 : i32
        %add3A_562 = arith.addi %mul3A_560, %add3A_561 : i32
        %add3A_563 = vector.broadcast %add3A_562 : i32 to vector<16xi32>
        %add3A_564 = arith.addi %mul3A_44, %add3A_563 : vector<16xi32>
        %add3A_565 = arith.constant 1 : i32
        %add3A_566 = arith.addi %mul3A_560, %add3A_565 : i32
        %add3A_567 = vector.broadcast %add3A_566 : i32 to vector<16xi32>
        %add3A_568 = arith.addi %mul3A_44, %add3A_567 : vector<16xi32>
        %add3A_569 = arith.constant 2 : i32
        %add3A_570 = arith.addi %mul3A_560, %add3A_569 : i32
        %add3A_571 = vector.broadcast %add3A_570 : i32 to vector<16xi32>
        %add3A_572 = arith.addi %mul3A_44, %add3A_571 : vector<16xi32>
        %add3A_573 = arith.constant 3 : i32
        %add3A_574 = arith.addi %mul3A_560, %add3A_573 : i32
        %add3A_575 = vector.broadcast %add3A_574 : i32 to vector<16xi32>
        %add3A_576 = arith.addi %mul3A_44, %add3A_575 : vector<16xi32>
        %add3A_577 = arith.constant 4 : i32
        %add3A_578 = arith.addi %mul3A_560, %add3A_577 : i32
        %add3A_579 = vector.broadcast %add3A_578 : i32 to vector<16xi32>
        %add3A_580 = arith.addi %mul3A_44, %add3A_579 : vector<16xi32>
        %gather3A = tpu.vector_load_idx %arg8[%add3A_564] : memref<10000xf32, #tpu.memory_space<vmem>>[vector<16xi32>], vector<16xf32>,
        %gather3A_581 = tpu.vector_load_idx %arg8[%add3A_568] : memref<10000xf32, #tpu.memory_space<vmem>>[vector<16xi32>], vector<16xf32>,
        %gather3A_582 = tpu.vector_load_idx %arg8[%add3A_572] : memref<10000xf32, #tpu.memory_space<vmem>>[vector<16xi32>], vector<16xf32>,
        %gather3A_583 = tpu.vector_load_idx %arg8[%add3A_576] : memref<10000xf32, #tpu.memory_space<vmem>>[vector<16xi32>], vector<16xf32>,
        %gather3A_584 = tpu.vector_load_idx %arg8[%add3A_580] : memref<10000xf32, #tpu.memory_space<vmem>>[vector<16xi32>], vector<16xf32>,
        %gather3A_585 = tpu.vector_load_idx %arg12[%add3A_564] : memref<10000xi32, #tpu.memory_space<vmem>>[vector<16xi32>], vector<16xi32>,
        %sub3A_586 = vector.broadcast %mul3A_66 : i32 to vector<16xi32>
        %sub3A_587 = arith.subi %gather3A_585, %sub3A_586 : vector<16xi32>
        %gather3A_588 = tpu.vector_load_idx %arg12[%add3A_568] : memref<10000xi32, #tpu.memory_space<vmem>>[vector<16xi32>], vector<16xi32>,
        %sub3A_589 = vector.broadcast %mul3A_66 : i32 to vector<16xi32>
        %sub3A_590 = arith.subi %gather3A_588, %sub3A_589 : vector<16xi32>
        %gather3A_591 = tpu.vector_load_idx %arg12[%add3A_572] : memref<10000xi32, #tpu.memory_space<vmem>>[vector<16xi32>], vector<16xi32>,
        %sub3A_592 = vector.broadcast %mul3A_66 : i32 to vector<16xi32>
        %sub3A_593 = arith.subi %gather3A_591, %sub3A_592 : vector<16xi32>
        %gather3A_594 = tpu.vector_load_idx %arg12[%add3A_576] : memref<10000xi32, #tpu.memory_space<vmem>>[vector<16xi32>], vector<16xi32>,
        %sub3A_595 = vector.broadcast %mul3A_66 : i32 to vector<16xi32>
        %sub3A_596 = arith.subi %gather3A_594, %sub3A_595 : vector<16xi32>
        %gather3A_597 = tpu.vector_load_idx %arg12[%add3A_580] : memref<10000xi32, #tpu.memory_space<vmem>>[vector<16xi32>], vector<16xi32>,
        %sub3A_598 = vector.broadcast %mul3A_66 : i32 to vector<16xi32>
        %sub3A_599 = arith.subi %gather3A_597, %sub3A_598 : vector<16xi32>
        tpu.vector_store_idx %arg13[%sub3A_587], %gather3A {add = true} : memref<20000xf32, #tpu.memory_space<vmem>>[vector<16xi32>], vector<16xf32>,
        tpu.vector_store_idx %arg13[%sub3A_590], %gather3A_581 {add = true} : memref<20000xf32, #tpu.memory_space<vmem>>[vector<16xi32>], vector<16xf32>,
        tpu.vector_store_idx %arg13[%sub3A_593], %gather3A_582 {add = true} : memref<20000xf32, #tpu.memory_space<vmem>>[vector<16xi32>], vector<16xf32>,
        tpu.vector_store_idx %arg13[%sub3A_596], %gather3A_583 {add = true} : memref<20000xf32, #tpu.memory_space<vmem>>[vector<16xi32>], vector<16xf32>,
        tpu.vector_store_idx %arg13[%sub3A_599], %gather3A_584 {add = true} : memref<20000xf32, #tpu.memory_space<vmem>>[vector<16xi32>], vector<16xf32>,
        %scan3A_600 = arith.constant 0 : i32
        scf.yield %scan3A_600 : i32
      }
      %scan3A_556 = arith.constant 125 : i32
    } else {
    }
    %not3A_148 = arith.constant true
    %not3A_149 = arith.xori %lt3A_144, %not3A_148 : i1
    %convert_element_type3A_150 = arith.extui %not3A_149 : i1 to i32
    %cond3A_151 = arith.constant 0 : i32
    %cond3A_152 = arith.cmpi ne, %convert_element_type3A_150, %cond3A_151 : i32
    scf.if %cond3A_152 {
      "tpu.region"() ({
        %run_scoped3A = tpu.sem_alloc : memref<!tpu.dma_semaphore, #tpu.memory_space<semaphore_mem>>
        %dma_start3A_550 = arith.constant 0 : i32
        %dma_start3A_551 = tpu.memref_slice %arg14[%dma_start3A_550] : memref<120192xf32, #tpu.memory_space<vmem_shared>> -> memref<120192xf32, #tpu.memory_space<vmem_shared>>
        tpu.enqueue_indirect_dma source(%arg8 : memref<10000xf32, #tpu.memory_space<vmem>>) target(%dma_start3A_551 : memref<120192xf32, #tpu.memory_space<vmem_shared>>) offsets(%arg12 : memref<10000xi32, #tpu.memory_space<vmem>>) semaphore(%run_scoped3A : memref<!tpu.dma_semaphore, #tpu.memory_space<semaphore_mem>>) {add = true}
        %dma_wait3A_552 = arith.constant 0 : i32
        %dma_wait3A_553 = tpu.memref_slice %arg14[%dma_wait3A_552] : memref<120192xf32, #tpu.memory_space<vmem_shared>> -> memref<120192xf32, #tpu.memory_space<vmem_shared>>
        tpu.wait_indirect_dma semaphore(%run_scoped3A : memref<!tpu.dma_semaphore, #tpu.memory_space<semaphore_mem>>) src(%arg8 : memref<10000xf32, #tpu.memory_space<vmem>>) dst(%dma_wait3A_553 : memref<120192xf32, #tpu.memory_space<vmem_shared>>)
        tpu.yield
      }) : () -> ()
    } else {
    }
    %add3A_153 = arith.constant 70000 : i32
    %add3A_154 = arith.addi %mul3A_2, %add3A_153 : i32
    %dma_start3A_155 = tpu.memref_slice %arg2[%add3A_154] : memref<6400000xf32, #tpu.memory_space<hbm>> -> memref<10000xf32, #tpu.memory_space<hbm>>
    %dma_start3A_156 = tpu.memref_slice %arg2[%add3A_154] : memref<6400000xf32, #tpu.memory_space<hbm>> -> memref<10000xf32, #tpu.memory_space<hbm>>
    tpu.enqueue_dma source(%dma_start3A_156 : memref<10000xf32, #tpu.memory_space<hbm>>) target(%arg8 : memref<10000xf32, #tpu.memory_space<vmem>>) target_semaphore(%arg18 : memref<!tpu.dma_semaphore, #tpu.memory_space<semaphore_mem>>)
    %dma_start3A_157 = tpu.memref_slice %arg3[%add3A_154] : memref<6400000xi32, #tpu.memory_space<hbm>> -> memref<10000xi32, #tpu.memory_space<hbm>>
    %dma_start3A_158 = tpu.memref_slice %arg3[%add3A_154] : memref<6400000xi32, #tpu.memory_space<hbm>> -> memref<10000xi32, #tpu.memory_space<hbm>>
    tpu.enqueue_dma source(%dma_start3A_158 : memref<10000xi32, #tpu.memory_space<hbm>>) target(%arg12 : memref<10000xi32, #tpu.memory_space<vmem>>) target_semaphore(%arg22 : memref<!tpu.dma_semaphore, #tpu.memory_space<semaphore_mem>>)
    %dma_wait3A_159 = tpu.memref_slice %arg2[%add3A_79] : memref<6400000xf32, #tpu.memory_space<hbm>> -> memref<10000xf32, #tpu.memory_space<hbm>>
    %dma_wait3A_160 = tpu.memref_slice %arg2[%add3A_79] : memref<6400000xf32, #tpu.memory_space<hbm>> -> memref<10000xf32, #tpu.memory_space<hbm>>
    tpu.wait_dma2 semaphore(%arg15 : memref<!tpu.dma_semaphore, #tpu.memory_space<semaphore_mem>>) src(%dma_wait3A_160 : memref<10000xf32, #tpu.memory_space<hbm>>) dst(%arg5 : memref<10000xf32, #tpu.memory_space<vmem>>)
    %dma_wait3A_161 = tpu.memref_slice %arg3[%add3A_79] : memref<6400000xi32, #tpu.memory_space<hbm>> -> memref<10000xi32, #tpu.memory_space<hbm>>
    %dma_wait3A_162 = tpu.memref_slice %arg3[%add3A_79] : memref<6400000xi32, #tpu.memory_space<hbm>> -> memref<10000xi32, #tpu.memory_space<hbm>>
    tpu.wait_dma2 semaphore(%arg19 : memref<!tpu.dma_semaphore, #tpu.memory_space<semaphore_mem>>) src(%dma_wait3A_162 : memref<10000xi32, #tpu.memory_space<hbm>>) dst(%arg9 : memref<10000xi32, #tpu.memory_space<vmem>>)
    %get3A_163 = arith.constant 9984 : index
    %get3A_164 = tpu.vector_load %arg9[%get3A_163] {strides = array<i32>} : memref<10000xi32, #tpu.memory_space<vmem>>, vector<16xi32>,
    %slice3A_165 = vector.extract_strided_slice %get3A_164 {offsets = [15], sizes = [1], strides = [1]} : vector<16xi32> to vector<1xi32>
    %squeeze3A_166 = vector.extract %slice3A_165[0] : i32 from vector<1xi32>
    %add3A_167 = arith.constant 20000 : i32
    %add3A_168 = arith.addi %mul3A_66, %add3A_167 : i32
    %lt3A_169 = arith.cmpi slt, %squeeze3A_166, %add3A_168 : i32
    %convert_element_type3A_170 = arith.extui %lt3A_169 : i1 to i32
    %cond3A_171 = arith.constant 0 : i32
    %cond3A_172 = arith.cmpi ne, %convert_element_type3A_170, %cond3A_171 : i32
    scf.if %cond3A_172 {
      %scan3A_550 = arith.constant 0 : i32
      %scan3A_551 = arith.constant 0 : i32
      %scan3A_552 = arith.constant 125 : i32
      %scan3A_553 = arith.addi %scan3A_551, %scan3A_552 : i32
      %scan3A_554 = arith.constant 1 : i32
      %scan3A_555 = scf.for %scan3A_557 = %scan3A_551 to %scan3A_553 step %scan3A_554 iter_args(%scan3A_558 = %scan3A_550) -> (i32)  : i32 {
        %mul3A_559 = arith.constant 5 : i32
        %mul3A_560 = arith.muli %scan3A_557, %mul3A_559 : i32
        %add3A_561 = arith.constant 0 : i32
        %add3A_562 = arith.addi %mul3A_560, %add3A_561 : i32
        %add3A_563 = vector.broadcast %add3A_562 : i32 to vector<16xi32>
        %add3A_564 = arith.addi %mul3A_44, %add3A_563 : vector<16xi32>
        %add3A_565 = arith.constant 1 : i32
        %add3A_566 = arith.addi %mul3A_560, %add3A_565 : i32
        %add3A_567 = vector.broadcast %add3A_566 : i32 to vector<16xi32>
        %add3A_568 = arith.addi %mul3A_44, %add3A_567 : vector<16xi32>
        %add3A_569 = arith.constant 2 : i32
        %add3A_570 = arith.addi %mul3A_560, %add3A_569 : i32
        %add3A_571 = vector.broadcast %add3A_570 : i32 to vector<16xi32>
        %add3A_572 = arith.addi %mul3A_44, %add3A_571 : vector<16xi32>
        %add3A_573 = arith.constant 3 : i32
        %add3A_574 = arith.addi %mul3A_560, %add3A_573 : i32
        %add3A_575 = vector.broadcast %add3A_574 : i32 to vector<16xi32>
        %add3A_576 = arith.addi %mul3A_44, %add3A_575 : vector<16xi32>
        %add3A_577 = arith.constant 4 : i32
        %add3A_578 = arith.addi %mul3A_560, %add3A_577 : i32
        %add3A_579 = vector.broadcast %add3A_578 : i32 to vector<16xi32>
        %add3A_580 = arith.addi %mul3A_44, %add3A_579 : vector<16xi32>
        %gather3A = tpu.vector_load_idx %arg5[%add3A_564] : memref<10000xf32, #tpu.memory_space<vmem>>[vector<16xi32>], vector<16xf32>,
        %gather3A_581 = tpu.vector_load_idx %arg5[%add3A_568] : memref<10000xf32, #tpu.memory_space<vmem>>[vector<16xi32>], vector<16xf32>,
        %gather3A_582 = tpu.vector_load_idx %arg5[%add3A_572] : memref<10000xf32, #tpu.memory_space<vmem>>[vector<16xi32>], vector<16xf32>,
        %gather3A_583 = tpu.vector_load_idx %arg5[%add3A_576] : memref<10000xf32, #tpu.memory_space<vmem>>[vector<16xi32>], vector<16xf32>,
        %gather3A_584 = tpu.vector_load_idx %arg5[%add3A_580] : memref<10000xf32, #tpu.memory_space<vmem>>[vector<16xi32>], vector<16xf32>,
        %gather3A_585 = tpu.vector_load_idx %arg9[%add3A_564] : memref<10000xi32, #tpu.memory_space<vmem>>[vector<16xi32>], vector<16xi32>,
        %sub3A_586 = vector.broadcast %mul3A_66 : i32 to vector<16xi32>
        %sub3A_587 = arith.subi %gather3A_585, %sub3A_586 : vector<16xi32>
        %gather3A_588 = tpu.vector_load_idx %arg9[%add3A_568] : memref<10000xi32, #tpu.memory_space<vmem>>[vector<16xi32>], vector<16xi32>,
        %sub3A_589 = vector.broadcast %mul3A_66 : i32 to vector<16xi32>
        %sub3A_590 = arith.subi %gather3A_588, %sub3A_589 : vector<16xi32>
        %gather3A_591 = tpu.vector_load_idx %arg9[%add3A_572] : memref<10000xi32, #tpu.memory_space<vmem>>[vector<16xi32>], vector<16xi32>,
        %sub3A_592 = vector.broadcast %mul3A_66 : i32 to vector<16xi32>
        %sub3A_593 = arith.subi %gather3A_591, %sub3A_592 : vector<16xi32>
        %gather3A_594 = tpu.vector_load_idx %arg9[%add3A_576] : memref<10000xi32, #tpu.memory_space<vmem>>[vector<16xi32>], vector<16xi32>,
        %sub3A_595 = vector.broadcast %mul3A_66 : i32 to vector<16xi32>
        %sub3A_596 = arith.subi %gather3A_594, %sub3A_595 : vector<16xi32>
        %gather3A_597 = tpu.vector_load_idx %arg9[%add3A_580] : memref<10000xi32, #tpu.memory_space<vmem>>[vector<16xi32>], vector<16xi32>,
        %sub3A_598 = vector.broadcast %mul3A_66 : i32 to vector<16xi32>
        %sub3A_599 = arith.subi %gather3A_597, %sub3A_598 : vector<16xi32>
        tpu.vector_store_idx %arg13[%sub3A_587], %gather3A {add = true} : memref<20000xf32, #tpu.memory_space<vmem>>[vector<16xi32>], vector<16xf32>,
        tpu.vector_store_idx %arg13[%sub3A_590], %gather3A_581 {add = true} : memref<20000xf32, #tpu.memory_space<vmem>>[vector<16xi32>], vector<16xf32>,
        tpu.vector_store_idx %arg13[%sub3A_593], %gather3A_582 {add = true} : memref<20000xf32, #tpu.memory_space<vmem>>[vector<16xi32>], vector<16xf32>,
        tpu.vector_store_idx %arg13[%sub3A_596], %gather3A_583 {add = true} : memref<20000xf32, #tpu.memory_space<vmem>>[vector<16xi32>], vector<16xf32>,
        tpu.vector_store_idx %arg13[%sub3A_599], %gather3A_584 {add = true} : memref<20000xf32, #tpu.memory_space<vmem>>[vector<16xi32>], vector<16xf32>,
        %scan3A_600 = arith.constant 0 : i32
        scf.yield %scan3A_600 : i32
      }
      %scan3A_556 = arith.constant 125 : i32
    } else {
    }
    %not3A_173 = arith.constant true
    %not3A_174 = arith.xori %lt3A_169, %not3A_173 : i1
    %convert_element_type3A_175 = arith.extui %not3A_174 : i1 to i32
    %cond3A_176 = arith.constant 0 : i32
    %cond3A_177 = arith.cmpi ne, %convert_element_type3A_175, %cond3A_176 : i32
    scf.if %cond3A_177 {
      "tpu.region"() ({
        %run_scoped3A = tpu.sem_alloc : memref<!tpu.dma_semaphore, #tpu.memory_space<semaphore_mem>>
        %dma_start3A_550 = arith.constant 0 : i32
        %dma_start3A_551 = tpu.memref_slice %arg14[%dma_start3A_550] : memref<120192xf32, #tpu.memory_space<vmem_shared>> -> memref<120192xf32, #tpu.memory_space<vmem_shared>>
        tpu.enqueue_indirect_dma source(%arg5 : memref<10000xf32, #tpu.memory_space<vmem>>) target(%dma_start3A_551 : memref<120192xf32, #tpu.memory_space<vmem_shared>>) offsets(%arg9 : memref<10000xi32, #tpu.memory_space<vmem>>) semaphore(%run_scoped3A : memref<!tpu.dma_semaphore, #tpu.memory_space<semaphore_mem>>) {add = true}
        %dma_wait3A_552 = arith.constant 0 : i32
        %dma_wait3A_553 = tpu.memref_slice %arg14[%dma_wait3A_552] : memref<120192xf32, #tpu.memory_space<vmem_shared>> -> memref<120192xf32, #tpu.memory_space<vmem_shared>>
        tpu.wait_indirect_dma semaphore(%run_scoped3A : memref<!tpu.dma_semaphore, #tpu.memory_space<semaphore_mem>>) src(%arg5 : memref<10000xf32, #tpu.memory_space<vmem>>) dst(%dma_wait3A_553 : memref<120192xf32, #tpu.memory_space<vmem_shared>>)
        tpu.yield
      }) : () -> ()
    } else {
    }
    %add3A_178 = arith.constant 80000 : i32
    %add3A_179 = arith.addi %mul3A_2, %add3A_178 : i32
    %dma_start3A_180 = tpu.memref_slice %arg2[%add3A_179] : memref<6400000xf32, #tpu.memory_space<hbm>> -> memref<10000xf32, #tpu.memory_space<hbm>>
    %dma_start3A_181 = tpu.memref_slice %arg2[%add3A_179] : memref<6400000xf32, #tpu.memory_space<hbm>> -> memref<10000xf32, #tpu.memory_space<hbm>>
    tpu.enqueue_dma source(%dma_start3A_181 : memref<10000xf32, #tpu.memory_space<hbm>>) target(%arg5 : memref<10000xf32, #tpu.memory_space<vmem>>) target_semaphore(%arg15 : memref<!tpu.dma_semaphore, #tpu.memory_space<semaphore_mem>>)
    %dma_start3A_182 = tpu.memref_slice %arg3[%add3A_179] : memref<6400000xi32, #tpu.memory_space<hbm>> -> memref<10000xi32, #tpu.memory_space<hbm>>
    %dma_start3A_183 = tpu.memref_slice %arg3[%add3A_179] : memref<6400000xi32, #tpu.memory_space<hbm>> -> memref<10000xi32, #tpu.memory_space<hbm>>
    tpu.enqueue_dma source(%dma_start3A_183 : memref<10000xi32, #tpu.memory_space<hbm>>) target(%arg9 : memref<10000xi32, #tpu.memory_space<vmem>>) target_semaphore(%arg19 : memref<!tpu.dma_semaphore, #tpu.memory_space<semaphore_mem>>)
    %dma_wait3A_184 = tpu.memref_slice %arg2[%add3A_104] : memref<6400000xf32, #tpu.memory_space<hbm>> -> memref<10000xf32, #tpu.memory_space<hbm>>
    %dma_wait3A_185 = tpu.memref_slice %arg2[%add3A_104] : memref<6400000xf32, #tpu.memory_space<hbm>> -> memref<10000xf32, #tpu.memory_space<hbm>>
    tpu.wait_dma2 semaphore(%arg16 : memref<!tpu.dma_semaphore, #tpu.memory_space<semaphore_mem>>) src(%dma_wait3A_185 : memref<10000xf32, #tpu.memory_space<hbm>>) dst(%arg6 : memref<10000xf32, #tpu.memory_space<vmem>>)
    %dma_wait3A_186 = tpu.memref_slice %arg3[%add3A_104] : memref<6400000xi32, #tpu.memory_space<hbm>> -> memref<10000xi32, #tpu.memory_space<hbm>>
    %dma_wait3A_187 = tpu.memref_slice %arg3[%add3A_104] : memref<6400000xi32, #tpu.memory_space<hbm>> -> memref<10000xi32, #tpu.memory_space<hbm>>
    tpu.wait_dma2 semaphore(%arg20 : memref<!tpu.dma_semaphore, #tpu.memory_space<semaphore_mem>>) src(%dma_wait3A_187 : memref<10000xi32, #tpu.memory_space<hbm>>) dst(%arg10 : memref<10000xi32, #tpu.memory_space<vmem>>)
    %get3A_188 = arith.constant 9984 : index
    %get3A_189 = tpu.vector_load %arg10[%get3A_188] {strides = array<i32>} : memref<10000xi32, #tpu.memory_space<vmem>>, vector<16xi32>,
    %slice3A_190 = vector.extract_strided_slice %get3A_189 {offsets = [15], sizes = [1], strides = [1]} : vector<16xi32> to vector<1xi32>
    %squeeze3A_191 = vector.extract %slice3A_190[0] : i32 from vector<1xi32>
    %add3A_192 = arith.constant 20000 : i32
    %add3A_193 = arith.addi %mul3A_66, %add3A_192 : i32
    %lt3A_194 = arith.cmpi slt, %squeeze3A_191, %add3A_193 : i32
    %convert_element_type3A_195 = arith.extui %lt3A_194 : i1 to i32
    %cond3A_196 = arith.constant 0 : i32
    %cond3A_197 = arith.cmpi ne, %convert_element_type3A_195, %cond3A_196 : i32
    scf.if %cond3A_197 {
      %scan3A_550 = arith.constant 0 : i32
      %scan3A_551 = arith.constant 0 : i32
      %scan3A_552 = arith.constant 125 : i32
      %scan3A_553 = arith.addi %scan3A_551, %scan3A_552 : i32
      %scan3A_554 = arith.constant 1 : i32
      %scan3A_555 = scf.for %scan3A_557 = %scan3A_551 to %scan3A_553 step %scan3A_554 iter_args(%scan3A_558 = %scan3A_550) -> (i32)  : i32 {
        %mul3A_559 = arith.constant 5 : i32
        %mul3A_560 = arith.muli %scan3A_557, %mul3A_559 : i32
        %add3A_561 = arith.constant 0 : i32
        %add3A_562 = arith.addi %mul3A_560, %add3A_561 : i32
        %add3A_563 = vector.broadcast %add3A_562 : i32 to vector<16xi32>
        %add3A_564 = arith.addi %mul3A_44, %add3A_563 : vector<16xi32>
        %add3A_565 = arith.constant 1 : i32
        %add3A_566 = arith.addi %mul3A_560, %add3A_565 : i32
        %add3A_567 = vector.broadcast %add3A_566 : i32 to vector<16xi32>
        %add3A_568 = arith.addi %mul3A_44, %add3A_567 : vector<16xi32>
        %add3A_569 = arith.constant 2 : i32
        %add3A_570 = arith.addi %mul3A_560, %add3A_569 : i32
        %add3A_571 = vector.broadcast %add3A_570 : i32 to vector<16xi32>
        %add3A_572 = arith.addi %mul3A_44, %add3A_571 : vector<16xi32>
        %add3A_573 = arith.constant 3 : i32
        %add3A_574 = arith.addi %mul3A_560, %add3A_573 : i32
        %add3A_575 = vector.broadcast %add3A_574 : i32 to vector<16xi32>
        %add3A_576 = arith.addi %mul3A_44, %add3A_575 : vector<16xi32>
        %add3A_577 = arith.constant 4 : i32
        %add3A_578 = arith.addi %mul3A_560, %add3A_577 : i32
        %add3A_579 = vector.broadcast %add3A_578 : i32 to vector<16xi32>
        %add3A_580 = arith.addi %mul3A_44, %add3A_579 : vector<16xi32>
        %gather3A = tpu.vector_load_idx %arg6[%add3A_564] : memref<10000xf32, #tpu.memory_space<vmem>>[vector<16xi32>], vector<16xf32>,
        %gather3A_581 = tpu.vector_load_idx %arg6[%add3A_568] : memref<10000xf32, #tpu.memory_space<vmem>>[vector<16xi32>], vector<16xf32>,
        %gather3A_582 = tpu.vector_load_idx %arg6[%add3A_572] : memref<10000xf32, #tpu.memory_space<vmem>>[vector<16xi32>], vector<16xf32>,
        %gather3A_583 = tpu.vector_load_idx %arg6[%add3A_576] : memref<10000xf32, #tpu.memory_space<vmem>>[vector<16xi32>], vector<16xf32>,
        %gather3A_584 = tpu.vector_load_idx %arg6[%add3A_580] : memref<10000xf32, #tpu.memory_space<vmem>>[vector<16xi32>], vector<16xf32>,
        %gather3A_585 = tpu.vector_load_idx %arg10[%add3A_564] : memref<10000xi32, #tpu.memory_space<vmem>>[vector<16xi32>], vector<16xi32>,
        %sub3A_586 = vector.broadcast %mul3A_66 : i32 to vector<16xi32>
        %sub3A_587 = arith.subi %gather3A_585, %sub3A_586 : vector<16xi32>
        %gather3A_588 = tpu.vector_load_idx %arg10[%add3A_568] : memref<10000xi32, #tpu.memory_space<vmem>>[vector<16xi32>], vector<16xi32>,
        %sub3A_589 = vector.broadcast %mul3A_66 : i32 to vector<16xi32>
        %sub3A_590 = arith.subi %gather3A_588, %sub3A_589 : vector<16xi32>
        %gather3A_591 = tpu.vector_load_idx %arg10[%add3A_572] : memref<10000xi32, #tpu.memory_space<vmem>>[vector<16xi32>], vector<16xi32>,
        %sub3A_592 = vector.broadcast %mul3A_66 : i32 to vector<16xi32>
        %sub3A_593 = arith.subi %gather3A_591, %sub3A_592 : vector<16xi32>
        %gather3A_594 = tpu.vector_load_idx %arg10[%add3A_576] : memref<10000xi32, #tpu.memory_space<vmem>>[vector<16xi32>], vector<16xi32>,
        %sub3A_595 = vector.broadcast %mul3A_66 : i32 to vector<16xi32>
        %sub3A_596 = arith.subi %gather3A_594, %sub3A_595 : vector<16xi32>
        %gather3A_597 = tpu.vector_load_idx %arg10[%add3A_580] : memref<10000xi32, #tpu.memory_space<vmem>>[vector<16xi32>], vector<16xi32>,
        %sub3A_598 = vector.broadcast %mul3A_66 : i32 to vector<16xi32>
        %sub3A_599 = arith.subi %gather3A_597, %sub3A_598 : vector<16xi32>
        tpu.vector_store_idx %arg13[%sub3A_587], %gather3A {add = true} : memref<20000xf32, #tpu.memory_space<vmem>>[vector<16xi32>], vector<16xf32>,
        tpu.vector_store_idx %arg13[%sub3A_590], %gather3A_581 {add = true} : memref<20000xf32, #tpu.memory_space<vmem>>[vector<16xi32>], vector<16xf32>,
        tpu.vector_store_idx %arg13[%sub3A_593], %gather3A_582 {add = true} : memref<20000xf32, #tpu.memory_space<vmem>>[vector<16xi32>], vector<16xf32>,
        tpu.vector_store_idx %arg13[%sub3A_596], %gather3A_583 {add = true} : memref<20000xf32, #tpu.memory_space<vmem>>[vector<16xi32>], vector<16xf32>,
        tpu.vector_store_idx %arg13[%sub3A_599], %gather3A_584 {add = true} : memref<20000xf32, #tpu.memory_space<vmem>>[vector<16xi32>], vector<16xf32>,
        %scan3A_600 = arith.constant 0 : i32
        scf.yield %scan3A_600 : i32
      }
      %scan3A_556 = arith.constant 125 : i32
    } else {
    }
    %not3A_198 = arith.constant true
    %not3A_199 = arith.xori %lt3A_194, %not3A_198 : i1
    %convert_element_type3A_200 = arith.extui %not3A_199 : i1 to i32
    %cond3A_201 = arith.constant 0 : i32
    %cond3A_202 = arith.cmpi ne, %convert_element_type3A_200, %cond3A_201 : i32
    scf.if %cond3A_202 {
      "tpu.region"() ({
        %run_scoped3A = tpu.sem_alloc : memref<!tpu.dma_semaphore, #tpu.memory_space<semaphore_mem>>
        %dma_start3A_550 = arith.constant 0 : i32
        %dma_start3A_551 = tpu.memref_slice %arg14[%dma_start3A_550] : memref<120192xf32, #tpu.memory_space<vmem_shared>> -> memref<120192xf32, #tpu.memory_space<vmem_shared>>
        tpu.enqueue_indirect_dma source(%arg6 : memref<10000xf32, #tpu.memory_space<vmem>>) target(%dma_start3A_551 : memref<120192xf32, #tpu.memory_space<vmem_shared>>) offsets(%arg10 : memref<10000xi32, #tpu.memory_space<vmem>>) semaphore(%run_scoped3A : memref<!tpu.dma_semaphore, #tpu.memory_space<semaphore_mem>>) {add = true}
        %dma_wait3A_552 = arith.constant 0 : i32
        %dma_wait3A_553 = tpu.memref_slice %arg14[%dma_wait3A_552] : memref<120192xf32, #tpu.memory_space<vmem_shared>> -> memref<120192xf32, #tpu.memory_space<vmem_shared>>
        tpu.wait_indirect_dma semaphore(%run_scoped3A : memref<!tpu.dma_semaphore, #tpu.memory_space<semaphore_mem>>) src(%arg6 : memref<10000xf32, #tpu.memory_space<vmem>>) dst(%dma_wait3A_553 : memref<120192xf32, #tpu.memory_space<vmem_shared>>)
        tpu.yield
      }) : () -> ()
    } else {
    }
    %add3A_203 = arith.constant 90000 : i32
    %add3A_204 = arith.addi %mul3A_2, %add3A_203 : i32
    %dma_start3A_205 = tpu.memref_slice %arg2[%add3A_204] : memref<6400000xf32, #tpu.memory_space<hbm>> -> memref<10000xf32, #tpu.memory_space<hbm>>
    %dma_start3A_206 = tpu.memref_slice %arg2[%add3A_204] : memref<6400000xf32, #tpu.memory_space<hbm>> -> memref<10000xf32, #tpu.memory_space<hbm>>
    tpu.enqueue_dma source(%dma_start3A_206 : memref<10000xf32, #tpu.memory_space<hbm>>) target(%arg6 : memref<10000xf32, #tpu.memory_space<vmem>>) target_semaphore(%arg16 : memref<!tpu.dma_semaphore, #tpu.memory_space<semaphore_mem>>)
    %dma_start3A_207 = tpu.memref_slice %arg3[%add3A_204] : memref<6400000xi32, #tpu.memory_space<hbm>> -> memref<10000xi32, #tpu.memory_space<hbm>>
    %dma_start3A_208 = tpu.memref_slice %arg3[%add3A_204] : memref<6400000xi32, #tpu.memory_space<hbm>> -> memref<10000xi32, #tpu.memory_space<hbm>>
    tpu.enqueue_dma source(%dma_start3A_208 : memref<10000xi32, #tpu.memory_space<hbm>>) target(%arg10 : memref<10000xi32, #tpu.memory_space<vmem>>) target_semaphore(%arg20 : memref<!tpu.dma_semaphore, #tpu.memory_space<semaphore_mem>>)
    %dma_wait3A_209 = tpu.memref_slice %arg2[%add3A_129] : memref<6400000xf32, #tpu.memory_space<hbm>> -> memref<10000xf32, #tpu.memory_space<hbm>>
    %dma_wait3A_210 = tpu.memref_slice %arg2[%add3A_129] : memref<6400000xf32, #tpu.memory_space<hbm>> -> memref<10000xf32, #tpu.memory_space<hbm>>
    tpu.wait_dma2 semaphore(%arg17 : memref<!tpu.dma_semaphore, #tpu.memory_space<semaphore_mem>>) src(%dma_wait3A_210 : memref<10000xf32, #tpu.memory_space<hbm>>) dst(%arg7 : memref<10000xf32, #tpu.memory_space<vmem>>)
    %dma_wait3A_211 = tpu.memref_slice %arg3[%add3A_129] : memref<6400000xi32, #tpu.memory_space<hbm>> -> memref<10000xi32, #tpu.memory_space<hbm>>
    %dma_wait3A_212 = tpu.memref_slice %arg3[%add3A_129] : memref<6400000xi32, #tpu.memory_space<hbm>> -> memref<10000xi32, #tpu.memory_space<hbm>>
    tpu.wait_dma2 semaphore(%arg21 : memref<!tpu.dma_semaphore, #tpu.memory_space<semaphore_mem>>) src(%dma_wait3A_212 : memref<10000xi32, #tpu.memory_space<hbm>>) dst(%arg11 : memref<10000xi32, #tpu.memory_space<vmem>>)
    %get3A_213 = arith.constant 9984 : index
    %get3A_214 = tpu.vector_load %arg11[%get3A_213] {strides = array<i32>} : memref<10000xi32, #tpu.memory_space<vmem>>, vector<16xi32>,
    %slice3A_215 = vector.extract_strided_slice %get3A_214 {offsets = [15], sizes = [1], strides = [1]} : vector<16xi32> to vector<1xi32>
    %squeeze3A_216 = vector.extract %slice3A_215[0] : i32 from vector<1xi32>
    %add3A_217 = arith.constant 20000 : i32
    %add3A_218 = arith.addi %mul3A_66, %add3A_217 : i32
    %lt3A_219 = arith.cmpi slt, %squeeze3A_216, %add3A_218 : i32
    %convert_element_type3A_220 = arith.extui %lt3A_219 : i1 to i32
    %cond3A_221 = arith.constant 0 : i32
    %cond3A_222 = arith.cmpi ne, %convert_element_type3A_220, %cond3A_221 : i32
    scf.if %cond3A_222 {
      %scan3A_550 = arith.constant 0 : i32
      %scan3A_551 = arith.constant 0 : i32
      %scan3A_552 = arith.constant 125 : i32
      %scan3A_553 = arith.addi %scan3A_551, %scan3A_552 : i32
      %scan3A_554 = arith.constant 1 : i32
      %scan3A_555 = scf.for %scan3A_557 = %scan3A_551 to %scan3A_553 step %scan3A_554 iter_args(%scan3A_558 = %scan3A_550) -> (i32)  : i32 {
        %mul3A_559 = arith.constant 5 : i32
        %mul3A_560 = arith.muli %scan3A_557, %mul3A_559 : i32
        %add3A_561 = arith.constant 0 : i32
        %add3A_562 = arith.addi %mul3A_560, %add3A_561 : i32
        %add3A_563 = vector.broadcast %add3A_562 : i32 to vector<16xi32>
        %add3A_564 = arith.addi %mul3A_44, %add3A_563 : vector<16xi32>
        %add3A_565 = arith.constant 1 : i32
        %add3A_566 = arith.addi %mul3A_560, %add3A_565 : i32
        %add3A_567 = vector.broadcast %add3A_566 : i32 to vector<16xi32>
        %add3A_568 = arith.addi %mul3A_44, %add3A_567 : vector<16xi32>
        %add3A_569 = arith.constant 2 : i32
        %add3A_570 = arith.addi %mul3A_560, %add3A_569 : i32
        %add3A_571 = vector.broadcast %add3A_570 : i32 to vector<16xi32>
        %add3A_572 = arith.addi %mul3A_44, %add3A_571 : vector<16xi32>
        %add3A_573 = arith.constant 3 : i32
        %add3A_574 = arith.addi %mul3A_560, %add3A_573 : i32
        %add3A_575 = vector.broadcast %add3A_574 : i32 to vector<16xi32>
        %add3A_576 = arith.addi %mul3A_44, %add3A_575 : vector<16xi32>
        %add3A_577 = arith.constant 4 : i32
        %add3A_578 = arith.addi %mul3A_560, %add3A_577 : i32
        %add3A_579 = vector.broadcast %add3A_578 : i32 to vector<16xi32>
        %add3A_580 = arith.addi %mul3A_44, %add3A_579 : vector<16xi32>
        %gather3A = tpu.vector_load_idx %arg7[%add3A_564] : memref<10000xf32, #tpu.memory_space<vmem>>[vector<16xi32>], vector<16xf32>,
        %gather3A_581 = tpu.vector_load_idx %arg7[%add3A_568] : memref<10000xf32, #tpu.memory_space<vmem>>[vector<16xi32>], vector<16xf32>,
        %gather3A_582 = tpu.vector_load_idx %arg7[%add3A_572] : memref<10000xf32, #tpu.memory_space<vmem>>[vector<16xi32>], vector<16xf32>,
        %gather3A_583 = tpu.vector_load_idx %arg7[%add3A_576] : memref<10000xf32, #tpu.memory_space<vmem>>[vector<16xi32>], vector<16xf32>,
        %gather3A_584 = tpu.vector_load_idx %arg7[%add3A_580] : memref<10000xf32, #tpu.memory_space<vmem>>[vector<16xi32>], vector<16xf32>,
        %gather3A_585 = tpu.vector_load_idx %arg11[%add3A_564] : memref<10000xi32, #tpu.memory_space<vmem>>[vector<16xi32>], vector<16xi32>,
        %sub3A_586 = vector.broadcast %mul3A_66 : i32 to vector<16xi32>
        %sub3A_587 = arith.subi %gather3A_585, %sub3A_586 : vector<16xi32>
        %gather3A_588 = tpu.vector_load_idx %arg11[%add3A_568] : memref<10000xi32, #tpu.memory_space<vmem>>[vector<16xi32>], vector<16xi32>,
        %sub3A_589 = vector.broadcast %mul3A_66 : i32 to vector<16xi32>
        %sub3A_590 = arith.subi %gather3A_588, %sub3A_589 : vector<16xi32>
        %gather3A_591 = tpu.vector_load_idx %arg11[%add3A_572] : memref<10000xi32, #tpu.memory_space<vmem>>[vector<16xi32>], vector<16xi32>,
        %sub3A_592 = vector.broadcast %mul3A_66 : i32 to vector<16xi32>
        %sub3A_593 = arith.subi %gather3A_591, %sub3A_592 : vector<16xi32>
        %gather3A_594 = tpu.vector_load_idx %arg11[%add3A_576] : memref<10000xi32, #tpu.memory_space<vmem>>[vector<16xi32>], vector<16xi32>,
        %sub3A_595 = vector.broadcast %mul3A_66 : i32 to vector<16xi32>
        %sub3A_596 = arith.subi %gather3A_594, %sub3A_595 : vector<16xi32>
        %gather3A_597 = tpu.vector_load_idx %arg11[%add3A_580] : memref<10000xi32, #tpu.memory_space<vmem>>[vector<16xi32>], vector<16xi32>,
        %sub3A_598 = vector.broadcast %mul3A_66 : i32 to vector<16xi32>
        %sub3A_599 = arith.subi %gather3A_597, %sub3A_598 : vector<16xi32>
        tpu.vector_store_idx %arg13[%sub3A_587], %gather3A {add = true} : memref<20000xf32, #tpu.memory_space<vmem>>[vector<16xi32>], vector<16xf32>,
        tpu.vector_store_idx %arg13[%sub3A_590], %gather3A_581 {add = true} : memref<20000xf32, #tpu.memory_space<vmem>>[vector<16xi32>], vector<16xf32>,
        tpu.vector_store_idx %arg13[%sub3A_593], %gather3A_582 {add = true} : memref<20000xf32, #tpu.memory_space<vmem>>[vector<16xi32>], vector<16xf32>,
        tpu.vector_store_idx %arg13[%sub3A_596], %gather3A_583 {add = true} : memref<20000xf32, #tpu.memory_space<vmem>>[vector<16xi32>], vector<16xf32>,
        tpu.vector_store_idx %arg13[%sub3A_599], %gather3A_584 {add = true} : memref<20000xf32, #tpu.memory_space<vmem>>[vector<16xi32>], vector<16xf32>,
        %scan3A_600 = arith.constant 0 : i32
        scf.yield %scan3A_600 : i32
      }
      %scan3A_556 = arith.constant 125 : i32
    } else {
    }
    %not3A_223 = arith.constant true
    %not3A_224 = arith.xori %lt3A_219, %not3A_223 : i1
    %convert_element_type3A_225 = arith.extui %not3A_224 : i1 to i32
    %cond3A_226 = arith.constant 0 : i32
    %cond3A_227 = arith.cmpi ne, %convert_element_type3A_225, %cond3A_226 : i32
    scf.if %cond3A_227 {
      "tpu.region"() ({
        %run_scoped3A = tpu.sem_alloc : memref<!tpu.dma_semaphore, #tpu.memory_space<semaphore_mem>>
        %dma_start3A_550 = arith.constant 0 : i32
        %dma_start3A_551 = tpu.memref_slice %arg14[%dma_start3A_550] : memref<120192xf32, #tpu.memory_space<vmem_shared>> -> memref<120192xf32, #tpu.memory_space<vmem_shared>>
        tpu.enqueue_indirect_dma source(%arg7 : memref<10000xf32, #tpu.memory_space<vmem>>) target(%dma_start3A_551 : memref<120192xf32, #tpu.memory_space<vmem_shared>>) offsets(%arg11 : memref<10000xi32, #tpu.memory_space<vmem>>) semaphore(%run_scoped3A : memref<!tpu.dma_semaphore, #tpu.memory_space<semaphore_mem>>) {add = true}
        %dma_wait3A_552 = arith.constant 0 : i32
        %dma_wait3A_553 = tpu.memref_slice %arg14[%dma_wait3A_552] : memref<120192xf32, #tpu.memory_space<vmem_shared>> -> memref<120192xf32, #tpu.memory_space<vmem_shared>>
        tpu.wait_indirect_dma semaphore(%run_scoped3A : memref<!tpu.dma_semaphore, #tpu.memory_space<semaphore_mem>>) src(%arg7 : memref<10000xf32, #tpu.memory_space<vmem>>) dst(%dma_wait3A_553 : memref<120192xf32, #tpu.memory_space<vmem_shared>>)
        tpu.yield
      }) : () -> ()
    } else {
    }
    %add3A_228 = arith.constant 100000 : i32
    %add3A_229 = arith.addi %mul3A_2, %add3A_228 : i32
    %dma_start3A_230 = tpu.memref_slice %arg2[%add3A_229] : memref<6400000xf32, #tpu.memory_space<hbm>> -> memref<10000xf32, #tpu.memory_space<hbm>>
    %dma_start3A_231 = tpu.memref_slice %arg2[%add3A_229] : memref<6400000xf32, #tpu.memory_space<hbm>> -> memref<10000xf32, #tpu.memory_space<hbm>>
    tpu.enqueue_dma source(%dma_start3A_231 : memref<10000xf32, #tpu.memory_space<hbm>>) target(%arg7 : memref<10000xf32, #tpu.memory_space<vmem>>) target_semaphore(%arg17 : memref<!tpu.dma_semaphore, #tpu.memory_space<semaphore_mem>>)
    %dma_start3A_232 = tpu.memref_slice %arg3[%add3A_229] : memref<6400000xi32, #tpu.memory_space<hbm>> -> memref<10000xi32, #tpu.memory_space<hbm>>
    %dma_start3A_233 = tpu.memref_slice %arg3[%add3A_229] : memref<6400000xi32, #tpu.memory_space<hbm>> -> memref<10000xi32, #tpu.memory_space<hbm>>
    tpu.enqueue_dma source(%dma_start3A_233 : memref<10000xi32, #tpu.memory_space<hbm>>) target(%arg11 : memref<10000xi32, #tpu.memory_space<vmem>>) target_semaphore(%arg21 : memref<!tpu.dma_semaphore, #tpu.memory_space<semaphore_mem>>)
    %dma_wait3A_234 = tpu.memref_slice %arg2[%add3A_154] : memref<6400000xf32, #tpu.memory_space<hbm>> -> memref<10000xf32, #tpu.memory_space<hbm>>
    %dma_wait3A_235 = tpu.memref_slice %arg2[%add3A_154] : memref<6400000xf32, #tpu.memory_space<hbm>> -> memref<10000xf32, #tpu.memory_space<hbm>>
    tpu.wait_dma2 semaphore(%arg18 : memref<!tpu.dma_semaphore, #tpu.memory_space<semaphore_mem>>) src(%dma_wait3A_235 : memref<10000xf32, #tpu.memory_space<hbm>>) dst(%arg8 : memref<10000xf32, #tpu.memory_space<vmem>>)
    %dma_wait3A_236 = tpu.memref_slice %arg3[%add3A_154] : memref<6400000xi32, #tpu.memory_space<hbm>> -> memref<10000xi32, #tpu.memory_space<hbm>>
    %dma_wait3A_237 = tpu.memref_slice %arg3[%add3A_154] : memref<6400000xi32, #tpu.memory_space<hbm>> -> memref<10000xi32, #tpu.memory_space<hbm>>
    tpu.wait_dma2 semaphore(%arg22 : memref<!tpu.dma_semaphore, #tpu.memory_space<semaphore_mem>>) src(%dma_wait3A_237 : memref<10000xi32, #tpu.memory_space<hbm>>) dst(%arg12 : memref<10000xi32, #tpu.memory_space<vmem>>)
    %get3A_238 = arith.constant 9984 : index
    %get3A_239 = tpu.vector_load %arg12[%get3A_238] {strides = array<i32>} : memref<10000xi32, #tpu.memory_space<vmem>>, vector<16xi32>,
    %slice3A_240 = vector.extract_strided_slice %get3A_239 {offsets = [15], sizes = [1], strides = [1]} : vector<16xi32> to vector<1xi32>
    %squeeze3A_241 = vector.extract %slice3A_240[0] : i32 from vector<1xi32>
    %add3A_242 = arith.constant 20000 : i32
    %add3A_243 = arith.addi %mul3A_66, %add3A_242 : i32
    %lt3A_244 = arith.cmpi slt, %squeeze3A_241, %add3A_243 : i32
    %convert_element_type3A_245 = arith.extui %lt3A_244 : i1 to i32
    %cond3A_246 = arith.constant 0 : i32
    %cond3A_247 = arith.cmpi ne, %convert_element_type3A_245, %cond3A_246 : i32
    scf.if %cond3A_247 {
      %scan3A_550 = arith.constant 0 : i32
      %scan3A_551 = arith.constant 0 : i32
      %scan3A_552 = arith.constant 125 : i32
      %scan3A_553 = arith.addi %scan3A_551, %scan3A_552 : i32
      %scan3A_554 = arith.constant 1 : i32
      %scan3A_555 = scf.for %scan3A_557 = %scan3A_551 to %scan3A_553 step %scan3A_554 iter_args(%scan3A_558 = %scan3A_550) -> (i32)  : i32 {
        %mul3A_559 = arith.constant 5 : i32
        %mul3A_560 = arith.muli %scan3A_557, %mul3A_559 : i32
        %add3A_561 = arith.constant 0 : i32
        %add3A_562 = arith.addi %mul3A_560, %add3A_561 : i32
        %add3A_563 = vector.broadcast %add3A_562 : i32 to vector<16xi32>
        %add3A_564 = arith.addi %mul3A_44, %add3A_563 : vector<16xi32>
        %add3A_565 = arith.constant 1 : i32
        %add3A_566 = arith.addi %mul3A_560, %add3A_565 : i32
        %add3A_567 = vector.broadcast %add3A_566 : i32 to vector<16xi32>
        %add3A_568 = arith.addi %mul3A_44, %add3A_567 : vector<16xi32>
        %add3A_569 = arith.constant 2 : i32
        %add3A_570 = arith.addi %mul3A_560, %add3A_569 : i32
        %add3A_571 = vector.broadcast %add3A_570 : i32 to vector<16xi32>
        %add3A_572 = arith.addi %mul3A_44, %add3A_571 : vector<16xi32>
        %add3A_573 = arith.constant 3 : i32
        %add3A_574 = arith.addi %mul3A_560, %add3A_573 : i32
        %add3A_575 = vector.broadcast %add3A_574 : i32 to vector<16xi32>
        %add3A_576 = arith.addi %mul3A_44, %add3A_575 : vector<16xi32>
        %add3A_577 = arith.constant 4 : i32
        %add3A_578 = arith.addi %mul3A_560, %add3A_577 : i32
        %add3A_579 = vector.broadcast %add3A_578 : i32 to vector<16xi32>
        %add3A_580 = arith.addi %mul3A_44, %add3A_579 : vector<16xi32>
        %gather3A = tpu.vector_load_idx %arg8[%add3A_564] : memref<10000xf32, #tpu.memory_space<vmem>>[vector<16xi32>], vector<16xf32>,
        %gather3A_581 = tpu.vector_load_idx %arg8[%add3A_568] : memref<10000xf32, #tpu.memory_space<vmem>>[vector<16xi32>], vector<16xf32>,
        %gather3A_582 = tpu.vector_load_idx %arg8[%add3A_572] : memref<10000xf32, #tpu.memory_space<vmem>>[vector<16xi32>], vector<16xf32>,
        %gather3A_583 = tpu.vector_load_idx %arg8[%add3A_576] : memref<10000xf32, #tpu.memory_space<vmem>>[vector<16xi32>], vector<16xf32>,
        %gather3A_584 = tpu.vector_load_idx %arg8[%add3A_580] : memref<10000xf32, #tpu.memory_space<vmem>>[vector<16xi32>], vector<16xf32>,
        %gather3A_585 = tpu.vector_load_idx %arg12[%add3A_564] : memref<10000xi32, #tpu.memory_space<vmem>>[vector<16xi32>], vector<16xi32>,
        %sub3A_586 = vector.broadcast %mul3A_66 : i32 to vector<16xi32>
        %sub3A_587 = arith.subi %gather3A_585, %sub3A_586 : vector<16xi32>
        %gather3A_588 = tpu.vector_load_idx %arg12[%add3A_568] : memref<10000xi32, #tpu.memory_space<vmem>>[vector<16xi32>], vector<16xi32>,
        %sub3A_589 = vector.broadcast %mul3A_66 : i32 to vector<16xi32>
        %sub3A_590 = arith.subi %gather3A_588, %sub3A_589 : vector<16xi32>
        %gather3A_591 = tpu.vector_load_idx %arg12[%add3A_572] : memref<10000xi32, #tpu.memory_space<vmem>>[vector<16xi32>], vector<16xi32>,
        %sub3A_592 = vector.broadcast %mul3A_66 : i32 to vector<16xi32>
        %sub3A_593 = arith.subi %gather3A_591, %sub3A_592 : vector<16xi32>
        %gather3A_594 = tpu.vector_load_idx %arg12[%add3A_576] : memref<10000xi32, #tpu.memory_space<vmem>>[vector<16xi32>], vector<16xi32>,
        %sub3A_595 = vector.broadcast %mul3A_66 : i32 to vector<16xi32>
        %sub3A_596 = arith.subi %gather3A_594, %sub3A_595 : vector<16xi32>
        %gather3A_597 = tpu.vector_load_idx %arg12[%add3A_580] : memref<10000xi32, #tpu.memory_space<vmem>>[vector<16xi32>], vector<16xi32>,
        %sub3A_598 = vector.broadcast %mul3A_66 : i32 to vector<16xi32>
        %sub3A_599 = arith.subi %gather3A_597, %sub3A_598 : vector<16xi32>
        tpu.vector_store_idx %arg13[%sub3A_587], %gather3A {add = true} : memref<20000xf32, #tpu.memory_space<vmem>>[vector<16xi32>], vector<16xf32>,
        tpu.vector_store_idx %arg13[%sub3A_590], %gather3A_581 {add = true} : memref<20000xf32, #tpu.memory_space<vmem>>[vector<16xi32>], vector<16xf32>,
        tpu.vector_store_idx %arg13[%sub3A_593], %gather3A_582 {add = true} : memref<20000xf32, #tpu.memory_space<vmem>>[vector<16xi32>], vector<16xf32>,
        tpu.vector_store_idx %arg13[%sub3A_596], %gather3A_583 {add = true} : memref<20000xf32, #tpu.memory_space<vmem>>[vector<16xi32>], vector<16xf32>,
        tpu.vector_store_idx %arg13[%sub3A_599], %gather3A_584 {add = true} : memref<20000xf32, #tpu.memory_space<vmem>>[vector<16xi32>], vector<16xf32>,
        %scan3A_600 = arith.constant 0 : i32
        scf.yield %scan3A_600 : i32
      }
      %scan3A_556 = arith.constant 125 : i32
    } else {
    }
    %not3A_248 = arith.constant true
    %not3A_249 = arith.xori %lt3A_244, %not3A_248 : i1
    %convert_element_type3A_250 = arith.extui %not3A_249 : i1 to i32
    %cond3A_251 = arith.constant 0 : i32
    %cond3A_252 = arith.cmpi ne, %convert_element_type3A_250, %cond3A_251 : i32
    scf.if %cond3A_252 {
      "tpu.region"() ({
        %run_scoped3A = tpu.sem_alloc : memref<!tpu.dma_semaphore, #tpu.memory_space<semaphore_mem>>
        %dma_start3A_550 = arith.constant 0 : i32
        %dma_start3A_551 = tpu.memref_slice %arg14[%dma_start3A_550] : memref<120192xf32, #tpu.memory_space<vmem_shared>> -> memref<120192xf32, #tpu.memory_space<vmem_shared>>
        tpu.enqueue_indirect_dma source(%arg8 : memref<10000xf32, #tpu.memory_space<vmem>>) target(%dma_start3A_551 : memref<120192xf32, #tpu.memory_space<vmem_shared>>) offsets(%arg12 : memref<10000xi32, #tpu.memory_space<vmem>>) semaphore(%run_scoped3A : memref<!tpu.dma_semaphore, #tpu.memory_space<semaphore_mem>>) {add = true}
        %dma_wait3A_552 = arith.constant 0 : i32
        %dma_wait3A_553 = tpu.memref_slice %arg14[%dma_wait3A_552] : memref<120192xf32, #tpu.memory_space<vmem_shared>> -> memref<120192xf32, #tpu.memory_space<vmem_shared>>
        tpu.wait_indirect_dma semaphore(%run_scoped3A : memref<!tpu.dma_semaphore, #tpu.memory_space<semaphore_mem>>) src(%arg8 : memref<10000xf32, #tpu.memory_space<vmem>>) dst(%dma_wait3A_553 : memref<120192xf32, #tpu.memory_space<vmem_shared>>)
        tpu.yield
      }) : () -> ()
    } else {
    }
    %add3A_253 = arith.constant 110000 : i32
    %add3A_254 = arith.addi %mul3A_2, %add3A_253 : i32
    %dma_start3A_255 = tpu.memref_slice %arg2[%add3A_254] : memref<6400000xf32, #tpu.memory_space<hbm>> -> memref<10000xf32, #tpu.memory_space<hbm>>
    %dma_start3A_256 = tpu.memref_slice %arg2[%add3A_254] : memref<6400000xf32, #tpu.memory_space<hbm>> -> memref<10000xf32, #tpu.memory_space<hbm>>
    tpu.enqueue_dma source(%dma_start3A_256 : memref<10000xf32, #tpu.memory_space<hbm>>) target(%arg8 : memref<10000xf32, #tpu.memory_space<vmem>>) target_semaphore(%arg18 : memref<!tpu.dma_semaphore, #tpu.memory_space<semaphore_mem>>)
    %dma_start3A_257 = tpu.memref_slice %arg3[%add3A_254] : memref<6400000xi32, #tpu.memory_space<hbm>> -> memref<10000xi32, #tpu.memory_space<hbm>>
    %dma_start3A_258 = tpu.memref_slice %arg3[%add3A_254] : memref<6400000xi32, #tpu.memory_space<hbm>> -> memref<10000xi32, #tpu.memory_space<hbm>>
    tpu.enqueue_dma source(%dma_start3A_258 : memref<10000xi32, #tpu.memory_space<hbm>>) target(%arg12 : memref<10000xi32, #tpu.memory_space<vmem>>) target_semaphore(%arg22 : memref<!tpu.dma_semaphore, #tpu.memory_space<semaphore_mem>>)
    %dma_wait3A_259 = tpu.memref_slice %arg2[%add3A_179] : memref<6400000xf32, #tpu.memory_space<hbm>> -> memref<10000xf32, #tpu.memory_space<hbm>>
    %dma_wait3A_260 = tpu.memref_slice %arg2[%add3A_179] : memref<6400000xf32, #tpu.memory_space<hbm>> -> memref<10000xf32, #tpu.memory_space<hbm>>
    tpu.wait_dma2 semaphore(%arg15 : memref<!tpu.dma_semaphore, #tpu.memory_space<semaphore_mem>>) src(%dma_wait3A_260 : memref<10000xf32, #tpu.memory_space<hbm>>) dst(%arg5 : memref<10000xf32, #tpu.memory_space<vmem>>)
    %dma_wait3A_261 = tpu.memref_slice %arg3[%add3A_179] : memref<6400000xi32, #tpu.memory_space<hbm>> -> memref<10000xi32, #tpu.memory_space<hbm>>
    %dma_wait3A_262 = tpu.memref_slice %arg3[%add3A_179] : memref<6400000xi32, #tpu.memory_space<hbm>> -> memref<10000xi32, #tpu.memory_space<hbm>>
    tpu.wait_dma2 semaphore(%arg19 : memref<!tpu.dma_semaphore, #tpu.memory_space<semaphore_mem>>) src(%dma_wait3A_262 : memref<10000xi32, #tpu.memory_space<hbm>>) dst(%arg9 : memref<10000xi32, #tpu.memory_space<vmem>>)
    %get3A_263 = arith.constant 9984 : index
    %get3A_264 = tpu.vector_load %arg9[%get3A_263] {strides = array<i32>} : memref<10000xi32, #tpu.memory_space<vmem>>, vector<16xi32>,
    %slice3A_265 = vector.extract_strided_slice %get3A_264 {offsets = [15], sizes = [1], strides = [1]} : vector<16xi32> to vector<1xi32>
    %squeeze3A_266 = vector.extract %slice3A_265[0] : i32 from vector<1xi32>
    %add3A_267 = arith.constant 20000 : i32
    %add3A_268 = arith.addi %mul3A_66, %add3A_267 : i32
    %lt3A_269 = arith.cmpi slt, %squeeze3A_266, %add3A_268 : i32
    %convert_element_type3A_270 = arith.extui %lt3A_269 : i1 to i32
    %cond3A_271 = arith.constant 0 : i32
    %cond3A_272 = arith.cmpi ne, %convert_element_type3A_270, %cond3A_271 : i32
    scf.if %cond3A_272 {
      %scan3A_550 = arith.constant 0 : i32
      %scan3A_551 = arith.constant 0 : i32
      %scan3A_552 = arith.constant 125 : i32
      %scan3A_553 = arith.addi %scan3A_551, %scan3A_552 : i32
      %scan3A_554 = arith.constant 1 : i32
      %scan3A_555 = scf.for %scan3A_557 = %scan3A_551 to %scan3A_553 step %scan3A_554 iter_args(%scan3A_558 = %scan3A_550) -> (i32)  : i32 {
        %mul3A_559 = arith.constant 5 : i32
        %mul3A_560 = arith.muli %scan3A_557, %mul3A_559 : i32
        %add3A_561 = arith.constant 0 : i32
        %add3A_562 = arith.addi %mul3A_560, %add3A_561 : i32
        %add3A_563 = vector.broadcast %add3A_562 : i32 to vector<16xi32>
        %add3A_564 = arith.addi %mul3A_44, %add3A_563 : vector<16xi32>
        %add3A_565 = arith.constant 1 : i32
        %add3A_566 = arith.addi %mul3A_560, %add3A_565 : i32
        %add3A_567 = vector.broadcast %add3A_566 : i32 to vector<16xi32>
        %add3A_568 = arith.addi %mul3A_44, %add3A_567 : vector<16xi32>
        %add3A_569 = arith.constant 2 : i32
        %add3A_570 = arith.addi %mul3A_560, %add3A_569 : i32
        %add3A_571 = vector.broadcast %add3A_570 : i32 to vector<16xi32>
        %add3A_572 = arith.addi %mul3A_44, %add3A_571 : vector<16xi32>
        %add3A_573 = arith.constant 3 : i32
        %add3A_574 = arith.addi %mul3A_560, %add3A_573 : i32
        %add3A_575 = vector.broadcast %add3A_574 : i32 to vector<16xi32>
        %add3A_576 = arith.addi %mul3A_44, %add3A_575 : vector<16xi32>
        %add3A_577 = arith.constant 4 : i32
        %add3A_578 = arith.addi %mul3A_560, %add3A_577 : i32
        %add3A_579 = vector.broadcast %add3A_578 : i32 to vector<16xi32>
        %add3A_580 = arith.addi %mul3A_44, %add3A_579 : vector<16xi32>
        %gather3A = tpu.vector_load_idx %arg5[%add3A_564] : memref<10000xf32, #tpu.memory_space<vmem>>[vector<16xi32>], vector<16xf32>,
        %gather3A_581 = tpu.vector_load_idx %arg5[%add3A_568] : memref<10000xf32, #tpu.memory_space<vmem>>[vector<16xi32>], vector<16xf32>,
        %gather3A_582 = tpu.vector_load_idx %arg5[%add3A_572] : memref<10000xf32, #tpu.memory_space<vmem>>[vector<16xi32>], vector<16xf32>,
        %gather3A_583 = tpu.vector_load_idx %arg5[%add3A_576] : memref<10000xf32, #tpu.memory_space<vmem>>[vector<16xi32>], vector<16xf32>,
        %gather3A_584 = tpu.vector_load_idx %arg5[%add3A_580] : memref<10000xf32, #tpu.memory_space<vmem>>[vector<16xi32>], vector<16xf32>,
        %gather3A_585 = tpu.vector_load_idx %arg9[%add3A_564] : memref<10000xi32, #tpu.memory_space<vmem>>[vector<16xi32>], vector<16xi32>,
        %sub3A_586 = vector.broadcast %mul3A_66 : i32 to vector<16xi32>
        %sub3A_587 = arith.subi %gather3A_585, %sub3A_586 : vector<16xi32>
        %gather3A_588 = tpu.vector_load_idx %arg9[%add3A_568] : memref<10000xi32, #tpu.memory_space<vmem>>[vector<16xi32>], vector<16xi32>,
        %sub3A_589 = vector.broadcast %mul3A_66 : i32 to vector<16xi32>
        %sub3A_590 = arith.subi %gather3A_588, %sub3A_589 : vector<16xi32>
        %gather3A_591 = tpu.vector_load_idx %arg9[%add3A_572] : memref<10000xi32, #tpu.memory_space<vmem>>[vector<16xi32>], vector<16xi32>,
        %sub3A_592 = vector.broadcast %mul3A_66 : i32 to vector<16xi32>
        %sub3A_593 = arith.subi %gather3A_591, %sub3A_592 : vector<16xi32>
        %gather3A_594 = tpu.vector_load_idx %arg9[%add3A_576] : memref<10000xi32, #tpu.memory_space<vmem>>[vector<16xi32>], vector<16xi32>,
        %sub3A_595 = vector.broadcast %mul3A_66 : i32 to vector<16xi32>
        %sub3A_596 = arith.subi %gather3A_594, %sub3A_595 : vector<16xi32>
        %gather3A_597 = tpu.vector_load_idx %arg9[%add3A_580] : memref<10000xi32, #tpu.memory_space<vmem>>[vector<16xi32>], vector<16xi32>,
        %sub3A_598 = vector.broadcast %mul3A_66 : i32 to vector<16xi32>
        %sub3A_599 = arith.subi %gather3A_597, %sub3A_598 : vector<16xi32>
        tpu.vector_store_idx %arg13[%sub3A_587], %gather3A {add = true} : memref<20000xf32, #tpu.memory_space<vmem>>[vector<16xi32>], vector<16xf32>,
        tpu.vector_store_idx %arg13[%sub3A_590], %gather3A_581 {add = true} : memref<20000xf32, #tpu.memory_space<vmem>>[vector<16xi32>], vector<16xf32>,
        tpu.vector_store_idx %arg13[%sub3A_593], %gather3A_582 {add = true} : memref<20000xf32, #tpu.memory_space<vmem>>[vector<16xi32>], vector<16xf32>,
        tpu.vector_store_idx %arg13[%sub3A_596], %gather3A_583 {add = true} : memref<20000xf32, #tpu.memory_space<vmem>>[vector<16xi32>], vector<16xf32>,
        tpu.vector_store_idx %arg13[%sub3A_599], %gather3A_584 {add = true} : memref<20000xf32, #tpu.memory_space<vmem>>[vector<16xi32>], vector<16xf32>,
        %scan3A_600 = arith.constant 0 : i32
        scf.yield %scan3A_600 : i32
      }
      %scan3A_556 = arith.constant 125 : i32
    } else {
    }
    %not3A_273 = arith.constant true
    %not3A_274 = arith.xori %lt3A_269, %not3A_273 : i1
    %convert_element_type3A_275 = arith.extui %not3A_274 : i1 to i32
    %cond3A_276 = arith.constant 0 : i32
    %cond3A_277 = arith.cmpi ne, %convert_element_type3A_275, %cond3A_276 : i32
    scf.if %cond3A_277 {
      "tpu.region"() ({
        %run_scoped3A = tpu.sem_alloc : memref<!tpu.dma_semaphore, #tpu.memory_space<semaphore_mem>>
        %dma_start3A_550 = arith.constant 0 : i32
        %dma_start3A_551 = tpu.memref_slice %arg14[%dma_start3A_550] : memref<120192xf32, #tpu.memory_space<vmem_shared>> -> memref<120192xf32, #tpu.memory_space<vmem_shared>>
        tpu.enqueue_indirect_dma source(%arg5 : memref<10000xf32, #tpu.memory_space<vmem>>) target(%dma_start3A_551 : memref<120192xf32, #tpu.memory_space<vmem_shared>>) offsets(%arg9 : memref<10000xi32, #tpu.memory_space<vmem>>) semaphore(%run_scoped3A : memref<!tpu.dma_semaphore, #tpu.memory_space<semaphore_mem>>) {add = true}
        %dma_wait3A_552 = arith.constant 0 : i32
        %dma_wait3A_553 = tpu.memref_slice %arg14[%dma_wait3A_552] : memref<120192xf32, #tpu.memory_space<vmem_shared>> -> memref<120192xf32, #tpu.memory_space<vmem_shared>>
        tpu.wait_indirect_dma semaphore(%run_scoped3A : memref<!tpu.dma_semaphore, #tpu.memory_space<semaphore_mem>>) src(%arg5 : memref<10000xf32, #tpu.memory_space<vmem>>) dst(%dma_wait3A_553 : memref<120192xf32, #tpu.memory_space<vmem_shared>>)
        tpu.yield
      }) : () -> ()
    } else {
    }
    %add3A_278 = arith.constant 120000 : i32
    %add3A_279 = arith.addi %mul3A_2, %add3A_278 : i32
    %dma_start3A_280 = tpu.memref_slice %arg2[%add3A_279] : memref<6400000xf32, #tpu.memory_space<hbm>> -> memref<10000xf32, #tpu.memory_space<hbm>>
    %dma_start3A_281 = tpu.memref_slice %arg2[%add3A_279] : memref<6400000xf32, #tpu.memory_space<hbm>> -> memref<10000xf32, #tpu.memory_space<hbm>>
    tpu.enqueue_dma source(%dma_start3A_281 : memref<10000xf32, #tpu.memory_space<hbm>>) target(%arg5 : memref<10000xf32, #tpu.memory_space<vmem>>) target_semaphore(%arg15 : memref<!tpu.dma_semaphore, #tpu.memory_space<semaphore_mem>>)
    %dma_start3A_282 = tpu.memref_slice %arg3[%add3A_279] : memref<6400000xi32, #tpu.memory_space<hbm>> -> memref<10000xi32, #tpu.memory_space<hbm>>
    %dma_start3A_283 = tpu.memref_slice %arg3[%add3A_279] : memref<6400000xi32, #tpu.memory_space<hbm>> -> memref<10000xi32, #tpu.memory_space<hbm>>
    tpu.enqueue_dma source(%dma_start3A_283 : memref<10000xi32, #tpu.memory_space<hbm>>) target(%arg9 : memref<10000xi32, #tpu.memory_space<vmem>>) target_semaphore(%arg19 : memref<!tpu.dma_semaphore, #tpu.memory_space<semaphore_mem>>)
    %dma_wait3A_284 = tpu.memref_slice %arg2[%add3A_204] : memref<6400000xf32, #tpu.memory_space<hbm>> -> memref<10000xf32, #tpu.memory_space<hbm>>
    %dma_wait3A_285 = tpu.memref_slice %arg2[%add3A_204] : memref<6400000xf32, #tpu.memory_space<hbm>> -> memref<10000xf32, #tpu.memory_space<hbm>>
    tpu.wait_dma2 semaphore(%arg16 : memref<!tpu.dma_semaphore, #tpu.memory_space<semaphore_mem>>) src(%dma_wait3A_285 : memref<10000xf32, #tpu.memory_space<hbm>>) dst(%arg6 : memref<10000xf32, #tpu.memory_space<vmem>>)
    %dma_wait3A_286 = tpu.memref_slice %arg3[%add3A_204] : memref<6400000xi32, #tpu.memory_space<hbm>> -> memref<10000xi32, #tpu.memory_space<hbm>>
    %dma_wait3A_287 = tpu.memref_slice %arg3[%add3A_204] : memref<6400000xi32, #tpu.memory_space<hbm>> -> memref<10000xi32, #tpu.memory_space<hbm>>
    tpu.wait_dma2 semaphore(%arg20 : memref<!tpu.dma_semaphore, #tpu.memory_space<semaphore_mem>>) src(%dma_wait3A_287 : memref<10000xi32, #tpu.memory_space<hbm>>) dst(%arg10 : memref<10000xi32, #tpu.memory_space<vmem>>)
    %get3A_288 = arith.constant 9984 : index
    %get3A_289 = tpu.vector_load %arg10[%get3A_288] {strides = array<i32>} : memref<10000xi32, #tpu.memory_space<vmem>>, vector<16xi32>,
    %slice3A_290 = vector.extract_strided_slice %get3A_289 {offsets = [15], sizes = [1], strides = [1]} : vector<16xi32> to vector<1xi32>
    %squeeze3A_291 = vector.extract %slice3A_290[0] : i32 from vector<1xi32>
    %add3A_292 = arith.constant 20000 : i32
    %add3A_293 = arith.addi %mul3A_66, %add3A_292 : i32
    %lt3A_294 = arith.cmpi slt, %squeeze3A_291, %add3A_293 : i32
    %convert_element_type3A_295 = arith.extui %lt3A_294 : i1 to i32
    %cond3A_296 = arith.constant 0 : i32
    %cond3A_297 = arith.cmpi ne, %convert_element_type3A_295, %cond3A_296 : i32
    scf.if %cond3A_297 {
      %scan3A_550 = arith.constant 0 : i32
      %scan3A_551 = arith.constant 0 : i32
      %scan3A_552 = arith.constant 125 : i32
      %scan3A_553 = arith.addi %scan3A_551, %scan3A_552 : i32
      %scan3A_554 = arith.constant 1 : i32
      %scan3A_555 = scf.for %scan3A_557 = %scan3A_551 to %scan3A_553 step %scan3A_554 iter_args(%scan3A_558 = %scan3A_550) -> (i32)  : i32 {
        %mul3A_559 = arith.constant 5 : i32
        %mul3A_560 = arith.muli %scan3A_557, %mul3A_559 : i32
        %add3A_561 = arith.constant 0 : i32
        %add3A_562 = arith.addi %mul3A_560, %add3A_561 : i32
        %add3A_563 = vector.broadcast %add3A_562 : i32 to vector<16xi32>
        %add3A_564 = arith.addi %mul3A_44, %add3A_563 : vector<16xi32>
        %add3A_565 = arith.constant 1 : i32
        %add3A_566 = arith.addi %mul3A_560, %add3A_565 : i32
        %add3A_567 = vector.broadcast %add3A_566 : i32 to vector<16xi32>
        %add3A_568 = arith.addi %mul3A_44, %add3A_567 : vector<16xi32>
        %add3A_569 = arith.constant 2 : i32
        %add3A_570 = arith.addi %mul3A_560, %add3A_569 : i32
        %add3A_571 = vector.broadcast %add3A_570 : i32 to vector<16xi32>
        %add3A_572 = arith.addi %mul3A_44, %add3A_571 : vector<16xi32>
        %add3A_573 = arith.constant 3 : i32
        %add3A_574 = arith.addi %mul3A_560, %add3A_573 : i32
        %add3A_575 = vector.broadcast %add3A_574 : i32 to vector<16xi32>
        %add3A_576 = arith.addi %mul3A_44, %add3A_575 : vector<16xi32>
        %add3A_577 = arith.constant 4 : i32
        %add3A_578 = arith.addi %mul3A_560, %add3A_577 : i32
        %add3A_579 = vector.broadcast %add3A_578 : i32 to vector<16xi32>
        %add3A_580 = arith.addi %mul3A_44, %add3A_579 : vector<16xi32>
        %gather3A = tpu.vector_load_idx %arg6[%add3A_564] : memref<10000xf32, #tpu.memory_space<vmem>>[vector<16xi32>], vector<16xf32>,
        %gather3A_581 = tpu.vector_load_idx %arg6[%add3A_568] : memref<10000xf32, #tpu.memory_space<vmem>>[vector<16xi32>], vector<16xf32>,
        %gather3A_582 = tpu.vector_load_idx %arg6[%add3A_572] : memref<10000xf32, #tpu.memory_space<vmem>>[vector<16xi32>], vector<16xf32>,
        %gather3A_583 = tpu.vector_load_idx %arg6[%add3A_576] : memref<10000xf32, #tpu.memory_space<vmem>>[vector<16xi32>], vector<16xf32>,
        %gather3A_584 = tpu.vector_load_idx %arg6[%add3A_580] : memref<10000xf32, #tpu.memory_space<vmem>>[vector<16xi32>], vector<16xf32>,
        %gather3A_585 = tpu.vector_load_idx %arg10[%add3A_564] : memref<10000xi32, #tpu.memory_space<vmem>>[vector<16xi32>], vector<16xi32>,
        %sub3A_586 = vector.broadcast %mul3A_66 : i32 to vector<16xi32>
        %sub3A_587 = arith.subi %gather3A_585, %sub3A_586 : vector<16xi32>
        %gather3A_588 = tpu.vector_load_idx %arg10[%add3A_568] : memref<10000xi32, #tpu.memory_space<vmem>>[vector<16xi32>], vector<16xi32>,
        %sub3A_589 = vector.broadcast %mul3A_66 : i32 to vector<16xi32>
        %sub3A_590 = arith.subi %gather3A_588, %sub3A_589 : vector<16xi32>
        %gather3A_591 = tpu.vector_load_idx %arg10[%add3A_572] : memref<10000xi32, #tpu.memory_space<vmem>>[vector<16xi32>], vector<16xi32>,
        %sub3A_592 = vector.broadcast %mul3A_66 : i32 to vector<16xi32>
        %sub3A_593 = arith.subi %gather3A_591, %sub3A_592 : vector<16xi32>
        %gather3A_594 = tpu.vector_load_idx %arg10[%add3A_576] : memref<10000xi32, #tpu.memory_space<vmem>>[vector<16xi32>], vector<16xi32>,
        %sub3A_595 = vector.broadcast %mul3A_66 : i32 to vector<16xi32>
        %sub3A_596 = arith.subi %gather3A_594, %sub3A_595 : vector<16xi32>
        %gather3A_597 = tpu.vector_load_idx %arg10[%add3A_580] : memref<10000xi32, #tpu.memory_space<vmem>>[vector<16xi32>], vector<16xi32>,
        %sub3A_598 = vector.broadcast %mul3A_66 : i32 to vector<16xi32>
        %sub3A_599 = arith.subi %gather3A_597, %sub3A_598 : vector<16xi32>
        tpu.vector_store_idx %arg13[%sub3A_587], %gather3A {add = true} : memref<20000xf32, #tpu.memory_space<vmem>>[vector<16xi32>], vector<16xf32>,
        tpu.vector_store_idx %arg13[%sub3A_590], %gather3A_581 {add = true} : memref<20000xf32, #tpu.memory_space<vmem>>[vector<16xi32>], vector<16xf32>,
        tpu.vector_store_idx %arg13[%sub3A_593], %gather3A_582 {add = true} : memref<20000xf32, #tpu.memory_space<vmem>>[vector<16xi32>], vector<16xf32>,
        tpu.vector_store_idx %arg13[%sub3A_596], %gather3A_583 {add = true} : memref<20000xf32, #tpu.memory_space<vmem>>[vector<16xi32>], vector<16xf32>,
        tpu.vector_store_idx %arg13[%sub3A_599], %gather3A_584 {add = true} : memref<20000xf32, #tpu.memory_space<vmem>>[vector<16xi32>], vector<16xf32>,
        %scan3A_600 = arith.constant 0 : i32
        scf.yield %scan3A_600 : i32
      }
      %scan3A_556 = arith.constant 125 : i32
    } else {
    }
    %not3A_298 = arith.constant true
    %not3A_299 = arith.xori %lt3A_294, %not3A_298 : i1
    %convert_element_type3A_300 = arith.extui %not3A_299 : i1 to i32
    %cond3A_301 = arith.constant 0 : i32
    %cond3A_302 = arith.cmpi ne, %convert_element_type3A_300, %cond3A_301 : i32
    scf.if %cond3A_302 {
      "tpu.region"() ({
        %run_scoped3A = tpu.sem_alloc : memref<!tpu.dma_semaphore, #tpu.memory_space<semaphore_mem>>
        %dma_start3A_550 = arith.constant 0 : i32
        %dma_start3A_551 = tpu.memref_slice %arg14[%dma_start3A_550] : memref<120192xf32, #tpu.memory_space<vmem_shared>> -> memref<120192xf32, #tpu.memory_space<vmem_shared>>
        tpu.enqueue_indirect_dma source(%arg6 : memref<10000xf32, #tpu.memory_space<vmem>>) target(%dma_start3A_551 : memref<120192xf32, #tpu.memory_space<vmem_shared>>) offsets(%arg10 : memref<10000xi32, #tpu.memory_space<vmem>>) semaphore(%run_scoped3A : memref<!tpu.dma_semaphore, #tpu.memory_space<semaphore_mem>>) {add = true}
        %dma_wait3A_552 = arith.constant 0 : i32
        %dma_wait3A_553 = tpu.memref_slice %arg14[%dma_wait3A_552] : memref<120192xf32, #tpu.memory_space<vmem_shared>> -> memref<120192xf32, #tpu.memory_space<vmem_shared>>
        tpu.wait_indirect_dma semaphore(%run_scoped3A : memref<!tpu.dma_semaphore, #tpu.memory_space<semaphore_mem>>) src(%arg6 : memref<10000xf32, #tpu.memory_space<vmem>>) dst(%dma_wait3A_553 : memref<120192xf32, #tpu.memory_space<vmem_shared>>)
        tpu.yield
      }) : () -> ()
    } else {
    }
    %add3A_303 = arith.constant 130000 : i32
    %add3A_304 = arith.addi %mul3A_2, %add3A_303 : i32
    %dma_start3A_305 = tpu.memref_slice %arg2[%add3A_304] : memref<6400000xf32, #tpu.memory_space<hbm>> -> memref<10000xf32, #tpu.memory_space<hbm>>
    %dma_start3A_306 = tpu.memref_slice %arg2[%add3A_304] : memref<6400000xf32, #tpu.memory_space<hbm>> -> memref<10000xf32, #tpu.memory_space<hbm>>
    tpu.enqueue_dma source(%dma_start3A_306 : memref<10000xf32, #tpu.memory_space<hbm>>) target(%arg6 : memref<10000xf32, #tpu.memory_space<vmem>>) target_semaphore(%arg16 : memref<!tpu.dma_semaphore, #tpu.memory_space<semaphore_mem>>)
    %dma_start3A_307 = tpu.memref_slice %arg3[%add3A_304] : memref<6400000xi32, #tpu.memory_space<hbm>> -> memref<10000xi32, #tpu.memory_space<hbm>>
    %dma_start3A_308 = tpu.memref_slice %arg3[%add3A_304] : memref<6400000xi32, #tpu.memory_space<hbm>> -> memref<10000xi32, #tpu.memory_space<hbm>>
    tpu.enqueue_dma source(%dma_start3A_308 : memref<10000xi32, #tpu.memory_space<hbm>>) target(%arg10 : memref<10000xi32, #tpu.memory_space<vmem>>) target_semaphore(%arg20 : memref<!tpu.dma_semaphore, #tpu.memory_space<semaphore_mem>>)
    %dma_wait3A_309 = tpu.memref_slice %arg2[%add3A_229] : memref<6400000xf32, #tpu.memory_space<hbm>> -> memref<10000xf32, #tpu.memory_space<hbm>>
    %dma_wait3A_310 = tpu.memref_slice %arg2[%add3A_229] : memref<6400000xf32, #tpu.memory_space<hbm>> -> memref<10000xf32, #tpu.memory_space<hbm>>
    tpu.wait_dma2 semaphore(%arg17 : memref<!tpu.dma_semaphore, #tpu.memory_space<semaphore_mem>>) src(%dma_wait3A_310 : memref<10000xf32, #tpu.memory_space<hbm>>) dst(%arg7 : memref<10000xf32, #tpu.memory_space<vmem>>)
    %dma_wait3A_311 = tpu.memref_slice %arg3[%add3A_229] : memref<6400000xi32, #tpu.memory_space<hbm>> -> memref<10000xi32, #tpu.memory_space<hbm>>
    %dma_wait3A_312 = tpu.memref_slice %arg3[%add3A_229] : memref<6400000xi32, #tpu.memory_space<hbm>> -> memref<10000xi32, #tpu.memory_space<hbm>>
    tpu.wait_dma2 semaphore(%arg21 : memref<!tpu.dma_semaphore, #tpu.memory_space<semaphore_mem>>) src(%dma_wait3A_312 : memref<10000xi32, #tpu.memory_space<hbm>>) dst(%arg11 : memref<10000xi32, #tpu.memory_space<vmem>>)
    %get3A_313 = arith.constant 9984 : index
    %get3A_314 = tpu.vector_load %arg11[%get3A_313] {strides = array<i32>} : memref<10000xi32, #tpu.memory_space<vmem>>, vector<16xi32>,
    %slice3A_315 = vector.extract_strided_slice %get3A_314 {offsets = [15], sizes = [1], strides = [1]} : vector<16xi32> to vector<1xi32>
    %squeeze3A_316 = vector.extract %slice3A_315[0] : i32 from vector<1xi32>
    %add3A_317 = arith.constant 20000 : i32
    %add3A_318 = arith.addi %mul3A_66, %add3A_317 : i32
    %lt3A_319 = arith.cmpi slt, %squeeze3A_316, %add3A_318 : i32
    %convert_element_type3A_320 = arith.extui %lt3A_319 : i1 to i32
    %cond3A_321 = arith.constant 0 : i32
    %cond3A_322 = arith.cmpi ne, %convert_element_type3A_320, %cond3A_321 : i32
    scf.if %cond3A_322 {
      %scan3A_550 = arith.constant 0 : i32
      %scan3A_551 = arith.constant 0 : i32
      %scan3A_552 = arith.constant 125 : i32
      %scan3A_553 = arith.addi %scan3A_551, %scan3A_552 : i32
      %scan3A_554 = arith.constant 1 : i32
      %scan3A_555 = scf.for %scan3A_557 = %scan3A_551 to %scan3A_553 step %scan3A_554 iter_args(%scan3A_558 = %scan3A_550) -> (i32)  : i32 {
        %mul3A_559 = arith.constant 5 : i32
        %mul3A_560 = arith.muli %scan3A_557, %mul3A_559 : i32
        %add3A_561 = arith.constant 0 : i32
        %add3A_562 = arith.addi %mul3A_560, %add3A_561 : i32
        %add3A_563 = vector.broadcast %add3A_562 : i32 to vector<16xi32>
        %add3A_564 = arith.addi %mul3A_44, %add3A_563 : vector<16xi32>
        %add3A_565 = arith.constant 1 : i32
        %add3A_566 = arith.addi %mul3A_560, %add3A_565 : i32
        %add3A_567 = vector.broadcast %add3A_566 : i32 to vector<16xi32>
        %add3A_568 = arith.addi %mul3A_44, %add3A_567 : vector<16xi32>
        %add3A_569 = arith.constant 2 : i32
        %add3A_570 = arith.addi %mul3A_560, %add3A_569 : i32
        %add3A_571 = vector.broadcast %add3A_570 : i32 to vector<16xi32>
        %add3A_572 = arith.addi %mul3A_44, %add3A_571 : vector<16xi32>
        %add3A_573 = arith.constant 3 : i32
        %add3A_574 = arith.addi %mul3A_560, %add3A_573 : i32
        %add3A_575 = vector.broadcast %add3A_574 : i32 to vector<16xi32>
        %add3A_576 = arith.addi %mul3A_44, %add3A_575 : vector<16xi32>
        %add3A_577 = arith.constant 4 : i32
        %add3A_578 = arith.addi %mul3A_560, %add3A_577 : i32
        %add3A_579 = vector.broadcast %add3A_578 : i32 to vector<16xi32>
        %add3A_580 = arith.addi %mul3A_44, %add3A_579 : vector<16xi32>
        %gather3A = tpu.vector_load_idx %arg7[%add3A_564] : memref<10000xf32, #tpu.memory_space<vmem>>[vector<16xi32>], vector<16xf32>,
        %gather3A_581 = tpu.vector_load_idx %arg7[%add3A_568] : memref<10000xf32, #tpu.memory_space<vmem>>[vector<16xi32>], vector<16xf32>,
        %gather3A_582 = tpu.vector_load_idx %arg7[%add3A_572] : memref<10000xf32, #tpu.memory_space<vmem>>[vector<16xi32>], vector<16xf32>,
        %gather3A_583 = tpu.vector_load_idx %arg7[%add3A_576] : memref<10000xf32, #tpu.memory_space<vmem>>[vector<16xi32>], vector<16xf32>,
        %gather3A_584 = tpu.vector_load_idx %arg7[%add3A_580] : memref<10000xf32, #tpu.memory_space<vmem>>[vector<16xi32>], vector<16xf32>,
        %gather3A_585 = tpu.vector_load_idx %arg11[%add3A_564] : memref<10000xi32, #tpu.memory_space<vmem>>[vector<16xi32>], vector<16xi32>,
        %sub3A_586 = vector.broadcast %mul3A_66 : i32 to vector<16xi32>
        %sub3A_587 = arith.subi %gather3A_585, %sub3A_586 : vector<16xi32>
        %gather3A_588 = tpu.vector_load_idx %arg11[%add3A_568] : memref<10000xi32, #tpu.memory_space<vmem>>[vector<16xi32>], vector<16xi32>,
        %sub3A_589 = vector.broadcast %mul3A_66 : i32 to vector<16xi32>
        %sub3A_590 = arith.subi %gather3A_588, %sub3A_589 : vector<16xi32>
        %gather3A_591 = tpu.vector_load_idx %arg11[%add3A_572] : memref<10000xi32, #tpu.memory_space<vmem>>[vector<16xi32>], vector<16xi32>,
        %sub3A_592 = vector.broadcast %mul3A_66 : i32 to vector<16xi32>
        %sub3A_593 = arith.subi %gather3A_591, %sub3A_592 : vector<16xi32>
        %gather3A_594 = tpu.vector_load_idx %arg11[%add3A_576] : memref<10000xi32, #tpu.memory_space<vmem>>[vector<16xi32>], vector<16xi32>,
        %sub3A_595 = vector.broadcast %mul3A_66 : i32 to vector<16xi32>
        %sub3A_596 = arith.subi %gather3A_594, %sub3A_595 : vector<16xi32>
        %gather3A_597 = tpu.vector_load_idx %arg11[%add3A_580] : memref<10000xi32, #tpu.memory_space<vmem>>[vector<16xi32>], vector<16xi32>,
        %sub3A_598 = vector.broadcast %mul3A_66 : i32 to vector<16xi32>
        %sub3A_599 = arith.subi %gather3A_597, %sub3A_598 : vector<16xi32>
        tpu.vector_store_idx %arg13[%sub3A_587], %gather3A {add = true} : memref<20000xf32, #tpu.memory_space<vmem>>[vector<16xi32>], vector<16xf32>,
        tpu.vector_store_idx %arg13[%sub3A_590], %gather3A_581 {add = true} : memref<20000xf32, #tpu.memory_space<vmem>>[vector<16xi32>], vector<16xf32>,
        tpu.vector_store_idx %arg13[%sub3A_593], %gather3A_582 {add = true} : memref<20000xf32, #tpu.memory_space<vmem>>[vector<16xi32>], vector<16xf32>,
        tpu.vector_store_idx %arg13[%sub3A_596], %gather3A_583 {add = true} : memref<20000xf32, #tpu.memory_space<vmem>>[vector<16xi32>], vector<16xf32>,
        tpu.vector_store_idx %arg13[%sub3A_599], %gather3A_584 {add = true} : memref<20000xf32, #tpu.memory_space<vmem>>[vector<16xi32>], vector<16xf32>,
        %scan3A_600 = arith.constant 0 : i32
        scf.yield %scan3A_600 : i32
      }
      %scan3A_556 = arith.constant 125 : i32
    } else {
    }
    %not3A_323 = arith.constant true
    %not3A_324 = arith.xori %lt3A_319, %not3A_323 : i1
    %convert_element_type3A_325 = arith.extui %not3A_324 : i1 to i32
    %cond3A_326 = arith.constant 0 : i32
    %cond3A_327 = arith.cmpi ne, %convert_element_type3A_325, %cond3A_326 : i32
    scf.if %cond3A_327 {
      "tpu.region"() ({
        %run_scoped3A = tpu.sem_alloc : memref<!tpu.dma_semaphore, #tpu.memory_space<semaphore_mem>>
        %dma_start3A_550 = arith.constant 0 : i32
        %dma_start3A_551 = tpu.memref_slice %arg14[%dma_start3A_550] : memref<120192xf32, #tpu.memory_space<vmem_shared>> -> memref<120192xf32, #tpu.memory_space<vmem_shared>>
        tpu.enqueue_indirect_dma source(%arg7 : memref<10000xf32, #tpu.memory_space<vmem>>) target(%dma_start3A_551 : memref<120192xf32, #tpu.memory_space<vmem_shared>>) offsets(%arg11 : memref<10000xi32, #tpu.memory_space<vmem>>) semaphore(%run_scoped3A : memref<!tpu.dma_semaphore, #tpu.memory_space<semaphore_mem>>) {add = true}
        %dma_wait3A_552 = arith.constant 0 : i32
        %dma_wait3A_553 = tpu.memref_slice %arg14[%dma_wait3A_552] : memref<120192xf32, #tpu.memory_space<vmem_shared>> -> memref<120192xf32, #tpu.memory_space<vmem_shared>>
        tpu.wait_indirect_dma semaphore(%run_scoped3A : memref<!tpu.dma_semaphore, #tpu.memory_space<semaphore_mem>>) src(%arg7 : memref<10000xf32, #tpu.memory_space<vmem>>) dst(%dma_wait3A_553 : memref<120192xf32, #tpu.memory_space<vmem_shared>>)
        tpu.yield
      }) : () -> ()
    } else {
    }
    %add3A_328 = arith.constant 140000 : i32
    %add3A_329 = arith.addi %mul3A_2, %add3A_328 : i32
    %dma_start3A_330 = tpu.memref_slice %arg2[%add3A_329] : memref<6400000xf32, #tpu.memory_space<hbm>> -> memref<10000xf32, #tpu.memory_space<hbm>>
    %dma_start3A_331 = tpu.memref_slice %arg2[%add3A_329] : memref<6400000xf32, #tpu.memory_space<hbm>> -> memref<10000xf32, #tpu.memory_space<hbm>>
    tpu.enqueue_dma source(%dma_start3A_331 : memref<10000xf32, #tpu.memory_space<hbm>>) target(%arg7 : memref<10000xf32, #tpu.memory_space<vmem>>) target_semaphore(%arg17 : memref<!tpu.dma_semaphore, #tpu.memory_space<semaphore_mem>>)
    %dma_start3A_332 = tpu.memref_slice %arg3[%add3A_329] : memref<6400000xi32, #tpu.memory_space<hbm>> -> memref<10000xi32, #tpu.memory_space<hbm>>
    %dma_start3A_333 = tpu.memref_slice %arg3[%add3A_329] : memref<6400000xi32, #tpu.memory_space<hbm>> -> memref<10000xi32, #tpu.memory_space<hbm>>
    tpu.enqueue_dma source(%dma_start3A_333 : memref<10000xi32, #tpu.memory_space<hbm>>) target(%arg11 : memref<10000xi32, #tpu.memory_space<vmem>>) target_semaphore(%arg21 : memref<!tpu.dma_semaphore, #tpu.memory_space<semaphore_mem>>)
    %dma_wait3A_334 = tpu.memref_slice %arg2[%add3A_254] : memref<6400000xf32, #tpu.memory_space<hbm>> -> memref<10000xf32, #tpu.memory_space<hbm>>
    %dma_wait3A_335 = tpu.memref_slice %arg2[%add3A_254] : memref<6400000xf32, #tpu.memory_space<hbm>> -> memref<10000xf32, #tpu.memory_space<hbm>>
    tpu.wait_dma2 semaphore(%arg18 : memref<!tpu.dma_semaphore, #tpu.memory_space<semaphore_mem>>) src(%dma_wait3A_335 : memref<10000xf32, #tpu.memory_space<hbm>>) dst(%arg8 : memref<10000xf32, #tpu.memory_space<vmem>>)
    %dma_wait3A_336 = tpu.memref_slice %arg3[%add3A_254] : memref<6400000xi32, #tpu.memory_space<hbm>> -> memref<10000xi32, #tpu.memory_space<hbm>>
    %dma_wait3A_337 = tpu.memref_slice %arg3[%add3A_254] : memref<6400000xi32, #tpu.memory_space<hbm>> -> memref<10000xi32, #tpu.memory_space<hbm>>
    tpu.wait_dma2 semaphore(%arg22 : memref<!tpu.dma_semaphore, #tpu.memory_space<semaphore_mem>>) src(%dma_wait3A_337 : memref<10000xi32, #tpu.memory_space<hbm>>) dst(%arg12 : memref<10000xi32, #tpu.memory_space<vmem>>)
    %get3A_338 = arith.constant 9984 : index
    %get3A_339 = tpu.vector_load %arg12[%get3A_338] {strides = array<i32>} : memref<10000xi32, #tpu.memory_space<vmem>>, vector<16xi32>,
    %slice3A_340 = vector.extract_strided_slice %get3A_339 {offsets = [15], sizes = [1], strides = [1]} : vector<16xi32> to vector<1xi32>
    %squeeze3A_341 = vector.extract %slice3A_340[0] : i32 from vector<1xi32>
    %add3A_342 = arith.constant 20000 : i32
    %add3A_343 = arith.addi %mul3A_66, %add3A_342 : i32
    %lt3A_344 = arith.cmpi slt, %squeeze3A_341, %add3A_343 : i32
    %convert_element_type3A_345 = arith.extui %lt3A_344 : i1 to i32
    %cond3A_346 = arith.constant 0 : i32
    %cond3A_347 = arith.cmpi ne, %convert_element_type3A_345, %cond3A_346 : i32
    scf.if %cond3A_347 {
      %scan3A_550 = arith.constant 0 : i32
      %scan3A_551 = arith.constant 0 : i32
      %scan3A_552 = arith.constant 125 : i32
      %scan3A_553 = arith.addi %scan3A_551, %scan3A_552 : i32
      %scan3A_554 = arith.constant 1 : i32
      %scan3A_555 = scf.for %scan3A_557 = %scan3A_551 to %scan3A_553 step %scan3A_554 iter_args(%scan3A_558 = %scan3A_550) -> (i32)  : i32 {
        %mul3A_559 = arith.constant 5 : i32
        %mul3A_560 = arith.muli %scan3A_557, %mul3A_559 : i32
        %add3A_561 = arith.constant 0 : i32
        %add3A_562 = arith.addi %mul3A_560, %add3A_561 : i32
        %add3A_563 = vector.broadcast %add3A_562 : i32 to vector<16xi32>
        %add3A_564 = arith.addi %mul3A_44, %add3A_563 : vector<16xi32>
        %add3A_565 = arith.constant 1 : i32
        %add3A_566 = arith.addi %mul3A_560, %add3A_565 : i32
        %add3A_567 = vector.broadcast %add3A_566 : i32 to vector<16xi32>
        %add3A_568 = arith.addi %mul3A_44, %add3A_567 : vector<16xi32>
        %add3A_569 = arith.constant 2 : i32
        %add3A_570 = arith.addi %mul3A_560, %add3A_569 : i32
        %add3A_571 = vector.broadcast %add3A_570 : i32 to vector<16xi32>
        %add3A_572 = arith.addi %mul3A_44, %add3A_571 : vector<16xi32>
        %add3A_573 = arith.constant 3 : i32
        %add3A_574 = arith.addi %mul3A_560, %add3A_573 : i32
        %add3A_575 = vector.broadcast %add3A_574 : i32 to vector<16xi32>
        %add3A_576 = arith.addi %mul3A_44, %add3A_575 : vector<16xi32>
        %add3A_577 = arith.constant 4 : i32
        %add3A_578 = arith.addi %mul3A_560, %add3A_577 : i32
        %add3A_579 = vector.broadcast %add3A_578 : i32 to vector<16xi32>
        %add3A_580 = arith.addi %mul3A_44, %add3A_579 : vector<16xi32>
        %gather3A = tpu.vector_load_idx %arg8[%add3A_564] : memref<10000xf32, #tpu.memory_space<vmem>>[vector<16xi32>], vector<16xf32>,
        %gather3A_581 = tpu.vector_load_idx %arg8[%add3A_568] : memref<10000xf32, #tpu.memory_space<vmem>>[vector<16xi32>], vector<16xf32>,
        %gather3A_582 = tpu.vector_load_idx %arg8[%add3A_572] : memref<10000xf32, #tpu.memory_space<vmem>>[vector<16xi32>], vector<16xf32>,
        %gather3A_583 = tpu.vector_load_idx %arg8[%add3A_576] : memref<10000xf32, #tpu.memory_space<vmem>>[vector<16xi32>], vector<16xf32>,
        %gather3A_584 = tpu.vector_load_idx %arg8[%add3A_580] : memref<10000xf32, #tpu.memory_space<vmem>>[vector<16xi32>], vector<16xf32>,
        %gather3A_585 = tpu.vector_load_idx %arg12[%add3A_564] : memref<10000xi32, #tpu.memory_space<vmem>>[vector<16xi32>], vector<16xi32>,
        %sub3A_586 = vector.broadcast %mul3A_66 : i32 to vector<16xi32>
        %sub3A_587 = arith.subi %gather3A_585, %sub3A_586 : vector<16xi32>
        %gather3A_588 = tpu.vector_load_idx %arg12[%add3A_568] : memref<10000xi32, #tpu.memory_space<vmem>>[vector<16xi32>], vector<16xi32>,
        %sub3A_589 = vector.broadcast %mul3A_66 : i32 to vector<16xi32>
        %sub3A_590 = arith.subi %gather3A_588, %sub3A_589 : vector<16xi32>
        %gather3A_591 = tpu.vector_load_idx %arg12[%add3A_572] : memref<10000xi32, #tpu.memory_space<vmem>>[vector<16xi32>], vector<16xi32>,
        %sub3A_592 = vector.broadcast %mul3A_66 : i32 to vector<16xi32>
        %sub3A_593 = arith.subi %gather3A_591, %sub3A_592 : vector<16xi32>
        %gather3A_594 = tpu.vector_load_idx %arg12[%add3A_576] : memref<10000xi32, #tpu.memory_space<vmem>>[vector<16xi32>], vector<16xi32>,
        %sub3A_595 = vector.broadcast %mul3A_66 : i32 to vector<16xi32>
        %sub3A_596 = arith.subi %gather3A_594, %sub3A_595 : vector<16xi32>
        %gather3A_597 = tpu.vector_load_idx %arg12[%add3A_580] : memref<10000xi32, #tpu.memory_space<vmem>>[vector<16xi32>], vector<16xi32>,
        %sub3A_598 = vector.broadcast %mul3A_66 : i32 to vector<16xi32>
        %sub3A_599 = arith.subi %gather3A_597, %sub3A_598 : vector<16xi32>
        tpu.vector_store_idx %arg13[%sub3A_587], %gather3A {add = true} : memref<20000xf32, #tpu.memory_space<vmem>>[vector<16xi32>], vector<16xf32>,
        tpu.vector_store_idx %arg13[%sub3A_590], %gather3A_581 {add = true} : memref<20000xf32, #tpu.memory_space<vmem>>[vector<16xi32>], vector<16xf32>,
        tpu.vector_store_idx %arg13[%sub3A_593], %gather3A_582 {add = true} : memref<20000xf32, #tpu.memory_space<vmem>>[vector<16xi32>], vector<16xf32>,
        tpu.vector_store_idx %arg13[%sub3A_596], %gather3A_583 {add = true} : memref<20000xf32, #tpu.memory_space<vmem>>[vector<16xi32>], vector<16xf32>,
        tpu.vector_store_idx %arg13[%sub3A_599], %gather3A_584 {add = true} : memref<20000xf32, #tpu.memory_space<vmem>>[vector<16xi32>], vector<16xf32>,
        %scan3A_600 = arith.constant 0 : i32
        scf.yield %scan3A_600 : i32
      }
      %scan3A_556 = arith.constant 125 : i32
    } else {
    }
    %not3A_348 = arith.constant true
    %not3A_349 = arith.xori %lt3A_344, %not3A_348 : i1
    %convert_element_type3A_350 = arith.extui %not3A_349 : i1 to i32
    %cond3A_351 = arith.constant 0 : i32
    %cond3A_352 = arith.cmpi ne, %convert_element_type3A_350, %cond3A_351 : i32
    scf.if %cond3A_352 {
      "tpu.region"() ({
        %run_scoped3A = tpu.sem_alloc : memref<!tpu.dma_semaphore, #tpu.memory_space<semaphore_mem>>
        %dma_start3A_550 = arith.constant 0 : i32
        %dma_start3A_551 = tpu.memref_slice %arg14[%dma_start3A_550] : memref<120192xf32, #tpu.memory_space<vmem_shared>> -> memref<120192xf32, #tpu.memory_space<vmem_shared>>
        tpu.enqueue_indirect_dma source(%arg8 : memref<10000xf32, #tpu.memory_space<vmem>>) target(%dma_start3A_551 : memref<120192xf32, #tpu.memory_space<vmem_shared>>) offsets(%arg12 : memref<10000xi32, #tpu.memory_space<vmem>>) semaphore(%run_scoped3A : memref<!tpu.dma_semaphore, #tpu.memory_space<semaphore_mem>>) {add = true}
        %dma_wait3A_552 = arith.constant 0 : i32
        %dma_wait3A_553 = tpu.memref_slice %arg14[%dma_wait3A_552] : memref<120192xf32, #tpu.memory_space<vmem_shared>> -> memref<120192xf32, #tpu.memory_space<vmem_shared>>
        tpu.wait_indirect_dma semaphore(%run_scoped3A : memref<!tpu.dma_semaphore, #tpu.memory_space<semaphore_mem>>) src(%arg8 : memref<10000xf32, #tpu.memory_space<vmem>>) dst(%dma_wait3A_553 : memref<120192xf32, #tpu.memory_space<vmem_shared>>)
        tpu.yield
      }) : () -> ()
    } else {
    }
    %add3A_353 = arith.constant 150000 : i32
    %add3A_354 = arith.addi %mul3A_2, %add3A_353 : i32
    %dma_start3A_355 = tpu.memref_slice %arg2[%add3A_354] : memref<6400000xf32, #tpu.memory_space<hbm>> -> memref<10000xf32, #tpu.memory_space<hbm>>
    %dma_start3A_356 = tpu.memref_slice %arg2[%add3A_354] : memref<6400000xf32, #tpu.memory_space<hbm>> -> memref<10000xf32, #tpu.memory_space<hbm>>
    tpu.enqueue_dma source(%dma_start3A_356 : memref<10000xf32, #tpu.memory_space<hbm>>) target(%arg8 : memref<10000xf32, #tpu.memory_space<vmem>>) target_semaphore(%arg18 : memref<!tpu.dma_semaphore, #tpu.memory_space<semaphore_mem>>)
    %dma_start3A_357 = tpu.memref_slice %arg3[%add3A_354] : memref<6400000xi32, #tpu.memory_space<hbm>> -> memref<10000xi32, #tpu.memory_space<hbm>>
    %dma_start3A_358 = tpu.memref_slice %arg3[%add3A_354] : memref<6400000xi32, #tpu.memory_space<hbm>> -> memref<10000xi32, #tpu.memory_space<hbm>>
    tpu.enqueue_dma source(%dma_start3A_358 : memref<10000xi32, #tpu.memory_space<hbm>>) target(%arg12 : memref<10000xi32, #tpu.memory_space<vmem>>) target_semaphore(%arg22 : memref<!tpu.dma_semaphore, #tpu.memory_space<semaphore_mem>>)
    %dma_wait3A_359 = tpu.memref_slice %arg2[%add3A_279] : memref<6400000xf32, #tpu.memory_space<hbm>> -> memref<10000xf32, #tpu.memory_space<hbm>>
    %dma_wait3A_360 = tpu.memref_slice %arg2[%add3A_279] : memref<6400000xf32, #tpu.memory_space<hbm>> -> memref<10000xf32, #tpu.memory_space<hbm>>
    tpu.wait_dma2 semaphore(%arg15 : memref<!tpu.dma_semaphore, #tpu.memory_space<semaphore_mem>>) src(%dma_wait3A_360 : memref<10000xf32, #tpu.memory_space<hbm>>) dst(%arg5 : memref<10000xf32, #tpu.memory_space<vmem>>)
    %dma_wait3A_361 = tpu.memref_slice %arg3[%add3A_279] : memref<6400000xi32, #tpu.memory_space<hbm>> -> memref<10000xi32, #tpu.memory_space<hbm>>
    %dma_wait3A_362 = tpu.memref_slice %arg3[%add3A_279] : memref<6400000xi32, #tpu.memory_space<hbm>> -> memref<10000xi32, #tpu.memory_space<hbm>>
    tpu.wait_dma2 semaphore(%arg19 : memref<!tpu.dma_semaphore, #tpu.memory_space<semaphore_mem>>) src(%dma_wait3A_362 : memref<10000xi32, #tpu.memory_space<hbm>>) dst(%arg9 : memref<10000xi32, #tpu.memory_space<vmem>>)
    %get3A_363 = arith.constant 9984 : index
    %get3A_364 = tpu.vector_load %arg9[%get3A_363] {strides = array<i32>} : memref<10000xi32, #tpu.memory_space<vmem>>, vector<16xi32>,
    %slice3A_365 = vector.extract_strided_slice %get3A_364 {offsets = [15], sizes = [1], strides = [1]} : vector<16xi32> to vector<1xi32>
    %squeeze3A_366 = vector.extract %slice3A_365[0] : i32 from vector<1xi32>
    %add3A_367 = arith.constant 20000 : i32
    %add3A_368 = arith.addi %mul3A_66, %add3A_367 : i32
    %lt3A_369 = arith.cmpi slt, %squeeze3A_366, %add3A_368 : i32
    %convert_element_type3A_370 = arith.extui %lt3A_369 : i1 to i32
    %cond3A_371 = arith.constant 0 : i32
    %cond3A_372 = arith.cmpi ne, %convert_element_type3A_370, %cond3A_371 : i32
    scf.if %cond3A_372 {
      %scan3A_550 = arith.constant 0 : i32
      %scan3A_551 = arith.constant 0 : i32
      %scan3A_552 = arith.constant 125 : i32
      %scan3A_553 = arith.addi %scan3A_551, %scan3A_552 : i32
      %scan3A_554 = arith.constant 1 : i32
      %scan3A_555 = scf.for %scan3A_557 = %scan3A_551 to %scan3A_553 step %scan3A_554 iter_args(%scan3A_558 = %scan3A_550) -> (i32)  : i32 {
        %mul3A_559 = arith.constant 5 : i32
        %mul3A_560 = arith.muli %scan3A_557, %mul3A_559 : i32
        %add3A_561 = arith.constant 0 : i32
        %add3A_562 = arith.addi %mul3A_560, %add3A_561 : i32
        %add3A_563 = vector.broadcast %add3A_562 : i32 to vector<16xi32>
        %add3A_564 = arith.addi %mul3A_44, %add3A_563 : vector<16xi32>
        %add3A_565 = arith.constant 1 : i32
        %add3A_566 = arith.addi %mul3A_560, %add3A_565 : i32
        %add3A_567 = vector.broadcast %add3A_566 : i32 to vector<16xi32>
        %add3A_568 = arith.addi %mul3A_44, %add3A_567 : vector<16xi32>
        %add3A_569 = arith.constant 2 : i32
        %add3A_570 = arith.addi %mul3A_560, %add3A_569 : i32
        %add3A_571 = vector.broadcast %add3A_570 : i32 to vector<16xi32>
        %add3A_572 = arith.addi %mul3A_44, %add3A_571 : vector<16xi32>
        %add3A_573 = arith.constant 3 : i32
        %add3A_574 = arith.addi %mul3A_560, %add3A_573 : i32
        %add3A_575 = vector.broadcast %add3A_574 : i32 to vector<16xi32>
        %add3A_576 = arith.addi %mul3A_44, %add3A_575 : vector<16xi32>
        %add3A_577 = arith.constant 4 : i32
        %add3A_578 = arith.addi %mul3A_560, %add3A_577 : i32
        %add3A_579 = vector.broadcast %add3A_578 : i32 to vector<16xi32>
        %add3A_580 = arith.addi %mul3A_44, %add3A_579 : vector<16xi32>
        %gather3A = tpu.vector_load_idx %arg5[%add3A_564] : memref<10000xf32, #tpu.memory_space<vmem>>[vector<16xi32>], vector<16xf32>,
        %gather3A_581 = tpu.vector_load_idx %arg5[%add3A_568] : memref<10000xf32, #tpu.memory_space<vmem>>[vector<16xi32>], vector<16xf32>,
        %gather3A_582 = tpu.vector_load_idx %arg5[%add3A_572] : memref<10000xf32, #tpu.memory_space<vmem>>[vector<16xi32>], vector<16xf32>,
        %gather3A_583 = tpu.vector_load_idx %arg5[%add3A_576] : memref<10000xf32, #tpu.memory_space<vmem>>[vector<16xi32>], vector<16xf32>,
        %gather3A_584 = tpu.vector_load_idx %arg5[%add3A_580] : memref<10000xf32, #tpu.memory_space<vmem>>[vector<16xi32>], vector<16xf32>,
        %gather3A_585 = tpu.vector_load_idx %arg9[%add3A_564] : memref<10000xi32, #tpu.memory_space<vmem>>[vector<16xi32>], vector<16xi32>,
        %sub3A_586 = vector.broadcast %mul3A_66 : i32 to vector<16xi32>
        %sub3A_587 = arith.subi %gather3A_585, %sub3A_586 : vector<16xi32>
        %gather3A_588 = tpu.vector_load_idx %arg9[%add3A_568] : memref<10000xi32, #tpu.memory_space<vmem>>[vector<16xi32>], vector<16xi32>,
        %sub3A_589 = vector.broadcast %mul3A_66 : i32 to vector<16xi32>
        %sub3A_590 = arith.subi %gather3A_588, %sub3A_589 : vector<16xi32>
        %gather3A_591 = tpu.vector_load_idx %arg9[%add3A_572] : memref<10000xi32, #tpu.memory_space<vmem>>[vector<16xi32>], vector<16xi32>,
        %sub3A_592 = vector.broadcast %mul3A_66 : i32 to vector<16xi32>
        %sub3A_593 = arith.subi %gather3A_591, %sub3A_592 : vector<16xi32>
        %gather3A_594 = tpu.vector_load_idx %arg9[%add3A_576] : memref<10000xi32, #tpu.memory_space<vmem>>[vector<16xi32>], vector<16xi32>,
        %sub3A_595 = vector.broadcast %mul3A_66 : i32 to vector<16xi32>
        %sub3A_596 = arith.subi %gather3A_594, %sub3A_595 : vector<16xi32>
        %gather3A_597 = tpu.vector_load_idx %arg9[%add3A_580] : memref<10000xi32, #tpu.memory_space<vmem>>[vector<16xi32>], vector<16xi32>,
        %sub3A_598 = vector.broadcast %mul3A_66 : i32 to vector<16xi32>
        %sub3A_599 = arith.subi %gather3A_597, %sub3A_598 : vector<16xi32>
        tpu.vector_store_idx %arg13[%sub3A_587], %gather3A {add = true} : memref<20000xf32, #tpu.memory_space<vmem>>[vector<16xi32>], vector<16xf32>,
        tpu.vector_store_idx %arg13[%sub3A_590], %gather3A_581 {add = true} : memref<20000xf32, #tpu.memory_space<vmem>>[vector<16xi32>], vector<16xf32>,
        tpu.vector_store_idx %arg13[%sub3A_593], %gather3A_582 {add = true} : memref<20000xf32, #tpu.memory_space<vmem>>[vector<16xi32>], vector<16xf32>,
        tpu.vector_store_idx %arg13[%sub3A_596], %gather3A_583 {add = true} : memref<20000xf32, #tpu.memory_space<vmem>>[vector<16xi32>], vector<16xf32>,
        tpu.vector_store_idx %arg13[%sub3A_599], %gather3A_584 {add = true} : memref<20000xf32, #tpu.memory_space<vmem>>[vector<16xi32>], vector<16xf32>,
        %scan3A_600 = arith.constant 0 : i32
        scf.yield %scan3A_600 : i32
      }
      %scan3A_556 = arith.constant 125 : i32
    } else {
    }
    %not3A_373 = arith.constant true
    %not3A_374 = arith.xori %lt3A_369, %not3A_373 : i1
    %convert_element_type3A_375 = arith.extui %not3A_374 : i1 to i32
    %cond3A_376 = arith.constant 0 : i32
    %cond3A_377 = arith.cmpi ne, %convert_element_type3A_375, %cond3A_376 : i32
    scf.if %cond3A_377 {
      "tpu.region"() ({
        %run_scoped3A = tpu.sem_alloc : memref<!tpu.dma_semaphore, #tpu.memory_space<semaphore_mem>>
        %dma_start3A_550 = arith.constant 0 : i32
        %dma_start3A_551 = tpu.memref_slice %arg14[%dma_start3A_550] : memref<120192xf32, #tpu.memory_space<vmem_shared>> -> memref<120192xf32, #tpu.memory_space<vmem_shared>>
        tpu.enqueue_indirect_dma source(%arg5 : memref<10000xf32, #tpu.memory_space<vmem>>) target(%dma_start3A_551 : memref<120192xf32, #tpu.memory_space<vmem_shared>>) offsets(%arg9 : memref<10000xi32, #tpu.memory_space<vmem>>) semaphore(%run_scoped3A : memref<!tpu.dma_semaphore, #tpu.memory_space<semaphore_mem>>) {add = true}
        %dma_wait3A_552 = arith.constant 0 : i32
        %dma_wait3A_553 = tpu.memref_slice %arg14[%dma_wait3A_552] : memref<120192xf32, #tpu.memory_space<vmem_shared>> -> memref<120192xf32, #tpu.memory_space<vmem_shared>>
        tpu.wait_indirect_dma semaphore(%run_scoped3A : memref<!tpu.dma_semaphore, #tpu.memory_space<semaphore_mem>>) src(%arg5 : memref<10000xf32, #tpu.memory_space<vmem>>) dst(%dma_wait3A_553 : memref<120192xf32, #tpu.memory_space<vmem_shared>>)
        tpu.yield
      }) : () -> ()
    } else {
    }
    %add3A_378 = arith.constant 160000 : i32
    %add3A_379 = arith.addi %mul3A_2, %add3A_378 : i32
    %dma_start3A_380 = tpu.memref_slice %arg2[%add3A_379] : memref<6400000xf32, #tpu.memory_space<hbm>> -> memref<10000xf32, #tpu.memory_space<hbm>>
    %dma_start3A_381 = tpu.memref_slice %arg2[%add3A_379] : memref<6400000xf32, #tpu.memory_space<hbm>> -> memref<10000xf32, #tpu.memory_space<hbm>>
    tpu.enqueue_dma source(%dma_start3A_381 : memref<10000xf32, #tpu.memory_space<hbm>>) target(%arg5 : memref<10000xf32, #tpu.memory_space<vmem>>) target_semaphore(%arg15 : memref<!tpu.dma_semaphore, #tpu.memory_space<semaphore_mem>>)
    %dma_start3A_382 = tpu.memref_slice %arg3[%add3A_379] : memref<6400000xi32, #tpu.memory_space<hbm>> -> memref<10000xi32, #tpu.memory_space<hbm>>
    %dma_start3A_383 = tpu.memref_slice %arg3[%add3A_379] : memref<6400000xi32, #tpu.memory_space<hbm>> -> memref<10000xi32, #tpu.memory_space<hbm>>
    tpu.enqueue_dma source(%dma_start3A_383 : memref<10000xi32, #tpu.memory_space<hbm>>) target(%arg9 : memref<10000xi32, #tpu.memory_space<vmem>>) target_semaphore(%arg19 : memref<!tpu.dma_semaphore, #tpu.memory_space<semaphore_mem>>)
    %dma_wait3A_384 = tpu.memref_slice %arg2[%add3A_304] : memref<6400000xf32, #tpu.memory_space<hbm>> -> memref<10000xf32, #tpu.memory_space<hbm>>
    %dma_wait3A_385 = tpu.memref_slice %arg2[%add3A_304] : memref<6400000xf32, #tpu.memory_space<hbm>> -> memref<10000xf32, #tpu.memory_space<hbm>>
    tpu.wait_dma2 semaphore(%arg16 : memref<!tpu.dma_semaphore, #tpu.memory_space<semaphore_mem>>) src(%dma_wait3A_385 : memref<10000xf32, #tpu.memory_space<hbm>>) dst(%arg6 : memref<10000xf32, #tpu.memory_space<vmem>>)
    %dma_wait3A_386 = tpu.memref_slice %arg3[%add3A_304] : memref<6400000xi32, #tpu.memory_space<hbm>> -> memref<10000xi32, #tpu.memory_space<hbm>>
    %dma_wait3A_387 = tpu.memref_slice %arg3[%add3A_304] : memref<6400000xi32, #tpu.memory_space<hbm>> -> memref<10000xi32, #tpu.memory_space<hbm>>
    tpu.wait_dma2 semaphore(%arg20 : memref<!tpu.dma_semaphore, #tpu.memory_space<semaphore_mem>>) src(%dma_wait3A_387 : memref<10000xi32, #tpu.memory_space<hbm>>) dst(%arg10 : memref<10000xi32, #tpu.memory_space<vmem>>)
    %get3A_388 = arith.constant 9984 : index
    %get3A_389 = tpu.vector_load %arg10[%get3A_388] {strides = array<i32>} : memref<10000xi32, #tpu.memory_space<vmem>>, vector<16xi32>,
    %slice3A_390 = vector.extract_strided_slice %get3A_389 {offsets = [15], sizes = [1], strides = [1]} : vector<16xi32> to vector<1xi32>
    %squeeze3A_391 = vector.extract %slice3A_390[0] : i32 from vector<1xi32>
    %add3A_392 = arith.constant 20000 : i32
    %add3A_393 = arith.addi %mul3A_66, %add3A_392 : i32
    %lt3A_394 = arith.cmpi slt, %squeeze3A_391, %add3A_393 : i32
    %convert_element_type3A_395 = arith.extui %lt3A_394 : i1 to i32
    %cond3A_396 = arith.constant 0 : i32
    %cond3A_397 = arith.cmpi ne, %convert_element_type3A_395, %cond3A_396 : i32
    scf.if %cond3A_397 {
      %scan3A_550 = arith.constant 0 : i32
      %scan3A_551 = arith.constant 0 : i32
      %scan3A_552 = arith.constant 125 : i32
      %scan3A_553 = arith.addi %scan3A_551, %scan3A_552 : i32
      %scan3A_554 = arith.constant 1 : i32
      %scan3A_555 = scf.for %scan3A_557 = %scan3A_551 to %scan3A_553 step %scan3A_554 iter_args(%scan3A_558 = %scan3A_550) -> (i32)  : i32 {
        %mul3A_559 = arith.constant 5 : i32
        %mul3A_560 = arith.muli %scan3A_557, %mul3A_559 : i32
        %add3A_561 = arith.constant 0 : i32
        %add3A_562 = arith.addi %mul3A_560, %add3A_561 : i32
        %add3A_563 = vector.broadcast %add3A_562 : i32 to vector<16xi32>
        %add3A_564 = arith.addi %mul3A_44, %add3A_563 : vector<16xi32>
        %add3A_565 = arith.constant 1 : i32
        %add3A_566 = arith.addi %mul3A_560, %add3A_565 : i32
        %add3A_567 = vector.broadcast %add3A_566 : i32 to vector<16xi32>
        %add3A_568 = arith.addi %mul3A_44, %add3A_567 : vector<16xi32>
        %add3A_569 = arith.constant 2 : i32
        %add3A_570 = arith.addi %mul3A_560, %add3A_569 : i32
        %add3A_571 = vector.broadcast %add3A_570 : i32 to vector<16xi32>
        %add3A_572 = arith.addi %mul3A_44, %add3A_571 : vector<16xi32>
        %add3A_573 = arith.constant 3 : i32
        %add3A_574 = arith.addi %mul3A_560, %add3A_573 : i32
        %add3A_575 = vector.broadcast %add3A_574 : i32 to vector<16xi32>
        %add3A_576 = arith.addi %mul3A_44, %add3A_575 : vector<16xi32>
        %add3A_577 = arith.constant 4 : i32
        %add3A_578 = arith.addi %mul3A_560, %add3A_577 : i32
        %add3A_579 = vector.broadcast %add3A_578 : i32 to vector<16xi32>
        %add3A_580 = arith.addi %mul3A_44, %add3A_579 : vector<16xi32>
        %gather3A = tpu.vector_load_idx %arg6[%add3A_564] : memref<10000xf32, #tpu.memory_space<vmem>>[vector<16xi32>], vector<16xf32>,
        %gather3A_581 = tpu.vector_load_idx %arg6[%add3A_568] : memref<10000xf32, #tpu.memory_space<vmem>>[vector<16xi32>], vector<16xf32>,
        %gather3A_582 = tpu.vector_load_idx %arg6[%add3A_572] : memref<10000xf32, #tpu.memory_space<vmem>>[vector<16xi32>], vector<16xf32>,
        %gather3A_583 = tpu.vector_load_idx %arg6[%add3A_576] : memref<10000xf32, #tpu.memory_space<vmem>>[vector<16xi32>], vector<16xf32>,
        %gather3A_584 = tpu.vector_load_idx %arg6[%add3A_580] : memref<10000xf32, #tpu.memory_space<vmem>>[vector<16xi32>], vector<16xf32>,
        %gather3A_585 = tpu.vector_load_idx %arg10[%add3A_564] : memref<10000xi32, #tpu.memory_space<vmem>>[vector<16xi32>], vector<16xi32>,
        %sub3A_586 = vector.broadcast %mul3A_66 : i32 to vector<16xi32>
        %sub3A_587 = arith.subi %gather3A_585, %sub3A_586 : vector<16xi32>
        %gather3A_588 = tpu.vector_load_idx %arg10[%add3A_568] : memref<10000xi32, #tpu.memory_space<vmem>>[vector<16xi32>], vector<16xi32>,
        %sub3A_589 = vector.broadcast %mul3A_66 : i32 to vector<16xi32>
        %sub3A_590 = arith.subi %gather3A_588, %sub3A_589 : vector<16xi32>
        %gather3A_591 = tpu.vector_load_idx %arg10[%add3A_572] : memref<10000xi32, #tpu.memory_space<vmem>>[vector<16xi32>], vector<16xi32>,
        %sub3A_592 = vector.broadcast %mul3A_66 : i32 to vector<16xi32>
        %sub3A_593 = arith.subi %gather3A_591, %sub3A_592 : vector<16xi32>
        %gather3A_594 = tpu.vector_load_idx %arg10[%add3A_576] : memref<10000xi32, #tpu.memory_space<vmem>>[vector<16xi32>], vector<16xi32>,
        %sub3A_595 = vector.broadcast %mul3A_66 : i32 to vector<16xi32>
        %sub3A_596 = arith.subi %gather3A_594, %sub3A_595 : vector<16xi32>
        %gather3A_597 = tpu.vector_load_idx %arg10[%add3A_580] : memref<10000xi32, #tpu.memory_space<vmem>>[vector<16xi32>], vector<16xi32>,
        %sub3A_598 = vector.broadcast %mul3A_66 : i32 to vector<16xi32>
        %sub3A_599 = arith.subi %gather3A_597, %sub3A_598 : vector<16xi32>
        tpu.vector_store_idx %arg13[%sub3A_587], %gather3A {add = true} : memref<20000xf32, #tpu.memory_space<vmem>>[vector<16xi32>], vector<16xf32>,
        tpu.vector_store_idx %arg13[%sub3A_590], %gather3A_581 {add = true} : memref<20000xf32, #tpu.memory_space<vmem>>[vector<16xi32>], vector<16xf32>,
        tpu.vector_store_idx %arg13[%sub3A_593], %gather3A_582 {add = true} : memref<20000xf32, #tpu.memory_space<vmem>>[vector<16xi32>], vector<16xf32>,
        tpu.vector_store_idx %arg13[%sub3A_596], %gather3A_583 {add = true} : memref<20000xf32, #tpu.memory_space<vmem>>[vector<16xi32>], vector<16xf32>,
        tpu.vector_store_idx %arg13[%sub3A_599], %gather3A_584 {add = true} : memref<20000xf32, #tpu.memory_space<vmem>>[vector<16xi32>], vector<16xf32>,
        %scan3A_600 = arith.constant 0 : i32
        scf.yield %scan3A_600 : i32
      }
      %scan3A_556 = arith.constant 125 : i32
    } else {
    }
    %not3A_398 = arith.constant true
    %not3A_399 = arith.xori %lt3A_394, %not3A_398 : i1
    %convert_element_type3A_400 = arith.extui %not3A_399 : i1 to i32
    %cond3A_401 = arith.constant 0 : i32
    %cond3A_402 = arith.cmpi ne, %convert_element_type3A_400, %cond3A_401 : i32
    scf.if %cond3A_402 {
      "tpu.region"() ({
        %run_scoped3A = tpu.sem_alloc : memref<!tpu.dma_semaphore, #tpu.memory_space<semaphore_mem>>
        %dma_start3A_550 = arith.constant 0 : i32
        %dma_start3A_551 = tpu.memref_slice %arg14[%dma_start3A_550] : memref<120192xf32, #tpu.memory_space<vmem_shared>> -> memref<120192xf32, #tpu.memory_space<vmem_shared>>
        tpu.enqueue_indirect_dma source(%arg6 : memref<10000xf32, #tpu.memory_space<vmem>>) target(%dma_start3A_551 : memref<120192xf32, #tpu.memory_space<vmem_shared>>) offsets(%arg10 : memref<10000xi32, #tpu.memory_space<vmem>>) semaphore(%run_scoped3A : memref<!tpu.dma_semaphore, #tpu.memory_space<semaphore_mem>>) {add = true}
        %dma_wait3A_552 = arith.constant 0 : i32
        %dma_wait3A_553 = tpu.memref_slice %arg14[%dma_wait3A_552] : memref<120192xf32, #tpu.memory_space<vmem_shared>> -> memref<120192xf32, #tpu.memory_space<vmem_shared>>
        tpu.wait_indirect_dma semaphore(%run_scoped3A : memref<!tpu.dma_semaphore, #tpu.memory_space<semaphore_mem>>) src(%arg6 : memref<10000xf32, #tpu.memory_space<vmem>>) dst(%dma_wait3A_553 : memref<120192xf32, #tpu.memory_space<vmem_shared>>)
        tpu.yield
      }) : () -> ()
    } else {
    }
    %add3A_403 = arith.constant 170000 : i32
    %add3A_404 = arith.addi %mul3A_2, %add3A_403 : i32
    %dma_start3A_405 = tpu.memref_slice %arg2[%add3A_404] : memref<6400000xf32, #tpu.memory_space<hbm>> -> memref<10000xf32, #tpu.memory_space<hbm>>
    %dma_start3A_406 = tpu.memref_slice %arg2[%add3A_404] : memref<6400000xf32, #tpu.memory_space<hbm>> -> memref<10000xf32, #tpu.memory_space<hbm>>
    tpu.enqueue_dma source(%dma_start3A_406 : memref<10000xf32, #tpu.memory_space<hbm>>) target(%arg6 : memref<10000xf32, #tpu.memory_space<vmem>>) target_semaphore(%arg16 : memref<!tpu.dma_semaphore, #tpu.memory_space<semaphore_mem>>)
    %dma_start3A_407 = tpu.memref_slice %arg3[%add3A_404] : memref<6400000xi32, #tpu.memory_space<hbm>> -> memref<10000xi32, #tpu.memory_space<hbm>>
    %dma_start3A_408 = tpu.memref_slice %arg3[%add3A_404] : memref<6400000xi32, #tpu.memory_space<hbm>> -> memref<10000xi32, #tpu.memory_space<hbm>>
    tpu.enqueue_dma source(%dma_start3A_408 : memref<10000xi32, #tpu.memory_space<hbm>>) target(%arg10 : memref<10000xi32, #tpu.memory_space<vmem>>) target_semaphore(%arg20 : memref<!tpu.dma_semaphore, #tpu.memory_space<semaphore_mem>>)
    %dma_wait3A_409 = tpu.memref_slice %arg2[%add3A_329] : memref<6400000xf32, #tpu.memory_space<hbm>> -> memref<10000xf32, #tpu.memory_space<hbm>>
    %dma_wait3A_410 = tpu.memref_slice %arg2[%add3A_329] : memref<6400000xf32, #tpu.memory_space<hbm>> -> memref<10000xf32, #tpu.memory_space<hbm>>
    tpu.wait_dma2 semaphore(%arg17 : memref<!tpu.dma_semaphore, #tpu.memory_space<semaphore_mem>>) src(%dma_wait3A_410 : memref<10000xf32, #tpu.memory_space<hbm>>) dst(%arg7 : memref<10000xf32, #tpu.memory_space<vmem>>)
    %dma_wait3A_411 = tpu.memref_slice %arg3[%add3A_329] : memref<6400000xi32, #tpu.memory_space<hbm>> -> memref<10000xi32, #tpu.memory_space<hbm>>
    %dma_wait3A_412 = tpu.memref_slice %arg3[%add3A_329] : memref<6400000xi32, #tpu.memory_space<hbm>> -> memref<10000xi32, #tpu.memory_space<hbm>>
    tpu.wait_dma2 semaphore(%arg21 : memref<!tpu.dma_semaphore, #tpu.memory_space<semaphore_mem>>) src(%dma_wait3A_412 : memref<10000xi32, #tpu.memory_space<hbm>>) dst(%arg11 : memref<10000xi32, #tpu.memory_space<vmem>>)
    %get3A_413 = arith.constant 9984 : index
    %get3A_414 = tpu.vector_load %arg11[%get3A_413] {strides = array<i32>} : memref<10000xi32, #tpu.memory_space<vmem>>, vector<16xi32>,
    %slice3A_415 = vector.extract_strided_slice %get3A_414 {offsets = [15], sizes = [1], strides = [1]} : vector<16xi32> to vector<1xi32>
    %squeeze3A_416 = vector.extract %slice3A_415[0] : i32 from vector<1xi32>
    %add3A_417 = arith.constant 20000 : i32
    %add3A_418 = arith.addi %mul3A_66, %add3A_417 : i32
    %lt3A_419 = arith.cmpi slt, %squeeze3A_416, %add3A_418 : i32
    %convert_element_type3A_420 = arith.extui %lt3A_419 : i1 to i32
    %cond3A_421 = arith.constant 0 : i32
    %cond3A_422 = arith.cmpi ne, %convert_element_type3A_420, %cond3A_421 : i32
    scf.if %cond3A_422 {
      %scan3A_550 = arith.constant 0 : i32
      %scan3A_551 = arith.constant 0 : i32
      %scan3A_552 = arith.constant 125 : i32
      %scan3A_553 = arith.addi %scan3A_551, %scan3A_552 : i32
      %scan3A_554 = arith.constant 1 : i32
      %scan3A_555 = scf.for %scan3A_557 = %scan3A_551 to %scan3A_553 step %scan3A_554 iter_args(%scan3A_558 = %scan3A_550) -> (i32)  : i32 {
        %mul3A_559 = arith.constant 5 : i32
        %mul3A_560 = arith.muli %scan3A_557, %mul3A_559 : i32
        %add3A_561 = arith.constant 0 : i32
        %add3A_562 = arith.addi %mul3A_560, %add3A_561 : i32
        %add3A_563 = vector.broadcast %add3A_562 : i32 to vector<16xi32>
        %add3A_564 = arith.addi %mul3A_44, %add3A_563 : vector<16xi32>
        %add3A_565 = arith.constant 1 : i32
        %add3A_566 = arith.addi %mul3A_560, %add3A_565 : i32
        %add3A_567 = vector.broadcast %add3A_566 : i32 to vector<16xi32>
        %add3A_568 = arith.addi %mul3A_44, %add3A_567 : vector<16xi32>
        %add3A_569 = arith.constant 2 : i32
        %add3A_570 = arith.addi %mul3A_560, %add3A_569 : i32
        %add3A_571 = vector.broadcast %add3A_570 : i32 to vector<16xi32>
        %add3A_572 = arith.addi %mul3A_44, %add3A_571 : vector<16xi32>
        %add3A_573 = arith.constant 3 : i32
        %add3A_574 = arith.addi %mul3A_560, %add3A_573 : i32
        %add3A_575 = vector.broadcast %add3A_574 : i32 to vector<16xi32>
        %add3A_576 = arith.addi %mul3A_44, %add3A_575 : vector<16xi32>
        %add3A_577 = arith.constant 4 : i32
        %add3A_578 = arith.addi %mul3A_560, %add3A_577 : i32
        %add3A_579 = vector.broadcast %add3A_578 : i32 to vector<16xi32>
        %add3A_580 = arith.addi %mul3A_44, %add3A_579 : vector<16xi32>
        %gather3A = tpu.vector_load_idx %arg7[%add3A_564] : memref<10000xf32, #tpu.memory_space<vmem>>[vector<16xi32>], vector<16xf32>,
        %gather3A_581 = tpu.vector_load_idx %arg7[%add3A_568] : memref<10000xf32, #tpu.memory_space<vmem>>[vector<16xi32>], vector<16xf32>,
        %gather3A_582 = tpu.vector_load_idx %arg7[%add3A_572] : memref<10000xf32, #tpu.memory_space<vmem>>[vector<16xi32>], vector<16xf32>,
        %gather3A_583 = tpu.vector_load_idx %arg7[%add3A_576] : memref<10000xf32, #tpu.memory_space<vmem>>[vector<16xi32>], vector<16xf32>,
        %gather3A_584 = tpu.vector_load_idx %arg7[%add3A_580] : memref<10000xf32, #tpu.memory_space<vmem>>[vector<16xi32>], vector<16xf32>,
        %gather3A_585 = tpu.vector_load_idx %arg11[%add3A_564] : memref<10000xi32, #tpu.memory_space<vmem>>[vector<16xi32>], vector<16xi32>,
        %sub3A_586 = vector.broadcast %mul3A_66 : i32 to vector<16xi32>
        %sub3A_587 = arith.subi %gather3A_585, %sub3A_586 : vector<16xi32>
        %gather3A_588 = tpu.vector_load_idx %arg11[%add3A_568] : memref<10000xi32, #tpu.memory_space<vmem>>[vector<16xi32>], vector<16xi32>,
        %sub3A_589 = vector.broadcast %mul3A_66 : i32 to vector<16xi32>
        %sub3A_590 = arith.subi %gather3A_588, %sub3A_589 : vector<16xi32>
        %gather3A_591 = tpu.vector_load_idx %arg11[%add3A_572] : memref<10000xi32, #tpu.memory_space<vmem>>[vector<16xi32>], vector<16xi32>,
        %sub3A_592 = vector.broadcast %mul3A_66 : i32 to vector<16xi32>
        %sub3A_593 = arith.subi %gather3A_591, %sub3A_592 : vector<16xi32>
        %gather3A_594 = tpu.vector_load_idx %arg11[%add3A_576] : memref<10000xi32, #tpu.memory_space<vmem>>[vector<16xi32>], vector<16xi32>,
        %sub3A_595 = vector.broadcast %mul3A_66 : i32 to vector<16xi32>
        %sub3A_596 = arith.subi %gather3A_594, %sub3A_595 : vector<16xi32>
        %gather3A_597 = tpu.vector_load_idx %arg11[%add3A_580] : memref<10000xi32, #tpu.memory_space<vmem>>[vector<16xi32>], vector<16xi32>,
        %sub3A_598 = vector.broadcast %mul3A_66 : i32 to vector<16xi32>
        %sub3A_599 = arith.subi %gather3A_597, %sub3A_598 : vector<16xi32>
        tpu.vector_store_idx %arg13[%sub3A_587], %gather3A {add = true} : memref<20000xf32, #tpu.memory_space<vmem>>[vector<16xi32>], vector<16xf32>,
        tpu.vector_store_idx %arg13[%sub3A_590], %gather3A_581 {add = true} : memref<20000xf32, #tpu.memory_space<vmem>>[vector<16xi32>], vector<16xf32>,
        tpu.vector_store_idx %arg13[%sub3A_593], %gather3A_582 {add = true} : memref<20000xf32, #tpu.memory_space<vmem>>[vector<16xi32>], vector<16xf32>,
        tpu.vector_store_idx %arg13[%sub3A_596], %gather3A_583 {add = true} : memref<20000xf32, #tpu.memory_space<vmem>>[vector<16xi32>], vector<16xf32>,
        tpu.vector_store_idx %arg13[%sub3A_599], %gather3A_584 {add = true} : memref<20000xf32, #tpu.memory_space<vmem>>[vector<16xi32>], vector<16xf32>,
        %scan3A_600 = arith.constant 0 : i32
        scf.yield %scan3A_600 : i32
      }
      %scan3A_556 = arith.constant 125 : i32
    } else {
    }
    %not3A_423 = arith.constant true
    %not3A_424 = arith.xori %lt3A_419, %not3A_423 : i1
    %convert_element_type3A_425 = arith.extui %not3A_424 : i1 to i32
    %cond3A_426 = arith.constant 0 : i32
    %cond3A_427 = arith.cmpi ne, %convert_element_type3A_425, %cond3A_426 : i32
    scf.if %cond3A_427 {
      "tpu.region"() ({
        %run_scoped3A = tpu.sem_alloc : memref<!tpu.dma_semaphore, #tpu.memory_space<semaphore_mem>>
        %dma_start3A_550 = arith.constant 0 : i32
        %dma_start3A_551 = tpu.memref_slice %arg14[%dma_start3A_550] : memref<120192xf32, #tpu.memory_space<vmem_shared>> -> memref<120192xf32, #tpu.memory_space<vmem_shared>>
        tpu.enqueue_indirect_dma source(%arg7 : memref<10000xf32, #tpu.memory_space<vmem>>) target(%dma_start3A_551 : memref<120192xf32, #tpu.memory_space<vmem_shared>>) offsets(%arg11 : memref<10000xi32, #tpu.memory_space<vmem>>) semaphore(%run_scoped3A : memref<!tpu.dma_semaphore, #tpu.memory_space<semaphore_mem>>) {add = true}
        %dma_wait3A_552 = arith.constant 0 : i32
        %dma_wait3A_553 = tpu.memref_slice %arg14[%dma_wait3A_552] : memref<120192xf32, #tpu.memory_space<vmem_shared>> -> memref<120192xf32, #tpu.memory_space<vmem_shared>>
        tpu.wait_indirect_dma semaphore(%run_scoped3A : memref<!tpu.dma_semaphore, #tpu.memory_space<semaphore_mem>>) src(%arg7 : memref<10000xf32, #tpu.memory_space<vmem>>) dst(%dma_wait3A_553 : memref<120192xf32, #tpu.memory_space<vmem_shared>>)
        tpu.yield
      }) : () -> ()
    } else {
    }
    %add3A_428 = arith.constant 180000 : i32
    %add3A_429 = arith.addi %mul3A_2, %add3A_428 : i32
    %dma_start3A_430 = tpu.memref_slice %arg2[%add3A_429] : memref<6400000xf32, #tpu.memory_space<hbm>> -> memref<10000xf32, #tpu.memory_space<hbm>>
    %dma_start3A_431 = tpu.memref_slice %arg2[%add3A_429] : memref<6400000xf32, #tpu.memory_space<hbm>> -> memref<10000xf32, #tpu.memory_space<hbm>>
    tpu.enqueue_dma source(%dma_start3A_431 : memref<10000xf32, #tpu.memory_space<hbm>>) target(%arg7 : memref<10000xf32, #tpu.memory_space<vmem>>) target_semaphore(%arg17 : memref<!tpu.dma_semaphore, #tpu.memory_space<semaphore_mem>>)
    %dma_start3A_432 = tpu.memref_slice %arg3[%add3A_429] : memref<6400000xi32, #tpu.memory_space<hbm>> -> memref<10000xi32, #tpu.memory_space<hbm>>
    %dma_start3A_433 = tpu.memref_slice %arg3[%add3A_429] : memref<6400000xi32, #tpu.memory_space<hbm>> -> memref<10000xi32, #tpu.memory_space<hbm>>
    tpu.enqueue_dma source(%dma_start3A_433 : memref<10000xi32, #tpu.memory_space<hbm>>) target(%arg11 : memref<10000xi32, #tpu.memory_space<vmem>>) target_semaphore(%arg21 : memref<!tpu.dma_semaphore, #tpu.memory_space<semaphore_mem>>)
    %dma_wait3A_434 = tpu.memref_slice %arg2[%add3A_354] : memref<6400000xf32, #tpu.memory_space<hbm>> -> memref<10000xf32, #tpu.memory_space<hbm>>
    %dma_wait3A_435 = tpu.memref_slice %arg2[%add3A_354] : memref<6400000xf32, #tpu.memory_space<hbm>> -> memref<10000xf32, #tpu.memory_space<hbm>>
    tpu.wait_dma2 semaphore(%arg18 : memref<!tpu.dma_semaphore, #tpu.memory_space<semaphore_mem>>) src(%dma_wait3A_435 : memref<10000xf32, #tpu.memory_space<hbm>>) dst(%arg8 : memref<10000xf32, #tpu.memory_space<vmem>>)
    %dma_wait3A_436 = tpu.memref_slice %arg3[%add3A_354] : memref<6400000xi32, #tpu.memory_space<hbm>> -> memref<10000xi32, #tpu.memory_space<hbm>>
    %dma_wait3A_437 = tpu.memref_slice %arg3[%add3A_354] : memref<6400000xi32, #tpu.memory_space<hbm>> -> memref<10000xi32, #tpu.memory_space<hbm>>
    tpu.wait_dma2 semaphore(%arg22 : memref<!tpu.dma_semaphore, #tpu.memory_space<semaphore_mem>>) src(%dma_wait3A_437 : memref<10000xi32, #tpu.memory_space<hbm>>) dst(%arg12 : memref<10000xi32, #tpu.memory_space<vmem>>)
    %get3A_438 = arith.constant 9984 : index
    %get3A_439 = tpu.vector_load %arg12[%get3A_438] {strides = array<i32>} : memref<10000xi32, #tpu.memory_space<vmem>>, vector<16xi32>,
    %slice3A_440 = vector.extract_strided_slice %get3A_439 {offsets = [15], sizes = [1], strides = [1]} : vector<16xi32> to vector<1xi32>
    %squeeze3A_441 = vector.extract %slice3A_440[0] : i32 from vector<1xi32>
    %add3A_442 = arith.constant 20000 : i32
    %add3A_443 = arith.addi %mul3A_66, %add3A_442 : i32
    %lt3A_444 = arith.cmpi slt, %squeeze3A_441, %add3A_443 : i32
    %convert_element_type3A_445 = arith.extui %lt3A_444 : i1 to i32
    %cond3A_446 = arith.constant 0 : i32
    %cond3A_447 = arith.cmpi ne, %convert_element_type3A_445, %cond3A_446 : i32
    scf.if %cond3A_447 {
      %scan3A_550 = arith.constant 0 : i32
      %scan3A_551 = arith.constant 0 : i32
      %scan3A_552 = arith.constant 125 : i32
      %scan3A_553 = arith.addi %scan3A_551, %scan3A_552 : i32
      %scan3A_554 = arith.constant 1 : i32
      %scan3A_555 = scf.for %scan3A_557 = %scan3A_551 to %scan3A_553 step %scan3A_554 iter_args(%scan3A_558 = %scan3A_550) -> (i32)  : i32 {
        %mul3A_559 = arith.constant 5 : i32
        %mul3A_560 = arith.muli %scan3A_557, %mul3A_559 : i32
        %add3A_561 = arith.constant 0 : i32
        %add3A_562 = arith.addi %mul3A_560, %add3A_561 : i32
        %add3A_563 = vector.broadcast %add3A_562 : i32 to vector<16xi32>
        %add3A_564 = arith.addi %mul3A_44, %add3A_563 : vector<16xi32>
        %add3A_565 = arith.constant 1 : i32
        %add3A_566 = arith.addi %mul3A_560, %add3A_565 : i32
        %add3A_567 = vector.broadcast %add3A_566 : i32 to vector<16xi32>
        %add3A_568 = arith.addi %mul3A_44, %add3A_567 : vector<16xi32>
        %add3A_569 = arith.constant 2 : i32
        %add3A_570 = arith.addi %mul3A_560, %add3A_569 : i32
        %add3A_571 = vector.broadcast %add3A_570 : i32 to vector<16xi32>
        %add3A_572 = arith.addi %mul3A_44, %add3A_571 : vector<16xi32>
        %add3A_573 = arith.constant 3 : i32
        %add3A_574 = arith.addi %mul3A_560, %add3A_573 : i32
        %add3A_575 = vector.broadcast %add3A_574 : i32 to vector<16xi32>
        %add3A_576 = arith.addi %mul3A_44, %add3A_575 : vector<16xi32>
        %add3A_577 = arith.constant 4 : i32
        %add3A_578 = arith.addi %mul3A_560, %add3A_577 : i32
        %add3A_579 = vector.broadcast %add3A_578 : i32 to vector<16xi32>
        %add3A_580 = arith.addi %mul3A_44, %add3A_579 : vector<16xi32>
        %gather3A = tpu.vector_load_idx %arg8[%add3A_564] : memref<10000xf32, #tpu.memory_space<vmem>>[vector<16xi32>], vector<16xf32>,
        %gather3A_581 = tpu.vector_load_idx %arg8[%add3A_568] : memref<10000xf32, #tpu.memory_space<vmem>>[vector<16xi32>], vector<16xf32>,
        %gather3A_582 = tpu.vector_load_idx %arg8[%add3A_572] : memref<10000xf32, #tpu.memory_space<vmem>>[vector<16xi32>], vector<16xf32>,
        %gather3A_583 = tpu.vector_load_idx %arg8[%add3A_576] : memref<10000xf32, #tpu.memory_space<vmem>>[vector<16xi32>], vector<16xf32>,
        %gather3A_584 = tpu.vector_load_idx %arg8[%add3A_580] : memref<10000xf32, #tpu.memory_space<vmem>>[vector<16xi32>], vector<16xf32>,
        %gather3A_585 = tpu.vector_load_idx %arg12[%add3A_564] : memref<10000xi32, #tpu.memory_space<vmem>>[vector<16xi32>], vector<16xi32>,
        %sub3A_586 = vector.broadcast %mul3A_66 : i32 to vector<16xi32>
        %sub3A_587 = arith.subi %gather3A_585, %sub3A_586 : vector<16xi32>
        %gather3A_588 = tpu.vector_load_idx %arg12[%add3A_568] : memref<10000xi32, #tpu.memory_space<vmem>>[vector<16xi32>], vector<16xi32>,
        %sub3A_589 = vector.broadcast %mul3A_66 : i32 to vector<16xi32>
        %sub3A_590 = arith.subi %gather3A_588, %sub3A_589 : vector<16xi32>
        %gather3A_591 = tpu.vector_load_idx %arg12[%add3A_572] : memref<10000xi32, #tpu.memory_space<vmem>>[vector<16xi32>], vector<16xi32>,
        %sub3A_592 = vector.broadcast %mul3A_66 : i32 to vector<16xi32>
        %sub3A_593 = arith.subi %gather3A_591, %sub3A_592 : vector<16xi32>
        %gather3A_594 = tpu.vector_load_idx %arg12[%add3A_576] : memref<10000xi32, #tpu.memory_space<vmem>>[vector<16xi32>], vector<16xi32>,
        %sub3A_595 = vector.broadcast %mul3A_66 : i32 to vector<16xi32>
        %sub3A_596 = arith.subi %gather3A_594, %sub3A_595 : vector<16xi32>
        %gather3A_597 = tpu.vector_load_idx %arg12[%add3A_580] : memref<10000xi32, #tpu.memory_space<vmem>>[vector<16xi32>], vector<16xi32>,
        %sub3A_598 = vector.broadcast %mul3A_66 : i32 to vector<16xi32>
        %sub3A_599 = arith.subi %gather3A_597, %sub3A_598 : vector<16xi32>
        tpu.vector_store_idx %arg13[%sub3A_587], %gather3A {add = true} : memref<20000xf32, #tpu.memory_space<vmem>>[vector<16xi32>], vector<16xf32>,
        tpu.vector_store_idx %arg13[%sub3A_590], %gather3A_581 {add = true} : memref<20000xf32, #tpu.memory_space<vmem>>[vector<16xi32>], vector<16xf32>,
        tpu.vector_store_idx %arg13[%sub3A_593], %gather3A_582 {add = true} : memref<20000xf32, #tpu.memory_space<vmem>>[vector<16xi32>], vector<16xf32>,
        tpu.vector_store_idx %arg13[%sub3A_596], %gather3A_583 {add = true} : memref<20000xf32, #tpu.memory_space<vmem>>[vector<16xi32>], vector<16xf32>,
        tpu.vector_store_idx %arg13[%sub3A_599], %gather3A_584 {add = true} : memref<20000xf32, #tpu.memory_space<vmem>>[vector<16xi32>], vector<16xf32>,
        %scan3A_600 = arith.constant 0 : i32
        scf.yield %scan3A_600 : i32
      }
      %scan3A_556 = arith.constant 125 : i32
    } else {
    }
    %not3A_448 = arith.constant true
    %not3A_449 = arith.xori %lt3A_444, %not3A_448 : i1
    %convert_element_type3A_450 = arith.extui %not3A_449 : i1 to i32
    %cond3A_451 = arith.constant 0 : i32
    %cond3A_452 = arith.cmpi ne, %convert_element_type3A_450, %cond3A_451 : i32
    scf.if %cond3A_452 {
      "tpu.region"() ({
        %run_scoped3A = tpu.sem_alloc : memref<!tpu.dma_semaphore, #tpu.memory_space<semaphore_mem>>
        %dma_start3A_550 = arith.constant 0 : i32
        %dma_start3A_551 = tpu.memref_slice %arg14[%dma_start3A_550] : memref<120192xf32, #tpu.memory_space<vmem_shared>> -> memref<120192xf32, #tpu.memory_space<vmem_shared>>
        tpu.enqueue_indirect_dma source(%arg8 : memref<10000xf32, #tpu.memory_space<vmem>>) target(%dma_start3A_551 : memref<120192xf32, #tpu.memory_space<vmem_shared>>) offsets(%arg12 : memref<10000xi32, #tpu.memory_space<vmem>>) semaphore(%run_scoped3A : memref<!tpu.dma_semaphore, #tpu.memory_space<semaphore_mem>>) {add = true}
        %dma_wait3A_552 = arith.constant 0 : i32
        %dma_wait3A_553 = tpu.memref_slice %arg14[%dma_wait3A_552] : memref<120192xf32, #tpu.memory_space<vmem_shared>> -> memref<120192xf32, #tpu.memory_space<vmem_shared>>
        tpu.wait_indirect_dma semaphore(%run_scoped3A : memref<!tpu.dma_semaphore, #tpu.memory_space<semaphore_mem>>) src(%arg8 : memref<10000xf32, #tpu.memory_space<vmem>>) dst(%dma_wait3A_553 : memref<120192xf32, #tpu.memory_space<vmem_shared>>)
        tpu.yield
      }) : () -> ()
    } else {
    }
    %add3A_453 = arith.constant 190000 : i32
    %add3A_454 = arith.addi %mul3A_2, %add3A_453 : i32
    %dma_start3A_455 = tpu.memref_slice %arg2[%add3A_454] : memref<6400000xf32, #tpu.memory_space<hbm>> -> memref<10000xf32, #tpu.memory_space<hbm>>
    %dma_start3A_456 = tpu.memref_slice %arg2[%add3A_454] : memref<6400000xf32, #tpu.memory_space<hbm>> -> memref<10000xf32, #tpu.memory_space<hbm>>
    tpu.enqueue_dma source(%dma_start3A_456 : memref<10000xf32, #tpu.memory_space<hbm>>) target(%arg8 : memref<10000xf32, #tpu.memory_space<vmem>>) target_semaphore(%arg18 : memref<!tpu.dma_semaphore, #tpu.memory_space<semaphore_mem>>)
    %dma_start3A_457 = tpu.memref_slice %arg3[%add3A_454] : memref<6400000xi32, #tpu.memory_space<hbm>> -> memref<10000xi32, #tpu.memory_space<hbm>>
    %dma_start3A_458 = tpu.memref_slice %arg3[%add3A_454] : memref<6400000xi32, #tpu.memory_space<hbm>> -> memref<10000xi32, #tpu.memory_space<hbm>>
    tpu.enqueue_dma source(%dma_start3A_458 : memref<10000xi32, #tpu.memory_space<hbm>>) target(%arg12 : memref<10000xi32, #tpu.memory_space<vmem>>) target_semaphore(%arg22 : memref<!tpu.dma_semaphore, #tpu.memory_space<semaphore_mem>>)
    %dma_wait3A_459 = tpu.memref_slice %arg2[%add3A_379] : memref<6400000xf32, #tpu.memory_space<hbm>> -> memref<10000xf32, #tpu.memory_space<hbm>>
    %dma_wait3A_460 = tpu.memref_slice %arg2[%add3A_379] : memref<6400000xf32, #tpu.memory_space<hbm>> -> memref<10000xf32, #tpu.memory_space<hbm>>
    tpu.wait_dma2 semaphore(%arg15 : memref<!tpu.dma_semaphore, #tpu.memory_space<semaphore_mem>>) src(%dma_wait3A_460 : memref<10000xf32, #tpu.memory_space<hbm>>) dst(%arg5 : memref<10000xf32, #tpu.memory_space<vmem>>)
    %dma_wait3A_461 = tpu.memref_slice %arg3[%add3A_379] : memref<6400000xi32, #tpu.memory_space<hbm>> -> memref<10000xi32, #tpu.memory_space<hbm>>
    %dma_wait3A_462 = tpu.memref_slice %arg3[%add3A_379] : memref<6400000xi32, #tpu.memory_space<hbm>> -> memref<10000xi32, #tpu.memory_space<hbm>>
    tpu.wait_dma2 semaphore(%arg19 : memref<!tpu.dma_semaphore, #tpu.memory_space<semaphore_mem>>) src(%dma_wait3A_462 : memref<10000xi32, #tpu.memory_space<hbm>>) dst(%arg9 : memref<10000xi32, #tpu.memory_space<vmem>>)
    %get3A_463 = arith.constant 9984 : index
    %get3A_464 = tpu.vector_load %arg9[%get3A_463] {strides = array<i32>} : memref<10000xi32, #tpu.memory_space<vmem>>, vector<16xi32>,
    %slice3A_465 = vector.extract_strided_slice %get3A_464 {offsets = [15], sizes = [1], strides = [1]} : vector<16xi32> to vector<1xi32>
    %squeeze3A_466 = vector.extract %slice3A_465[0] : i32 from vector<1xi32>
    %add3A_467 = arith.constant 20000 : i32
    %add3A_468 = arith.addi %mul3A_66, %add3A_467 : i32
    %lt3A_469 = arith.cmpi slt, %squeeze3A_466, %add3A_468 : i32
    %convert_element_type3A_470 = arith.extui %lt3A_469 : i1 to i32
    %cond3A_471 = arith.constant 0 : i32
    %cond3A_472 = arith.cmpi ne, %convert_element_type3A_470, %cond3A_471 : i32
    scf.if %cond3A_472 {
      %scan3A_550 = arith.constant 0 : i32
      %scan3A_551 = arith.constant 0 : i32
      %scan3A_552 = arith.constant 125 : i32
      %scan3A_553 = arith.addi %scan3A_551, %scan3A_552 : i32
      %scan3A_554 = arith.constant 1 : i32
      %scan3A_555 = scf.for %scan3A_557 = %scan3A_551 to %scan3A_553 step %scan3A_554 iter_args(%scan3A_558 = %scan3A_550) -> (i32)  : i32 {
        %mul3A_559 = arith.constant 5 : i32
        %mul3A_560 = arith.muli %scan3A_557, %mul3A_559 : i32
        %add3A_561 = arith.constant 0 : i32
        %add3A_562 = arith.addi %mul3A_560, %add3A_561 : i32
        %add3A_563 = vector.broadcast %add3A_562 : i32 to vector<16xi32>
        %add3A_564 = arith.addi %mul3A_44, %add3A_563 : vector<16xi32>
        %add3A_565 = arith.constant 1 : i32
        %add3A_566 = arith.addi %mul3A_560, %add3A_565 : i32
        %add3A_567 = vector.broadcast %add3A_566 : i32 to vector<16xi32>
        %add3A_568 = arith.addi %mul3A_44, %add3A_567 : vector<16xi32>
        %add3A_569 = arith.constant 2 : i32
        %add3A_570 = arith.addi %mul3A_560, %add3A_569 : i32
        %add3A_571 = vector.broadcast %add3A_570 : i32 to vector<16xi32>
        %add3A_572 = arith.addi %mul3A_44, %add3A_571 : vector<16xi32>
        %add3A_573 = arith.constant 3 : i32
        %add3A_574 = arith.addi %mul3A_560, %add3A_573 : i32
        %add3A_575 = vector.broadcast %add3A_574 : i32 to vector<16xi32>
        %add3A_576 = arith.addi %mul3A_44, %add3A_575 : vector<16xi32>
        %add3A_577 = arith.constant 4 : i32
        %add3A_578 = arith.addi %mul3A_560, %add3A_577 : i32
        %add3A_579 = vector.broadcast %add3A_578 : i32 to vector<16xi32>
        %add3A_580 = arith.addi %mul3A_44, %add3A_579 : vector<16xi32>
        %gather3A = tpu.vector_load_idx %arg5[%add3A_564] : memref<10000xf32, #tpu.memory_space<vmem>>[vector<16xi32>], vector<16xf32>,
        %gather3A_581 = tpu.vector_load_idx %arg5[%add3A_568] : memref<10000xf32, #tpu.memory_space<vmem>>[vector<16xi32>], vector<16xf32>,
        %gather3A_582 = tpu.vector_load_idx %arg5[%add3A_572] : memref<10000xf32, #tpu.memory_space<vmem>>[vector<16xi32>], vector<16xf32>,
        %gather3A_583 = tpu.vector_load_idx %arg5[%add3A_576] : memref<10000xf32, #tpu.memory_space<vmem>>[vector<16xi32>], vector<16xf32>,
        %gather3A_584 = tpu.vector_load_idx %arg5[%add3A_580] : memref<10000xf32, #tpu.memory_space<vmem>>[vector<16xi32>], vector<16xf32>,
        %gather3A_585 = tpu.vector_load_idx %arg9[%add3A_564] : memref<10000xi32, #tpu.memory_space<vmem>>[vector<16xi32>], vector<16xi32>,
        %sub3A_586 = vector.broadcast %mul3A_66 : i32 to vector<16xi32>
        %sub3A_587 = arith.subi %gather3A_585, %sub3A_586 : vector<16xi32>
        %gather3A_588 = tpu.vector_load_idx %arg9[%add3A_568] : memref<10000xi32, #tpu.memory_space<vmem>>[vector<16xi32>], vector<16xi32>,
        %sub3A_589 = vector.broadcast %mul3A_66 : i32 to vector<16xi32>
        %sub3A_590 = arith.subi %gather3A_588, %sub3A_589 : vector<16xi32>
        %gather3A_591 = tpu.vector_load_idx %arg9[%add3A_572] : memref<10000xi32, #tpu.memory_space<vmem>>[vector<16xi32>], vector<16xi32>,
        %sub3A_592 = vector.broadcast %mul3A_66 : i32 to vector<16xi32>
        %sub3A_593 = arith.subi %gather3A_591, %sub3A_592 : vector<16xi32>
        %gather3A_594 = tpu.vector_load_idx %arg9[%add3A_576] : memref<10000xi32, #tpu.memory_space<vmem>>[vector<16xi32>], vector<16xi32>,
        %sub3A_595 = vector.broadcast %mul3A_66 : i32 to vector<16xi32>
        %sub3A_596 = arith.subi %gather3A_594, %sub3A_595 : vector<16xi32>
        %gather3A_597 = tpu.vector_load_idx %arg9[%add3A_580] : memref<10000xi32, #tpu.memory_space<vmem>>[vector<16xi32>], vector<16xi32>,
        %sub3A_598 = vector.broadcast %mul3A_66 : i32 to vector<16xi32>
        %sub3A_599 = arith.subi %gather3A_597, %sub3A_598 : vector<16xi32>
        tpu.vector_store_idx %arg13[%sub3A_587], %gather3A {add = true} : memref<20000xf32, #tpu.memory_space<vmem>>[vector<16xi32>], vector<16xf32>,
        tpu.vector_store_idx %arg13[%sub3A_590], %gather3A_581 {add = true} : memref<20000xf32, #tpu.memory_space<vmem>>[vector<16xi32>], vector<16xf32>,
        tpu.vector_store_idx %arg13[%sub3A_593], %gather3A_582 {add = true} : memref<20000xf32, #tpu.memory_space<vmem>>[vector<16xi32>], vector<16xf32>,
        tpu.vector_store_idx %arg13[%sub3A_596], %gather3A_583 {add = true} : memref<20000xf32, #tpu.memory_space<vmem>>[vector<16xi32>], vector<16xf32>,
        tpu.vector_store_idx %arg13[%sub3A_599], %gather3A_584 {add = true} : memref<20000xf32, #tpu.memory_space<vmem>>[vector<16xi32>], vector<16xf32>,
        %scan3A_600 = arith.constant 0 : i32
        scf.yield %scan3A_600 : i32
      }
      %scan3A_556 = arith.constant 125 : i32
    } else {
    }
    %not3A_473 = arith.constant true
    %not3A_474 = arith.xori %lt3A_469, %not3A_473 : i1
    %convert_element_type3A_475 = arith.extui %not3A_474 : i1 to i32
    %cond3A_476 = arith.constant 0 : i32
    %cond3A_477 = arith.cmpi ne, %convert_element_type3A_475, %cond3A_476 : i32
    scf.if %cond3A_477 {
      "tpu.region"() ({
        %run_scoped3A = tpu.sem_alloc : memref<!tpu.dma_semaphore, #tpu.memory_space<semaphore_mem>>
        %dma_start3A_550 = arith.constant 0 : i32
        %dma_start3A_551 = tpu.memref_slice %arg14[%dma_start3A_550] : memref<120192xf32, #tpu.memory_space<vmem_shared>> -> memref<120192xf32, #tpu.memory_space<vmem_shared>>
        tpu.enqueue_indirect_dma source(%arg5 : memref<10000xf32, #tpu.memory_space<vmem>>) target(%dma_start3A_551 : memref<120192xf32, #tpu.memory_space<vmem_shared>>) offsets(%arg9 : memref<10000xi32, #tpu.memory_space<vmem>>) semaphore(%run_scoped3A : memref<!tpu.dma_semaphore, #tpu.memory_space<semaphore_mem>>) {add = true}
        %dma_wait3A_552 = arith.constant 0 : i32
        %dma_wait3A_553 = tpu.memref_slice %arg14[%dma_wait3A_552] : memref<120192xf32, #tpu.memory_space<vmem_shared>> -> memref<120192xf32, #tpu.memory_space<vmem_shared>>
        tpu.wait_indirect_dma semaphore(%run_scoped3A : memref<!tpu.dma_semaphore, #tpu.memory_space<semaphore_mem>>) src(%arg5 : memref<10000xf32, #tpu.memory_space<vmem>>) dst(%dma_wait3A_553 : memref<120192xf32, #tpu.memory_space<vmem_shared>>)
        tpu.yield
      }) : () -> ()
    } else {
    }
    %dma_wait3A_478 = tpu.memref_slice %arg2[%add3A_404] : memref<6400000xf32, #tpu.memory_space<hbm>> -> memref<10000xf32, #tpu.memory_space<hbm>>
    %dma_wait3A_479 = tpu.memref_slice %arg2[%add3A_404] : memref<6400000xf32, #tpu.memory_space<hbm>> -> memref<10000xf32, #tpu.memory_space<hbm>>
    tpu.wait_dma2 semaphore(%arg16 : memref<!tpu.dma_semaphore, #tpu.memory_space<semaphore_mem>>) src(%dma_wait3A_479 : memref<10000xf32, #tpu.memory_space<hbm>>) dst(%arg6 : memref<10000xf32, #tpu.memory_space<vmem>>)
    %dma_wait3A_480 = tpu.memref_slice %arg3[%add3A_404] : memref<6400000xi32, #tpu.memory_space<hbm>> -> memref<10000xi32, #tpu.memory_space<hbm>>
    %dma_wait3A_481 = tpu.memref_slice %arg3[%add3A_404] : memref<6400000xi32, #tpu.memory_space<hbm>> -> memref<10000xi32, #tpu.memory_space<hbm>>
    tpu.wait_dma2 semaphore(%arg20 : memref<!tpu.dma_semaphore, #tpu.memory_space<semaphore_mem>>) src(%dma_wait3A_481 : memref<10000xi32, #tpu.memory_space<hbm>>) dst(%arg10 : memref<10000xi32, #tpu.memory_space<vmem>>)
    %get3A_482 = arith.constant 9984 : index
    %get3A_483 = tpu.vector_load %arg10[%get3A_482] {strides = array<i32>} : memref<10000xi32, #tpu.memory_space<vmem>>, vector<16xi32>,
    %slice3A_484 = vector.extract_strided_slice %get3A_483 {offsets = [15], sizes = [1], strides = [1]} : vector<16xi32> to vector<1xi32>
    %squeeze3A_485 = vector.extract %slice3A_484[0] : i32 from vector<1xi32>
    %add3A_486 = arith.constant 20000 : i32
    %add3A_487 = arith.addi %mul3A_66, %add3A_486 : i32
    %lt3A_488 = arith.cmpi slt, %squeeze3A_485, %add3A_487 : i32
    %convert_element_type3A_489 = arith.extui %lt3A_488 : i1 to i32
    %cond3A_490 = arith.constant 0 : i32
    %cond3A_491 = arith.cmpi ne, %convert_element_type3A_489, %cond3A_490 : i32
    scf.if %cond3A_491 {
      %scan3A_550 = arith.constant 0 : i32
      %scan3A_551 = arith.constant 0 : i32
      %scan3A_552 = arith.constant 125 : i32
      %scan3A_553 = arith.addi %scan3A_551, %scan3A_552 : i32
      %scan3A_554 = arith.constant 1 : i32
      %scan3A_555 = scf.for %scan3A_557 = %scan3A_551 to %scan3A_553 step %scan3A_554 iter_args(%scan3A_558 = %scan3A_550) -> (i32)  : i32 {
        %mul3A_559 = arith.constant 5 : i32
        %mul3A_560 = arith.muli %scan3A_557, %mul3A_559 : i32
        %add3A_561 = arith.constant 0 : i32
        %add3A_562 = arith.addi %mul3A_560, %add3A_561 : i32
        %add3A_563 = vector.broadcast %add3A_562 : i32 to vector<16xi32>
        %add3A_564 = arith.addi %mul3A_44, %add3A_563 : vector<16xi32>
        %add3A_565 = arith.constant 1 : i32
        %add3A_566 = arith.addi %mul3A_560, %add3A_565 : i32
        %add3A_567 = vector.broadcast %add3A_566 : i32 to vector<16xi32>
        %add3A_568 = arith.addi %mul3A_44, %add3A_567 : vector<16xi32>
        %add3A_569 = arith.constant 2 : i32
        %add3A_570 = arith.addi %mul3A_560, %add3A_569 : i32
        %add3A_571 = vector.broadcast %add3A_570 : i32 to vector<16xi32>
        %add3A_572 = arith.addi %mul3A_44, %add3A_571 : vector<16xi32>
        %add3A_573 = arith.constant 3 : i32
        %add3A_574 = arith.addi %mul3A_560, %add3A_573 : i32
        %add3A_575 = vector.broadcast %add3A_574 : i32 to vector<16xi32>
        %add3A_576 = arith.addi %mul3A_44, %add3A_575 : vector<16xi32>
        %add3A_577 = arith.constant 4 : i32
        %add3A_578 = arith.addi %mul3A_560, %add3A_577 : i32
        %add3A_579 = vector.broadcast %add3A_578 : i32 to vector<16xi32>
        %add3A_580 = arith.addi %mul3A_44, %add3A_579 : vector<16xi32>
        %gather3A = tpu.vector_load_idx %arg6[%add3A_564] : memref<10000xf32, #tpu.memory_space<vmem>>[vector<16xi32>], vector<16xf32>,
        %gather3A_581 = tpu.vector_load_idx %arg6[%add3A_568] : memref<10000xf32, #tpu.memory_space<vmem>>[vector<16xi32>], vector<16xf32>,
        %gather3A_582 = tpu.vector_load_idx %arg6[%add3A_572] : memref<10000xf32, #tpu.memory_space<vmem>>[vector<16xi32>], vector<16xf32>,
        %gather3A_583 = tpu.vector_load_idx %arg6[%add3A_576] : memref<10000xf32, #tpu.memory_space<vmem>>[vector<16xi32>], vector<16xf32>,
        %gather3A_584 = tpu.vector_load_idx %arg6[%add3A_580] : memref<10000xf32, #tpu.memory_space<vmem>>[vector<16xi32>], vector<16xf32>,
        %gather3A_585 = tpu.vector_load_idx %arg10[%add3A_564] : memref<10000xi32, #tpu.memory_space<vmem>>[vector<16xi32>], vector<16xi32>,
        %sub3A_586 = vector.broadcast %mul3A_66 : i32 to vector<16xi32>
        %sub3A_587 = arith.subi %gather3A_585, %sub3A_586 : vector<16xi32>
        %gather3A_588 = tpu.vector_load_idx %arg10[%add3A_568] : memref<10000xi32, #tpu.memory_space<vmem>>[vector<16xi32>], vector<16xi32>,
        %sub3A_589 = vector.broadcast %mul3A_66 : i32 to vector<16xi32>
        %sub3A_590 = arith.subi %gather3A_588, %sub3A_589 : vector<16xi32>
        %gather3A_591 = tpu.vector_load_idx %arg10[%add3A_572] : memref<10000xi32, #tpu.memory_space<vmem>>[vector<16xi32>], vector<16xi32>,
        %sub3A_592 = vector.broadcast %mul3A_66 : i32 to vector<16xi32>
        %sub3A_593 = arith.subi %gather3A_591, %sub3A_592 : vector<16xi32>
        %gather3A_594 = tpu.vector_load_idx %arg10[%add3A_576] : memref<10000xi32, #tpu.memory_space<vmem>>[vector<16xi32>], vector<16xi32>,
        %sub3A_595 = vector.broadcast %mul3A_66 : i32 to vector<16xi32>
        %sub3A_596 = arith.subi %gather3A_594, %sub3A_595 : vector<16xi32>
        %gather3A_597 = tpu.vector_load_idx %arg10[%add3A_580] : memref<10000xi32, #tpu.memory_space<vmem>>[vector<16xi32>], vector<16xi32>,
        %sub3A_598 = vector.broadcast %mul3A_66 : i32 to vector<16xi32>
        %sub3A_599 = arith.subi %gather3A_597, %sub3A_598 : vector<16xi32>
        tpu.vector_store_idx %arg13[%sub3A_587], %gather3A {add = true} : memref<20000xf32, #tpu.memory_space<vmem>>[vector<16xi32>], vector<16xf32>,
        tpu.vector_store_idx %arg13[%sub3A_590], %gather3A_581 {add = true} : memref<20000xf32, #tpu.memory_space<vmem>>[vector<16xi32>], vector<16xf32>,
        tpu.vector_store_idx %arg13[%sub3A_593], %gather3A_582 {add = true} : memref<20000xf32, #tpu.memory_space<vmem>>[vector<16xi32>], vector<16xf32>,
        tpu.vector_store_idx %arg13[%sub3A_596], %gather3A_583 {add = true} : memref<20000xf32, #tpu.memory_space<vmem>>[vector<16xi32>], vector<16xf32>,
        tpu.vector_store_idx %arg13[%sub3A_599], %gather3A_584 {add = true} : memref<20000xf32, #tpu.memory_space<vmem>>[vector<16xi32>], vector<16xf32>,
        %scan3A_600 = arith.constant 0 : i32
        scf.yield %scan3A_600 : i32
      }
      %scan3A_556 = arith.constant 125 : i32
    } else {
    }
    %not3A_492 = arith.constant true
    %not3A_493 = arith.xori %lt3A_488, %not3A_492 : i1
    %convert_element_type3A_494 = arith.extui %not3A_493 : i1 to i32
    %cond3A_495 = arith.constant 0 : i32
    %cond3A_496 = arith.cmpi ne, %convert_element_type3A_494, %cond3A_495 : i32
    scf.if %cond3A_496 {
      "tpu.region"() ({
        %run_scoped3A = tpu.sem_alloc : memref<!tpu.dma_semaphore, #tpu.memory_space<semaphore_mem>>
        %dma_start3A_550 = arith.constant 0 : i32
        %dma_start3A_551 = tpu.memref_slice %arg14[%dma_start3A_550] : memref<120192xf32, #tpu.memory_space<vmem_shared>> -> memref<120192xf32, #tpu.memory_space<vmem_shared>>
        tpu.enqueue_indirect_dma source(%arg6 : memref<10000xf32, #tpu.memory_space<vmem>>) target(%dma_start3A_551 : memref<120192xf32, #tpu.memory_space<vmem_shared>>) offsets(%arg10 : memref<10000xi32, #tpu.memory_space<vmem>>) semaphore(%run_scoped3A : memref<!tpu.dma_semaphore, #tpu.memory_space<semaphore_mem>>) {add = true}
        %dma_wait3A_552 = arith.constant 0 : i32
        %dma_wait3A_553 = tpu.memref_slice %arg14[%dma_wait3A_552] : memref<120192xf32, #tpu.memory_space<vmem_shared>> -> memref<120192xf32, #tpu.memory_space<vmem_shared>>
        tpu.wait_indirect_dma semaphore(%run_scoped3A : memref<!tpu.dma_semaphore, #tpu.memory_space<semaphore_mem>>) src(%arg6 : memref<10000xf32, #tpu.memory_space<vmem>>) dst(%dma_wait3A_553 : memref<120192xf32, #tpu.memory_space<vmem_shared>>)
        tpu.yield
      }) : () -> ()
    } else {
    }
    %dma_wait3A_497 = tpu.memref_slice %arg2[%add3A_429] : memref<6400000xf32, #tpu.memory_space<hbm>> -> memref<10000xf32, #tpu.memory_space<hbm>>
    %dma_wait3A_498 = tpu.memref_slice %arg2[%add3A_429] : memref<6400000xf32, #tpu.memory_space<hbm>> -> memref<10000xf32, #tpu.memory_space<hbm>>
    tpu.wait_dma2 semaphore(%arg17 : memref<!tpu.dma_semaphore, #tpu.memory_space<semaphore_mem>>) src(%dma_wait3A_498 : memref<10000xf32, #tpu.memory_space<hbm>>) dst(%arg7 : memref<10000xf32, #tpu.memory_space<vmem>>)
    %dma_wait3A_499 = tpu.memref_slice %arg3[%add3A_429] : memref<6400000xi32, #tpu.memory_space<hbm>> -> memref<10000xi32, #tpu.memory_space<hbm>>
    %dma_wait3A_500 = tpu.memref_slice %arg3[%add3A_429] : memref<6400000xi32, #tpu.memory_space<hbm>> -> memref<10000xi32, #tpu.memory_space<hbm>>
    tpu.wait_dma2 semaphore(%arg21 : memref<!tpu.dma_semaphore, #tpu.memory_space<semaphore_mem>>) src(%dma_wait3A_500 : memref<10000xi32, #tpu.memory_space<hbm>>) dst(%arg11 : memref<10000xi32, #tpu.memory_space<vmem>>)
    %get3A_501 = arith.constant 9984 : index
    %get3A_502 = tpu.vector_load %arg11[%get3A_501] {strides = array<i32>} : memref<10000xi32, #tpu.memory_space<vmem>>, vector<16xi32>,
    %slice3A_503 = vector.extract_strided_slice %get3A_502 {offsets = [15], sizes = [1], strides = [1]} : vector<16xi32> to vector<1xi32>
    %squeeze3A_504 = vector.extract %slice3A_503[0] : i32 from vector<1xi32>
    %add3A_505 = arith.constant 20000 : i32
    %add3A_506 = arith.addi %mul3A_66, %add3A_505 : i32
    %lt3A_507 = arith.cmpi slt, %squeeze3A_504, %add3A_506 : i32
    %convert_element_type3A_508 = arith.extui %lt3A_507 : i1 to i32
    %cond3A_509 = arith.constant 0 : i32
    %cond3A_510 = arith.cmpi ne, %convert_element_type3A_508, %cond3A_509 : i32
    scf.if %cond3A_510 {
      %scan3A_550 = arith.constant 0 : i32
      %scan3A_551 = arith.constant 0 : i32
      %scan3A_552 = arith.constant 125 : i32
      %scan3A_553 = arith.addi %scan3A_551, %scan3A_552 : i32
      %scan3A_554 = arith.constant 1 : i32
      %scan3A_555 = scf.for %scan3A_557 = %scan3A_551 to %scan3A_553 step %scan3A_554 iter_args(%scan3A_558 = %scan3A_550) -> (i32)  : i32 {
        %mul3A_559 = arith.constant 5 : i32
        %mul3A_560 = arith.muli %scan3A_557, %mul3A_559 : i32
        %add3A_561 = arith.constant 0 : i32
        %add3A_562 = arith.addi %mul3A_560, %add3A_561 : i32
        %add3A_563 = vector.broadcast %add3A_562 : i32 to vector<16xi32>
        %add3A_564 = arith.addi %mul3A_44, %add3A_563 : vector<16xi32>
        %add3A_565 = arith.constant 1 : i32
        %add3A_566 = arith.addi %mul3A_560, %add3A_565 : i32
        %add3A_567 = vector.broadcast %add3A_566 : i32 to vector<16xi32>
        %add3A_568 = arith.addi %mul3A_44, %add3A_567 : vector<16xi32>
        %add3A_569 = arith.constant 2 : i32
        %add3A_570 = arith.addi %mul3A_560, %add3A_569 : i32
        %add3A_571 = vector.broadcast %add3A_570 : i32 to vector<16xi32>
        %add3A_572 = arith.addi %mul3A_44, %add3A_571 : vector<16xi32>
        %add3A_573 = arith.constant 3 : i32
        %add3A_574 = arith.addi %mul3A_560, %add3A_573 : i32
        %add3A_575 = vector.broadcast %add3A_574 : i32 to vector<16xi32>
        %add3A_576 = arith.addi %mul3A_44, %add3A_575 : vector<16xi32>
        %add3A_577 = arith.constant 4 : i32
        %add3A_578 = arith.addi %mul3A_560, %add3A_577 : i32
        %add3A_579 = vector.broadcast %add3A_578 : i32 to vector<16xi32>
        %add3A_580 = arith.addi %mul3A_44, %add3A_579 : vector<16xi32>
        %gather3A = tpu.vector_load_idx %arg7[%add3A_564] : memref<10000xf32, #tpu.memory_space<vmem>>[vector<16xi32>], vector<16xf32>,
        %gather3A_581 = tpu.vector_load_idx %arg7[%add3A_568] : memref<10000xf32, #tpu.memory_space<vmem>>[vector<16xi32>], vector<16xf32>,
        %gather3A_582 = tpu.vector_load_idx %arg7[%add3A_572] : memref<10000xf32, #tpu.memory_space<vmem>>[vector<16xi32>], vector<16xf32>,
        %gather3A_583 = tpu.vector_load_idx %arg7[%add3A_576] : memref<10000xf32, #tpu.memory_space<vmem>>[vector<16xi32>], vector<16xf32>,
        %gather3A_584 = tpu.vector_load_idx %arg7[%add3A_580] : memref<10000xf32, #tpu.memory_space<vmem>>[vector<16xi32>], vector<16xf32>,
        %gather3A_585 = tpu.vector_load_idx %arg11[%add3A_564] : memref<10000xi32, #tpu.memory_space<vmem>>[vector<16xi32>], vector<16xi32>,
        %sub3A_586 = vector.broadcast %mul3A_66 : i32 to vector<16xi32>
        %sub3A_587 = arith.subi %gather3A_585, %sub3A_586 : vector<16xi32>
        %gather3A_588 = tpu.vector_load_idx %arg11[%add3A_568] : memref<10000xi32, #tpu.memory_space<vmem>>[vector<16xi32>], vector<16xi32>,
        %sub3A_589 = vector.broadcast %mul3A_66 : i32 to vector<16xi32>
        %sub3A_590 = arith.subi %gather3A_588, %sub3A_589 : vector<16xi32>
        %gather3A_591 = tpu.vector_load_idx %arg11[%add3A_572] : memref<10000xi32, #tpu.memory_space<vmem>>[vector<16xi32>], vector<16xi32>,
        %sub3A_592 = vector.broadcast %mul3A_66 : i32 to vector<16xi32>
        %sub3A_593 = arith.subi %gather3A_591, %sub3A_592 : vector<16xi32>
        %gather3A_594 = tpu.vector_load_idx %arg11[%add3A_576] : memref<10000xi32, #tpu.memory_space<vmem>>[vector<16xi32>], vector<16xi32>,
        %sub3A_595 = vector.broadcast %mul3A_66 : i32 to vector<16xi32>
        %sub3A_596 = arith.subi %gather3A_594, %sub3A_595 : vector<16xi32>
        %gather3A_597 = tpu.vector_load_idx %arg11[%add3A_580] : memref<10000xi32, #tpu.memory_space<vmem>>[vector<16xi32>], vector<16xi32>,
        %sub3A_598 = vector.broadcast %mul3A_66 : i32 to vector<16xi32>
        %sub3A_599 = arith.subi %gather3A_597, %sub3A_598 : vector<16xi32>
        tpu.vector_store_idx %arg13[%sub3A_587], %gather3A {add = true} : memref<20000xf32, #tpu.memory_space<vmem>>[vector<16xi32>], vector<16xf32>,
        tpu.vector_store_idx %arg13[%sub3A_590], %gather3A_581 {add = true} : memref<20000xf32, #tpu.memory_space<vmem>>[vector<16xi32>], vector<16xf32>,
        tpu.vector_store_idx %arg13[%sub3A_593], %gather3A_582 {add = true} : memref<20000xf32, #tpu.memory_space<vmem>>[vector<16xi32>], vector<16xf32>,
        tpu.vector_store_idx %arg13[%sub3A_596], %gather3A_583 {add = true} : memref<20000xf32, #tpu.memory_space<vmem>>[vector<16xi32>], vector<16xf32>,
        tpu.vector_store_idx %arg13[%sub3A_599], %gather3A_584 {add = true} : memref<20000xf32, #tpu.memory_space<vmem>>[vector<16xi32>], vector<16xf32>,
        %scan3A_600 = arith.constant 0 : i32
        scf.yield %scan3A_600 : i32
      }
      %scan3A_556 = arith.constant 125 : i32
    } else {
    }
    %not3A_511 = arith.constant true
    %not3A_512 = arith.xori %lt3A_507, %not3A_511 : i1
    %convert_element_type3A_513 = arith.extui %not3A_512 : i1 to i32
    %cond3A_514 = arith.constant 0 : i32
    %cond3A_515 = arith.cmpi ne, %convert_element_type3A_513, %cond3A_514 : i32
    scf.if %cond3A_515 {
      "tpu.region"() ({
        %run_scoped3A = tpu.sem_alloc : memref<!tpu.dma_semaphore, #tpu.memory_space<semaphore_mem>>
        %dma_start3A_550 = arith.constant 0 : i32
        %dma_start3A_551 = tpu.memref_slice %arg14[%dma_start3A_550] : memref<120192xf32, #tpu.memory_space<vmem_shared>> -> memref<120192xf32, #tpu.memory_space<vmem_shared>>
        tpu.enqueue_indirect_dma source(%arg7 : memref<10000xf32, #tpu.memory_space<vmem>>) target(%dma_start3A_551 : memref<120192xf32, #tpu.memory_space<vmem_shared>>) offsets(%arg11 : memref<10000xi32, #tpu.memory_space<vmem>>) semaphore(%run_scoped3A : memref<!tpu.dma_semaphore, #tpu.memory_space<semaphore_mem>>) {add = true}
        %dma_wait3A_552 = arith.constant 0 : i32
        %dma_wait3A_553 = tpu.memref_slice %arg14[%dma_wait3A_552] : memref<120192xf32, #tpu.memory_space<vmem_shared>> -> memref<120192xf32, #tpu.memory_space<vmem_shared>>
        tpu.wait_indirect_dma semaphore(%run_scoped3A : memref<!tpu.dma_semaphore, #tpu.memory_space<semaphore_mem>>) src(%arg7 : memref<10000xf32, #tpu.memory_space<vmem>>) dst(%dma_wait3A_553 : memref<120192xf32, #tpu.memory_space<vmem_shared>>)
        tpu.yield
      }) : () -> ()
    } else {
    }
    %dma_wait3A_516 = tpu.memref_slice %arg2[%add3A_454] : memref<6400000xf32, #tpu.memory_space<hbm>> -> memref<10000xf32, #tpu.memory_space<hbm>>
    %dma_wait3A_517 = tpu.memref_slice %arg2[%add3A_454] : memref<6400000xf32, #tpu.memory_space<hbm>> -> memref<10000xf32, #tpu.memory_space<hbm>>
    tpu.wait_dma2 semaphore(%arg18 : memref<!tpu.dma_semaphore, #tpu.memory_space<semaphore_mem>>) src(%dma_wait3A_517 : memref<10000xf32, #tpu.memory_space<hbm>>) dst(%arg8 : memref<10000xf32, #tpu.memory_space<vmem>>)
    %dma_wait3A_518 = tpu.memref_slice %arg3[%add3A_454] : memref<6400000xi32, #tpu.memory_space<hbm>> -> memref<10000xi32, #tpu.memory_space<hbm>>
    %dma_wait3A_519 = tpu.memref_slice %arg3[%add3A_454] : memref<6400000xi32, #tpu.memory_space<hbm>> -> memref<10000xi32, #tpu.memory_space<hbm>>
    tpu.wait_dma2 semaphore(%arg22 : memref<!tpu.dma_semaphore, #tpu.memory_space<semaphore_mem>>) src(%dma_wait3A_519 : memref<10000xi32, #tpu.memory_space<hbm>>) dst(%arg12 : memref<10000xi32, #tpu.memory_space<vmem>>)
    %get3A_520 = arith.constant 9984 : index
    %get3A_521 = tpu.vector_load %arg12[%get3A_520] {strides = array<i32>} : memref<10000xi32, #tpu.memory_space<vmem>>, vector<16xi32>,
    %slice3A_522 = vector.extract_strided_slice %get3A_521 {offsets = [15], sizes = [1], strides = [1]} : vector<16xi32> to vector<1xi32>
    %squeeze3A_523 = vector.extract %slice3A_522[0] : i32 from vector<1xi32>
    %add3A_524 = arith.constant 20000 : i32
    %add3A_525 = arith.addi %mul3A_66, %add3A_524 : i32
    %lt3A_526 = arith.cmpi slt, %squeeze3A_523, %add3A_525 : i32
    %convert_element_type3A_527 = arith.extui %lt3A_526 : i1 to i32
    %cond3A_528 = arith.constant 0 : i32
    %cond3A_529 = arith.cmpi ne, %convert_element_type3A_527, %cond3A_528 : i32
    scf.if %cond3A_529 {
      %scan3A_550 = arith.constant 0 : i32
      %scan3A_551 = arith.constant 0 : i32
      %scan3A_552 = arith.constant 125 : i32
      %scan3A_553 = arith.addi %scan3A_551, %scan3A_552 : i32
      %scan3A_554 = arith.constant 1 : i32
      %scan3A_555 = scf.for %scan3A_557 = %scan3A_551 to %scan3A_553 step %scan3A_554 iter_args(%scan3A_558 = %scan3A_550) -> (i32)  : i32 {
        %mul3A_559 = arith.constant 5 : i32
        %mul3A_560 = arith.muli %scan3A_557, %mul3A_559 : i32
        %add3A_561 = arith.constant 0 : i32
        %add3A_562 = arith.addi %mul3A_560, %add3A_561 : i32
        %add3A_563 = vector.broadcast %add3A_562 : i32 to vector<16xi32>
        %add3A_564 = arith.addi %mul3A_44, %add3A_563 : vector<16xi32>
        %add3A_565 = arith.constant 1 : i32
        %add3A_566 = arith.addi %mul3A_560, %add3A_565 : i32
        %add3A_567 = vector.broadcast %add3A_566 : i32 to vector<16xi32>
        %add3A_568 = arith.addi %mul3A_44, %add3A_567 : vector<16xi32>
        %add3A_569 = arith.constant 2 : i32
        %add3A_570 = arith.addi %mul3A_560, %add3A_569 : i32
        %add3A_571 = vector.broadcast %add3A_570 : i32 to vector<16xi32>
        %add3A_572 = arith.addi %mul3A_44, %add3A_571 : vector<16xi32>
        %add3A_573 = arith.constant 3 : i32
        %add3A_574 = arith.addi %mul3A_560, %add3A_573 : i32
        %add3A_575 = vector.broadcast %add3A_574 : i32 to vector<16xi32>
        %add3A_576 = arith.addi %mul3A_44, %add3A_575 : vector<16xi32>
        %add3A_577 = arith.constant 4 : i32
        %add3A_578 = arith.addi %mul3A_560, %add3A_577 : i32
        %add3A_579 = vector.broadcast %add3A_578 : i32 to vector<16xi32>
        %add3A_580 = arith.addi %mul3A_44, %add3A_579 : vector<16xi32>
        %gather3A = tpu.vector_load_idx %arg8[%add3A_564] : memref<10000xf32, #tpu.memory_space<vmem>>[vector<16xi32>], vector<16xf32>,
        %gather3A_581 = tpu.vector_load_idx %arg8[%add3A_568] : memref<10000xf32, #tpu.memory_space<vmem>>[vector<16xi32>], vector<16xf32>,
        %gather3A_582 = tpu.vector_load_idx %arg8[%add3A_572] : memref<10000xf32, #tpu.memory_space<vmem>>[vector<16xi32>], vector<16xf32>,
        %gather3A_583 = tpu.vector_load_idx %arg8[%add3A_576] : memref<10000xf32, #tpu.memory_space<vmem>>[vector<16xi32>], vector<16xf32>,
        %gather3A_584 = tpu.vector_load_idx %arg8[%add3A_580] : memref<10000xf32, #tpu.memory_space<vmem>>[vector<16xi32>], vector<16xf32>,
        %gather3A_585 = tpu.vector_load_idx %arg12[%add3A_564] : memref<10000xi32, #tpu.memory_space<vmem>>[vector<16xi32>], vector<16xi32>,
        %sub3A_586 = vector.broadcast %mul3A_66 : i32 to vector<16xi32>
        %sub3A_587 = arith.subi %gather3A_585, %sub3A_586 : vector<16xi32>
        %gather3A_588 = tpu.vector_load_idx %arg12[%add3A_568] : memref<10000xi32, #tpu.memory_space<vmem>>[vector<16xi32>], vector<16xi32>,
        %sub3A_589 = vector.broadcast %mul3A_66 : i32 to vector<16xi32>
        %sub3A_590 = arith.subi %gather3A_588, %sub3A_589 : vector<16xi32>
        %gather3A_591 = tpu.vector_load_idx %arg12[%add3A_572] : memref<10000xi32, #tpu.memory_space<vmem>>[vector<16xi32>], vector<16xi32>,
        %sub3A_592 = vector.broadcast %mul3A_66 : i32 to vector<16xi32>
        %sub3A_593 = arith.subi %gather3A_591, %sub3A_592 : vector<16xi32>
        %gather3A_594 = tpu.vector_load_idx %arg12[%add3A_576] : memref<10000xi32, #tpu.memory_space<vmem>>[vector<16xi32>], vector<16xi32>,
        %sub3A_595 = vector.broadcast %mul3A_66 : i32 to vector<16xi32>
        %sub3A_596 = arith.subi %gather3A_594, %sub3A_595 : vector<16xi32>
        %gather3A_597 = tpu.vector_load_idx %arg12[%add3A_580] : memref<10000xi32, #tpu.memory_space<vmem>>[vector<16xi32>], vector<16xi32>,
        %sub3A_598 = vector.broadcast %mul3A_66 : i32 to vector<16xi32>
        %sub3A_599 = arith.subi %gather3A_597, %sub3A_598 : vector<16xi32>
        tpu.vector_store_idx %arg13[%sub3A_587], %gather3A {add = true} : memref<20000xf32, #tpu.memory_space<vmem>>[vector<16xi32>], vector<16xf32>,
        tpu.vector_store_idx %arg13[%sub3A_590], %gather3A_581 {add = true} : memref<20000xf32, #tpu.memory_space<vmem>>[vector<16xi32>], vector<16xf32>,
        tpu.vector_store_idx %arg13[%sub3A_593], %gather3A_582 {add = true} : memref<20000xf32, #tpu.memory_space<vmem>>[vector<16xi32>], vector<16xf32>,
        tpu.vector_store_idx %arg13[%sub3A_596], %gather3A_583 {add = true} : memref<20000xf32, #tpu.memory_space<vmem>>[vector<16xi32>], vector<16xf32>,
        tpu.vector_store_idx %arg13[%sub3A_599], %gather3A_584 {add = true} : memref<20000xf32, #tpu.memory_space<vmem>>[vector<16xi32>], vector<16xf32>,
        %scan3A_600 = arith.constant 0 : i32
        scf.yield %scan3A_600 : i32
      }
      %scan3A_556 = arith.constant 125 : i32
    } else {
    }
    %not3A_530 = arith.constant true
    %not3A_531 = arith.xori %lt3A_526, %not3A_530 : i1
    %convert_element_type3A_532 = arith.extui %not3A_531 : i1 to i32
    %cond3A_533 = arith.constant 0 : i32
    %cond3A_534 = arith.cmpi ne, %convert_element_type3A_532, %cond3A_533 : i32
    scf.if %cond3A_534 {
      "tpu.region"() ({
        %run_scoped3A = tpu.sem_alloc : memref<!tpu.dma_semaphore, #tpu.memory_space<semaphore_mem>>
        %dma_start3A_550 = arith.constant 0 : i32
        %dma_start3A_551 = tpu.memref_slice %arg14[%dma_start3A_550] : memref<120192xf32, #tpu.memory_space<vmem_shared>> -> memref<120192xf32, #tpu.memory_space<vmem_shared>>
        tpu.enqueue_indirect_dma source(%arg8 : memref<10000xf32, #tpu.memory_space<vmem>>) target(%dma_start3A_551 : memref<120192xf32, #tpu.memory_space<vmem_shared>>) offsets(%arg12 : memref<10000xi32, #tpu.memory_space<vmem>>) semaphore(%run_scoped3A : memref<!tpu.dma_semaphore, #tpu.memory_space<semaphore_mem>>) {add = true}
        %dma_wait3A_552 = arith.constant 0 : i32
        %dma_wait3A_553 = tpu.memref_slice %arg14[%dma_wait3A_552] : memref<120192xf32, #tpu.memory_space<vmem_shared>> -> memref<120192xf32, #tpu.memory_space<vmem_shared>>
        tpu.wait_indirect_dma semaphore(%run_scoped3A : memref<!tpu.dma_semaphore, #tpu.memory_space<semaphore_mem>>) src(%arg8 : memref<10000xf32, #tpu.memory_space<vmem>>) dst(%dma_wait3A_553 : memref<120192xf32, #tpu.memory_space<vmem_shared>>)
        tpu.yield
      }) : () -> ()
    } else {
    }
    %scan3A_535 = arith.constant 0 : i32
    %scan3A_536 = arith.constant 0 : i32
    %scan3A_537 = arith.constant 625 : i32
    %scan3A_538 = arith.addi %scan3A_536, %scan3A_537 : i32
    %scan3A_539 = arith.constant 1 : i32
    %scan3A_540 = scf.for %scan3A_550 = %scan3A_536 to %scan3A_538 step %scan3A_539 iter_args(%scan3A_551 = %scan3A_535) -> (i32)  : i32 {
      %iota3A_552 = tpu.iota {dimensions = array<i32: 0>} : vector<16xi32>
      %add3A_553 = vector.broadcast %mul3A_66 : i32 to vector<16xi32>
      %add3A_554 = arith.addi %iota3A_552, %add3A_553 : vector<16xi32>
      %mul3A_555 = arith.constant 16 : i32
      %mul3A_556 = arith.muli %scan3A_550, %mul3A_555 : i32
      %add3A_557 = vector.broadcast %mul3A_556 : i32 to vector<16xi32>
      %add3A_558 = arith.addi %add3A_554, %add3A_557 : vector<16xi32>
      %mul3A_559 = arith.constant 16 : i32
      %mul3A_560 = arith.muli %scan3A_550, %mul3A_559 : i32
      %swap3A = arith.index_cast %mul3A_560 : i32 to index
      %swap3A_561 = tpu.vector_load %arg9[%swap3A] {strides = array<i32>} : memref<10000xi32, #tpu.memory_space<vmem>>, vector<16xi32>,
      tpu.vector_store %arg9[%swap3A], %add3A_558 {strides = array<i32>} : memref<10000xi32, #tpu.memory_space<vmem>>, vector<16xi32>,
      %add3A_562 = arith.constant 10000 : i32
      %add3A_563 = vector.broadcast %add3A_562 : i32 to vector<16xi32>
      %add3A_564 = arith.addi %add3A_558, %add3A_563 : vector<16xi32>
      %mul3A_565 = arith.constant 16 : i32
      %mul3A_566 = arith.muli %scan3A_550, %mul3A_565 : i32
      %swap3A_567 = arith.index_cast %mul3A_566 : i32 to index
      %swap3A_568 = tpu.vector_load %arg10[%swap3A_567] {strides = array<i32>} : memref<10000xi32, #tpu.memory_space<vmem>>, vector<16xi32>,
      tpu.vector_store %arg10[%swap3A_567], %add3A_564 {strides = array<i32>} : memref<10000xi32, #tpu.memory_space<vmem>>, vector<16xi32>,
      %scan3A_569 = arith.constant 0 : i32
      scf.yield %scan3A_569 : i32
    }
    %scan3A_541 = arith.constant 625 : i32
    "tpu.region"() ({
      %run_scoped3A = tpu.sem_alloc : memref<!tpu.dma_semaphore, #tpu.memory_space<semaphore_mem>>
      %dma_start3A_550 = arith.constant 0 : i32
      %dma_start3A_551 = tpu.memref_slice %arg13[%dma_start3A_550] : memref<20000xf32, #tpu.memory_space<vmem>> -> memref<10000xf32, #tpu.memory_space<vmem>>
      %dma_start3A_552 = arith.constant 0 : i32
      %dma_start3A_553 = tpu.memref_slice %arg14[%dma_start3A_552] : memref<120192xf32, #tpu.memory_space<vmem_shared>> -> memref<120192xf32, #tpu.memory_space<vmem_shared>>
      tpu.enqueue_indirect_dma source(%dma_start3A_551 : memref<10000xf32, #tpu.memory_space<vmem>>) target(%dma_start3A_553 : memref<120192xf32, #tpu.memory_space<vmem_shared>>) offsets(%arg9 : memref<10000xi32, #tpu.memory_space<vmem>>) semaphore(%run_scoped3A : memref<!tpu.dma_semaphore, #tpu.memory_space<semaphore_mem>>) {add = true}
      %dma_wait3A_554 = arith.constant 0 : i32
      %dma_wait3A_555 = tpu.memref_slice %arg13[%dma_wait3A_554] : memref<20000xf32, #tpu.memory_space<vmem>> -> memref<10000xf32, #tpu.memory_space<vmem>>
      %dma_wait3A_556 = arith.constant 0 : i32
      %dma_wait3A_557 = tpu.memref_slice %arg14[%dma_wait3A_556] : memref<120192xf32, #tpu.memory_space<vmem_shared>> -> memref<120192xf32, #tpu.memory_space<vmem_shared>>
      tpu.wait_indirect_dma semaphore(%run_scoped3A : memref<!tpu.dma_semaphore, #tpu.memory_space<semaphore_mem>>) src(%dma_wait3A_555 : memref<10000xf32, #tpu.memory_space<vmem>>) dst(%dma_wait3A_557 : memref<120192xf32, #tpu.memory_space<vmem_shared>>)
      tpu.yield
    }) : () -> ()
    "tpu.region"() ({
      %run_scoped3A = tpu.sem_alloc : memref<!tpu.dma_semaphore, #tpu.memory_space<semaphore_mem>>
      %dma_start3A_550 = arith.constant 10000 : i32
      %dma_start3A_551 = tpu.memref_slice %arg13[%dma_start3A_550] : memref<20000xf32, #tpu.memory_space<vmem>> -> memref<10000xf32, #tpu.memory_space<vmem>>
      %dma_start3A_552 = arith.constant 0 : i32
      %dma_start3A_553 = tpu.memref_slice %arg14[%dma_start3A_552] : memref<120192xf32, #tpu.memory_space<vmem_shared>> -> memref<120192xf32, #tpu.memory_space<vmem_shared>>
      tpu.enqueue_indirect_dma source(%dma_start3A_551 : memref<10000xf32, #tpu.memory_space<vmem>>) target(%dma_start3A_553 : memref<120192xf32, #tpu.memory_space<vmem_shared>>) offsets(%arg10 : memref<10000xi32, #tpu.memory_space<vmem>>) semaphore(%run_scoped3A : memref<!tpu.dma_semaphore, #tpu.memory_space<semaphore_mem>>) {add = true}
      %dma_wait3A_554 = arith.constant 10000 : i32
      %dma_wait3A_555 = tpu.memref_slice %arg13[%dma_wait3A_554] : memref<20000xf32, #tpu.memory_space<vmem>> -> memref<10000xf32, #tpu.memory_space<vmem>>
      %dma_wait3A_556 = arith.constant 0 : i32
      %dma_wait3A_557 = tpu.memref_slice %arg14[%dma_wait3A_556] : memref<120192xf32, #tpu.memory_space<vmem_shared>> -> memref<120192xf32, #tpu.memory_space<vmem_shared>>
      tpu.wait_indirect_dma semaphore(%run_scoped3A : memref<!tpu.dma_semaphore, #tpu.memory_space<semaphore_mem>>) src(%dma_wait3A_555 : memref<10000xf32, #tpu.memory_space<vmem>>) dst(%dma_wait3A_557 : memref<120192xf32, #tpu.memory_space<vmem_shared>>)
      tpu.yield
    }) : () -> ()
    %barrier3A_542 = arith.constant 0 : index
    tpu.barrier barrier_id(%barrier3A_542)
    %mul3A_543 = arith.constant 7512 : i32
    %mul3A_544 = arith.muli %arg1, %mul3A_543 : i32
    "tpu.region"() ({
      %run_scoped3A = tpu.sem_alloc : memref<!tpu.dma_semaphore, #tpu.memory_space<semaphore_mem>>
      %dma_start3A_550 = arith.constant 0 : i32
      %dma_start3A_551 = tpu.memref_slice %arg5[%dma_start3A_550] : memref<10000xf32, #tpu.memory_space<vmem>> -> memref<7512xf32, #tpu.memory_space<vmem>>
      %dma_start3A_552 = tpu.memref_slice %arg14[%mul3A_544] : memref<120192xf32, #tpu.memory_space<vmem_shared>> -> memref<7512xf32, #tpu.memory_space<vmem_shared>>
      %dma_start3A_553 = arith.constant 0 : i32
      %dma_start3A_554 = tpu.memref_slice %arg5[%dma_start3A_553] : memref<10000xf32, #tpu.memory_space<vmem>> -> memref<7512xf32, #tpu.memory_space<vmem>>
      %dma_start3A_555 = tpu.memref_slice %arg14[%mul3A_544] : memref<120192xf32, #tpu.memory_space<vmem_shared>> -> memref<7512xf32, #tpu.memory_space<vmem_shared>>
      tpu.enqueue_dma source(%dma_start3A_555 : memref<7512xf32, #tpu.memory_space<vmem_shared>>) target(%dma_start3A_554 : memref<7512xf32, #tpu.memory_space<vmem>>) target_semaphore(%run_scoped3A : memref<!tpu.dma_semaphore, #tpu.memory_space<semaphore_mem>>)
      %dma_wait3A_556 = arith.constant 0 : i32
      %dma_wait3A_557 = tpu.memref_slice %arg5[%dma_wait3A_556] : memref<10000xf32, #tpu.memory_space<vmem>> -> memref<7512xf32, #tpu.memory_space<vmem>>
      %dma_wait3A_558 = tpu.memref_slice %arg14[%mul3A_544] : memref<120192xf32, #tpu.memory_space<vmem_shared>> -> memref<7512xf32, #tpu.memory_space<vmem_shared>>
      %dma_wait3A_559 = arith.constant 0 : i32
      %dma_wait3A_560 = tpu.memref_slice %arg5[%dma_wait3A_559] : memref<10000xf32, #tpu.memory_space<vmem>> -> memref<7512xf32, #tpu.memory_space<vmem>>
      %dma_wait3A_561 = tpu.memref_slice %arg14[%mul3A_544] : memref<120192xf32, #tpu.memory_space<vmem_shared>> -> memref<7512xf32, #tpu.memory_space<vmem_shared>>
      tpu.wait_dma2 semaphore(%run_scoped3A : memref<!tpu.dma_semaphore, #tpu.memory_space<semaphore_mem>>) src(%dma_wait3A_561 : memref<7512xf32, #tpu.memory_space<vmem_shared>>) dst(%dma_wait3A_560 : memref<7512xf32, #tpu.memory_space<vmem>>)
      tpu.yield
    }) : () -> ()
    %mul3A_545 = arith.constant 120192 : i32
    %mul3A_546 = arith.muli %arg0, %mul3A_545 : i32
    %mul3A_547 = arith.constant 7512 : i32
    %mul3A_548 = arith.muli %arg1, %mul3A_547 : i32
    %add3A_549 = arith.addi %mul3A_546, %mul3A_548 : i32
    "tpu.region"() ({
      %run_scoped3A = tpu.sem_alloc : memref<!tpu.dma_semaphore, #tpu.memory_space<semaphore_mem>>
      %dma_start3A_550 = arith.constant 0 : i32
      %dma_start3A_551 = tpu.memref_slice %arg5[%dma_start3A_550] : memref<10000xf32, #tpu.memory_space<vmem>> -> memref<7512xf32, #tpu.memory_space<vmem>>
      %dma_start3A_552 = tpu.memref_slice %arg4[%add3A_549] : memref<240384xf32, #tpu.memory_space<hbm>> -> memref<7512xf32, #tpu.memory_space<hbm>>
      %dma_start3A_553 = tpu.memref_slice %arg4[%add3A_549] : memref<240384xf32, #tpu.memory_space<hbm>> -> memref<7512xf32, #tpu.memory_space<hbm>>
      %dma_start3A_554 = arith.constant 0 : i32
      %dma_start3A_555 = tpu.memref_slice %arg5[%dma_start3A_554] : memref<10000xf32, #tpu.memory_space<vmem>> -> memref<7512xf32, #tpu.memory_space<vmem>>
      tpu.enqueue_dma source(%dma_start3A_555 : memref<7512xf32, #tpu.memory_space<vmem>>) target(%dma_start3A_553 : memref<7512xf32, #tpu.memory_space<hbm>>) target_semaphore(%run_scoped3A : memref<!tpu.dma_semaphore, #tpu.memory_space<semaphore_mem>>)
      %dma_wait3A_556 = arith.constant 0 : i32
      %dma_wait3A_557 = tpu.memref_slice %arg5[%dma_wait3A_556] : memref<10000xf32, #tpu.memory_space<vmem>> -> memref<7512xf32, #tpu.memory_space<vmem>>
      %dma_wait3A_558 = tpu.memref_slice %arg4[%add3A_549] : memref<240384xf32, #tpu.memory_space<hbm>> -> memref<7512xf32, #tpu.memory_space<hbm>>
      %dma_wait3A_559 = tpu.memref_slice %arg4[%add3A_549] : memref<240384xf32, #tpu.memory_space<hbm>> -> memref<7512xf32, #tpu.memory_space<hbm>>
      %dma_wait3A_560 = arith.constant 0 : i32
      %dma_wait3A_561 = tpu.memref_slice %arg5[%dma_wait3A_560] : memref<10000xf32, #tpu.memory_space<vmem>> -> memref<7512xf32, #tpu.memory_space<vmem>>
      tpu.wait_dma2 semaphore(%run_scoped3A : memref<!tpu.dma_semaphore, #tpu.memory_space<semaphore_mem>>) src(%dma_wait3A_561 : memref<7512xf32, #tpu.memory_space<vmem>>) dst(%dma_wait3A_559 : memref<7512xf32, #tpu.memory_space<hbm>>)
      tpu.yield
    }) : () -> ()
    return
  }
}

module attributes {stable_mosaic.version = 14 : i64} {
  func.func @_combine_body(%arg0: memref<240384xf32, #tpu.memory_space<vmem>>, %arg1: memref<100096xf32, #tpu.memory_space<vmem>>) attributes {dimension_semantics = [], scalar_prefetch = 0 : i64, scratch_operands = 0 : i64, tpu.core_type = #tpu.core_type<tc>} {
    %get3A = arith.constant 0 : index
    %get3A_0 = vector.load %arg0[%get3A] : memref<240384xf32, #tpu.memory_space<vmem>>, vector<100096xf32>
    %get3A_1 = arith.constant 120192 : index
    %get3A_2 = vector.load %arg0[%get3A_1] : memref<240384xf32, #tpu.memory_space<vmem>>, vector<100096xf32>
    %add3A = arith.addf %get3A_0, %get3A_2 : vector<100096xf32>
    %swap3A = arith.constant 0 : index
    %swap3A_3 = vector.load %arg1[%swap3A] : memref<100096xf32, #tpu.memory_space<vmem>>, vector<100096xf32>
    tpu.vector_store %arg1[%swap3A], %add3A {strides = array<i32>} : memref<100096xf32, #tpu.memory_space<vmem>>, vector<100096xf32>,
    return
  }
}

</mosaic_0001>

<sc_bundles>
// kernel: kernel.4.cloned.1.call-start
scs
__scs_entry_jumppad:
0x0: {  	(pc) =	sbr.rel $0x88, $3  }
0x1: {  	(tag) =	ssettag $0x0;
	lr =	simm.s32 $0x1  }
0x2: {  	[smem:$0x3F9F] =	sst lr;
	_ =	strace $0xD0000000  }
0x3: {  	_ = 	snop  }
0x4: {  	_ = 	snop  }
0x5: {  	_ = 	snop  }
0x6: {  	_ = 	snop  }
0x7: {  	_ = 	snop  }
__scs_overlays_trampoline_lowered:
0x8: {  	[smem:$0x3FAE] =	sst s0  }
0x9: {  	[smem:$0x3FAF] =	sst s1  }
0xa: {  	[smem:$0x3FB0] =	sst s2  }
0xb: {  	[smem:$0x3FB1] =	sst s3  }
0xc: {  	[smem:$0x3FB2] =	sst s4  }
0xd: {  	[smem:$0x3FB3] =	sst s5  }
0xe: {  	[smem:$0x3FB4] =	sst s6  }
0xf: {  	[smem:$0x3FB5] =	sst s7  }
0x10: {  	[smem:$0x3FB6] =	sst s8  }
0x11: {  	[smem:$0x3FB7] =	sst s9;
	s0 =	simm.s32 @!p0 $0x0  }
0x12: {  	s1 =	sld [smem:$0x3F9D];
	s0 =	simm.s32 @p0 $0x1  }
0x13: {  	[smem:$0x3FB8] =	sst s0;
	s0 =	simm.s32 @!p1 $0x0  }
0x14: {  	s2 =	sld [smem:$0x3F9C];
	s0 =	simm.s32 @p1 $0x1  }
0x15: {  	[smem:$0x3FB9] =	sst s0;
	s0 =	simm.s32 @!p2 $0x0  }
0x16: {  	s3 =	sld [smem:$0x3FDB];
	s0 =	simm.s32 @p2 $0x1  }
0x17: {  	s4 =	simm.s32 $0x1BF5;
	[smem:$0x3FBB] =	sst s0  }
0x18: {  	s0 =	sld [smem:$0x3F9E];
	_ =	swait.ge [sflag:s4], $0x0  }
0x19: {  	s7 =	sld [smem:$0x3F9F]  }
0x1a: {  	s8 =	sadd.s32 $0xFFFFE003, lr  }
0x1b: {  	s9 =	sadd.s32 $0xFFFFFEF7, lr;
	s5 =	simm.s32 $0xFFFFFFFF;
	p2 =	slt.u32 s8, $0xFFFFF086  }
0x1c: {  	p1 =	slt.u32 s9, $0xF7A;
	s5 =	simm.s32 @!p2 $0x0  }
0x1d: {  	s5 =	simm.s32 @p1 $0x1;
	p0 =	seq.s32 s7, s2  }
0x1e: {  	s7 =	smul.u32 @!p0 $0xF7A, s2;
	p2 =	seq.s32 @!p0 s5, $0x0  }
0x1f: {  	s9 =	smul.u32 $0xF7A, s1;
	s8 =	simm.s32 @!p0 $0x1BF5;
	p2 =	por !p2, p0  }
0x20: {  	[sflag:s8] =	ssyncset.s32 @!p0 $0xFFFFF086;
	s6 =	sadd.s32 @!p0 s3, s7;
	s7 =	simm.s32 @!p0 $0x108  }
0x21: {  	s3 =	sadd.s32 s3, s9;
	s6 =	sadd.s32 @!p0 $0x88, s6;
	s7 =	simm.s32 @p2 $0x1082  }
0x22: {  	[simem:s7], [sflag:s8] =	dma.local @!p0 [hbm:s6], $0xF7A  }
0x23: {  	s9 =	sor.u32 $0xD0000000, s2;
	s6 =	simm.s32 $0x108;
	_ =	swait.ge @!p0 [sflag:s8], $0x0  }
0x24: {  	s3 =	sadd.s32 $0x88, s3;
	s6 =	simm.s32 @!p1 $0x1082;
	[sflag:s4] =	ssyncset.s32 $0xFFFFF086  }
0x25: {  	[simem:s6], [sflag:s4] =	dma.local [hbm:s3], $0xF7A  }
0x26: {  	[smem:$0x3F9F] =	sst s1;
	(tag) =	ssettag s2;
	_ =	strace s9  }
0x27: {  	s1 =	sld [smem:$0x3FAF]  }
0x28: {  	s2 =	sld [smem:$0x3FB0]  }
0x29: {  	s4 =	sld [smem:$0x3FB2]  }
0x2a: {  	p0 =	seq.s32 s5, $0x0;
	s5 =	sld [smem:$0x3FB3]  }
0x2b: {  	s6 =	sld [smem:$0x3FB4]  }
0x2c: {  	s7 =	sld [smem:$0x3FB5]  }
0x2d: {  	s3 =	simm.s32 $0x108;
	s8 =	sld [smem:$0x3FB6]  }
0x2e: {  	s3 =	simm.s32 @!p0 $0x1082;
	s9 =	sld [smem:$0x3FB7]  }
0x2f: {  	lr =	sadd.s32 s0, s3;
	s0 =	sld [smem:$0x3FAE]  }
0x30: {  	s3 =	sld [smem:$0x3FB1]  }
0x31: {  	[smem:$0x3FBA] =	sst s10  }
0x32: {  	s10 =	sld [smem:$0x3FB8];
	_ =	sdelay $0x3  }
0x33: {  	p0 =	seq.s32 s10, $0x1;
	s10 =	sld [smem:$0x3FBA];
	_ =	sdelay $0x3  }
0x34: {  	[smem:$0x3FBA] =	sst s10  }
0x35: {  	s10 =	sld [smem:$0x3FB9];
	_ =	sdelay $0x3  }
0x36: {  	p1 =	seq.s32 s10, $0x1;
	s10 =	sld [smem:$0x3FBA];
	_ =	sdelay $0x3  }
0x37: {  	[smem:$0x3FBA] =	sst s10  }
0x38: {  	s10 =	sld [smem:$0x3FBB]  }
0x39: {  	_ = 	snop;
	(pc) =	sbr.ind lr, $3  }
0x3a: {  	_ = 	snop  }
0x3b: {  	_ = 	snop  }
0x3c: {  	p2 =	seq.s32 s10, $0x1;
	s10 =	sld [smem:$0x3FBA]  }
0x3d: {  	_ =	shalt  }
0x3e: {  	_ =	shalt  }
0x3f: {  	_ =	shalt  }
0x40: {  	_ =	shalt  }
0x41: {  	_ =	shalt  }
0x42: {  	_ =	shalt  }
0x43: {  	_ =	shalt  }
0x44: {  	_ =	shalt  }
0x45: {  	_ =	shalt  }
0x46: {  	_ =	shalt  }
0x47: {  	_ =	shalt  }
0x48: {  	_ =	shalt  }
0x49: {  	_ =	shalt  }
0x4a: {  	_ =	shalt  }
0x4b: {  	_ =	shalt  }
0x4c: {  	_ =	shalt  }
0x4d: {  	_ =	shalt  }
0x4e: {  	_ =	shalt  }
0x4f: {  	_ =	shalt  }
0x50: {  	_ =	shalt  }
0x51: {  	_ =	shalt  }
0x52: {  	_ =	shalt  }
0x53: {  	_ =	shalt  }
0x54: {  	_ =	shalt  }
0x55: {  	_ =	shalt  }
0x56: {  	_ =	shalt  }
0x57: {  	_ =	shalt  }
0x58: {  	_ =	shalt  }
0x59: {  	_ =	shalt  }
0x5a: {  	_ =	shalt  }
0x5b: {  	_ =	shalt  }
0x5c: {  	_ =	shalt  }
0x5d: {  	_ =	shalt  }
0x5e: {  	_ =	shalt  }
0x5f: {  	_ =	shalt  }
0x60: {  	_ =	shalt  }
0x61: {  	_ =	shalt  }
0x62: {  	_ =	shalt  }
0x63: {  	_ =	shalt  }
0x64: {  	_ =	shalt  }
0x65: {  	_ =	shalt  }
0x66: {  	_ =	shalt  }
0x67: {  	_ =	shalt  }
0x68: {  	_ =	shalt  }
0x69: {  	_ =	shalt  }
0x6a: {  	_ =	shalt  }
0x6b: {  	_ =	shalt  }
0x6c: {  	_ =	shalt  }
0x6d: {  	_ =	shalt  }
0x6e: {  	_ =	shalt  }
0x6f: {  	_ =	shalt  }
0x70: {  	_ =	shalt  }
0x71: {  	_ =	shalt  }
0x72: {  	_ =	shalt  }
0x73: {  	_ =	shalt  }
0x74: {  	_ =	shalt  }
0x75: {  	_ =	shalt  }
0x76: {  	_ =	shalt  }
0x77: {  	_ =	shalt  }
0x78: {  	_ =	shalt  }
0x79: {  	_ =	shalt  }
0x7a: {  	_ =	shalt  }
0x7b: {  	_ =	shalt  }
0x7c: {  	_ =	shalt  }
0x7d: {  	_ =	shalt  }
0x7e: {  	_ =	shalt  }
0x7f: {  	_ =	shalt  }
0x80: {  	_ =	shalt  }
0x81: {  	_ =	shalt  }
0x82: {  	_ =	shalt  }
0x83: {  	_ =	shalt  }
0x84: {  	_ =	shalt  }
0x85: {  	_ =	shalt  }
0x86: {  	_ =	shalt  }
0x87: {  	_ =	shalt  }
.Lfunc_end0:
.L_simem_size_0:
called_computation_lowered:
.L_overlay_start_0:
0x88: {  	s2 =	sld [smem:$0x3FD9]  }
0x89: {  	s3 =	sld [smem:$0x3FFE];
	_ =	sdelay $0x1  }
0x8a: {  	s1 =	srdreg.scid  }
0x8b: {  	s0 =	sand.u32 $0x1, s1  }
0x8c: {  	s17 =	sshll.u32 s0, $0xA;
	s2 =	sadd.s32 s3, s2  }
0x8d: {  	s2 =	sadd.s32 s2, s17  }
0x8e: {  	[smem:$0x3FC6] =	sst s2  }
0x8f: {  	_ = 	snop  }
0x90: {  	s2 =	sld [smem:$0x3FC9]  }
0x91: {  	s18 =	sld [smem:$0x3FC8];
	(tm) =	ssettm $0x1  }
0x92: {  	s4 =	sld [smem:$0x3FFB];
	_ =	sdelay $0x3  }
0x93: {  	_ =	strace s4  }
0x94: {  	s4 =	sld [smem:$0x3FFC];
	_ =	sdelay $0x3  }
0x95: {  	_ =	strace s4  }
0x96: {  	s4 =	sld [smem:$0x3FFD];
	_ =	sdelay $0x3  }
0x97: {  	_ =	strace s4  }
0x98: {  	_ =	strace $0x8FFFFFFF  }
0x99: {  	s19 =	sld [smem:$0x3FDB];
	_ =	sdelay $0x1  }
0x9a: {  	s5 =	simm.s32 $_scs_section_size  }
0x9b: {  	s6 =	simm.s32 $_size__tile_overlayer_lowered;
	s7 =	simm.s32 $_tile_overlayer_lowered  }
0x9c: {  	s22 =	simm.s32 $0x1BFF;
	s21 =	sshll.u32 s7, $0x1;
	s4 =	sadd.s32 s5, s19  }
0x9d: {  	s8 =	simm.s32 $0x0;
	s20 =	sshll.u32 s6, $0x1;
	s6 =	sadd.s32 s21, s4  }
0x9e: {  	[timem:s8], [sflag:s22] =	dma.local [hbm:s6], s20  }
0x9f: {  	_ =	swait.ge [sflag:s22], s20  }
0xa0: {  	s5 =	ssub.s32 $0x0, s20;
	[sflag:s22] =	ssyncset.done $0x0  }
0xa1: {  	[sflag:s22] =	ssyncadd.s32 s5;
	_ =	sdelay $0x1  }
0xa2: {  	s23 =	simm.s32 $0x1B8B  }
0xa3: {  	_ =	swait.ge [sflag:s23], $0x1  }
0xa4: {  	[sflag:s23] =	ssyncset.done $0x0  }
0xa5: {  	s25 =	simm.s32 $0x1B8E;
	s24 =	sld [smem:$0x3FFE];
	[sflag:s23] =	ssyncadd.s32 $0xFFFFFFFF  }
0xa6: {  	s26 =	simm.s32 $execute0_lowered;
	[smem:$0x3FD2] =	sst s25  }
0xa7: {  	s6 =	sshll.u32 s26, $0x1;
	_ =	strace $0x80000046;
	[dreg:$0x1] =	wrdreg $0xFFFFFFFF  }
0xa8: {  	s28 =	simm.s32 $_size_execute0_lowered;
	s4 =	sadd.s32 s4, s6;
	[dreg:$0x0] =	wrdreg $0x0  }
0xa9: {  	s6 =	sshll.u32 s28, $0x1;
	[dreg:$0x2] =	wrdreg s4  }
0xaa: {  	[dreg:$0x3] =	wrdreg s6  }
0xab: {  	[dreg:$0x4] =	wrdreg $0xC0  }
0xac: {  	_ =	task [dreg:s8], $0x5FFFF  }
0xad: {  	[dreg:$0x1] =	wrdreg $0xFFFFFFFF  }
0xae: {  	[dreg:$0x0] =	wrdreg $0x60  }
0xaf: {  	[dreg:$0x2] =	wrdreg s2  }
0xb0: {  	[dreg:$0x3] =	wrdreg s18  }
0xb1: {  	[dreg:$0x4] =	wrdreg s24  }
0xb2: {  	[dreg:$0x5] =	wrdreg $0x18A800  }
0xb3: {  	[dreg:$0x6] =	wrdreg $0x9  }
0xb4: {  	_ =	task.clear_ibuf [dreg:s8], $0x7FFFF;
	_ =	strace $0x90000046  }
0xb5: {  	s29 =	simm.s32 $0x9;
	_ =	strace $0x80000048  }
0xb6: {  	_ =	swait.ge [sflag:s29], $0x1  }
0xb7: {  	[sflag:s29] =	ssyncadd.s32 $0xFFFFFFFF  }
0xb8: {  	_ =	strace $0x90000048  }
0xb9: {  	_ =	sfence  }
0xba: {  	s30 =	sld [smem:$0x0];
	_ =	sdelay $0x2  }
0xbb: {  	s31 =	sshll.u32 s1, $0xD;
	s1 =	sshrl.u32 s1, $0x2  }
0xbc: {  	s3 =	sand.u32 $0x4000, s31;
	s1 =	sadd.s32 s1, s30  }
0xbd: {  	s0 =	sor.u32 s3, s0;
	s1 =	sshll.u32 s1, $0x11  }
0xbe: {  	s0 =	sor.u32 s1, s0  }
0xbf: {  	s0 =	sadd.s32 $0x8F2B, s0  }
0xc0: {  	[sflag:s0] =	ssyncadd.remote.s32 $0x1  }
0xc1: {  	_ =	sfence.sel $0xFFFF  }
0xc2: {  	[dreg:$0x0] =	wrdreg $0xFFFFFFFF;
	(pc) =	sbr.abs _section_cstart, $3  }
0xc3: {  	[dreg:$0x1] =	wrdreg $0xFFFFFFFF  }
0xc4: {  	_ =	task.clear_ibuf [dreg:s8], $0x2FFFF;
	_ =	strace $0x9FFFFFFF  }
0xc5: {  	(tm) =	ssettm $0x7FFFFFFF  }
tec
execute0_lowered:
.L_overlay_start_1:
0x0: {  	(tag) =	ssettag $0x1  }
0x1: {  	s1 =	srdreg.scid;
	s3 =	stileid.u32  }
0x2: {  	s4 =	sand.u32 $0x1, s1;
	s2 =	smul.u32 $0x1D58, s3;
	s22 =	sshll.u32 s3, $0x1  }
0x3: {  	s0 =	rddreg [dreg:$0x0];
	s5 =	smul.u32 $0x1D580, s4;
	s6 =	sor.u32 s4, s22  }
0x4: {  	s7 =	rddreg [dreg:$0x2];
	s6 =	smul.u32 $0x30D40, s6  }
0x5: {  	s3 =	rddreg [dreg:$0x1];
	s1 =	simm.s32 $0x0  }
0x6: {  	[smem:$0x7FF] =	sst s1;
	s5 =	sadd.s32 s2, s5;
	s6 =	sshrl.u32 s6, $0x3  }
0x7: {  	s8 =	ssub.s32 $0x2, s4;
	s23 =	sshrl.u32 s5, $0x3;
	s25 =	sadd.s32 $0x4E2, s6  }
0x8: {  	s24 =	sshrl.u32 s8, $0x1;
	s4 =	sadd.s32 s23, s7;
	s26 =	sadd.s32 s0, s25  }
0x9: {  	s9 =	sadd.s32 $0x9C4, s6;
	s7 =	sadd.s32 s3, s25;
	[dreg:$0x5] =	wrdreg s26  }
0xa: {  	s11 =	sadd.s32 $0xEA6, s6;
	s10 =	sadd.s32 s0, s9;
	[dreg:$0x6] =	wrdreg s7  }
0xb: {  	s13 =	sadd.s32 $0x1388, s6;
	s12 =	sadd.s32 s0, s11;
	[dreg:$0x7] =	wrdreg s10  }
0xc: {  	s15 =	sadd.s32 $0x186A, s6;
	s14 =	sadd.s32 s0, s13;
	[dreg:$0x9] =	wrdreg s12  }
0xd: {  	s17 =	sadd.s32 $0x1D4C, s6;
	s16 =	sadd.s32 s0, s15;
	[dreg:$0xb] =	wrdreg s14  }
0xe: {  	s19 =	sadd.s32 $0x222E, s6;
	s18 =	sadd.s32 s0, s17;
	[dreg:$0xd] =	wrdreg s16  }
0xf: {  	s21 =	sadd.s32 $0x2710, s6;
	s20 =	sadd.s32 s0, s19;
	[dreg:$0xf] =	wrdreg s18  }
0x10: {  	s23 =	sadd.s32 $0x2BF2, s6;
	s22 =	sadd.s32 s0, s21;
	[dreg:$0x11] =	wrdreg s20  }
0x11: {  	s5 =	ssub.s32 s8, s24;
	s24 =	sadd.s32 s0, s23;
	[dreg:$0x13] =	wrdreg s22  }
0x12: {  	s25 =	sadd.s32 $0x30D4, s6;
	s7 =	sadd.s32 s3, s9;
	[dreg:$0x15] =	wrdreg s24  }
0x13: {  	s28 =	simm.s32 $0x2;
	s26 =	sadd.s32 s0, s25;
	[dreg:$0x8] =	wrdreg s7  }
0x14: {  	s9 =	sadd.s32 $0x35B6, s6;
	s7 =	sadd.s32 s3, s11;
	[dreg:$0x17] =	wrdreg s26  }
0x15: {  	s29 =	simm.s32 $0x6;
	s10 =	sadd.s32 s0, s9;
	[dreg:$0xa] =	wrdreg s7  }
0x16: {  	s30 =	simm.s32 $0x3;
	s26 =	sadd.s32 s3, s6;
	[dreg:$0x19] =	wrdreg s10  }
0x17: {  	s31 =	simm.s32 $0x7;
	s11 =	sadd.s32 $0x3A98, s6;
	[smem:$0x7FD] =	sst s26  }
0x18: {  	s7 =	sadd.s32 s3, s13;
	s12 =	sadd.s32 s0, s11;
	s10 =	rddreg [dreg:$0x3]  }
0x19: {  	s13 =	sadd.s32 $0x3F7A, s6;
	s26 =	simm.s32 $0x13C00;
	[dreg:$0xc] =	wrdreg s7  }
0x1a: {  	s7 =	sadd.s32 s3, s15;
	[dreg:$0x1b] =	wrdreg s12;
	s14 =	sadd.s32 s0, s13  }
0x1b: {  	s15 =	sadd.s32 $0x445C, s6;
	[dreg:$0xe] =	wrdreg s7;
	s7 =	sadd.s32 s3, s17  }
0x1c: {  	[dreg:$0x1d] =	wrdreg s14;
	s16 =	sadd.s32 s0, s15;
	s17 =	sadd.s32 $0x493E, s6  }
0x1d: {  	s14 =	sadd.s32 $0x600, s4;
	s4 =	simm.s32 $0x0;
	[dreg:$0x10] =	wrdreg s7  }
0x1e: {  	s7 =	sadd.s32 s3, s19;
	[dreg:$0x1f] =	wrdreg s16;
	s18 =	sadd.s32 s0, s17  }
0x1f: {  	s19 =	sadd.s32 $0x4E20, s6;
	s16 =	simm.s32 $0x7680;
	[dreg:$0x12] =	wrdreg s7  }
0x20: {  	s7 =	sadd.s32 s3, s21;
	[smem:$0x7F4] =	sst s18;
	s20 =	sadd.s32 s0, s19  }
0x21: {  	s21 =	sadd.s32 $0x5302, s6;
	s18 =	simm.s32 $0x9E00;
	[dreg:$0x14] =	wrdreg s7  }
0x22: {  	s7 =	sadd.s32 s3, s23;
	[smem:$0x7F6] =	sst s20;
	s22 =	sadd.s32 s0, s21  }
0x23: {  	s23 =	sadd.s32 $0x57E4, s6;
	s20 =	simm.s32 $0xC580;
	[dreg:$0x16] =	wrdreg s7  }
0x24: {  	s7 =	sadd.s32 s3, s25;
	[smem:$0x7F8] =	sst s22;
	s24 =	sadd.s32 s0, s23  }
0x25: {  	s25 =	sadd.s32 s0, s6;
	s6 =	sadd.s32 $0x5CC6, s6;
	[dreg:$0x18] =	wrdreg s7  }
0x26: {  	s22 =	simm.s32 $0xED00;
	s7 =	sadd.s32 s3, s9;
	[smem:$0x7FA] =	sst s24  }
0x27: {  	[smem:$0x7FC] =	sst s25;
	s12 =	sadd.s32 s3, s6;
	s24 =	simm.s32 $0x1  }
0x28: {  	s25 =	simm.s32 $0x5;
	[dreg:$0x1a] =	wrdreg s7;
	s7 =	sadd.s32 s3, s11  }
0x29: {  	s11 =	sadd.s32 s0, s6;
	[dreg:$0x1c] =	wrdreg s7;
	s7 =	sadd.s32 s3, s13  }
0x2a: {  	s0 =	simm.s32 $0x4;
	[dreg:$0x1e] =	wrdreg s7;
	s7 =	sadd.s32 s3, s15  }
0x2b: {  	s13 =	sadd.s32 s2, s10;
	[smem:$0x7F3] =	sst s7;
	s7 =	sadd.s32 s3, s17  }
0x2c: {  	s2 =	simm.s32 $0x8;
	[smem:$0x7F5] =	sst s7;
	s7 =	sadd.s32 s3, s19  }
0x2d: {  	s15 =	smax.u32 s5, $0x1;
	[smem:$0x7F7] =	sst s7;
	s7 =	sadd.s32 s3, s21  }
0x2e: {  	s17 =	simm.s32 $0x9;
	[smem:$0x7F9] =	sst s7;
	s7 =	sadd.s32 s3, s23  }
0x2f: {  	v0 =	vlaneseq.u32;
	s19 =	simm.s32 $0x2780;
	s21 =	simm.s32 $0x4F00;
	[smem:$0x7FB] =	sst s7  }
0x30: {  	v1 =	vimm.f32 $0.0e+00;
	v2 =	vmul.u32 $0x271, v0;
	s23 =	simm.s32 $0x11480;
	s3 =	simm.s32 $0x2710;
	_ =	strace $0x80000047  }
.LBB2_1:
0x31: {  	s6 =	simm.s32 $0x140;
	s5 =	simm.s32 $0x0  }
.LBB2_2:
0x32: {  	p0 =	sne.s32 s6, $0x9B00;
	[tilespmem:s5+$0x76C0] =	vst v1;
	s7 =	smov.u32 s6;
	s6 =	sadd.s32 $0x140, s6  }
.Ltmp0:
0x33: {  	[tilespmem:s5+$0x76B0] =	vst v1;
	(pc) =	sbr.rel @p0 .LBB2_2-.Ltmp0, $4  }
0x34: {  	[tilespmem:s5+$0x76A0] =	vst v1  }
0x35: {  	[tilespmem:s5+$0x7680] =	vst v1  }
0x36: {  	[tilespmem:s5+$0x7690] =	vst v1  }
0x37: {  	s5 =	sshra.s32 s7, $0x2  }
0x38: {  	[tilespmem:s5+$0x76C0] =	vst v1  }
0x39: {  	[tilespmem:s5+$0x76B0] =	vst v1  }
0x3a: {  	[tilespmem:s5+$0x76A0] =	vst v1  }
0x3b: {  	[tilespmem:s5+$0x7680] =	vst v1  }
0x3c: {  	[tilespmem:s5+$0x7690] =	vst v1  }
0x3d: {  	[spmem:s13] =	stream.linear.scatter [tilespmem:s16], [sflag:$0x9], $0x1D58, $0x38;
	[tilespmem:$0x1A7D8] =	vst v63  }
0x3e: {  	_ =	swait.ge [sflag:s17], $0x1D58  }
0x3f: {  	s6 =	sld [smem:$0x7FC]  }
0x40: {  	[sflag:s17] =	ssyncset.done $0x0  }
0x41: {  	s5 =	simm.s32 $0x0;
	s9 =	sld [smem:$0x7FD];
	[sflag:s17] =	ssyncadd.s32 $0xFFFFE2A8  }
0x42: {  	[tilespmem:s5], [sflag:$0x1] =	stream.linear.gather [hbm4b:s6+s5], $0x2710, $0x38;
	[tilespmem:$0x1A7D8] =	vst v63  }
0x43: {  	_ = 	snop  }
0x44: {  	[tilespmem:s18], [sflag:$0x5] =	stream.linear.gather [hbm4b:s9+s5], $0x2710, $0x38;
	[tilespmem:$0x1A7D8] =	vst v63  }
0x45: {  	s7 =	rddreg [dreg:$0x5]  }
0x46: {  	[tilespmem:s19], [sflag:$0x2] =	stream.linear.gather [hbm4b:s7+s5], $0x2710, $0x38;
	[tilespmem:$0x1A7D8] =	vst v63  }
0x47: {  	s8 =	rddreg [dreg:$0x6]  }
0x48: {  	[tilespmem:s20], [sflag:$0x6] =	stream.linear.gather [hbm4b:s8+s5], $0x2710, $0x38;
	[tilespmem:$0x1A7D8] =	vst v63  }
0x49: {  	s9 =	rddreg [dreg:$0x7]  }
0x4a: {  	[tilespmem:s21], [sflag:$0x3] =	stream.linear.gather [hbm4b:s9+s5], $0x2710, $0x38;
	[tilespmem:$0x1A7D8] =	vst v63  }
0x4b: {  	s7 =	rddreg [dreg:$0x8]  }
0x4c: {  	[tilespmem:s22], [sflag:$0x7] =	stream.linear.gather [hbm4b:s7+s5], $0x2710, $0x38;
	[tilespmem:$0x1A7D8] =	vst v63  }
0x4d: {  	s8 =	rddreg [dreg:$0x9]  }
0x4e: {  	[tilespmem:s16], [sflag:$0x4] =	stream.linear.gather [hbm4b:s8+s5], $0x2710, $0x38;
	[tilespmem:$0x1A7D8] =	vst v63  }
0x4f: {  	s9 =	rddreg [dreg:$0xa]  }
0x50: {  	[tilespmem:s23], [sflag:$0x8] =	stream.linear.gather [hbm4b:s9+s5], $0x2710, $0x38;
	[tilespmem:$0x1A7D8] =	vst v63  }
0x51: {  	s6 =	simm.s32 $0x140;
	s5 =	simm.s32 $0x0;
	[bflag:$0x0] =	sbarrier.arrive $0xFFFF  }
.LBB2_4:
0x52: {  	p0 =	sne.s32 s6, $0x13740;
	[tilespmem:s5+$0x13C40] =	vst v1;
	s7 =	smov.u32 s6;
	s6 =	sadd.s32 $0x140, s6  }
.Ltmp1:
0x53: {  	[tilespmem:s5+$0x13C30] =	vst v1;
	(pc) =	sbr.rel @p0 .LBB2_4-.Ltmp1, $4  }
0x54: {  	[tilespmem:s5+$0x13C20] =	vst v1  }
0x55: {  	[tilespmem:s5+$0x13C00] =	vst v1  }
0x56: {  	[tilespmem:s5+$0x13C10] =	vst v1  }
0x57: {  	s5 =	sshra.s32 s7, $0x2  }
0x58: {  	[tilespmem:s5+$0x13C40] =	vst v1  }
0x59: {  	[tilespmem:s5+$0x13C30] =	vst v1  }
0x5a: {  	[tilespmem:s5+$0x13C20] =	vst v1  }
0x5b: {  	[tilespmem:s5+$0x13C00] =	vst v1  }
0x5c: {  	[tilespmem:s5+$0x13C10] =	vst v1  }
0x5d: {  	_ =	swait.ge [sflag:s24], $0x2710  }
0x5e: {  	[sflag:s24] =	ssyncset.done $0x0  }
0x5f: {  	[sflag:s24] =	ssyncadd.s32 $0xFFFFD8F0  }
0x60: {  	_ =	swait.ge [sflag:s25], $0x2710  }
0x61: {  	[sflag:s25] =	ssyncset.done $0x0  }
0x62: {  	[sflag:s25] =	ssyncadd.s32 $0xFFFFD8F0  }
0x63: {  	v3 =	vld [tilespmem:$0x9E00];
	_ =	sdelay $0x4  }
0x64: {  	(v2sf) =	vpush v3, $0x0;
	_ =	sdelay $0x2  }
0x65: {  	v3 =	vld [tilespmem:$0xC500];
	_ =	sdelay $0x4  }
0x66: {  	(v2sf) =	vpush v3, $0xF;
	_ =	sdelay $0x6  }
0x67: {  	s9 =	spop (v2sf)  }
0x68: {  	s6 =	sand.u32 $0x7, s9  }
0x69: {  	s7 =	sshra.s32 s9, $0x1F;
	p0 =	slt.s32 s9, $0x1;
	p1 =	sne.s32 s6, $0x0  }
0x6a: {  	s8 =	sshrl.u32 s7, $0x1D;
	p0 =	por !p0, !p1  }
0x6b: {  	s6 =	simm.s32 $0x1;
	s5 =	sadd.s32 s8, s9;
	p0 =	por !p0, !p0  }
0x6c: {  	s5 =	sshrl.u32 s5, $0x3;
	s6 =	simm.s32 @!p0 $0x0  }
0x6d: {  	s5 =	ssub.s32 s5, s6  }
0x6e: {  	s5 =	sshll.u32 s5, $0x3  }
0x6f: {  	s9 =	spop (v2sf);
	s6 =	sadd.s32 $0x4E20, s5  }
0x70: {  	p0 =	sge.s32 s9, s6  }
.Ltmp2:
0x71: {  	_ = 	snop;
	(pc) =	sbr.rel @p0 .LBB2_9-.Ltmp2, $2  }
0x72: {  	_ =	sdelay $0x2  }
0x73: {  	v3 =	vmov s5  }
0x74: {  	s7 =	simm.s32 $0x0  }
0x75: {  	s9 =	simm.s32 $0x1;
	v4 =	vadd.s32 s7, v2  }
0x76: {  	s8 =	simm.s32 $0x2;
	v5 =	vadd.s32 s9, v2  }
0x77: {  	v6 =	vadd.s32 s8, v2  }
0x78: {  	s9 =	simm.s32 $0x3  }
0x79: {  	v7 =	vadd.s32 s9, v2  }
0x7a: {  	s8 =	simm.s32 $0x4;
	v11 =	vld.idx.msk [tilespmem:v4+s18+$0x0], $0xffff  }
0x7b: {  	v9 =	vadd.s32 s8, v2;
	v12 =	vld.idx.msk [tilespmem:v5+s18+$0x0], $0xffff  }
0x7c: {  	v14 =	vld.idx.msk [tilespmem:v6+s18+$0x0], $0xffff  }
0x7d: {  	v8 =	vld.idx.msk [tilespmem:v4+s1+$0x0], $0xffff  }
0x7e: {  	v15 =	vld.idx.msk [tilespmem:v7+s18+$0x0], $0xffff  }
0x7f: {  	v5 =	vld.idx.msk [tilespmem:v5+s1+$0x0], $0xffff  }
0x80: {  	v4 =	vmov s5;
	v10 =	vld.idx.msk [tilespmem:v9+s18+$0x0], $0xffff  }
0x81: {  	v6 =	vld.idx.msk [tilespmem:v6+s1+$0x0], $0xffff;
	v11 =	vsub.s32 v11, v4  }
0x82: {  	v7 =	vld.idx.msk [tilespmem:v7+s1+$0x0], $0xffff;
	v13 =	vsub.s32 v12, v4  }
0x83: {  	s7 =	simm.s32 $0x9;
	v9 =	vld.idx.msk [tilespmem:v9+s1+$0x0], $0xffff;
	v12 =	vsub.s32 v14, v4;
	v14 =	vsub.s32 v15, v4  }
.LBB2_7:
0x84: {  	s8 =	sadd.s32 $0xFFFFFFFC, s7  }
0x85: {  	p0 =	seq.s32 s7, $0x270;
	v10 =	vsub.s32 v10, v4;
	s9 =	smov.u32 s7;
	s7 =	sadd.s32 $0x5, s7  }
0x86: {  	v15 =	vadd.s32 s8, v2;
	s8 =	sadd.s32 $0xFFFFFFFD, s9;
	[tilespmem:v11+s26+$0x0] =	vst.idx.add.f32.msk $0xffff, v8  }
0x87: {  	v11 =	vadd.s32 s8, v2;
	s8 =	sadd.s32 $0xFFFFFFFE, s9;
	[tilespmem:v13+s26+$0x0] =	vst.idx.add.f32.msk $0xffff, v5  }
0x88: {  	v13 =	vadd.s32 s8, v2;
	s8 =	sadd.s32 $0xFFFFFFFF, s9;
	[tilespmem:v12+s26+$0x0] =	vst.idx.add.f32.msk $0xffff, v6  }
0x89: {  	v12 =	vadd.s32 s8, v2;
	[tilespmem:v14+s26+$0x0] =	vst.idx.add.f32.msk $0xffff, v7  }
0x8a: {  	v14 =	vadd.s32 s9, v2;
	[tilespmem:v10+s26+$0x0] =	vst.idx.add.f32.msk $0xffff, v9  }
0x8b: {  	v6 =	vld.idx.msk [tilespmem:v15+s18+$0x0], $0xffff  }
0x8c: {  	v7 =	vld.idx.msk [tilespmem:v11+s18+$0x0], $0xffff  }
0x8d: {  	v9 =	vld.idx.msk [tilespmem:v13+s18+$0x0], $0xffff  }
0x8e: {  	v16 =	vld.idx.msk [tilespmem:v12+s18+$0x0], $0xffff  }
0x8f: {  	v10 =	vld.idx.msk [tilespmem:v14+s18+$0x0], $0xffff  }
.Ltmp3:
0x90: {  	v8 =	vld.idx.msk [tilespmem:v15+s1+$0x0], $0xffff;
	(pc) =	sbr.rel @!p0 .LBB2_7-.Ltmp3, $4  }
0x91: {  	v5 =	vld.idx.msk [tilespmem:v11+s1+$0x0], $0xffff;
	v11 =	vsub.s32 v6, v4  }
0x92: {  	v6 =	vld.idx.msk [tilespmem:v13+s1+$0x0], $0xffff;
	v13 =	vsub.s32 v7, v4  }
0x93: {  	v7 =	vld.idx.msk [tilespmem:v12+s1+$0x0], $0xffff;
	v12 =	vsub.s32 v9, v4  }
0x94: {  	v9 =	vld.idx.msk [tilespmem:v14+s1+$0x0], $0xffff;
	v14 =	vsub.s32 v16, v4  }
0x95: {  	_ =	sdelay $0x2  }
0x96: {  	v4 =	vsub.s32 v10, v4  }
.Ltmp4:
0x97: {  	[tilespmem:v11+s26+$0x0] =	vst.idx.add.f32.msk $0xffff, v8;
	(pc) =	sbr.rel .LBB2_10-.Ltmp4, $4  }
0x98: {  	[tilespmem:v13+s26+$0x0] =	vst.idx.add.f32.msk $0xffff, v5  }
0x99: {  	[tilespmem:v12+s26+$0x0] =	vst.idx.add.f32.msk $0xffff, v6  }
0x9a: {  	[tilespmem:v14+s26+$0x0] =	vst.idx.add.f32.msk $0xffff, v7  }
0x9b: {  	[tilespmem:v4+s26+$0x0] =	vst.idx.add.f32.msk $0xffff, v9  }
.LBB2_9:
0x9c: {  	[spmem:s10] =	stream.indirect.scatter.add.f32 [tilespmem:s1], [sflag:$0x9], $0x1, s18, s3, $0xb8;
	[tilespmem:$0x1A7D8] =	vst v63  }
0x9d: {  	_ =	swait.ge [sflag:s17], $0x2710  }
0x9e: {  	[sflag:s17] =	ssyncset.done $0x0  }
0x9f: {  	[sflag:s17] =	ssyncadd.s32 $0xFFFFD8F0  }
.LBB2_10:
0xa0: {  	s7 =	rddreg [dreg:$0xb]  }
0xa1: {  	[tilespmem:s1], [sflag:$0x1] =	stream.linear.gather [hbm4b:s7+s1], $0x2710, $0x38;
	[tilespmem:$0x1A7D8] =	vst v63  }
0xa2: {  	s8 =	rddreg [dreg:$0xc]  }
0xa3: {  	[tilespmem:s18], [sflag:$0x5] =	stream.linear.gather [hbm4b:s8+s1], $0x2710, $0x38;
	[tilespmem:$0x1A7D8] =	vst v63  }
0xa4: {  	_ =	swait.ge [sflag:s28], $0x2710  }
0xa5: {  	[sflag:s28] =	ssyncset.done $0x0  }
0xa6: {  	[sflag:s28] =	ssyncadd.s32 $0xFFFFD8F0  }
0xa7: {  	_ =	swait.ge [sflag:s29], $0x2710  }
0xa8: {  	[sflag:s29] =	ssyncset.done $0x0  }
0xa9: {  	[sflag:s29] =	ssyncadd.s32 $0xFFFFD8F0  }
0xaa: {  	v4 =	vld [tilespmem:$0xEC80];
	_ =	sdelay $0x4  }
0xab: {  	(v2sf) =	vpush v4, $0xF;
	_ =	sdelay $0xe  }
0xac: {  	s9 =	spop (v2sf)  }
0xad: {  	p0 =	sge.s32 s9, s6  }
.Ltmp5:
0xae: {  	_ = 	snop;
	(pc) =	sbr.rel @p0 .LBB2_14-.Ltmp5, $1  }
0xaf: {  	_ =	sdelay $0x3  }
0xb0: {  	s7 =	simm.s32 $0x0  }
0xb1: {  	s9 =	simm.s32 $0x1;
	v4 =	vadd.s32 s7, v2  }
0xb2: {  	s8 =	simm.s32 $0x2;
	v5 =	vadd.s32 s9, v2  }
0xb3: {  	v6 =	vadd.s32 s8, v2  }
0xb4: {  	s9 =	simm.s32 $0x3  }
0xb5: {  	v7 =	vadd.s32 s9, v2  }
0xb6: {  	s8 =	simm.s32 $0x4;
	v11 =	vld.idx.msk [tilespmem:v4+s20+$0x0], $0xffff  }
0xb7: {  	v9 =	vadd.s32 s8, v2;
	v12 =	vld.idx.msk [tilespmem:v5+s20+$0x0], $0xffff  }
0xb8: {  	v14 =	vld.idx.msk [tilespmem:v6+s20+$0x0], $0xffff  }
0xb9: {  	v8 =	vld.idx.msk [tilespmem:v4+s19+$0x0], $0xffff  }
0xba: {  	v15 =	vld.idx.msk [tilespmem:v7+s20+$0x0], $0xffff  }
0xbb: {  	v5 =	vld.idx.msk [tilespmem:v5+s19+$0x0], $0xffff  }
0xbc: {  	v4 =	vmov s5;
	v10 =	vld.idx.msk [tilespmem:v9+s20+$0x0], $0xffff  }
0xbd: {  	v6 =	vld.idx.msk [tilespmem:v6+s19+$0x0], $0xffff;
	v11 =	vsub.s32 v11, v4  }
0xbe: {  	v7 =	vld.idx.msk [tilespmem:v7+s19+$0x0], $0xffff;
	v13 =	vsub.s32 v12, v4  }
0xbf: {  	s7 =	simm.s32 $0x9;
	v9 =	vld.idx.msk [tilespmem:v9+s19+$0x0], $0xffff;
	v12 =	vsub.s32 v14, v4;
	v14 =	vsub.s32 v15, v4  }
.LBB2_12:
0xc0: {  	s8 =	sadd.s32 $0xFFFFFFFC, s7  }
0xc1: {  	p0 =	seq.s32 s7, $0x270;
	v10 =	vsub.s32 v10, v4;
	s9 =	smov.u32 s7;
	s7 =	sadd.s32 $0x5, s7  }
0xc2: {  	v15 =	vadd.s32 s8, v2;
	s8 =	sadd.s32 $0xFFFFFFFD, s9;
	[tilespmem:v11+s26+$0x0] =	vst.idx.add.f32.msk $0xffff, v8  }
0xc3: {  	v11 =	vadd.s32 s8, v2;
	s8 =	sadd.s32 $0xFFFFFFFE, s9;
	[tilespmem:v13+s26+$0x0] =	vst.idx.add.f32.msk $0xffff, v5  }
0xc4: {  	v13 =	vadd.s32 s8, v2;
	s8 =	sadd.s32 $0xFFFFFFFF, s9;
	[tilespmem:v12+s26+$0x0] =	vst.idx.add.f32.msk $0xffff, v6  }
0xc5: {  	v12 =	vadd.s32 s8, v2;
	[tilespmem:v14+s26+$0x0] =	vst.idx.add.f32.msk $0xffff, v7  }
0xc6: {  	v14 =	vadd.s32 s9, v2;
	[tilespmem:v10+s26+$0x0] =	vst.idx.add.f32.msk $0xffff, v9  }
0xc7: {  	v6 =	vld.idx.msk [tilespmem:v15+s20+$0x0], $0xffff  }
0xc8: {  	v7 =	vld.idx.msk [tilespmem:v11+s20+$0x0], $0xffff  }
0xc9: {  	v9 =	vld.idx.msk [tilespmem:v13+s20+$0x0], $0xffff  }
0xca: {  	v16 =	vld.idx.msk [tilespmem:v12+s20+$0x0], $0xffff  }
0xcb: {  	v10 =	vld.idx.msk [tilespmem:v14+s20+$0x0], $0xffff  }
.Ltmp6:
0xcc: {  	v8 =	vld.idx.msk [tilespmem:v15+s19+$0x0], $0xffff;
	(pc) =	sbr.rel @!p0 .LBB2_12-.Ltmp6, $4  }
0xcd: {  	v5 =	vld.idx.msk [tilespmem:v11+s19+$0x0], $0xffff;
	v11 =	vsub.s32 v6, v4  }
0xce: {  	v6 =	vld.idx.msk [tilespmem:v13+s19+$0x0], $0xffff;
	v13 =	vsub.s32 v7, v4  }
0xcf: {  	v7 =	vld.idx.msk [tilespmem:v12+s19+$0x0], $0xffff;
	v12 =	vsub.s32 v9, v4  }
0xd0: {  	v9 =	vld.idx.msk [tilespmem:v14+s19+$0x0], $0xffff;
	v14 =	vsub.s32 v16, v4  }
0xd1: {  	_ =	sdelay $0x2  }
0xd2: {  	v4 =	vsub.s32 v10, v4  }
.Ltmp7:
0xd3: {  	[tilespmem:v11+s26+$0x0] =	vst.idx.add.f32.msk $0xffff, v8;
	(pc) =	sbr.rel .LBB2_15-.Ltmp7, $4  }
0xd4: {  	[tilespmem:v13+s26+$0x0] =	vst.idx.add.f32.msk $0xffff, v5  }
0xd5: {  	[tilespmem:v12+s26+$0x0] =	vst.idx.add.f32.msk $0xffff, v6  }
0xd6: {  	[tilespmem:v14+s26+$0x0] =	vst.idx.add.f32.msk $0xffff, v7  }
0xd7: {  	[tilespmem:v4+s26+$0x0] =	vst.idx.add.f32.msk $0xffff, v9  }
.LBB2_14:
0xd8: {  	[spmem:s10] =	stream.indirect.scatter.add.f32 [tilespmem:s19], [sflag:$0x9], $0x1, s20, s3, $0xb8;
	[tilespmem:$0x1A7D8] =	vst v63  }
0xd9: {  	_ =	swait.ge [sflag:s17], $0x2710  }
0xda: {  	[sflag:s17] =	ssyncset.done $0x0  }
0xdb: {  	[sflag:s17] =	ssyncadd.s32 $0xFFFFD8F0  }
.LBB2_15:
0xdc: {  	s7 =	rddreg [dreg:$0xd]  }
0xdd: {  	[tilespmem:s19], [sflag:$0x2] =	stream.linear.gather [hbm4b:s7+s1], $0x2710, $0x38;
	[tilespmem:$0x1A7D8] =	vst v63  }
0xde: {  	s8 =	rddreg [dreg:$0xe]  }
0xdf: {  	[tilespmem:s20], [sflag:$0x6] =	stream.linear.gather [hbm4b:s8+s1], $0x2710, $0x38;
	[tilespmem:$0x1A7D8] =	vst v63  }
0xe0: {  	_ =	swait.ge [sflag:s30], $0x2710  }
0xe1: {  	[sflag:s30] =	ssyncset.done $0x0  }
0xe2: {  	[sflag:s30] =	ssyncadd.s32 $0xFFFFD8F0  }
0xe3: {  	_ =	swait.ge [sflag:s31], $0x2710  }
0xe4: {  	[sflag:s31] =	ssyncset.done $0x0  }
0xe5: {  	[sflag:s31] =	ssyncadd.s32 $0xFFFFD8F0  }
0xe6: {  	v4 =	vld [tilespmem:$0x11400];
	_ =	sdelay $0x4  }
0xe7: {  	(v2sf) =	vpush v4, $0xF;
	_ =	sdelay $0xe  }
0xe8: {  	s9 =	spop (v2sf)  }
0xe9: {  	p0 =	sge.s32 s9, s6  }
.Ltmp8:
0xea: {  	_ = 	snop;
	(pc) =	sbr.rel @p0 .LBB2_19-.Ltmp8, $1  }
0xeb: {  	_ =	sdelay $0x3  }
0xec: {  	s7 =	simm.s32 $0x0  }
0xed: {  	s9 =	simm.s32 $0x1;
	v4 =	vadd.s32 s7, v2  }
0xee: {  	s8 =	simm.s32 $0x2;
	v5 =	vadd.s32 s9, v2  }
0xef: {  	v6 =	vadd.s32 s8, v2  }
0xf0: {  	s9 =	simm.s32 $0x3  }
0xf1: {  	v7 =	vadd.s32 s9, v2  }
0xf2: {  	s8 =	simm.s32 $0x4;
	v11 =	vld.idx.msk [tilespmem:v4+s22+$0x0], $0xffff  }
0xf3: {  	v9 =	vadd.s32 s8, v2;
	v12 =	vld.idx.msk [tilespmem:v5+s22+$0x0], $0xffff  }
0xf4: {  	v14 =	vld.idx.msk [tilespmem:v6+s22+$0x0], $0xffff  }
0xf5: {  	v8 =	vld.idx.msk [tilespmem:v4+s21+$0x0], $0xffff  }
0xf6: {  	v15 =	vld.idx.msk [tilespmem:v7+s22+$0x0], $0xffff  }
0xf7: {  	v5 =	vld.idx.msk [tilespmem:v5+s21+$0x0], $0xffff  }
0xf8: {  	v4 =	vmov s5;
	v10 =	vld.idx.msk [tilespmem:v9+s22+$0x0], $0xffff  }
0xf9: {  	v6 =	vld.idx.msk [tilespmem:v6+s21+$0x0], $0xffff;
	v11 =	vsub.s32 v11, v4  }
0xfa: {  	v7 =	vld.idx.msk [tilespmem:v7+s21+$0x0], $0xffff;
	v13 =	vsub.s32 v12, v4  }
0xfb: {  	s7 =	simm.s32 $0x9;
	v9 =	vld.idx.msk [tilespmem:v9+s21+$0x0], $0xffff;
	v12 =	vsub.s32 v14, v4;
	v14 =	vsub.s32 v15, v4  }
.LBB2_17:
0xfc: {  	s8 =	sadd.s32 $0xFFFFFFFC, s7  }
0xfd: {  	p0 =	seq.s32 s7, $0x270;
	v10 =	vsub.s32 v10, v4;
	s9 =	smov.u32 s7;
	s7 =	sadd.s32 $0x5, s7  }
0xfe: {  	v15 =	vadd.s32 s8, v2;
	s8 =	sadd.s32 $0xFFFFFFFD, s9;
	[tilespmem:v11+s26+$0x0] =	vst.idx.add.f32.msk $0xffff, v8  }
0xff: {  	v11 =	vadd.s32 s8, v2;
	s8 =	sadd.s32 $0xFFFFFFFE, s9;
	[tilespmem:v13+s26+$0x0] =	vst.idx.add.f32.msk $0xffff, v5  }
0x100: {  	v13 =	vadd.s32 s8, v2;
	s8 =	sadd.s32 $0xFFFFFFFF, s9;
	[tilespmem:v12+s26+$0x0] =	vst.idx.add.f32.msk $0xffff, v6  }
0x101: {  	v12 =	vadd.s32 s8, v2;
	[tilespmem:v14+s26+$0x0] =	vst.idx.add.f32.msk $0xffff, v7  }
0x102: {  	v14 =	vadd.s32 s9, v2;
	[tilespmem:v10+s26+$0x0] =	vst.idx.add.f32.msk $0xffff, v9  }
0x103: {  	v6 =	vld.idx.msk [tilespmem:v15+s22+$0x0], $0xffff  }
0x104: {  	v7 =	vld.idx.msk [tilespmem:v11+s22+$0x0], $0xffff  }
0x105: {  	v9 =	vld.idx.msk [tilespmem:v13+s22+$0x0], $0xffff  }
0x106: {  	v16 =	vld.idx.msk [tilespmem:v12+s22+$0x0], $0xffff  }
0x107: {  	v10 =	vld.idx.msk [tilespmem:v14+s22+$0x0], $0xffff  }
.Ltmp9:
0x108: {  	v8 =	vld.idx.msk [tilespmem:v15+s21+$0x0], $0xffff;
	(pc) =	sbr.rel @!p0 .LBB2_17-.Ltmp9, $4  }
0x109: {  	v5 =	vld.idx.msk [tilespmem:v11+s21+$0x0], $0xffff;
	v11 =	vsub.s32 v6, v4  }
0x10a: {  	v6 =	vld.idx.msk [tilespmem:v13+s21+$0x0], $0xffff;
	v13 =	vsub.s32 v7, v4  }
0x10b: {  	v7 =	vld.idx.msk [tilespmem:v12+s21+$0x0], $0xffff;
	v12 =	vsub.s32 v9, v4  }
0x10c: {  	v9 =	vld.idx.msk [tilespmem:v14+s21+$0x0], $0xffff;
	v14 =	vsub.s32 v16, v4  }
0x10d: {  	_ =	sdelay $0x2  }
0x10e: {  	v4 =	vsub.s32 v10, v4  }
.Ltmp10:
0x10f: {  	[tilespmem:v11+s26+$0x0] =	vst.idx.add.f32.msk $0xffff, v8;
	(pc) =	sbr.rel .LBB2_20-.Ltmp10, $4  }
0x110: {  	[tilespmem:v13+s26+$0x0] =	vst.idx.add.f32.msk $0xffff, v5  }
0x111: {  	[tilespmem:v12+s26+$0x0] =	vst.idx.add.f32.msk $0xffff, v6  }
0x112: {  	[tilespmem:v14+s26+$0x0] =	vst.idx.add.f32.msk $0xffff, v7  }
0x113: {  	[tilespmem:v4+s26+$0x0] =	vst.idx.add.f32.msk $0xffff, v9  }
.LBB2_19:
0x114: {  	[spmem:s10] =	stream.indirect.scatter.add.f32 [tilespmem:s21], [sflag:$0x9], $0x1, s22, s3, $0xb8;
	[tilespmem:$0x1A7D8] =	vst v63  }
0x115: {  	_ =	swait.ge [sflag:s17], $0x2710  }
0x116: {  	[sflag:s17] =	ssyncset.done $0x0  }
0x117: {  	[sflag:s17] =	ssyncadd.s32 $0xFFFFD8F0  }
.LBB2_20:
0x118: {  	s7 =	rddreg [dreg:$0xf]  }
0x119: {  	[tilespmem:s21], [sflag:$0x3] =	stream.linear.gather [hbm4b:s7+s1], $0x2710, $0x38;
	[tilespmem:$0x1A7D8] =	vst v63  }
0x11a: {  	s8 =	rddreg [dreg:$0x10]  }
0x11b: {  	[tilespmem:s22], [sflag:$0x7] =	stream.linear.gather [hbm4b:s8+s1], $0x2710, $0x38;
	[tilespmem:$0x1A7D8] =	vst v63  }
0x11c: {  	_ =	swait.ge [sflag:s0], $0x2710  }
0x11d: {  	[sflag:s0] =	ssyncset.done $0x0  }
0x11e: {  	[sflag:s0] =	ssyncadd.s32 $0xFFFFD8F0  }
0x11f: {  	_ =	swait.ge [sflag:s2], $0x2710  }
0x120: {  	[sflag:s2] =	ssyncset.done $0x0  }
0x121: {  	[sflag:s2] =	ssyncadd.s32 $0xFFFFD8F0  }
0x122: {  	v4 =	vld [tilespmem:$0x13B80];
	_ =	sdelay $0x4  }
0x123: {  	(v2sf) =	vpush v4, $0xF;
	_ =	sdelay $0xe  }
0x124: {  	s9 =	spop (v2sf)  }
0x125: {  	p0 =	sge.s32 s9, s6  }
.Ltmp11:
0x126: {  	_ = 	snop;
	(pc) =	sbr.rel @p0 .LBB2_24-.Ltmp11, $1  }
0x127: {  	_ =	sdelay $0x3  }
0x128: {  	s7 =	simm.s32 $0x0  }
0x129: {  	s9 =	simm.s32 $0x1;
	v4 =	vadd.s32 s7, v2  }
0x12a: {  	s8 =	simm.s32 $0x2;
	v5 =	vadd.s32 s9, v2  }
0x12b: {  	v6 =	vadd.s32 s8, v2  }
0x12c: {  	s9 =	simm.s32 $0x3  }
0x12d: {  	v7 =	vadd.s32 s9, v2  }
0x12e: {  	s8 =	simm.s32 $0x4;
	v11 =	vld.idx.msk [tilespmem:v4+s23+$0x0], $0xffff  }
0x12f: {  	v9 =	vadd.s32 s8, v2;
	v12 =	vld.idx.msk [tilespmem:v5+s23+$0x0], $0xffff  }
0x130: {  	v14 =	vld.idx.msk [tilespmem:v6+s23+$0x0], $0xffff  }
0x131: {  	v8 =	vld.idx.msk [tilespmem:v4+s16+$0x0], $0xffff  }
0x132: {  	v15 =	vld.idx.msk [tilespmem:v7+s23+$0x0], $0xffff  }
0x133: {  	v5 =	vld.idx.msk [tilespmem:v5+s16+$0x0], $0xffff  }
0x134: {  	v4 =	vmov s5;
	v10 =	vld.idx.msk [tilespmem:v9+s23+$0x0], $0xffff  }
0x135: {  	v6 =	vld.idx.msk [tilespmem:v6+s16+$0x0], $0xffff;
	v11 =	vsub.s32 v11, v4  }
0x136: {  	v7 =	vld.idx.msk [tilespmem:v7+s16+$0x0], $0xffff;
	v13 =	vsub.s32 v12, v4  }
0x137: {  	s7 =	simm.s32 $0x9;
	v9 =	vld.idx.msk [tilespmem:v9+s16+$0x0], $0xffff;
	v12 =	vsub.s32 v14, v4;
	v14 =	vsub.s32 v15, v4  }
.LBB2_22:
0x138: {  	s8 =	sadd.s32 $0xFFFFFFFC, s7  }
0x139: {  	p0 =	seq.s32 s7, $0x270;
	v10 =	vsub.s32 v10, v4;
	s9 =	smov.u32 s7;
	s7 =	sadd.s32 $0x5, s7  }
0x13a: {  	v15 =	vadd.s32 s8, v2;
	s8 =	sadd.s32 $0xFFFFFFFD, s9;
	[tilespmem:v11+s26+$0x0] =	vst.idx.add.f32.msk $0xffff, v8  }
0x13b: {  	v11 =	vadd.s32 s8, v2;
	s8 =	sadd.s32 $0xFFFFFFFE, s9;
	[tilespmem:v13+s26+$0x0] =	vst.idx.add.f32.msk $0xffff, v5  }
0x13c: {  	v13 =	vadd.s32 s8, v2;
	s8 =	sadd.s32 $0xFFFFFFFF, s9;
	[tilespmem:v12+s26+$0x0] =	vst.idx.add.f32.msk $0xffff, v6  }
0x13d: {  	v12 =	vadd.s32 s8, v2;
	[tilespmem:v14+s26+$0x0] =	vst.idx.add.f32.msk $0xffff, v7  }
0x13e: {  	v14 =	vadd.s32 s9, v2;
	[tilespmem:v10+s26+$0x0] =	vst.idx.add.f32.msk $0xffff, v9  }
0x13f: {  	v6 =	vld.idx.msk [tilespmem:v15+s23+$0x0], $0xffff  }
0x140: {  	v7 =	vld.idx.msk [tilespmem:v11+s23+$0x0], $0xffff  }
0x141: {  	v9 =	vld.idx.msk [tilespmem:v13+s23+$0x0], $0xffff  }
0x142: {  	v16 =	vld.idx.msk [tilespmem:v12+s23+$0x0], $0xffff  }
0x143: {  	v10 =	vld.idx.msk [tilespmem:v14+s23+$0x0], $0xffff  }
.Ltmp12:
0x144: {  	v8 =	vld.idx.msk [tilespmem:v15+s16+$0x0], $0xffff;
	(pc) =	sbr.rel @!p0 .LBB2_22-.Ltmp12, $4  }
0x145: {  	v5 =	vld.idx.msk [tilespmem:v11+s16+$0x0], $0xffff;
	v11 =	vsub.s32 v6, v4  }
0x146: {  	v6 =	vld.idx.msk [tilespmem:v13+s16+$0x0], $0xffff;
	v13 =	vsub.s32 v7, v4  }
0x147: {  	v7 =	vld.idx.msk [tilespmem:v12+s16+$0x0], $0xffff;
	v12 =	vsub.s32 v9, v4  }
0x148: {  	v9 =	vld.idx.msk [tilespmem:v14+s16+$0x0], $0xffff;
	v14 =	vsub.s32 v16, v4  }
0x149: {  	_ =	sdelay $0x2  }
0x14a: {  	v4 =	vsub.s32 v10, v4  }
.Ltmp13:
0x14b: {  	[tilespmem:v11+s26+$0x0] =	vst.idx.add.f32.msk $0xffff, v8;
	(pc) =	sbr.rel .LBB2_25-.Ltmp13, $4  }
0x14c: {  	[tilespmem:v13+s26+$0x0] =	vst.idx.add.f32.msk $0xffff, v5  }
0x14d: {  	[tilespmem:v12+s26+$0x0] =	vst.idx.add.f32.msk $0xffff, v6  }
0x14e: {  	[tilespmem:v14+s26+$0x0] =	vst.idx.add.f32.msk $0xffff, v7  }
0x14f: {  	[tilespmem:v4+s26+$0x0] =	vst.idx.add.f32.msk $0xffff, v9  }
.LBB2_24:
0x150: {  	[spmem:s10] =	stream.indirect.scatter.add.f32 [tilespmem:s16], [sflag:$0x9], $0x1, s23, s3, $0xb8;
	[tilespmem:$0x1A7D8] =	vst v63  }
0x151: {  	_ =	swait.ge [sflag:s17], $0x2710  }
0x152: {  	[sflag:s17] =	ssyncset.done $0x0  }
0x153: {  	[sflag:s17] =	ssyncadd.s32 $0xFFFFD8F0  }
.LBB2_25:
0x154: {  	s7 =	rddreg [dreg:$0x11]  }
0x155: {  	[tilespmem:s16], [sflag:$0x4] =	stream.linear.gather [hbm4b:s7+s1], $0x2710, $0x38;
	[tilespmem:$0x1A7D8] =	vst v63  }
0x156: {  	s8 =	rddreg [dreg:$0x12]  }
0x157: {  	[tilespmem:s23], [sflag:$0x8] =	stream.linear.gather [hbm4b:s8+s1], $0x2710, $0x38;
	[tilespmem:$0x1A7D8] =	vst v63  }
0x158: {  	_ =	swait.ge [sflag:s24], $0x2710  }
0x159: {  	[sflag:s24] =	ssyncset.done $0x0  }
0x15a: {  	[sflag:s24] =	ssyncadd.s32 $0xFFFFD8F0  }
0x15b: {  	_ =	swait.ge [sflag:s25], $0x2710  }
0x15c: {  	[sflag:s25] =	ssyncset.done $0x0  }
0x15d: {  	[sflag:s25] =	ssyncadd.s32 $0xFFFFD8F0  }
0x15e: {  	v4 =	vld [tilespmem:$0xC500];
	_ =	sdelay $0x4  }
0x15f: {  	(v2sf) =	vpush v4, $0xF;
	_ =	sdelay $0xe  }
0x160: {  	s9 =	spop (v2sf)  }
0x161: {  	p0 =	sge.s32 s9, s6  }
.Ltmp14:
0x162: {  	_ = 	snop;
	(pc) =	sbr.rel @p0 .LBB2_29-.Ltmp14, $1  }
0x163: {  	_ =	sdelay $0x3  }
0x164: {  	s7 =	simm.s32 $0x0  }
0x165: {  	s9 =	simm.s32 $0x1;
	v4 =	vadd.s32 s7, v2  }
0x166: {  	s8 =	simm.s32 $0x2;
	v5 =	vadd.s32 s9, v2  }
0x167: {  	v6 =	vadd.s32 s8, v2  }
0x168: {  	s9 =	simm.s32 $0x3  }
0x169: {  	v7 =	vadd.s32 s9, v2  }
0x16a: {  	s8 =	simm.s32 $0x4;
	v11 =	vld.idx.msk [tilespmem:v4+s18+$0x0], $0xffff  }
0x16b: {  	v9 =	vadd.s32 s8, v2;
	v12 =	vld.idx.msk [tilespmem:v5+s18+$0x0], $0xffff  }
0x16c: {  	v14 =	vld.idx.msk [tilespmem:v6+s18+$0x0], $0xffff  }
0x16d: {  	v8 =	vld.idx.msk [tilespmem:v4+s1+$0x0], $0xffff  }
0x16e: {  	v15 =	vld.idx.msk [tilespmem:v7+s18+$0x0], $0xffff  }
0x16f: {  	v5 =	vld.idx.msk [tilespmem:v5+s1+$0x0], $0xffff  }
0x170: {  	v4 =	vmov s5;
	v10 =	vld.idx.msk [tilespmem:v9+s18+$0x0], $0xffff  }
0x171: {  	v6 =	vld.idx.msk [tilespmem:v6+s1+$0x0], $0xffff;
	v11 =	vsub.s32 v11, v4  }
0x172: {  	v7 =	vld.idx.msk [tilespmem:v7+s1+$0x0], $0xffff;
	v13 =	vsub.s32 v12, v4  }
0x173: {  	s7 =	simm.s32 $0x9;
	v9 =	vld.idx.msk [tilespmem:v9+s1+$0x0], $0xffff;
	v12 =	vsub.s32 v14, v4;
	v14 =	vsub.s32 v15, v4  }
.LBB2_27:
0x174: {  	s8 =	sadd.s32 $0xFFFFFFFC, s7  }
0x175: {  	p0 =	seq.s32 s7, $0x270;
	v10 =	vsub.s32 v10, v4;
	s9 =	smov.u32 s7;
	s7 =	sadd.s32 $0x5, s7  }
0x176: {  	v15 =	vadd.s32 s8, v2;
	s8 =	sadd.s32 $0xFFFFFFFD, s9;
	[tilespmem:v11+s26+$0x0] =	vst.idx.add.f32.msk $0xffff, v8  }
0x177: {  	v11 =	vadd.s32 s8, v2;
	s8 =	sadd.s32 $0xFFFFFFFE, s9;
	[tilespmem:v13+s26+$0x0] =	vst.idx.add.f32.msk $0xffff, v5  }
0x178: {  	v13 =	vadd.s32 s8, v2;
	s8 =	sadd.s32 $0xFFFFFFFF, s9;
	[tilespmem:v12+s26+$0x0] =	vst.idx.add.f32.msk $0xffff, v6  }
0x179: {  	v12 =	vadd.s32 s8, v2;
	[tilespmem:v14+s26+$0x0] =	vst.idx.add.f32.msk $0xffff, v7  }
0x17a: {  	v14 =	vadd.s32 s9, v2;
	[tilespmem:v10+s26+$0x0] =	vst.idx.add.f32.msk $0xffff, v9  }
0x17b: {  	v6 =	vld.idx.msk [tilespmem:v15+s18+$0x0], $0xffff  }
0x17c: {  	v7 =	vld.idx.msk [tilespmem:v11+s18+$0x0], $0xffff  }
0x17d: {  	v9 =	vld.idx.msk [tilespmem:v13+s18+$0x0], $0xffff  }
0x17e: {  	v16 =	vld.idx.msk [tilespmem:v12+s18+$0x0], $0xffff  }
0x17f: {  	v10 =	vld.idx.msk [tilespmem:v14+s18+$0x0], $0xffff  }
.Ltmp15:
0x180: {  	v8 =	vld.idx.msk [tilespmem:v15+s1+$0x0], $0xffff;
	(pc) =	sbr.rel @!p0 .LBB2_27-.Ltmp15, $4  }
0x181: {  	v5 =	vld.idx.msk [tilespmem:v11+s1+$0x0], $0xffff;
	v11 =	vsub.s32 v6, v4  }
0x182: {  	v6 =	vld.idx.msk [tilespmem:v13+s1+$0x0], $0xffff;
	v13 =	vsub.s32 v7, v4  }
0x183: {  	v7 =	vld.idx.msk [tilespmem:v12+s1+$0x0], $0xffff;
	v12 =	vsub.s32 v9, v4  }
0x184: {  	v9 =	vld.idx.msk [tilespmem:v14+s1+$0x0], $0xffff;
	v14 =	vsub.s32 v16, v4  }
0x185: {  	_ =	sdelay $0x2  }
0x186: {  	v4 =	vsub.s32 v10, v4  }
.Ltmp16:
0x187: {  	[tilespmem:v11+s26+$0x0] =	vst.idx.add.f32.msk $0xffff, v8;
	(pc) =	sbr.rel .LBB2_30-.Ltmp16, $4  }
0x188: {  	[tilespmem:v13+s26+$0x0] =	vst.idx.add.f32.msk $0xffff, v5  }
0x189: {  	[tilespmem:v12+s26+$0x0] =	vst.idx.add.f32.msk $0xffff, v6  }
0x18a: {  	[tilespmem:v14+s26+$0x0] =	vst.idx.add.f32.msk $0xffff, v7  }
0x18b: {  	[tilespmem:v4+s26+$0x0] =	vst.idx.add.f32.msk $0xffff, v9  }
.LBB2_29:
0x18c: {  	[spmem:s10] =	stream.indirect.scatter.add.f32 [tilespmem:s1], [sflag:$0x9], $0x1, s18, s3, $0xb8;
	[tilespmem:$0x1A7D8] =	vst v63  }
0x18d: {  	_ =	swait.ge [sflag:s17], $0x2710  }
0x18e: {  	[sflag:s17] =	ssyncset.done $0x0  }
0x18f: {  	[sflag:s17] =	ssyncadd.s32 $0xFFFFD8F0  }
.LBB2_30:
0x190: {  	s7 =	rddreg [dreg:$0x13]  }
0x191: {  	[tilespmem:s1], [sflag:$0x1] =	stream.linear.gather [hbm4b:s7+s1], $0x2710, $0x38;
	[tilespmem:$0x1A7D8] =	vst v63  }
0x192: {  	s8 =	rddreg [dreg:$0x14]  }
0x193: {  	[tilespmem:s18], [sflag:$0x5] =	stream.linear.gather [hbm4b:s8+s1], $0x2710, $0x38;
	[tilespmem:$0x1A7D8] =	vst v63  }
0x194: {  	_ =	swait.ge [sflag:s28], $0x2710  }
0x195: {  	[sflag:s28] =	ssyncset.done $0x0  }
0x196: {  	[sflag:s28] =	ssyncadd.s32 $0xFFFFD8F0  }
0x197: {  	_ =	swait.ge [sflag:s29], $0x2710  }
0x198: {  	[sflag:s29] =	ssyncset.done $0x0  }
0x199: {  	[sflag:s29] =	ssyncadd.s32 $0xFFFFD8F0  }
0x19a: {  	v4 =	vld [tilespmem:$0xEC80];
	_ =	sdelay $0x4  }
0x19b: {  	(v2sf) =	vpush v4, $0xF;
	_ =	sdelay $0xe  }
0x19c: {  	s9 =	spop (v2sf)  }
0x19d: {  	p0 =	sge.s32 s9, s6  }
.Ltmp17:
0x19e: {  	_ = 	snop;
	(pc) =	sbr.rel @p0 .LBB2_34-.Ltmp17, $1  }
0x19f: {  	_ =	sdelay $0x3  }
0x1a0: {  	s7 =	simm.s32 $0x0  }
0x1a1: {  	s9 =	simm.s32 $0x1;
	v4 =	vadd.s32 s7, v2  }
0x1a2: {  	s8 =	simm.s32 $0x2;
	v5 =	vadd.s32 s9, v2  }
0x1a3: {  	v6 =	vadd.s32 s8, v2  }
0x1a4: {  	s9 =	simm.s32 $0x3  }
0x1a5: {  	v7 =	vadd.s32 s9, v2  }
0x1a6: {  	s8 =	simm.s32 $0x4;
	v11 =	vld.idx.msk [tilespmem:v4+s20+$0x0], $0xffff  }
0x1a7: {  	v9 =	vadd.s32 s8, v2;
	v12 =	vld.idx.msk [tilespmem:v5+s20+$0x0], $0xffff  }
0x1a8: {  	v14 =	vld.idx.msk [tilespmem:v6+s20+$0x0], $0xffff  }
0x1a9: {  	v8 =	vld.idx.msk [tilespmem:v4+s19+$0x0], $0xffff  }
0x1aa: {  	v15 =	vld.idx.msk [tilespmem:v7+s20+$0x0], $0xffff  }
0x1ab: {  	v5 =	vld.idx.msk [tilespmem:v5+s19+$0x0], $0xffff  }
0x1ac: {  	v4 =	vmov s5;
	v10 =	vld.idx.msk [tilespmem:v9+s20+$0x0], $0xffff  }
0x1ad: {  	v6 =	vld.idx.msk [tilespmem:v6+s19+$0x0], $0xffff;
	v11 =	vsub.s32 v11, v4  }
0x1ae: {  	v7 =	vld.idx.msk [tilespmem:v7+s19+$0x0], $0xffff;
	v13 =	vsub.s32 v12, v4  }
0x1af: {  	s7 =	simm.s32 $0x9;
	v9 =	vld.idx.msk [tilespmem:v9+s19+$0x0], $0xffff;
	v12 =	vsub.s32 v14, v4;
	v14 =	vsub.s32 v15, v4  }
.LBB2_32:
0x1b0: {  	s8 =	sadd.s32 $0xFFFFFFFC, s7  }
0x1b1: {  	p0 =	seq.s32 s7, $0x270;
	v10 =	vsub.s32 v10, v4;
	s9 =	smov.u32 s7;
	s7 =	sadd.s32 $0x5, s7  }
0x1b2: {  	v15 =	vadd.s32 s8, v2;
	s8 =	sadd.s32 $0xFFFFFFFD, s9;
	[tilespmem:v11+s26+$0x0] =	vst.idx.add.f32.msk $0xffff, v8  }
0x1b3: {  	v11 =	vadd.s32 s8, v2;
	s8 =	sadd.s32 $0xFFFFFFFE, s9;
	[tilespmem:v13+s26+$0x0] =	vst.idx.add.f32.msk $0xffff, v5  }
0x1b4: {  	v13 =	vadd.s32 s8, v2;
	s8 =	sadd.s32 $0xFFFFFFFF, s9;
	[tilespmem:v12+s26+$0x0] =	vst.idx.add.f32.msk $0xffff, v6  }
0x1b5: {  	v12 =	vadd.s32 s8, v2;
	[tilespmem:v14+s26+$0x0] =	vst.idx.add.f32.msk $0xffff, v7  }
0x1b6: {  	v14 =	vadd.s32 s9, v2;
	[tilespmem:v10+s26+$0x0] =	vst.idx.add.f32.msk $0xffff, v9  }
0x1b7: {  	v6 =	vld.idx.msk [tilespmem:v15+s20+$0x0], $0xffff  }
0x1b8: {  	v7 =	vld.idx.msk [tilespmem:v11+s20+$0x0], $0xffff  }
0x1b9: {  	v9 =	vld.idx.msk [tilespmem:v13+s20+$0x0], $0xffff  }
0x1ba: {  	v16 =	vld.idx.msk [tilespmem:v12+s20+$0x0], $0xffff  }
0x1bb: {  	v10 =	vld.idx.msk [tilespmem:v14+s20+$0x0], $0xffff  }
.Ltmp18:
0x1bc: {  	v8 =	vld.idx.msk [tilespmem:v15+s19+$0x0], $0xffff;
	(pc) =	sbr.rel @!p0 .LBB2_32-.Ltmp18, $4  }
0x1bd: {  	v5 =	vld.idx.msk [tilespmem:v11+s19+$0x0], $0xffff;
	v11 =	vsub.s32 v6, v4  }
0x1be: {  	v6 =	vld.idx.msk [tilespmem:v13+s19+$0x0], $0xffff;
	v13 =	vsub.s32 v7, v4  }
0x1bf: {  	v7 =	vld.idx.msk [tilespmem:v12+s19+$0x0], $0xffff;
	v12 =	vsub.s32 v9, v4  }
0x1c0: {  	v9 =	vld.idx.msk [tilespmem:v14+s19+$0x0], $0xffff;
	v14 =	vsub.s32 v16, v4  }
0x1c1: {  	_ =	sdelay $0x2  }
0x1c2: {  	v4 =	vsub.s32 v10, v4  }
.Ltmp19:
0x1c3: {  	[tilespmem:v11+s26+$0x0] =	vst.idx.add.f32.msk $0xffff, v8;
	(pc) =	sbr.rel .LBB2_35-.Ltmp19, $4  }
0x1c4: {  	[tilespmem:v13+s26+$0x0] =	vst.idx.add.f32.msk $0xffff, v5  }
0x1c5: {  	[tilespmem:v12+s26+$0x0] =	vst.idx.add.f32.msk $0xffff, v6  }
0x1c6: {  	[tilespmem:v14+s26+$0x0] =	vst.idx.add.f32.msk $0xffff, v7  }
0x1c7: {  	[tilespmem:v4+s26+$0x0] =	vst.idx.add.f32.msk $0xffff, v9  }
.LBB2_34:
0x1c8: {  	[spmem:s10] =	stream.indirect.scatter.add.f32 [tilespmem:s19], [sflag:$0x9], $0x1, s20, s3, $0xb8;
	[tilespmem:$0x1A7D8] =	vst v63  }
0x1c9: {  	_ =	swait.ge [sflag:s17], $0x2710  }
0x1ca: {  	[sflag:s17] =	ssyncset.done $0x0  }
0x1cb: {  	[sflag:s17] =	ssyncadd.s32 $0xFFFFD8F0  }
.LBB2_35:
0x1cc: {  	s7 =	rddreg [dreg:$0x15]  }
0x1cd: {  	[tilespmem:s19], [sflag:$0x2] =	stream.linear.gather [hbm4b:s7+s1], $0x2710, $0x38;
	[tilespmem:$0x1A7D8] =	vst v63  }
0x1ce: {  	s8 =	rddreg [dreg:$0x16]  }
0x1cf: {  	[tilespmem:s20], [sflag:$0x6] =	stream.linear.gather [hbm4b:s8+s1], $0x2710, $0x38;
	[tilespmem:$0x1A7D8] =	vst v63  }
0x1d0: {  	_ =	swait.ge [sflag:s30], $0x2710  }
0x1d1: {  	[sflag:s30] =	ssyncset.done $0x0  }
0x1d2: {  	[sflag:s30] =	ssyncadd.s32 $0xFFFFD8F0  }
0x1d3: {  	_ =	swait.ge [sflag:s31], $0x2710  }
0x1d4: {  	[sflag:s31] =	ssyncset.done $0x0  }
0x1d5: {  	[sflag:s31] =	ssyncadd.s32 $0xFFFFD8F0  }
0x1d6: {  	v4 =	vld [tilespmem:$0x11400];
	_ =	sdelay $0x4  }
0x1d7: {  	(v2sf) =	vpush v4, $0xF;
	_ =	sdelay $0xe  }
0x1d8: {  	s9 =	spop (v2sf)  }
0x1d9: {  	p0 =	sge.s32 s9, s6  }
.Ltmp20:
0x1da: {  	_ = 	snop;
	(pc) =	sbr.rel @p0 .LBB2_39-.Ltmp20, $1  }
0x1db: {  	_ =	sdelay $0x3  }
0x1dc: {  	s7 =	simm.s32 $0x0  }
0x1dd: {  	s9 =	simm.s32 $0x1;
	v4 =	vadd.s32 s7, v2  }
0x1de: {  	s8 =	simm.s32 $0x2;
	v5 =	vadd.s32 s9, v2  }
0x1df: {  	v6 =	vadd.s32 s8, v2  }
0x1e0: {  	s9 =	simm.s32 $0x3  }
0x1e1: {  	v7 =	vadd.s32 s9, v2  }
0x1e2: {  	s8 =	simm.s32 $0x4;
	v11 =	vld.idx.msk [tilespmem:v4+s22+$0x0], $0xffff  }
0x1e3: {  	v9 =	vadd.s32 s8, v2;
	v12 =	vld.idx.msk [tilespmem:v5+s22+$0x0], $0xffff  }
0x1e4: {  	v14 =	vld.idx.msk [tilespmem:v6+s22+$0x0], $0xffff  }
0x1e5: {  	v8 =	vld.idx.msk [tilespmem:v4+s21+$0x0], $0xffff  }
0x1e6: {  	v15 =	vld.idx.msk [tilespmem:v7+s22+$0x0], $0xffff  }
0x1e7: {  	v5 =	vld.idx.msk [tilespmem:v5+s21+$0x0], $0xffff  }
0x1e8: {  	v4 =	vmov s5;
	v10 =	vld.idx.msk [tilespmem:v9+s22+$0x0], $0xffff  }
0x1e9: {  	v6 =	vld.idx.msk [tilespmem:v6+s21+$0x0], $0xffff;
	v11 =	vsub.s32 v11, v4  }
0x1ea: {  	v7 =	vld.idx.msk [tilespmem:v7+s21+$0x0], $0xffff;
	v13 =	vsub.s32 v12, v4  }
0x1eb: {  	s7 =	simm.s32 $0x9;
	v9 =	vld.idx.msk [tilespmem:v9+s21+$0x0], $0xffff;
	v12 =	vsub.s32 v14, v4;
	v14 =	vsub.s32 v15, v4  }
.LBB2_37:
0x1ec: {  	s8 =	sadd.s32 $0xFFFFFFFC, s7  }
0x1ed: {  	p0 =	seq.s32 s7, $0x270;
	v10 =	vsub.s32 v10, v4;
	s9 =	smov.u32 s7;
	s7 =	sadd.s32 $0x5, s7  }
0x1ee: {  	v15 =	vadd.s32 s8, v2;
	s8 =	sadd.s32 $0xFFFFFFFD, s9;
	[tilespmem:v11+s26+$0x0] =	vst.idx.add.f32.msk $0xffff, v8  }
0x1ef: {  	v11 =	vadd.s32 s8, v2;
	s8 =	sadd.s32 $0xFFFFFFFE, s9;
	[tilespmem:v13+s26+$0x0] =	vst.idx.add.f32.msk $0xffff, v5  }
0x1f0: {  	v13 =	vadd.s32 s8, v2;
	s8 =	sadd.s32 $0xFFFFFFFF, s9;
	[tilespmem:v12+s26+$0x0] =	vst.idx.add.f32.msk $0xffff, v6  }
0x1f1: {  	v12 =	vadd.s32 s8, v2;
	[tilespmem:v14+s26+$0x0] =	vst.idx.add.f32.msk $0xffff, v7  }
0x1f2: {  	v14 =	vadd.s32 s9, v2;
	[tilespmem:v10+s26+$0x0] =	vst.idx.add.f32.msk $0xffff, v9  }
0x1f3: {  	v6 =	vld.idx.msk [tilespmem:v15+s22+$0x0], $0xffff  }
0x1f4: {  	v7 =	vld.idx.msk [tilespmem:v11+s22+$0x0], $0xffff  }
0x1f5: {  	v9 =	vld.idx.msk [tilespmem:v13+s22+$0x0], $0xffff  }
0x1f6: {  	v16 =	vld.idx.msk [tilespmem:v12+s22+$0x0], $0xffff  }
0x1f7: {  	v10 =	vld.idx.msk [tilespmem:v14+s22+$0x0], $0xffff  }
.Ltmp21:
0x1f8: {  	v8 =	vld.idx.msk [tilespmem:v15+s21+$0x0], $0xffff;
	(pc) =	sbr.rel @!p0 .LBB2_37-.Ltmp21, $4  }
0x1f9: {  	v5 =	vld.idx.msk [tilespmem:v11+s21+$0x0], $0xffff;
	v11 =	vsub.s32 v6, v4  }
0x1fa: {  	v6 =	vld.idx.msk [tilespmem:v13+s21+$0x0], $0xffff;
	v13 =	vsub.s32 v7, v4  }
0x1fb: {  	v7 =	vld.idx.msk [tilespmem:v12+s21+$0x0], $0xffff;
	v12 =	vsub.s32 v9, v4  }
0x1fc: {  	v9 =	vld.idx.msk [tilespmem:v14+s21+$0x0], $0xffff;
	v14 =	vsub.s32 v16, v4  }
0x1fd: {  	_ =	sdelay $0x2  }
0x1fe: {  	v4 =	vsub.s32 v10, v4  }
.Ltmp22:
0x1ff: {  	[tilespmem:v11+s26+$0x0] =	vst.idx.add.f32.msk $0xffff, v8;
	(pc) =	sbr.rel .LBB2_40-.Ltmp22, $4  }
0x200: {  	[tilespmem:v13+s26+$0x0] =	vst.idx.add.f32.msk $0xffff, v5  }
0x201: {  	[tilespmem:v12+s26+$0x0] =	vst.idx.add.f32.msk $0xffff, v6  }
0x202: {  	[tilespmem:v14+s26+$0x0] =	vst.idx.add.f32.msk $0xffff, v7  }
0x203: {  	[tilespmem:v4+s26+$0x0] =	vst.idx.add.f32.msk $0xffff, v9  }
.LBB2_39:
0x204: {  	[spmem:s10] =	stream.indirect.scatter.add.f32 [tilespmem:s21], [sflag:$0x9], $0x1, s22, s3, $0xb8;
	[tilespmem:$0x1A7D8] =	vst v63  }
0x205: {  	_ =	swait.ge [sflag:s17], $0x2710  }
0x206: {  	[sflag:s17] =	ssyncset.done $0x0  }
0x207: {  	[sflag:s17] =	ssyncadd.s32 $0xFFFFD8F0  }
.LBB2_40:
0x208: {  	s7 =	rddreg [dreg:$0x17]  }
0x209: {  	[tilespmem:s21], [sflag:$0x3] =	stream.linear.gather [hbm4b:s7+s1], $0x2710, $0x38;
	[tilespmem:$0x1A7D8] =	vst v63  }
0x20a: {  	s8 =	rddreg [dreg:$0x18]  }
0x20b: {  	[tilespmem:s22], [sflag:$0x7] =	stream.linear.gather [hbm4b:s8+s1], $0x2710, $0x38;
	[tilespmem:$0x1A7D8] =	vst v63  }
0x20c: {  	_ =	swait.ge [sflag:s0], $0x2710  }
0x20d: {  	[sflag:s0] =	ssyncset.done $0x0  }
0x20e: {  	[sflag:s0] =	ssyncadd.s32 $0xFFFFD8F0  }
0x20f: {  	_ =	swait.ge [sflag:s2], $0x2710  }
0x210: {  	[sflag:s2] =	ssyncset.done $0x0  }
0x211: {  	[sflag:s2] =	ssyncadd.s32 $0xFFFFD8F0  }
0x212: {  	v4 =	vld [tilespmem:$0x13B80];
	_ =	sdelay $0x4  }
0x213: {  	(v2sf) =	vpush v4, $0xF;
	_ =	sdelay $0xe  }
0x214: {  	s9 =	spop (v2sf)  }
0x215: {  	p0 =	sge.s32 s9, s6  }
.Ltmp23:
0x216: {  	_ = 	snop;
	(pc) =	sbr.rel @p0 .LBB2_44-.Ltmp23, $1  }
0x217: {  	_ =	sdelay $0x3  }
0x218: {  	s7 =	simm.s32 $0x0  }
0x219: {  	s9 =	simm.s32 $0x1;
	v4 =	vadd.s32 s7, v2  }
0x21a: {  	s8 =	simm.s32 $0x2;
	v5 =	vadd.s32 s9, v2  }
0x21b: {  	v6 =	vadd.s32 s8, v2  }
0x21c: {  	s9 =	simm.s32 $0x3  }
0x21d: {  	v7 =	vadd.s32 s9, v2  }
0x21e: {  	s8 =	simm.s32 $0x4;
	v11 =	vld.idx.msk [tilespmem:v4+s23+$0x0], $0xffff  }
0x21f: {  	v9 =	vadd.s32 s8, v2;
	v12 =	vld.idx.msk [tilespmem:v5+s23+$0x0], $0xffff  }
0x220: {  	v14 =	vld.idx.msk [tilespmem:v6+s23+$0x0], $0xffff  }
0x221: {  	v8 =	vld.idx.msk [tilespmem:v4+s16+$0x0], $0xffff  }
0x222: {  	v15 =	vld.idx.msk [tilespmem:v7+s23+$0x0], $0xffff  }
0x223: {  	v5 =	vld.idx.msk [tilespmem:v5+s16+$0x0], $0xffff  }
0x224: {  	v4 =	vmov s5;
	v10 =	vld.idx.msk [tilespmem:v9+s23+$0x0], $0xffff  }
0x225: {  	v6 =	vld.idx.msk [tilespmem:v6+s16+$0x0], $0xffff;
	v11 =	vsub.s32 v11, v4  }
0x226: {  	v7 =	vld.idx.msk [tilespmem:v7+s16+$0x0], $0xffff;
	v13 =	vsub.s32 v12, v4  }
0x227: {  	s7 =	simm.s32 $0x9;
	v9 =	vld.idx.msk [tilespmem:v9+s16+$0x0], $0xffff;
	v12 =	vsub.s32 v14, v4;
	v14 =	vsub.s32 v15, v4  }
.LBB2_42:
0x228: {  	s8 =	sadd.s32 $0xFFFFFFFC, s7  }
0x229: {  	p0 =	seq.s32 s7, $0x270;
	v10 =	vsub.s32 v10, v4;
	s9 =	smov.u32 s7;
	s7 =	sadd.s32 $0x5, s7  }
0x22a: {  	v15 =	vadd.s32 s8, v2;
	s8 =	sadd.s32 $0xFFFFFFFD, s9;
	[tilespmem:v11+s26+$0x0] =	vst.idx.add.f32.msk $0xffff, v8  }
0x22b: {  	v11 =	vadd.s32 s8, v2;
	s8 =	sadd.s32 $0xFFFFFFFE, s9;
	[tilespmem:v13+s26+$0x0] =	vst.idx.add.f32.msk $0xffff, v5  }
0x22c: {  	v13 =	vadd.s32 s8, v2;
	s8 =	sadd.s32 $0xFFFFFFFF, s9;
	[tilespmem:v12+s26+$0x0] =	vst.idx.add.f32.msk $0xffff, v6  }
0x22d: {  	v12 =	vadd.s32 s8, v2;
	[tilespmem:v14+s26+$0x0] =	vst.idx.add.f32.msk $0xffff, v7  }
0x22e: {  	v14 =	vadd.s32 s9, v2;
	[tilespmem:v10+s26+$0x0] =	vst.idx.add.f32.msk $0xffff, v9  }
0x22f: {  	v6 =	vld.idx.msk [tilespmem:v15+s23+$0x0], $0xffff  }
0x230: {  	v7 =	vld.idx.msk [tilespmem:v11+s23+$0x0], $0xffff  }
0x231: {  	v9 =	vld.idx.msk [tilespmem:v13+s23+$0x0], $0xffff  }
0x232: {  	v16 =	vld.idx.msk [tilespmem:v12+s23+$0x0], $0xffff  }
0x233: {  	v10 =	vld.idx.msk [tilespmem:v14+s23+$0x0], $0xffff  }
.Ltmp24:
0x234: {  	v8 =	vld.idx.msk [tilespmem:v15+s16+$0x0], $0xffff;
	(pc) =	sbr.rel @!p0 .LBB2_42-.Ltmp24, $4  }
0x235: {  	v5 =	vld.idx.msk [tilespmem:v11+s16+$0x0], $0xffff;
	v11 =	vsub.s32 v6, v4  }
0x236: {  	v6 =	vld.idx.msk [tilespmem:v13+s16+$0x0], $0xffff;
	v13 =	vsub.s32 v7, v4  }
0x237: {  	v7 =	vld.idx.msk [tilespmem:v12+s16+$0x0], $0xffff;
	v12 =	vsub.s32 v9, v4  }
0x238: {  	v9 =	vld.idx.msk [tilespmem:v14+s16+$0x0], $0xffff;
	v14 =	vsub.s32 v16, v4  }
0x239: {  	_ =	sdelay $0x2  }
0x23a: {  	v4 =	vsub.s32 v10, v4  }
.Ltmp25:
0x23b: {  	[tilespmem:v11+s26+$0x0] =	vst.idx.add.f32.msk $0xffff, v8;
	(pc) =	sbr.rel .LBB2_45-.Ltmp25, $4  }
0x23c: {  	[tilespmem:v13+s26+$0x0] =	vst.idx.add.f32.msk $0xffff, v5  }
0x23d: {  	[tilespmem:v12+s26+$0x0] =	vst.idx.add.f32.msk $0xffff, v6  }
0x23e: {  	[tilespmem:v14+s26+$0x0] =	vst.idx.add.f32.msk $0xffff, v7  }
0x23f: {  	[tilespmem:v4+s26+$0x0] =	vst.idx.add.f32.msk $0xffff, v9  }
.LBB2_44:
0x240: {  	[spmem:s10] =	stream.indirect.scatter.add.f32 [tilespmem:s16], [sflag:$0x9], $0x1, s23, s3, $0xb8;
	[tilespmem:$0x1A7D8] =	vst v63  }
0x241: {  	_ =	swait.ge [sflag:s17], $0x2710  }
0x242: {  	[sflag:s17] =	ssyncset.done $0x0  }
0x243: {  	[sflag:s17] =	ssyncadd.s32 $0xFFFFD8F0  }
.LBB2_45:
0x244: {  	s7 =	rddreg [dreg:$0x19]  }
0x245: {  	[tilespmem:s16], [sflag:$0x4] =	stream.linear.gather [hbm4b:s7+s1], $0x2710, $0x38;
	[tilespmem:$0x1A7D8] =	vst v63  }
0x246: {  	s8 =	rddreg [dreg:$0x1a]  }
0x247: {  	[tilespmem:s23], [sflag:$0x8] =	stream.linear.gather [hbm4b:s8+s1], $0x2710, $0x38;
	[tilespmem:$0x1A7D8] =	vst v63  }
0x248: {  	_ =	swait.ge [sflag:s24], $0x2710  }
0x249: {  	[sflag:s24] =	ssyncset.done $0x0  }
0x24a: {  	[sflag:s24] =	ssyncadd.s32 $0xFFFFD8F0  }
0x24b: {  	_ =	swait.ge [sflag:s25], $0x2710  }
0x24c: {  	[sflag:s25] =	ssyncset.done $0x0  }
0x24d: {  	[sflag:s25] =	ssyncadd.s32 $0xFFFFD8F0  }
0x24e: {  	v4 =	vld [tilespmem:$0xC500];
	_ =	sdelay $0x4  }
0x24f: {  	(v2sf) =	vpush v4, $0xF;
	_ =	sdelay $0xe  }
0x250: {  	s9 =	spop (v2sf)  }
0x251: {  	p0 =	sge.s32 s9, s6  }
.Ltmp26:
0x252: {  	_ = 	snop;
	(pc) =	sbr.rel @p0 .LBB2_49-.Ltmp26, $1  }
0x253: {  	_ =	sdelay $0x3  }
0x254: {  	s7 =	simm.s32 $0x0  }
0x255: {  	s9 =	simm.s32 $0x1;
	v4 =	vadd.s32 s7, v2  }
0x256: {  	s8 =	simm.s32 $0x2;
	v5 =	vadd.s32 s9, v2  }
0x257: {  	v6 =	vadd.s32 s8, v2  }
0x258: {  	s9 =	simm.s32 $0x3  }
0x259: {  	v7 =	vadd.s32 s9, v2  }
0x25a: {  	s8 =	simm.s32 $0x4;
	v11 =	vld.idx.msk [tilespmem:v4+s18+$0x0], $0xffff  }
0x25b: {  	v9 =	vadd.s32 s8, v2;
	v12 =	vld.idx.msk [tilespmem:v5+s18+$0x0], $0xffff  }
0x25c: {  	v14 =	vld.idx.msk [tilespmem:v6+s18+$0x0], $0xffff  }
0x25d: {  	v8 =	vld.idx.msk [tilespmem:v4+s1+$0x0], $0xffff  }
0x25e: {  	v15 =	vld.idx.msk [tilespmem:v7+s18+$0x0], $0xffff  }
0x25f: {  	v5 =	vld.idx.msk [tilespmem:v5+s1+$0x0], $0xffff  }
0x260: {  	v4 =	vmov s5;
	v10 =	vld.idx.msk [tilespmem:v9+s18+$0x0], $0xffff  }
0x261: {  	v6 =	vld.idx.msk [tilespmem:v6+s1+$0x0], $0xffff;
	v11 =	vsub.s32 v11, v4  }
0x262: {  	v7 =	vld.idx.msk [tilespmem:v7+s1+$0x0], $0xffff;
	v13 =	vsub.s32 v12, v4  }
0x263: {  	s7 =	simm.s32 $0x9;
	v9 =	vld.idx.msk [tilespmem:v9+s1+$0x0], $0xffff;
	v12 =	vsub.s32 v14, v4;
	v14 =	vsub.s32 v15, v4  }
.LBB2_47:
0x264: {  	s8 =	sadd.s32 $0xFFFFFFFC, s7  }
0x265: {  	p0 =	seq.s32 s7, $0x270;
	v10 =	vsub.s32 v10, v4;
	s9 =	smov.u32 s7;
	s7 =	sadd.s32 $0x5, s7  }
0x266: {  	v15 =	vadd.s32 s8, v2;
	s8 =	sadd.s32 $0xFFFFFFFD, s9;
	[tilespmem:v11+s26+$0x0] =	vst.idx.add.f32.msk $0xffff, v8  }
0x267: {  	v11 =	vadd.s32 s8, v2;
	s8 =	sadd.s32 $0xFFFFFFFE, s9;
	[tilespmem:v13+s26+$0x0] =	vst.idx.add.f32.msk $0xffff, v5  }
0x268: {  	v13 =	vadd.s32 s8, v2;
	s8 =	sadd.s32 $0xFFFFFFFF, s9;
	[tilespmem:v12+s26+$0x0] =	vst.idx.add.f32.msk $0xffff, v6  }
0x269: {  	v12 =	vadd.s32 s8, v2;
	[tilespmem:v14+s26+$0x0] =	vst.idx.add.f32.msk $0xffff, v7  }
0x26a: {  	v14 =	vadd.s32 s9, v2;
	[tilespmem:v10+s26+$0x0] =	vst.idx.add.f32.msk $0xffff, v9  }
0x26b: {  	v6 =	vld.idx.msk [tilespmem:v15+s18+$0x0], $0xffff  }
0x26c: {  	v7 =	vld.idx.msk [tilespmem:v11+s18+$0x0], $0xffff  }
0x26d: {  	v9 =	vld.idx.msk [tilespmem:v13+s18+$0x0], $0xffff  }
0x26e: {  	v16 =	vld.idx.msk [tilespmem:v12+s18+$0x0], $0xffff  }
0x26f: {  	v10 =	vld.idx.msk [tilespmem:v14+s18+$0x0], $0xffff  }
.Ltmp27:
0x270: {  	v8 =	vld.idx.msk [tilespmem:v15+s1+$0x0], $0xffff;
	(pc) =	sbr.rel @!p0 .LBB2_47-.Ltmp27, $4  }
0x271: {  	v5 =	vld.idx.msk [tilespmem:v11+s1+$0x0], $0xffff;
	v11 =	vsub.s32 v6, v4  }
0x272: {  	v6 =	vld.idx.msk [tilespmem:v13+s1+$0x0], $0xffff;
	v13 =	vsub.s32 v7, v4  }
0x273: {  	v7 =	vld.idx.msk [tilespmem:v12+s1+$0x0], $0xffff;
	v12 =	vsub.s32 v9, v4  }
0x274: {  	v9 =	vld.idx.msk [tilespmem:v14+s1+$0x0], $0xffff;
	v14 =	vsub.s32 v16, v4  }
0x275: {  	_ =	sdelay $0x2  }
0x276: {  	v4 =	vsub.s32 v10, v4  }
.Ltmp28:
0x277: {  	[tilespmem:v11+s26+$0x0] =	vst.idx.add.f32.msk $0xffff, v8;
	(pc) =	sbr.rel .LBB2_50-.Ltmp28, $4  }
0x278: {  	[tilespmem:v13+s26+$0x0] =	vst.idx.add.f32.msk $0xffff, v5  }
0x279: {  	[tilespmem:v12+s26+$0x0] =	vst.idx.add.f32.msk $0xffff, v6  }
0x27a: {  	[tilespmem:v14+s26+$0x0] =	vst.idx.add.f32.msk $0xffff, v7  }
0x27b: {  	[tilespmem:v4+s26+$0x0] =	vst.idx.add.f32.msk $0xffff, v9  }
.LBB2_49:
0x27c: {  	[spmem:s10] =	stream.indirect.scatter.add.f32 [tilespmem:s1], [sflag:$0x9], $0x1, s18, s3, $0xb8;
	[tilespmem:$0x1A7D8] =	vst v63  }
0x27d: {  	_ =	swait.ge [sflag:s17], $0x2710  }
0x27e: {  	[sflag:s17] =	ssyncset.done $0x0  }
0x27f: {  	[sflag:s17] =	ssyncadd.s32 $0xFFFFD8F0  }
.LBB2_50:
0x280: {  	s7 =	rddreg [dreg:$0x1b]  }
0x281: {  	[tilespmem:s1], [sflag:$0x1] =	stream.linear.gather [hbm4b:s7+s1], $0x2710, $0x38;
	[tilespmem:$0x1A7D8] =	vst v63  }
0x282: {  	s8 =	rddreg [dreg:$0x1c]  }
0x283: {  	[tilespmem:s18], [sflag:$0x5] =	stream.linear.gather [hbm4b:s8+s1], $0x2710, $0x38;
	[tilespmem:$0x1A7D8] =	vst v63  }
0x284: {  	_ =	swait.ge [sflag:s28], $0x2710  }
0x285: {  	[sflag:s28] =	ssyncset.done $0x0  }
0x286: {  	[sflag:s28] =	ssyncadd.s32 $0xFFFFD8F0  }
0x287: {  	_ =	swait.ge [sflag:s29], $0x2710  }
0x288: {  	[sflag:s29] =	ssyncset.done $0x0  }
0x289: {  	[sflag:s29] =	ssyncadd.s32 $0xFFFFD8F0  }
0x28a: {  	v4 =	vld [tilespmem:$0xEC80];
	_ =	sdelay $0x4  }
0x28b: {  	(v2sf) =	vpush v4, $0xF;
	_ =	sdelay $0xe  }
0x28c: {  	s9 =	spop (v2sf)  }
0x28d: {  	p0 =	sge.s32 s9, s6  }
.Ltmp29:
0x28e: {  	_ = 	snop;
	(pc) =	sbr.rel @p0 .LBB2_54-.Ltmp29, $1  }
0x28f: {  	_ =	sdelay $0x3  }
0x290: {  	s7 =	simm.s32 $0x0  }
0x291: {  	s9 =	simm.s32 $0x1;
	v4 =	vadd.s32 s7, v2  }
0x292: {  	s8 =	simm.s32 $0x2;
	v5 =	vadd.s32 s9, v2  }
0x293: {  	v6 =	vadd.s32 s8, v2  }
0x294: {  	s9 =	simm.s32 $0x3  }
0x295: {  	v7 =	vadd.s32 s9, v2  }
0x296: {  	s8 =	simm.s32 $0x4;
	v11 =	vld.idx.msk [tilespmem:v4+s20+$0x0], $0xffff  }
0x297: {  	v9 =	vadd.s32 s8, v2;
	v12 =	vld.idx.msk [tilespmem:v5+s20+$0x0], $0xffff  }
0x298: {  	v14 =	vld.idx.msk [tilespmem:v6+s20+$0x0], $0xffff  }
0x299: {  	v8 =	vld.idx.msk [tilespmem:v4+s19+$0x0], $0xffff  }
0x29a: {  	v15 =	vld.idx.msk [tilespmem:v7+s20+$0x0], $0xffff  }
0x29b: {  	v5 =	vld.idx.msk [tilespmem:v5+s19+$0x0], $0xffff  }
0x29c: {  	v4 =	vmov s5;
	v10 =	vld.idx.msk [tilespmem:v9+s20+$0x0], $0xffff  }
0x29d: {  	v6 =	vld.idx.msk [tilespmem:v6+s19+$0x0], $0xffff;
	v11 =	vsub.s32 v11, v4  }
0x29e: {  	v7 =	vld.idx.msk [tilespmem:v7+s19+$0x0], $0xffff;
	v13 =	vsub.s32 v12, v4  }
0x29f: {  	s7 =	simm.s32 $0x9;
	v9 =	vld.idx.msk [tilespmem:v9+s19+$0x0], $0xffff;
	v12 =	vsub.s32 v14, v4;
	v14 =	vsub.s32 v15, v4  }
.LBB2_52:
0x2a0: {  	s8 =	sadd.s32 $0xFFFFFFFC, s7  }
0x2a1: {  	p0 =	seq.s32 s7, $0x270;
	v10 =	vsub.s32 v10, v4;
	s9 =	smov.u32 s7;
	s7 =	sadd.s32 $0x5, s7  }
0x2a2: {  	v15 =	vadd.s32 s8, v2;
	s8 =	sadd.s32 $0xFFFFFFFD, s9;
	[tilespmem:v11+s26+$0x0] =	vst.idx.add.f32.msk $0xffff, v8  }
0x2a3: {  	v11 =	vadd.s32 s8, v2;
	s8 =	sadd.s32 $0xFFFFFFFE, s9;
	[tilespmem:v13+s26+$0x0] =	vst.idx.add.f32.msk $0xffff, v5  }
0x2a4: {  	v13 =	vadd.s32 s8, v2;
	s8 =	sadd.s32 $0xFFFFFFFF, s9;
	[tilespmem:v12+s26+$0x0] =	vst.idx.add.f32.msk $0xffff, v6  }
0x2a5: {  	v12 =	vadd.s32 s8, v2;
	[tilespmem:v14+s26+$0x0] =	vst.idx.add.f32.msk $0xffff, v7  }
0x2a6: {  	v14 =	vadd.s32 s9, v2;
	[tilespmem:v10+s26+$0x0] =	vst.idx.add.f32.msk $0xffff, v9  }
0x2a7: {  	v6 =	vld.idx.msk [tilespmem:v15+s20+$0x0], $0xffff  }
0x2a8: {  	v7 =	vld.idx.msk [tilespmem:v11+s20+$0x0], $0xffff  }
0x2a9: {  	v9 =	vld.idx.msk [tilespmem:v13+s20+$0x0], $0xffff  }
0x2aa: {  	v16 =	vld.idx.msk [tilespmem:v12+s20+$0x0], $0xffff  }
0x2ab: {  	v10 =	vld.idx.msk [tilespmem:v14+s20+$0x0], $0xffff  }
.Ltmp30:
0x2ac: {  	v8 =	vld.idx.msk [tilespmem:v15+s19+$0x0], $0xffff;
	(pc) =	sbr.rel @!p0 .LBB2_52-.Ltmp30, $4  }
0x2ad: {  	v5 =	vld.idx.msk [tilespmem:v11+s19+$0x0], $0xffff;
	v11 =	vsub.s32 v6, v4  }
0x2ae: {  	v6 =	vld.idx.msk [tilespmem:v13+s19+$0x0], $0xffff;
	v13 =	vsub.s32 v7, v4  }
0x2af: {  	v7 =	vld.idx.msk [tilespmem:v12+s19+$0x0], $0xffff;
	v12 =	vsub.s32 v9, v4  }
0x2b0: {  	v9 =	vld.idx.msk [tilespmem:v14+s19+$0x0], $0xffff;
	v14 =	vsub.s32 v16, v4  }
0x2b1: {  	_ =	sdelay $0x2  }
0x2b2: {  	v4 =	vsub.s32 v10, v4  }
.Ltmp31:
0x2b3: {  	[tilespmem:v11+s26+$0x0] =	vst.idx.add.f32.msk $0xffff, v8;
	(pc) =	sbr.rel .LBB2_55-.Ltmp31, $4  }
0x2b4: {  	[tilespmem:v13+s26+$0x0] =	vst.idx.add.f32.msk $0xffff, v5  }
0x2b5: {  	[tilespmem:v12+s26+$0x0] =	vst.idx.add.f32.msk $0xffff, v6  }
0x2b6: {  	[tilespmem:v14+s26+$0x0] =	vst.idx.add.f32.msk $0xffff, v7  }
0x2b7: {  	[tilespmem:v4+s26+$0x0] =	vst.idx.add.f32.msk $0xffff, v9  }
.LBB2_54:
0x2b8: {  	[spmem:s10] =	stream.indirect.scatter.add.f32 [tilespmem:s19], [sflag:$0x9], $0x1, s20, s3, $0xb8;
	[tilespmem:$0x1A7D8] =	vst v63  }
0x2b9: {  	_ =	swait.ge [sflag:s17], $0x2710  }
0x2ba: {  	[sflag:s17] =	ssyncset.done $0x0  }
0x2bb: {  	[sflag:s17] =	ssyncadd.s32 $0xFFFFD8F0  }
.LBB2_55:
0x2bc: {  	s7 =	rddreg [dreg:$0x1d]  }
0x2bd: {  	[tilespmem:s19], [sflag:$0x2] =	stream.linear.gather [hbm4b:s7+s1], $0x2710, $0x38;
	[tilespmem:$0x1A7D8] =	vst v63  }
0x2be: {  	s8 =	rddreg [dreg:$0x1e]  }
0x2bf: {  	[tilespmem:s20], [sflag:$0x6] =	stream.linear.gather [hbm4b:s8+s1], $0x2710, $0x38;
	[tilespmem:$0x1A7D8] =	vst v63  }
0x2c0: {  	_ =	swait.ge [sflag:s30], $0x2710  }
0x2c1: {  	[sflag:s30] =	ssyncset.done $0x0  }
0x2c2: {  	[sflag:s30] =	ssyncadd.s32 $0xFFFFD8F0  }
0x2c3: {  	_ =	swait.ge [sflag:s31], $0x2710  }
0x2c4: {  	[sflag:s31] =	ssyncset.done $0x0  }
0x2c5: {  	[sflag:s31] =	ssyncadd.s32 $0xFFFFD8F0  }
0x2c6: {  	v4 =	vld [tilespmem:$0x11400];
	_ =	sdelay $0x4  }
0x2c7: {  	(v2sf) =	vpush v4, $0xF;
	_ =	sdelay $0xe  }
0x2c8: {  	s9 =	spop (v2sf)  }
0x2c9: {  	p0 =	sge.s32 s9, s6  }
.Ltmp32:
0x2ca: {  	_ = 	snop;
	(pc) =	sbr.rel @p0 .LBB2_59-.Ltmp32, $1  }
0x2cb: {  	_ =	sdelay $0x3  }
0x2cc: {  	s7 =	simm.s32 $0x0  }
0x2cd: {  	s9 =	simm.s32 $0x1;
	v4 =	vadd.s32 s7, v2  }
0x2ce: {  	s8 =	simm.s32 $0x2;
	v5 =	vadd.s32 s9, v2  }
0x2cf: {  	v6 =	vadd.s32 s8, v2  }
0x2d0: {  	s9 =	simm.s32 $0x3  }
0x2d1: {  	v7 =	vadd.s32 s9, v2  }
0x2d2: {  	s8 =	simm.s32 $0x4;
	v11 =	vld.idx.msk [tilespmem:v4+s22+$0x0], $0xffff  }
0x2d3: {  	v9 =	vadd.s32 s8, v2;
	v12 =	vld.idx.msk [tilespmem:v5+s22+$0x0], $0xffff  }
0x2d4: {  	v14 =	vld.idx.msk [tilespmem:v6+s22+$0x0], $0xffff  }
0x2d5: {  	v8 =	vld.idx.msk [tilespmem:v4+s21+$0x0], $0xffff  }
0x2d6: {  	v15 =	vld.idx.msk [tilespmem:v7+s22+$0x0], $0xffff  }
0x2d7: {  	v5 =	vld.idx.msk [tilespmem:v5+s21+$0x0], $0xffff  }
0x2d8: {  	v4 =	vmov s5;
	v10 =	vld.idx.msk [tilespmem:v9+s22+$0x0], $0xffff  }
0x2d9: {  	v6 =	vld.idx.msk [tilespmem:v6+s21+$0x0], $0xffff;
	v11 =	vsub.s32 v11, v4  }
0x2da: {  	v7 =	vld.idx.msk [tilespmem:v7+s21+$0x0], $0xffff;
	v13 =	vsub.s32 v12, v4  }
0x2db: {  	s7 =	simm.s32 $0x9;
	v9 =	vld.idx.msk [tilespmem:v9+s21+$0x0], $0xffff;
	v12 =	vsub.s32 v14, v4;
	v14 =	vsub.s32 v15, v4  }
.LBB2_57:
0x2dc: {  	s8 =	sadd.s32 $0xFFFFFFFC, s7  }
0x2dd: {  	p0 =	seq.s32 s7, $0x270;
	v10 =	vsub.s32 v10, v4;
	s9 =	smov.u32 s7;
	s7 =	sadd.s32 $0x5, s7  }
0x2de: {  	v15 =	vadd.s32 s8, v2;
	s8 =	sadd.s32 $0xFFFFFFFD, s9;
	[tilespmem:v11+s26+$0x0] =	vst.idx.add.f32.msk $0xffff, v8  }
0x2df: {  	v11 =	vadd.s32 s8, v2;
	s8 =	sadd.s32 $0xFFFFFFFE, s9;
	[tilespmem:v13+s26+$0x0] =	vst.idx.add.f32.msk $0xffff, v5  }
0x2e0: {  	v13 =	vadd.s32 s8, v2;
	s8 =	sadd.s32 $0xFFFFFFFF, s9;
	[tilespmem:v12+s26+$0x0] =	vst.idx.add.f32.msk $0xffff, v6  }
0x2e1: {  	v12 =	vadd.s32 s8, v2;
	[tilespmem:v14+s26+$0x0] =	vst.idx.add.f32.msk $0xffff, v7  }
0x2e2: {  	v14 =	vadd.s32 s9, v2;
	[tilespmem:v10+s26+$0x0] =	vst.idx.add.f32.msk $0xffff, v9  }
0x2e3: {  	v6 =	vld.idx.msk [tilespmem:v15+s22+$0x0], $0xffff  }
0x2e4: {  	v7 =	vld.idx.msk [tilespmem:v11+s22+$0x0], $0xffff  }
0x2e5: {  	v9 =	vld.idx.msk [tilespmem:v13+s22+$0x0], $0xffff  }
0x2e6: {  	v16 =	vld.idx.msk [tilespmem:v12+s22+$0x0], $0xffff  }
0x2e7: {  	v10 =	vld.idx.msk [tilespmem:v14+s22+$0x0], $0xffff  }
.Ltmp33:
0x2e8: {  	v8 =	vld.idx.msk [tilespmem:v15+s21+$0x0], $0xffff;
	(pc) =	sbr.rel @!p0 .LBB2_57-.Ltmp33, $4  }
0x2e9: {  	v5 =	vld.idx.msk [tilespmem:v11+s21+$0x0], $0xffff;
	v11 =	vsub.s32 v6, v4  }
0x2ea: {  	v6 =	vld.idx.msk [tilespmem:v13+s21+$0x0], $0xffff;
	v13 =	vsub.s32 v7, v4  }
0x2eb: {  	v7 =	vld.idx.msk [tilespmem:v12+s21+$0x0], $0xffff;
	v12 =	vsub.s32 v9, v4  }
0x2ec: {  	v9 =	vld.idx.msk [tilespmem:v14+s21+$0x0], $0xffff;
	v14 =	vsub.s32 v16, v4  }
0x2ed: {  	_ =	sdelay $0x2  }
0x2ee: {  	v4 =	vsub.s32 v10, v4  }
.Ltmp34:
0x2ef: {  	[tilespmem:v11+s26+$0x0] =	vst.idx.add.f32.msk $0xffff, v8;
	(pc) =	sbr.rel .LBB2_60-.Ltmp34, $4  }
0x2f0: {  	[tilespmem:v13+s26+$0x0] =	vst.idx.add.f32.msk $0xffff, v5  }
0x2f1: {  	[tilespmem:v12+s26+$0x0] =	vst.idx.add.f32.msk $0xffff, v6  }
0x2f2: {  	[tilespmem:v14+s26+$0x0] =	vst.idx.add.f32.msk $0xffff, v7  }
0x2f3: {  	[tilespmem:v4+s26+$0x0] =	vst.idx.add.f32.msk $0xffff, v9  }
.LBB2_59:
0x2f4: {  	[spmem:s10] =	stream.indirect.scatter.add.f32 [tilespmem:s21], [sflag:$0x9], $0x1, s22, s3, $0xb8;
	[tilespmem:$0x1A7D8] =	vst v63  }
0x2f5: {  	_ =	swait.ge [sflag:s17], $0x2710  }
0x2f6: {  	[sflag:s17] =	ssyncset.done $0x0  }
0x2f7: {  	[sflag:s17] =	ssyncadd.s32 $0xFFFFD8F0  }
.LBB2_60:
0x2f8: {  	s7 =	rddreg [dreg:$0x1f]  }
0x2f9: {  	s8 =	sld [smem:$0x7F3]  }
0x2fa: {  	[tilespmem:s21], [sflag:$0x3] =	stream.linear.gather [hbm4b:s7+s1], $0x2710, $0x38;
	[tilespmem:$0x1A7D8] =	vst v63  }
0x2fb: {  	_ = 	snop  }
0x2fc: {  	[tilespmem:s22], [sflag:$0x7] =	stream.linear.gather [hbm4b:s8+s1], $0x2710, $0x38;
	[tilespmem:$0x1A7D8] =	vst v63  }
0x2fd: {  	_ =	swait.ge [sflag:s0], $0x2710  }
0x2fe: {  	[sflag:s0] =	ssyncset.done $0x0  }
0x2ff: {  	[sflag:s0] =	ssyncadd.s32 $0xFFFFD8F0  }
0x300: {  	_ =	swait.ge [sflag:s2], $0x2710  }
0x301: {  	[sflag:s2] =	ssyncset.done $0x0  }
0x302: {  	[sflag:s2] =	ssyncadd.s32 $0xFFFFD8F0  }
0x303: {  	v4 =	vld [tilespmem:$0x13B80];
	_ =	sdelay $0x4  }
0x304: {  	(v2sf) =	vpush v4, $0xF;
	_ =	sdelay $0xe  }
0x305: {  	s9 =	spop (v2sf)  }
0x306: {  	p0 =	sge.s32 s9, s6  }
.Ltmp35:
0x307: {  	_ = 	snop;
	(pc) =	sbr.rel @p0 .LBB2_64-.Ltmp35, $1  }
0x308: {  	_ =	sdelay $0x3  }
0x309: {  	s7 =	simm.s32 $0x0  }
0x30a: {  	s9 =	simm.s32 $0x1;
	v4 =	vadd.s32 s7, v2  }
0x30b: {  	s8 =	simm.s32 $0x2;
	v5 =	vadd.s32 s9, v2  }
0x30c: {  	v6 =	vadd.s32 s8, v2  }
0x30d: {  	s9 =	simm.s32 $0x3  }
0x30e: {  	v7 =	vadd.s32 s9, v2  }
0x30f: {  	s8 =	simm.s32 $0x4;
	v11 =	vld.idx.msk [tilespmem:v4+s23+$0x0], $0xffff  }
0x310: {  	v9 =	vadd.s32 s8, v2;
	v12 =	vld.idx.msk [tilespmem:v5+s23+$0x0], $0xffff  }
0x311: {  	v14 =	vld.idx.msk [tilespmem:v6+s23+$0x0], $0xffff  }
0x312: {  	v8 =	vld.idx.msk [tilespmem:v4+s16+$0x0], $0xffff  }
0x313: {  	v15 =	vld.idx.msk [tilespmem:v7+s23+$0x0], $0xffff  }
0x314: {  	v5 =	vld.idx.msk [tilespmem:v5+s16+$0x0], $0xffff  }
0x315: {  	v4 =	vmov s5;
	v10 =	vld.idx.msk [tilespmem:v9+s23+$0x0], $0xffff  }
0x316: {  	v6 =	vld.idx.msk [tilespmem:v6+s16+$0x0], $0xffff;
	v11 =	vsub.s32 v11, v4  }
0x317: {  	v7 =	vld.idx.msk [tilespmem:v7+s16+$0x0], $0xffff;
	v13 =	vsub.s32 v12, v4  }
0x318: {  	s7 =	simm.s32 $0x9;
	v9 =	vld.idx.msk [tilespmem:v9+s16+$0x0], $0xffff;
	v12 =	vsub.s32 v14, v4;
	v14 =	vsub.s32 v15, v4  }
.LBB2_62:
0x319: {  	s8 =	sadd.s32 $0xFFFFFFFC, s7  }
0x31a: {  	p0 =	seq.s32 s7, $0x270;
	v10 =	vsub.s32 v10, v4;
	s9 =	smov.u32 s7;
	s7 =	sadd.s32 $0x5, s7  }
0x31b: {  	v15 =	vadd.s32 s8, v2;
	s8 =	sadd.s32 $0xFFFFFFFD, s9;
	[tilespmem:v11+s26+$0x0] =	vst.idx.add.f32.msk $0xffff, v8  }
0x31c: {  	v11 =	vadd.s32 s8, v2;
	s8 =	sadd.s32 $0xFFFFFFFE, s9;
	[tilespmem:v13+s26+$0x0] =	vst.idx.add.f32.msk $0xffff, v5  }
0x31d: {  	v13 =	vadd.s32 s8, v2;
	s8 =	sadd.s32 $0xFFFFFFFF, s9;
	[tilespmem:v12+s26+$0x0] =	vst.idx.add.f32.msk $0xffff, v6  }
0x31e: {  	v12 =	vadd.s32 s8, v2;
	[tilespmem:v14+s26+$0x0] =	vst.idx.add.f32.msk $0xffff, v7  }
0x31f: {  	v14 =	vadd.s32 s9, v2;
	[tilespmem:v10+s26+$0x0] =	vst.idx.add.f32.msk $0xffff, v9  }
0x320: {  	v6 =	vld.idx.msk [tilespmem:v15+s23+$0x0], $0xffff  }
0x321: {  	v7 =	vld.idx.msk [tilespmem:v11+s23+$0x0], $0xffff  }
0x322: {  	v9 =	vld.idx.msk [tilespmem:v13+s23+$0x0], $0xffff  }
0x323: {  	v16 =	vld.idx.msk [tilespmem:v12+s23+$0x0], $0xffff  }
0x324: {  	v10 =	vld.idx.msk [tilespmem:v14+s23+$0x0], $0xffff  }
.Ltmp36:
0x325: {  	v8 =	vld.idx.msk [tilespmem:v15+s16+$0x0], $0xffff;
	(pc) =	sbr.rel @!p0 .LBB2_62-.Ltmp36, $4  }
0x326: {  	v5 =	vld.idx.msk [tilespmem:v11+s16+$0x0], $0xffff;
	v11 =	vsub.s32 v6, v4  }
0x327: {  	v6 =	vld.idx.msk [tilespmem:v13+s16+$0x0], $0xffff;
	v13 =	vsub.s32 v7, v4  }
0x328: {  	v7 =	vld.idx.msk [tilespmem:v12+s16+$0x0], $0xffff;
	v12 =	vsub.s32 v9, v4  }
0x329: {  	v9 =	vld.idx.msk [tilespmem:v14+s16+$0x0], $0xffff;
	v14 =	vsub.s32 v16, v4  }
0x32a: {  	_ =	sdelay $0x2  }
0x32b: {  	v4 =	vsub.s32 v10, v4  }
.Ltmp37:
0x32c: {  	[tilespmem:v11+s26+$0x0] =	vst.idx.add.f32.msk $0xffff, v8;
	(pc) =	sbr.rel .LBB2_65-.Ltmp37, $4  }
0x32d: {  	[tilespmem:v13+s26+$0x0] =	vst.idx.add.f32.msk $0xffff, v5  }
0x32e: {  	[tilespmem:v12+s26+$0x0] =	vst.idx.add.f32.msk $0xffff, v6  }
0x32f: {  	[tilespmem:v14+s26+$0x0] =	vst.idx.add.f32.msk $0xffff, v7  }
0x330: {  	[tilespmem:v4+s26+$0x0] =	vst.idx.add.f32.msk $0xffff, v9  }
.LBB2_64:
0x331: {  	[spmem:s10] =	stream.indirect.scatter.add.f32 [tilespmem:s16], [sflag:$0x9], $0x1, s23, s3, $0xb8;
	[tilespmem:$0x1A7D8] =	vst v63  }
0x332: {  	_ =	swait.ge [sflag:s17], $0x2710  }
0x333: {  	[sflag:s17] =	ssyncset.done $0x0  }
0x334: {  	[sflag:s17] =	ssyncadd.s32 $0xFFFFD8F0  }
.LBB2_65:
0x335: {  	s7 =	sld [smem:$0x7F4];
	_ =	sdelay $0x1  }
0x336: {  	s8 =	sld [smem:$0x7F5]  }
0x337: {  	[tilespmem:s16], [sflag:$0x4] =	stream.linear.gather [hbm4b:s7+s1], $0x2710, $0x38;
	[tilespmem:$0x1A7D8] =	vst v63  }
0x338: {  	_ = 	snop  }
0x339: {  	[tilespmem:s23], [sflag:$0x8] =	stream.linear.gather [hbm4b:s8+s1], $0x2710, $0x38;
	[tilespmem:$0x1A7D8] =	vst v63  }
0x33a: {  	_ =	swait.ge [sflag:s24], $0x2710  }
0x33b: {  	[sflag:s24] =	ssyncset.done $0x0  }
0x33c: {  	[sflag:s24] =	ssyncadd.s32 $0xFFFFD8F0  }
0x33d: {  	_ =	swait.ge [sflag:s25], $0x2710  }
0x33e: {  	[sflag:s25] =	ssyncset.done $0x0  }
0x33f: {  	[sflag:s25] =	ssyncadd.s32 $0xFFFFD8F0  }
0x340: {  	v4 =	vld [tilespmem:$0xC500];
	_ =	sdelay $0x4  }
0x341: {  	(v2sf) =	vpush v4, $0xF;
	_ =	sdelay $0xe  }
0x342: {  	s9 =	spop (v2sf)  }
0x343: {  	p0 =	sge.s32 s9, s6  }
.Ltmp38:
0x344: {  	_ = 	snop;
	(pc) =	sbr.rel @p0 .LBB2_69-.Ltmp38, $1  }
0x345: {  	_ =	sdelay $0x3  }
0x346: {  	s7 =	simm.s32 $0x0  }
0x347: {  	s9 =	simm.s32 $0x1;
	v4 =	vadd.s32 s7, v2  }
0x348: {  	s8 =	simm.s32 $0x2;
	v5 =	vadd.s32 s9, v2  }
0x349: {  	v6 =	vadd.s32 s8, v2  }
0x34a: {  	s9 =	simm.s32 $0x3  }
0x34b: {  	v7 =	vadd.s32 s9, v2  }
0x34c: {  	s8 =	simm.s32 $0x4;
	v11 =	vld.idx.msk [tilespmem:v4+s18+$0x0], $0xffff  }
0x34d: {  	v9 =	vadd.s32 s8, v2;
	v12 =	vld.idx.msk [tilespmem:v5+s18+$0x0], $0xffff  }
0x34e: {  	v14 =	vld.idx.msk [tilespmem:v6+s18+$0x0], $0xffff  }
0x34f: {  	v8 =	vld.idx.msk [tilespmem:v4+s1+$0x0], $0xffff  }
0x350: {  	v15 =	vld.idx.msk [tilespmem:v7+s18+$0x0], $0xffff  }
0x351: {  	v5 =	vld.idx.msk [tilespmem:v5+s1+$0x0], $0xffff  }
0x352: {  	v4 =	vmov s5;
	v10 =	vld.idx.msk [tilespmem:v9+s18+$0x0], $0xffff  }
0x353: {  	v6 =	vld.idx.msk [tilespmem:v6+s1+$0x0], $0xffff;
	v11 =	vsub.s32 v11, v4  }
0x354: {  	v7 =	vld.idx.msk [tilespmem:v7+s1+$0x0], $0xffff;
	v13 =	vsub.s32 v12, v4  }
0x355: {  	s7 =	simm.s32 $0x9;
	v9 =	vld.idx.msk [tilespmem:v9+s1+$0x0], $0xffff;
	v12 =	vsub.s32 v14, v4;
	v14 =	vsub.s32 v15, v4  }
.LBB2_67:
0x356: {  	s8 =	sadd.s32 $0xFFFFFFFC, s7  }
0x357: {  	p0 =	seq.s32 s7, $0x270;
	v10 =	vsub.s32 v10, v4;
	s9 =	smov.u32 s7;
	s7 =	sadd.s32 $0x5, s7  }
0x358: {  	v15 =	vadd.s32 s8, v2;
	s8 =	sadd.s32 $0xFFFFFFFD, s9;
	[tilespmem:v11+s26+$0x0] =	vst.idx.add.f32.msk $0xffff, v8  }
0x359: {  	v11 =	vadd.s32 s8, v2;
	s8 =	sadd.s32 $0xFFFFFFFE, s9;
	[tilespmem:v13+s26+$0x0] =	vst.idx.add.f32.msk $0xffff, v5  }
0x35a: {  	v13 =	vadd.s32 s8, v2;
	s8 =	sadd.s32 $0xFFFFFFFF, s9;
	[tilespmem:v12+s26+$0x0] =	vst.idx.add.f32.msk $0xffff, v6  }
0x35b: {  	v12 =	vadd.s32 s8, v2;
	[tilespmem:v14+s26+$0x0] =	vst.idx.add.f32.msk $0xffff, v7  }
0x35c: {  	v14 =	vadd.s32 s9, v2;
	[tilespmem:v10+s26+$0x0] =	vst.idx.add.f32.msk $0xffff, v9  }
0x35d: {  	v6 =	vld.idx.msk [tilespmem:v15+s18+$0x0], $0xffff  }
0x35e: {  	v7 =	vld.idx.msk [tilespmem:v11+s18+$0x0], $0xffff  }
0x35f: {  	v9 =	vld.idx.msk [tilespmem:v13+s18+$0x0], $0xffff  }
0x360: {  	v16 =	vld.idx.msk [tilespmem:v12+s18+$0x0], $0xffff  }
0x361: {  	v10 =	vld.idx.msk [tilespmem:v14+s18+$0x0], $0xffff  }
.Ltmp39:
0x362: {  	v8 =	vld.idx.msk [tilespmem:v15+s1+$0x0], $0xffff;
	(pc) =	sbr.rel @!p0 .LBB2_67-.Ltmp39, $4  }
0x363: {  	v5 =	vld.idx.msk [tilespmem:v11+s1+$0x0], $0xffff;
	v11 =	vsub.s32 v6, v4  }
0x364: {  	v6 =	vld.idx.msk [tilespmem:v13+s1+$0x0], $0xffff;
	v13 =	vsub.s32 v7, v4  }
0x365: {  	v7 =	vld.idx.msk [tilespmem:v12+s1+$0x0], $0xffff;
	v12 =	vsub.s32 v9, v4  }
0x366: {  	v9 =	vld.idx.msk [tilespmem:v14+s1+$0x0], $0xffff;
	v14 =	vsub.s32 v16, v4  }
0x367: {  	_ =	sdelay $0x2  }
0x368: {  	v4 =	vsub.s32 v10, v4  }
.Ltmp40:
0x369: {  	[tilespmem:v11+s26+$0x0] =	vst.idx.add.f32.msk $0xffff, v8;
	(pc) =	sbr.rel .LBB2_70-.Ltmp40, $4  }
0x36a: {  	[tilespmem:v13+s26+$0x0] =	vst.idx.add.f32.msk $0xffff, v5  }
0x36b: {  	[tilespmem:v12+s26+$0x0] =	vst.idx.add.f32.msk $0xffff, v6  }
0x36c: {  	[tilespmem:v14+s26+$0x0] =	vst.idx.add.f32.msk $0xffff, v7  }
0x36d: {  	[tilespmem:v4+s26+$0x0] =	vst.idx.add.f32.msk $0xffff, v9  }
.LBB2_69:
0x36e: {  	[spmem:s10] =	stream.indirect.scatter.add.f32 [tilespmem:s1], [sflag:$0x9], $0x1, s18, s3, $0xb8;
	[tilespmem:$0x1A7D8] =	vst v63  }
0x36f: {  	_ =	swait.ge [sflag:s17], $0x2710  }
0x370: {  	[sflag:s17] =	ssyncset.done $0x0  }
0x371: {  	[sflag:s17] =	ssyncadd.s32 $0xFFFFD8F0  }
.LBB2_70:
0x372: {  	s7 =	sld [smem:$0x7F6];
	_ =	sdelay $0x1  }
0x373: {  	s8 =	sld [smem:$0x7F7]  }
0x374: {  	[tilespmem:s1], [sflag:$0x1] =	stream.linear.gather [hbm4b:s7+s1], $0x2710, $0x38;
	[tilespmem:$0x1A7D8] =	vst v63  }
0x375: {  	_ = 	snop  }
0x376: {  	[tilespmem:s18], [sflag:$0x5] =	stream.linear.gather [hbm4b:s8+s1], $0x2710, $0x38;
	[tilespmem:$0x1A7D8] =	vst v63  }
0x377: {  	_ =	swait.ge [sflag:s28], $0x2710  }
0x378: {  	[sflag:s28] =	ssyncset.done $0x0  }
0x379: {  	[sflag:s28] =	ssyncadd.s32 $0xFFFFD8F0  }
0x37a: {  	_ =	swait.ge [sflag:s29], $0x2710  }
0x37b: {  	[sflag:s29] =	ssyncset.done $0x0  }
0x37c: {  	[sflag:s29] =	ssyncadd.s32 $0xFFFFD8F0  }
0x37d: {  	v4 =	vld [tilespmem:$0xEC80];
	_ =	sdelay $0x4  }
0x37e: {  	(v2sf) =	vpush v4, $0xF;
	_ =	sdelay $0xe  }
0x37f: {  	s9 =	spop (v2sf)  }
0x380: {  	p0 =	sge.s32 s9, s6  }
.Ltmp41:
0x381: {  	_ = 	snop;
	(pc) =	sbr.rel @p0 .LBB2_74-.Ltmp41, $1  }
0x382: {  	_ =	sdelay $0x3  }
0x383: {  	s7 =	simm.s32 $0x0  }
0x384: {  	s9 =	simm.s32 $0x1;
	v4 =	vadd.s32 s7, v2  }
0x385: {  	s8 =	simm.s32 $0x2;
	v5 =	vadd.s32 s9, v2  }
0x386: {  	v6 =	vadd.s32 s8, v2  }
0x387: {  	s9 =	simm.s32 $0x3  }
0x388: {  	v7 =	vadd.s32 s9, v2  }
0x389: {  	s8 =	simm.s32 $0x4;
	v11 =	vld.idx.msk [tilespmem:v4+s20+$0x0], $0xffff  }
0x38a: {  	v9 =	vadd.s32 s8, v2;
	v12 =	vld.idx.msk [tilespmem:v5+s20+$0x0], $0xffff  }
0x38b: {  	v14 =	vld.idx.msk [tilespmem:v6+s20+$0x0], $0xffff  }
0x38c: {  	v8 =	vld.idx.msk [tilespmem:v4+s19+$0x0], $0xffff  }
0x38d: {  	v15 =	vld.idx.msk [tilespmem:v7+s20+$0x0], $0xffff  }
0x38e: {  	v5 =	vld.idx.msk [tilespmem:v5+s19+$0x0], $0xffff  }
0x38f: {  	v4 =	vmov s5;
	v10 =	vld.idx.msk [tilespmem:v9+s20+$0x0], $0xffff  }
0x390: {  	v6 =	vld.idx.msk [tilespmem:v6+s19+$0x0], $0xffff;
	v11 =	vsub.s32 v11, v4  }
0x391: {  	v7 =	vld.idx.msk [tilespmem:v7+s19+$0x0], $0xffff;
	v13 =	vsub.s32 v12, v4  }
0x392: {  	s7 =	simm.s32 $0x9;
	v9 =	vld.idx.msk [tilespmem:v9+s19+$0x0], $0xffff;
	v12 =	vsub.s32 v14, v4;
	v14 =	vsub.s32 v15, v4  }
.LBB2_72:
0x393: {  	s8 =	sadd.s32 $0xFFFFFFFC, s7  }
0x394: {  	p0 =	seq.s32 s7, $0x270;
	v10 =	vsub.s32 v10, v4;
	s9 =	smov.u32 s7;
	s7 =	sadd.s32 $0x5, s7  }
0x395: {  	v15 =	vadd.s32 s8, v2;
	s8 =	sadd.s32 $0xFFFFFFFD, s9;
	[tilespmem:v11+s26+$0x0] =	vst.idx.add.f32.msk $0xffff, v8  }
0x396: {  	v11 =	vadd.s32 s8, v2;
	s8 =	sadd.s32 $0xFFFFFFFE, s9;
	[tilespmem:v13+s26+$0x0] =	vst.idx.add.f32.msk $0xffff, v5  }
0x397: {  	v13 =	vadd.s32 s8, v2;
	s8 =	sadd.s32 $0xFFFFFFFF, s9;
	[tilespmem:v12+s26+$0x0] =	vst.idx.add.f32.msk $0xffff, v6  }
0x398: {  	v12 =	vadd.s32 s8, v2;
	[tilespmem:v14+s26+$0x0] =	vst.idx.add.f32.msk $0xffff, v7  }
0x399: {  	v14 =	vadd.s32 s9, v2;
	[tilespmem:v10+s26+$0x0] =	vst.idx.add.f32.msk $0xffff, v9  }
0x39a: {  	v6 =	vld.idx.msk [tilespmem:v15+s20+$0x0], $0xffff  }
0x39b: {  	v7 =	vld.idx.msk [tilespmem:v11+s20+$0x0], $0xffff  }
0x39c: {  	v9 =	vld.idx.msk [tilespmem:v13+s20+$0x0], $0xffff  }
0x39d: {  	v16 =	vld.idx.msk [tilespmem:v12+s20+$0x0], $0xffff  }
0x39e: {  	v10 =	vld.idx.msk [tilespmem:v14+s20+$0x0], $0xffff  }
.Ltmp42:
0x39f: {  	v8 =	vld.idx.msk [tilespmem:v15+s19+$0x0], $0xffff;
	(pc) =	sbr.rel @!p0 .LBB2_72-.Ltmp42, $4  }
0x3a0: {  	v5 =	vld.idx.msk [tilespmem:v11+s19+$0x0], $0xffff;
	v11 =	vsub.s32 v6, v4  }
0x3a1: {  	v6 =	vld.idx.msk [tilespmem:v13+s19+$0x0], $0xffff;
	v13 =	vsub.s32 v7, v4  }
0x3a2: {  	v7 =	vld.idx.msk [tilespmem:v12+s19+$0x0], $0xffff;
	v12 =	vsub.s32 v9, v4  }
0x3a3: {  	v9 =	vld.idx.msk [tilespmem:v14+s19+$0x0], $0xffff;
	v14 =	vsub.s32 v16, v4  }
0x3a4: {  	_ =	sdelay $0x2  }
0x3a5: {  	v4 =	vsub.s32 v10, v4  }
.Ltmp43:
0x3a6: {  	[tilespmem:v11+s26+$0x0] =	vst.idx.add.f32.msk $0xffff, v8;
	(pc) =	sbr.rel .LBB2_75-.Ltmp43, $4  }
0x3a7: {  	[tilespmem:v13+s26+$0x0] =	vst.idx.add.f32.msk $0xffff, v5  }
0x3a8: {  	[tilespmem:v12+s26+$0x0] =	vst.idx.add.f32.msk $0xffff, v6  }
0x3a9: {  	[tilespmem:v14+s26+$0x0] =	vst.idx.add.f32.msk $0xffff, v7  }
0x3aa: {  	[tilespmem:v4+s26+$0x0] =	vst.idx.add.f32.msk $0xffff, v9  }
.LBB2_74:
0x3ab: {  	[spmem:s10] =	stream.indirect.scatter.add.f32 [tilespmem:s19], [sflag:$0x9], $0x1, s20, s3, $0xb8;
	[tilespmem:$0x1A7D8] =	vst v63  }
0x3ac: {  	_ =	swait.ge [sflag:s17], $0x2710  }
0x3ad: {  	[sflag:s17] =	ssyncset.done $0x0  }
0x3ae: {  	[sflag:s17] =	ssyncadd.s32 $0xFFFFD8F0  }
.LBB2_75:
0x3af: {  	s7 =	sld [smem:$0x7F8];
	_ =	sdelay $0x1  }
0x3b0: {  	s8 =	sld [smem:$0x7F9]  }
0x3b1: {  	[tilespmem:s19], [sflag:$0x2] =	stream.linear.gather [hbm4b:s7+s1], $0x2710, $0x38;
	[tilespmem:$0x1A7D8] =	vst v63  }
0x3b2: {  	_ = 	snop  }
0x3b3: {  	[tilespmem:s20], [sflag:$0x6] =	stream.linear.gather [hbm4b:s8+s1], $0x2710, $0x38;
	[tilespmem:$0x1A7D8] =	vst v63  }
0x3b4: {  	_ =	swait.ge [sflag:s30], $0x2710  }
0x3b5: {  	[sflag:s30] =	ssyncset.done $0x0  }
0x3b6: {  	[sflag:s30] =	ssyncadd.s32 $0xFFFFD8F0  }
0x3b7: {  	_ =	swait.ge [sflag:s31], $0x2710  }
0x3b8: {  	[sflag:s31] =	ssyncset.done $0x0  }
0x3b9: {  	[sflag:s31] =	ssyncadd.s32 $0xFFFFD8F0  }
0x3ba: {  	v4 =	vld [tilespmem:$0x11400];
	_ =	sdelay $0x4  }
0x3bb: {  	(v2sf) =	vpush v4, $0xF;
	_ =	sdelay $0xe  }
0x3bc: {  	s9 =	spop (v2sf)  }
0x3bd: {  	p0 =	sge.s32 s9, s6  }
.Ltmp44:
0x3be: {  	_ = 	snop;
	(pc) =	sbr.rel @p0 .LBB2_79-.Ltmp44, $1  }
0x3bf: {  	_ =	sdelay $0x3  }
0x3c0: {  	s7 =	simm.s32 $0x0  }
0x3c1: {  	s9 =	simm.s32 $0x1;
	v4 =	vadd.s32 s7, v2  }
0x3c2: {  	s8 =	simm.s32 $0x2;
	v5 =	vadd.s32 s9, v2  }
0x3c3: {  	v6 =	vadd.s32 s8, v2  }
0x3c4: {  	s9 =	simm.s32 $0x3  }
0x3c5: {  	v7 =	vadd.s32 s9, v2  }
0x3c6: {  	s8 =	simm.s32 $0x4;
	v11 =	vld.idx.msk [tilespmem:v4+s22+$0x0], $0xffff  }
0x3c7: {  	v9 =	vadd.s32 s8, v2;
	v12 =	vld.idx.msk [tilespmem:v5+s22+$0x0], $0xffff  }
0x3c8: {  	v14 =	vld.idx.msk [tilespmem:v6+s22+$0x0], $0xffff  }
0x3c9: {  	v8 =	vld.idx.msk [tilespmem:v4+s21+$0x0], $0xffff  }
0x3ca: {  	v15 =	vld.idx.msk [tilespmem:v7+s22+$0x0], $0xffff  }
0x3cb: {  	v5 =	vld.idx.msk [tilespmem:v5+s21+$0x0], $0xffff  }
0x3cc: {  	v4 =	vmov s5;
	v10 =	vld.idx.msk [tilespmem:v9+s22+$0x0], $0xffff  }
0x3cd: {  	v6 =	vld.idx.msk [tilespmem:v6+s21+$0x0], $0xffff;
	v11 =	vsub.s32 v11, v4  }
0x3ce: {  	v7 =	vld.idx.msk [tilespmem:v7+s21+$0x0], $0xffff;
	v13 =	vsub.s32 v12, v4  }
0x3cf: {  	s7 =	simm.s32 $0x9;
	v9 =	vld.idx.msk [tilespmem:v9+s21+$0x0], $0xffff;
	v12 =	vsub.s32 v14, v4;
	v14 =	vsub.s32 v15, v4  }
.LBB2_77:
0x3d0: {  	s8 =	sadd.s32 $0xFFFFFFFC, s7  }
0x3d1: {  	p0 =	seq.s32 s7, $0x270;
	v10 =	vsub.s32 v10, v4;
	s9 =	smov.u32 s7;
	s7 =	sadd.s32 $0x5, s7  }
0x3d2: {  	v15 =	vadd.s32 s8, v2;
	s8 =	sadd.s32 $0xFFFFFFFD, s9;
	[tilespmem:v11+s26+$0x0] =	vst.idx.add.f32.msk $0xffff, v8  }
0x3d3: {  	v11 =	vadd.s32 s8, v2;
	s8 =	sadd.s32 $0xFFFFFFFE, s9;
	[tilespmem:v13+s26+$0x0] =	vst.idx.add.f32.msk $0xffff, v5  }
0x3d4: {  	v13 =	vadd.s32 s8, v2;
	s8 =	sadd.s32 $0xFFFFFFFF, s9;
	[tilespmem:v12+s26+$0x0] =	vst.idx.add.f32.msk $0xffff, v6  }
0x3d5: {  	v12 =	vadd.s32 s8, v2;
	[tilespmem:v14+s26+$0x0] =	vst.idx.add.f32.msk $0xffff, v7  }
0x3d6: {  	v14 =	vadd.s32 s9, v2;
	[tilespmem:v10+s26+$0x0] =	vst.idx.add.f32.msk $0xffff, v9  }
0x3d7: {  	v6 =	vld.idx.msk [tilespmem:v15+s22+$0x0], $0xffff  }
0x3d8: {  	v7 =	vld.idx.msk [tilespmem:v11+s22+$0x0], $0xffff  }
0x3d9: {  	v9 =	vld.idx.msk [tilespmem:v13+s22+$0x0], $0xffff  }
0x3da: {  	v16 =	vld.idx.msk [tilespmem:v12+s22+$0x0], $0xffff  }
0x3db: {  	v10 =	vld.idx.msk [tilespmem:v14+s22+$0x0], $0xffff  }
.Ltmp45:
0x3dc: {  	v8 =	vld.idx.msk [tilespmem:v15+s21+$0x0], $0xffff;
	(pc) =	sbr.rel @!p0 .LBB2_77-.Ltmp45, $4  }
0x3dd: {  	v5 =	vld.idx.msk [tilespmem:v11+s21+$0x0], $0xffff;
	v11 =	vsub.s32 v6, v4  }
0x3de: {  	v6 =	vld.idx.msk [tilespmem:v13+s21+$0x0], $0xffff;
	v13 =	vsub.s32 v7, v4  }
0x3df: {  	v7 =	vld.idx.msk [tilespmem:v12+s21+$0x0], $0xffff;
	v12 =	vsub.s32 v9, v4  }
0x3e0: {  	v9 =	vld.idx.msk [tilespmem:v14+s21+$0x0], $0xffff;
	v14 =	vsub.s32 v16, v4  }
0x3e1: {  	_ =	sdelay $0x2  }
0x3e2: {  	v4 =	vsub.s32 v10, v4  }
.Ltmp46:
0x3e3: {  	[tilespmem:v11+s26+$0x0] =	vst.idx.add.f32.msk $0xffff, v8;
	(pc) =	sbr.rel .LBB2_80-.Ltmp46, $4  }
0x3e4: {  	[tilespmem:v13+s26+$0x0] =	vst.idx.add.f32.msk $0xffff, v5  }
0x3e5: {  	[tilespmem:v12+s26+$0x0] =	vst.idx.add.f32.msk $0xffff, v6  }
0x3e6: {  	[tilespmem:v14+s26+$0x0] =	vst.idx.add.f32.msk $0xffff, v7  }
0x3e7: {  	[tilespmem:v4+s26+$0x0] =	vst.idx.add.f32.msk $0xffff, v9  }
.LBB2_79:
0x3e8: {  	[spmem:s10] =	stream.indirect.scatter.add.f32 [tilespmem:s21], [sflag:$0x9], $0x1, s22, s3, $0xb8;
	[tilespmem:$0x1A7D8] =	vst v63  }
0x3e9: {  	_ =	swait.ge [sflag:s17], $0x2710  }
0x3ea: {  	[sflag:s17] =	ssyncset.done $0x0  }
0x3eb: {  	[sflag:s17] =	ssyncadd.s32 $0xFFFFD8F0  }
.LBB2_80:
0x3ec: {  	s7 =	sld [smem:$0x7FA];
	_ =	sdelay $0x1  }
0x3ed: {  	s8 =	sld [smem:$0x7FB]  }
0x3ee: {  	[tilespmem:s21], [sflag:$0x3] =	stream.linear.gather [hbm4b:s7+s1], $0x2710, $0x38;
	[tilespmem:$0x1A7D8] =	vst v63  }
0x3ef: {  	_ = 	snop  }
0x3f0: {  	[tilespmem:s22], [sflag:$0x7] =	stream.linear.gather [hbm4b:s8+s1], $0x2710, $0x38;
	[tilespmem:$0x1A7D8] =	vst v63  }
0x3f1: {  	_ =	swait.ge [sflag:s0], $0x2710  }
0x3f2: {  	[sflag:s0] =	ssyncset.done $0x0  }
0x3f3: {  	[sflag:s0] =	ssyncadd.s32 $0xFFFFD8F0  }
0x3f4: {  	_ =	swait.ge [sflag:s2], $0x2710  }
0x3f5: {  	[sflag:s2] =	ssyncset.done $0x0  }
0x3f6: {  	[sflag:s2] =	ssyncadd.s32 $0xFFFFD8F0  }
0x3f7: {  	v4 =	vld [tilespmem:$0x13B80];
	_ =	sdelay $0x4  }
0x3f8: {  	(v2sf) =	vpush v4, $0xF;
	_ =	sdelay $0xe  }
0x3f9: {  	s9 =	spop (v2sf)  }
0x3fa: {  	p0 =	sge.s32 s9, s6  }
.Ltmp47:
0x3fb: {  	_ = 	snop;
	(pc) =	sbr.rel @p0 .LBB2_84-.Ltmp47, $1  }
0x3fc: {  	_ =	sdelay $0x3  }
0x3fd: {  	s7 =	simm.s32 $0x0  }
0x3fe: {  	s9 =	simm.s32 $0x1;
	v4 =	vadd.s32 s7, v2  }
0x3ff: {  	s8 =	simm.s32 $0x2;
	v5 =	vadd.s32 s9, v2  }
0x400: {  	v6 =	vadd.s32 s8, v2  }
0x401: {  	s9 =	simm.s32 $0x3  }
0x402: {  	v7 =	vadd.s32 s9, v2  }
0x403: {  	s8 =	simm.s32 $0x4;
	v11 =	vld.idx.msk [tilespmem:v4+s23+$0x0], $0xffff  }
0x404: {  	v9 =	vadd.s32 s8, v2;
	v12 =	vld.idx.msk [tilespmem:v5+s23+$0x0], $0xffff  }
0x405: {  	v14 =	vld.idx.msk [tilespmem:v6+s23+$0x0], $0xffff  }
0x406: {  	v8 =	vld.idx.msk [tilespmem:v4+s16+$0x0], $0xffff  }
0x407: {  	v15 =	vld.idx.msk [tilespmem:v7+s23+$0x0], $0xffff  }
0x408: {  	v5 =	vld.idx.msk [tilespmem:v5+s16+$0x0], $0xffff  }
0x409: {  	v4 =	vmov s5;
	v10 =	vld.idx.msk [tilespmem:v9+s23+$0x0], $0xffff  }
0x40a: {  	v6 =	vld.idx.msk [tilespmem:v6+s16+$0x0], $0xffff;
	v11 =	vsub.s32 v11, v4  }
0x40b: {  	v7 =	vld.idx.msk [tilespmem:v7+s16+$0x0], $0xffff;
	v13 =	vsub.s32 v12, v4  }
0x40c: {  	s7 =	simm.s32 $0x9;
	v9 =	vld.idx.msk [tilespmem:v9+s16+$0x0], $0xffff;
	v12 =	vsub.s32 v14, v4;
	v14 =	vsub.s32 v15, v4  }
.LBB2_82:
0x40d: {  	s8 =	sadd.s32 $0xFFFFFFFC, s7  }
0x40e: {  	p0 =	seq.s32 s7, $0x270;
	v10 =	vsub.s32 v10, v4;
	s9 =	smov.u32 s7;
	s7 =	sadd.s32 $0x5, s7  }
0x40f: {  	v15 =	vadd.s32 s8, v2;
	s8 =	sadd.s32 $0xFFFFFFFD, s9;
	[tilespmem:v11+s26+$0x0] =	vst.idx.add.f32.msk $0xffff, v8  }
0x410: {  	v11 =	vadd.s32 s8, v2;
	s8 =	sadd.s32 $0xFFFFFFFE, s9;
	[tilespmem:v13+s26+$0x0] =	vst.idx.add.f32.msk $0xffff, v5  }
0x411: {  	v13 =	vadd.s32 s8, v2;
	s8 =	sadd.s32 $0xFFFFFFFF, s9;
	[tilespmem:v12+s26+$0x0] =	vst.idx.add.f32.msk $0xffff, v6  }
0x412: {  	v12 =	vadd.s32 s8, v2;
	[tilespmem:v14+s26+$0x0] =	vst.idx.add.f32.msk $0xffff, v7  }
0x413: {  	v14 =	vadd.s32 s9, v2;
	[tilespmem:v10+s26+$0x0] =	vst.idx.add.f32.msk $0xffff, v9  }
0x414: {  	v6 =	vld.idx.msk [tilespmem:v15+s23+$0x0], $0xffff  }
0x415: {  	v7 =	vld.idx.msk [tilespmem:v11+s23+$0x0], $0xffff  }
0x416: {  	v9 =	vld.idx.msk [tilespmem:v13+s23+$0x0], $0xffff  }
0x417: {  	v16 =	vld.idx.msk [tilespmem:v12+s23+$0x0], $0xffff  }
0x418: {  	v10 =	vld.idx.msk [tilespmem:v14+s23+$0x0], $0xffff  }
.Ltmp48:
0x419: {  	v8 =	vld.idx.msk [tilespmem:v15+s16+$0x0], $0xffff;
	(pc) =	sbr.rel @!p0 .LBB2_82-.Ltmp48, $4  }
0x41a: {  	v5 =	vld.idx.msk [tilespmem:v11+s16+$0x0], $0xffff;
	v11 =	vsub.s32 v6, v4  }
0x41b: {  	v6 =	vld.idx.msk [tilespmem:v13+s16+$0x0], $0xffff;
	v13 =	vsub.s32 v7, v4  }
0x41c: {  	v7 =	vld.idx.msk [tilespmem:v12+s16+$0x0], $0xffff;
	v12 =	vsub.s32 v9, v4  }
0x41d: {  	v9 =	vld.idx.msk [tilespmem:v14+s16+$0x0], $0xffff;
	v14 =	vsub.s32 v16, v4  }
0x41e: {  	_ =	sdelay $0x2  }
0x41f: {  	v4 =	vsub.s32 v10, v4  }
.Ltmp49:
0x420: {  	[tilespmem:v11+s26+$0x0] =	vst.idx.add.f32.msk $0xffff, v8;
	(pc) =	sbr.rel .LBB2_85-.Ltmp49, $4  }
0x421: {  	[tilespmem:v13+s26+$0x0] =	vst.idx.add.f32.msk $0xffff, v5  }
0x422: {  	[tilespmem:v12+s26+$0x0] =	vst.idx.add.f32.msk $0xffff, v6  }
0x423: {  	[tilespmem:v14+s26+$0x0] =	vst.idx.add.f32.msk $0xffff, v7  }
0x424: {  	[tilespmem:v4+s26+$0x0] =	vst.idx.add.f32.msk $0xffff, v9  }
.LBB2_84:
0x425: {  	[spmem:s10] =	stream.indirect.scatter.add.f32 [tilespmem:s16], [sflag:$0x9], $0x1, s23, s3, $0xb8;
	[tilespmem:$0x1A7D8] =	vst v63  }
0x426: {  	_ =	swait.ge [sflag:s17], $0x2710  }
0x427: {  	[sflag:s17] =	ssyncset.done $0x0  }
0x428: {  	[sflag:s17] =	ssyncadd.s32 $0xFFFFD8F0  }
.LBB2_85:
0x429: {  	[tilespmem:s16], [sflag:$0x4] =	stream.linear.gather [hbm4b:s11+s1], $0x2710, $0x38;
	[tilespmem:$0x1A7D8] =	vst v63  }
0x42a: {  	_ = 	snop  }
0x42b: {  	[tilespmem:s23], [sflag:$0x8] =	stream.linear.gather [hbm4b:s12+s1], $0x2710, $0x38;
	[tilespmem:$0x1A7D8] =	vst v63  }
0x42c: {  	_ =	swait.ge [sflag:s24], $0x2710  }
0x42d: {  	[sflag:s24] =	ssyncset.done $0x0  }
0x42e: {  	[sflag:s24] =	ssyncadd.s32 $0xFFFFD8F0  }
0x42f: {  	_ =	swait.ge [sflag:s25], $0x2710  }
0x430: {  	[sflag:s25] =	ssyncset.done $0x0  }
0x431: {  	[sflag:s25] =	ssyncadd.s32 $0xFFFFD8F0  }
0x432: {  	v4 =	vld [tilespmem:$0xC500];
	_ =	sdelay $0x4  }
0x433: {  	(v2sf) =	vpush v4, $0xF;
	_ =	sdelay $0xe  }
0x434: {  	s7 =	spop (v2sf)  }
0x435: {  	p0 =	sge.s32 s7, s6  }
.Ltmp50:
0x436: {  	_ = 	snop;
	(pc) =	sbr.rel @p0 .LBB2_89-.Ltmp50, $1  }
0x437: {  	_ =	sdelay $0x3  }
0x438: {  	s7 =	simm.s32 $0x0  }
0x439: {  	s9 =	simm.s32 $0x1;
	v4 =	vadd.s32 s7, v2  }
0x43a: {  	s8 =	simm.s32 $0x2;
	v5 =	vadd.s32 s9, v2  }
0x43b: {  	v6 =	vadd.s32 s8, v2  }
0x43c: {  	s9 =	simm.s32 $0x3  }
0x43d: {  	v7 =	vadd.s32 s9, v2  }
0x43e: {  	s8 =	simm.s32 $0x4;
	v11 =	vld.idx.msk [tilespmem:v4+s18+$0x0], $0xffff  }
0x43f: {  	v9 =	vadd.s32 s8, v2;
	v12 =	vld.idx.msk [tilespmem:v5+s18+$0x0], $0xffff  }
0x440: {  	v14 =	vld.idx.msk [tilespmem:v6+s18+$0x0], $0xffff  }
0x441: {  	v8 =	vld.idx.msk [tilespmem:v4+s1+$0x0], $0xffff  }
0x442: {  	v15 =	vld.idx.msk [tilespmem:v7+s18+$0x0], $0xffff  }
0x443: {  	v5 =	vld.idx.msk [tilespmem:v5+s1+$0x0], $0xffff  }
0x444: {  	v4 =	vmov s5;
	v10 =	vld.idx.msk [tilespmem:v9+s18+$0x0], $0xffff  }
0x445: {  	v6 =	vld.idx.msk [tilespmem:v6+s1+$0x0], $0xffff;
	v11 =	vsub.s32 v11, v4  }
0x446: {  	v7 =	vld.idx.msk [tilespmem:v7+s1+$0x0], $0xffff;
	v13 =	vsub.s32 v12, v4  }
0x447: {  	s7 =	simm.s32 $0x9;
	v9 =	vld.idx.msk [tilespmem:v9+s1+$0x0], $0xffff;
	v12 =	vsub.s32 v14, v4;
	v14 =	vsub.s32 v15, v4  }
.LBB2_87:
0x448: {  	s8 =	sadd.s32 $0xFFFFFFFC, s7  }
0x449: {  	p0 =	seq.s32 s7, $0x270;
	v10 =	vsub.s32 v10, v4;
	s9 =	smov.u32 s7;
	s7 =	sadd.s32 $0x5, s7  }
0x44a: {  	v15 =	vadd.s32 s8, v2;
	s8 =	sadd.s32 $0xFFFFFFFD, s9;
	[tilespmem:v11+s26+$0x0] =	vst.idx.add.f32.msk $0xffff, v8  }
0x44b: {  	v11 =	vadd.s32 s8, v2;
	s8 =	sadd.s32 $0xFFFFFFFE, s9;
	[tilespmem:v13+s26+$0x0] =	vst.idx.add.f32.msk $0xffff, v5  }
0x44c: {  	v13 =	vadd.s32 s8, v2;
	s8 =	sadd.s32 $0xFFFFFFFF, s9;
	[tilespmem:v12+s26+$0x0] =	vst.idx.add.f32.msk $0xffff, v6  }
0x44d: {  	v12 =	vadd.s32 s8, v2;
	[tilespmem:v14+s26+$0x0] =	vst.idx.add.f32.msk $0xffff, v7  }
0x44e: {  	v14 =	vadd.s32 s9, v2;
	[tilespmem:v10+s26+$0x0] =	vst.idx.add.f32.msk $0xffff, v9  }
0x44f: {  	v6 =	vld.idx.msk [tilespmem:v15+s18+$0x0], $0xffff  }
0x450: {  	v7 =	vld.idx.msk [tilespmem:v11+s18+$0x0], $0xffff  }
0x451: {  	v9 =	vld.idx.msk [tilespmem:v13+s18+$0x0], $0xffff  }
0x452: {  	v16 =	vld.idx.msk [tilespmem:v12+s18+$0x0], $0xffff  }
0x453: {  	v10 =	vld.idx.msk [tilespmem:v14+s18+$0x0], $0xffff  }
.Ltmp51:
0x454: {  	v8 =	vld.idx.msk [tilespmem:v15+s1+$0x0], $0xffff;
	(pc) =	sbr.rel @!p0 .LBB2_87-.Ltmp51, $4  }
0x455: {  	v5 =	vld.idx.msk [tilespmem:v11+s1+$0x0], $0xffff;
	v11 =	vsub.s32 v6, v4  }
0x456: {  	v6 =	vld.idx.msk [tilespmem:v13+s1+$0x0], $0xffff;
	v13 =	vsub.s32 v7, v4  }
0x457: {  	v7 =	vld.idx.msk [tilespmem:v12+s1+$0x0], $0xffff;
	v12 =	vsub.s32 v9, v4  }
0x458: {  	v9 =	vld.idx.msk [tilespmem:v14+s1+$0x0], $0xffff;
	v14 =	vsub.s32 v16, v4  }
0x459: {  	_ =	sdelay $0x2  }
0x45a: {  	v4 =	vsub.s32 v10, v4  }
.Ltmp52:
0x45b: {  	[tilespmem:v11+s26+$0x0] =	vst.idx.add.f32.msk $0xffff, v8;
	(pc) =	sbr.rel .LBB2_90-.Ltmp52, $4  }
0x45c: {  	[tilespmem:v13+s26+$0x0] =	vst.idx.add.f32.msk $0xffff, v5  }
0x45d: {  	[tilespmem:v12+s26+$0x0] =	vst.idx.add.f32.msk $0xffff, v6  }
0x45e: {  	[tilespmem:v14+s26+$0x0] =	vst.idx.add.f32.msk $0xffff, v7  }
0x45f: {  	[tilespmem:v4+s26+$0x0] =	vst.idx.add.f32.msk $0xffff, v9  }
.LBB2_89:
0x460: {  	[spmem:s10] =	stream.indirect.scatter.add.f32 [tilespmem:s1], [sflag:$0x9], $0x1, s18, s3, $0xb8;
	[tilespmem:$0x1A7D8] =	vst v63  }
0x461: {  	_ =	swait.ge [sflag:s17], $0x2710  }
0x462: {  	[sflag:s17] =	ssyncset.done $0x0  }
0x463: {  	[sflag:s17] =	ssyncadd.s32 $0xFFFFD8F0  }
.LBB2_90:
0x464: {  	_ =	swait.ge [sflag:s28], $0x2710  }
0x465: {  	[sflag:s28] =	ssyncset.done $0x0  }
0x466: {  	[sflag:s28] =	ssyncadd.s32 $0xFFFFD8F0  }
0x467: {  	_ =	swait.ge [sflag:s29], $0x2710  }
0x468: {  	[sflag:s29] =	ssyncset.done $0x0  }
0x469: {  	[sflag:s29] =	ssyncadd.s32 $0xFFFFD8F0  }
0x46a: {  	v4 =	vld [tilespmem:$0xEC80];
	_ =	sdelay $0x4  }
0x46b: {  	(v2sf) =	vpush v4, $0xF;
	_ =	sdelay $0xe  }
0x46c: {  	s7 =	spop (v2sf)  }
0x46d: {  	p0 =	sge.s32 s7, s6  }
.Ltmp53:
0x46e: {  	_ = 	snop;
	(pc) =	sbr.rel @p0 .LBB2_94-.Ltmp53, $1  }
0x46f: {  	_ =	sdelay $0x3  }
0x470: {  	s7 =	simm.s32 $0x0  }
0x471: {  	s9 =	simm.s32 $0x1;
	v4 =	vadd.s32 s7, v2  }
0x472: {  	s8 =	simm.s32 $0x2;
	v5 =	vadd.s32 s9, v2  }
0x473: {  	v6 =	vadd.s32 s8, v2  }
0x474: {  	s9 =	simm.s32 $0x3  }
0x475: {  	v7 =	vadd.s32 s9, v2  }
0x476: {  	s8 =	simm.s32 $0x4;
	v11 =	vld.idx.msk [tilespmem:v4+s20+$0x0], $0xffff  }
0x477: {  	v9 =	vadd.s32 s8, v2;
	v12 =	vld.idx.msk [tilespmem:v5+s20+$0x0], $0xffff  }
0x478: {  	v14 =	vld.idx.msk [tilespmem:v6+s20+$0x0], $0xffff  }
0x479: {  	v8 =	vld.idx.msk [tilespmem:v4+s19+$0x0], $0xffff  }
0x47a: {  	v15 =	vld.idx.msk [tilespmem:v7+s20+$0x0], $0xffff  }
0x47b: {  	v5 =	vld.idx.msk [tilespmem:v5+s19+$0x0], $0xffff  }
0x47c: {  	v4 =	vmov s5;
	v10 =	vld.idx.msk [tilespmem:v9+s20+$0x0], $0xffff  }
0x47d: {  	v6 =	vld.idx.msk [tilespmem:v6+s19+$0x0], $0xffff;
	v11 =	vsub.s32 v11, v4  }
0x47e: {  	v7 =	vld.idx.msk [tilespmem:v7+s19+$0x0], $0xffff;
	v13 =	vsub.s32 v12, v4  }
0x47f: {  	s7 =	simm.s32 $0x9;
	v9 =	vld.idx.msk [tilespmem:v9+s19+$0x0], $0xffff;
	v12 =	vsub.s32 v14, v4;
	v14 =	vsub.s32 v15, v4  }
.LBB2_92:
0x480: {  	s8 =	sadd.s32 $0xFFFFFFFC, s7  }
0x481: {  	p0 =	seq.s32 s7, $0x270;
	v10 =	vsub.s32 v10, v4;
	s9 =	smov.u32 s7;
	s7 =	sadd.s32 $0x5, s7  }
0x482: {  	v15 =	vadd.s32 s8, v2;
	s8 =	sadd.s32 $0xFFFFFFFD, s9;
	[tilespmem:v11+s26+$0x0] =	vst.idx.add.f32.msk $0xffff, v8  }
0x483: {  	v11 =	vadd.s32 s8, v2;
	s8 =	sadd.s32 $0xFFFFFFFE, s9;
	[tilespmem:v13+s26+$0x0] =	vst.idx.add.f32.msk $0xffff, v5  }
0x484: {  	v13 =	vadd.s32 s8, v2;
	s8 =	sadd.s32 $0xFFFFFFFF, s9;
	[tilespmem:v12+s26+$0x0] =	vst.idx.add.f32.msk $0xffff, v6  }
0x485: {  	v12 =	vadd.s32 s8, v2;
	[tilespmem:v14+s26+$0x0] =	vst.idx.add.f32.msk $0xffff, v7  }
0x486: {  	v14 =	vadd.s32 s9, v2;
	[tilespmem:v10+s26+$0x0] =	vst.idx.add.f32.msk $0xffff, v9  }
0x487: {  	v6 =	vld.idx.msk [tilespmem:v15+s20+$0x0], $0xffff  }
0x488: {  	v7 =	vld.idx.msk [tilespmem:v11+s20+$0x0], $0xffff  }
0x489: {  	v9 =	vld.idx.msk [tilespmem:v13+s20+$0x0], $0xffff  }
0x48a: {  	v16 =	vld.idx.msk [tilespmem:v12+s20+$0x0], $0xffff  }
0x48b: {  	v10 =	vld.idx.msk [tilespmem:v14+s20+$0x0], $0xffff  }
.Ltmp54:
0x48c: {  	v8 =	vld.idx.msk [tilespmem:v15+s19+$0x0], $0xffff;
	(pc) =	sbr.rel @!p0 .LBB2_92-.Ltmp54, $4  }
0x48d: {  	v5 =	vld.idx.msk [tilespmem:v11+s19+$0x0], $0xffff;
	v11 =	vsub.s32 v6, v4  }
0x48e: {  	v6 =	vld.idx.msk [tilespmem:v13+s19+$0x0], $0xffff;
	v13 =	vsub.s32 v7, v4  }
0x48f: {  	v7 =	vld.idx.msk [tilespmem:v12+s19+$0x0], $0xffff;
	v12 =	vsub.s32 v9, v4  }
0x490: {  	v9 =	vld.idx.msk [tilespmem:v14+s19+$0x0], $0xffff;
	v14 =	vsub.s32 v16, v4  }
0x491: {  	_ =	sdelay $0x2  }
0x492: {  	v4 =	vsub.s32 v10, v4  }
.Ltmp55:
0x493: {  	[tilespmem:v11+s26+$0x0] =	vst.idx.add.f32.msk $0xffff, v8;
	(pc) =	sbr.rel .LBB2_95-.Ltmp55, $4  }
0x494: {  	[tilespmem:v13+s26+$0x0] =	vst.idx.add.f32.msk $0xffff, v5  }
0x495: {  	[tilespmem:v12+s26+$0x0] =	vst.idx.add.f32.msk $0xffff, v6  }
0x496: {  	[tilespmem:v14+s26+$0x0] =	vst.idx.add.f32.msk $0xffff, v7  }
0x497: {  	[tilespmem:v4+s26+$0x0] =	vst.idx.add.f32.msk $0xffff, v9  }
.LBB2_94:
0x498: {  	[spmem:s10] =	stream.indirect.scatter.add.f32 [tilespmem:s19], [sflag:$0x9], $0x1, s20, s3, $0xb8;
	[tilespmem:$0x1A7D8] =	vst v63  }
0x499: {  	_ =	swait.ge [sflag:s17], $0x2710  }
0x49a: {  	[sflag:s17] =	ssyncset.done $0x0  }
0x49b: {  	[sflag:s17] =	ssyncadd.s32 $0xFFFFD8F0  }
.LBB2_95:
0x49c: {  	_ =	swait.ge [sflag:s30], $0x2710  }
0x49d: {  	[sflag:s30] =	ssyncset.done $0x0  }
0x49e: {  	[sflag:s30] =	ssyncadd.s32 $0xFFFFD8F0  }
0x49f: {  	_ =	swait.ge [sflag:s31], $0x2710  }
0x4a0: {  	[sflag:s31] =	ssyncset.done $0x0  }
0x4a1: {  	[sflag:s31] =	ssyncadd.s32 $0xFFFFD8F0  }
0x4a2: {  	v4 =	vld [tilespmem:$0x11400];
	_ =	sdelay $0x4  }
0x4a3: {  	(v2sf) =	vpush v4, $0xF;
	_ =	sdelay $0xe  }
0x4a4: {  	s7 =	spop (v2sf)  }
0x4a5: {  	p0 =	sge.s32 s7, s6  }
.Ltmp56:
0x4a6: {  	_ = 	snop;
	(pc) =	sbr.rel @p0 .LBB2_99-.Ltmp56, $1  }
0x4a7: {  	_ =	sdelay $0x3  }
0x4a8: {  	s7 =	simm.s32 $0x0  }
0x4a9: {  	s9 =	simm.s32 $0x1;
	v4 =	vadd.s32 s7, v2  }
0x4aa: {  	s8 =	simm.s32 $0x2;
	v5 =	vadd.s32 s9, v2  }
0x4ab: {  	v6 =	vadd.s32 s8, v2  }
0x4ac: {  	s9 =	simm.s32 $0x3  }
0x4ad: {  	v7 =	vadd.s32 s9, v2  }
0x4ae: {  	s8 =	simm.s32 $0x4;
	v11 =	vld.idx.msk [tilespmem:v4+s22+$0x0], $0xffff  }
0x4af: {  	v9 =	vadd.s32 s8, v2;
	v12 =	vld.idx.msk [tilespmem:v5+s22+$0x0], $0xffff  }
0x4b0: {  	v14 =	vld.idx.msk [tilespmem:v6+s22+$0x0], $0xffff  }
0x4b1: {  	v8 =	vld.idx.msk [tilespmem:v4+s21+$0x0], $0xffff  }
0x4b2: {  	v15 =	vld.idx.msk [tilespmem:v7+s22+$0x0], $0xffff  }
0x4b3: {  	v5 =	vld.idx.msk [tilespmem:v5+s21+$0x0], $0xffff  }
0x4b4: {  	v4 =	vmov s5;
	v10 =	vld.idx.msk [tilespmem:v9+s22+$0x0], $0xffff  }
0x4b5: {  	v6 =	vld.idx.msk [tilespmem:v6+s21+$0x0], $0xffff;
	v11 =	vsub.s32 v11, v4  }
0x4b6: {  	v7 =	vld.idx.msk [tilespmem:v7+s21+$0x0], $0xffff;
	v13 =	vsub.s32 v12, v4  }
0x4b7: {  	s7 =	simm.s32 $0x9;
	v9 =	vld.idx.msk [tilespmem:v9+s21+$0x0], $0xffff;
	v12 =	vsub.s32 v14, v4;
	v14 =	vsub.s32 v15, v4  }
.LBB2_97:
0x4b8: {  	s8 =	sadd.s32 $0xFFFFFFFC, s7  }
0x4b9: {  	p0 =	seq.s32 s7, $0x270;
	v10 =	vsub.s32 v10, v4;
	s9 =	smov.u32 s7;
	s7 =	sadd.s32 $0x5, s7  }
0x4ba: {  	v15 =	vadd.s32 s8, v2;
	s8 =	sadd.s32 $0xFFFFFFFD, s9;
	[tilespmem:v11+s26+$0x0] =	vst.idx.add.f32.msk $0xffff, v8  }
0x4bb: {  	v11 =	vadd.s32 s8, v2;
	s8 =	sadd.s32 $0xFFFFFFFE, s9;
	[tilespmem:v13+s26+$0x0] =	vst.idx.add.f32.msk $0xffff, v5  }
0x4bc: {  	v13 =	vadd.s32 s8, v2;
	s8 =	sadd.s32 $0xFFFFFFFF, s9;
	[tilespmem:v12+s26+$0x0] =	vst.idx.add.f32.msk $0xffff, v6  }
0x4bd: {  	v12 =	vadd.s32 s8, v2;
	[tilespmem:v14+s26+$0x0] =	vst.idx.add.f32.msk $0xffff, v7  }
0x4be: {  	v14 =	vadd.s32 s9, v2;
	[tilespmem:v10+s26+$0x0] =	vst.idx.add.f32.msk $0xffff, v9  }
0x4bf: {  	v6 =	vld.idx.msk [tilespmem:v15+s22+$0x0], $0xffff  }
0x4c0: {  	v7 =	vld.idx.msk [tilespmem:v11+s22+$0x0], $0xffff  }
0x4c1: {  	v9 =	vld.idx.msk [tilespmem:v13+s22+$0x0], $0xffff  }
0x4c2: {  	v16 =	vld.idx.msk [tilespmem:v12+s22+$0x0], $0xffff  }
0x4c3: {  	v10 =	vld.idx.msk [tilespmem:v14+s22+$0x0], $0xffff  }
.Ltmp57:
0x4c4: {  	v8 =	vld.idx.msk [tilespmem:v15+s21+$0x0], $0xffff;
	(pc) =	sbr.rel @!p0 .LBB2_97-.Ltmp57, $4  }
0x4c5: {  	v5 =	vld.idx.msk [tilespmem:v11+s21+$0x0], $0xffff;
	v11 =	vsub.s32 v6, v4  }
0x4c6: {  	v6 =	vld.idx.msk [tilespmem:v13+s21+$0x0], $0xffff;
	v13 =	vsub.s32 v7, v4  }
0x4c7: {  	v7 =	vld.idx.msk [tilespmem:v12+s21+$0x0], $0xffff;
	v12 =	vsub.s32 v9, v4  }
0x4c8: {  	v9 =	vld.idx.msk [tilespmem:v14+s21+$0x0], $0xffff;
	v14 =	vsub.s32 v16, v4  }
0x4c9: {  	_ =	sdelay $0x2  }
0x4ca: {  	v4 =	vsub.s32 v10, v4  }
.Ltmp58:
0x4cb: {  	[tilespmem:v11+s26+$0x0] =	vst.idx.add.f32.msk $0xffff, v8;
	(pc) =	sbr.rel .LBB2_100-.Ltmp58, $4  }
0x4cc: {  	[tilespmem:v13+s26+$0x0] =	vst.idx.add.f32.msk $0xffff, v5  }
0x4cd: {  	[tilespmem:v12+s26+$0x0] =	vst.idx.add.f32.msk $0xffff, v6  }
0x4ce: {  	[tilespmem:v14+s26+$0x0] =	vst.idx.add.f32.msk $0xffff, v7  }
0x4cf: {  	[tilespmem:v4+s26+$0x0] =	vst.idx.add.f32.msk $0xffff, v9  }
.LBB2_99:
0x4d0: {  	[spmem:s10] =	stream.indirect.scatter.add.f32 [tilespmem:s21], [sflag:$0x9], $0x1, s22, s3, $0xb8;
	[tilespmem:$0x1A7D8] =	vst v63  }
0x4d1: {  	_ =	swait.ge [sflag:s17], $0x2710  }
0x4d2: {  	[sflag:s17] =	ssyncset.done $0x0  }
0x4d3: {  	[sflag:s17] =	ssyncadd.s32 $0xFFFFD8F0  }
.LBB2_100:
0x4d4: {  	_ =	swait.ge [sflag:s0], $0x2710  }
0x4d5: {  	[sflag:s0] =	ssyncset.done $0x0  }
0x4d6: {  	[sflag:s0] =	ssyncadd.s32 $0xFFFFD8F0  }
0x4d7: {  	_ =	swait.ge [sflag:s2], $0x2710  }
0x4d8: {  	[sflag:s2] =	ssyncset.done $0x0  }
0x4d9: {  	[sflag:s2] =	ssyncadd.s32 $0xFFFFD8F0  }
0x4da: {  	v4 =	vld [tilespmem:$0x13B80];
	_ =	sdelay $0x4  }
0x4db: {  	(v2sf) =	vpush v4, $0xF;
	_ =	sdelay $0xe  }
0x4dc: {  	s7 =	spop (v2sf)  }
0x4dd: {  	p0 =	sge.s32 s7, s6  }
.Ltmp59:
0x4de: {  	_ = 	snop;
	(pc) =	sbr.rel @p0 .LBB2_104-.Ltmp59, $1  }
0x4df: {  	_ =	sdelay $0x3  }
0x4e0: {  	s6 =	simm.s32 $0x0  }
0x4e1: {  	s7 =	simm.s32 $0x1;
	v3 =	vadd.s32 s6, v2  }
0x4e2: {  	s8 =	simm.s32 $0x2;
	v4 =	vadd.s32 s7, v2  }
0x4e3: {  	s9 =	simm.s32 $0x3;
	v5 =	vadd.s32 s8, v2  }
0x4e4: {  	v6 =	vadd.s32 s9, v2;
	_ =	sdelay $0x1  }
0x4e5: {  	s7 =	simm.s32 $0x4;
	v10 =	vld.idx.msk [tilespmem:v3+s23+$0x0], $0xffff  }
0x4e6: {  	v8 =	vadd.s32 s7, v2;
	v11 =	vld.idx.msk [tilespmem:v4+s23+$0x0], $0xffff  }
0x4e7: {  	v13 =	vld.idx.msk [tilespmem:v5+s23+$0x0], $0xffff  }
0x4e8: {  	v14 =	vld.idx.msk [tilespmem:v6+s23+$0x0], $0xffff  }
0x4e9: {  	v7 =	vld.idx.msk [tilespmem:v3+s16+$0x0], $0xffff  }
0x4ea: {  	v4 =	vld.idx.msk [tilespmem:v4+s16+$0x0], $0xffff  }
0x4eb: {  	v3 =	vmov s5;
	v9 =	vld.idx.msk [tilespmem:v8+s23+$0x0], $0xffff  }
0x4ec: {  	v5 =	vld.idx.msk [tilespmem:v5+s16+$0x0], $0xffff;
	v10 =	vsub.s32 v10, v3  }
0x4ed: {  	v6 =	vld.idx.msk [tilespmem:v6+s16+$0x0], $0xffff;
	v12 =	vsub.s32 v11, v3  }
0x4ee: {  	s5 =	simm.s32 $0x9;
	v8 =	vld.idx.msk [tilespmem:v8+s16+$0x0], $0xffff;
	v11 =	vsub.s32 v13, v3;
	v13 =	vsub.s32 v14, v3  }
.LBB2_102:
0x4ef: {  	s6 =	sadd.s32 $0xFFFFFFFC, s5  }
0x4f0: {  	p0 =	seq.s32 s5, $0x270;
	v9 =	vsub.s32 v9, v3;
	s7 =	smov.u32 s5;
	s5 =	sadd.s32 $0x5, s5  }
0x4f1: {  	v14 =	vadd.s32 s6, v2;
	s6 =	sadd.s32 $0xFFFFFFFD, s7;
	[tilespmem:v10+s26+$0x0] =	vst.idx.add.f32.msk $0xffff, v7  }
0x4f2: {  	v10 =	vadd.s32 s6, v2;
	s6 =	sadd.s32 $0xFFFFFFFE, s7;
	[tilespmem:v12+s26+$0x0] =	vst.idx.add.f32.msk $0xffff, v4  }
0x4f3: {  	v12 =	vadd.s32 s6, v2;
	s6 =	sadd.s32 $0xFFFFFFFF, s7;
	[tilespmem:v11+s26+$0x0] =	vst.idx.add.f32.msk $0xffff, v5  }
0x4f4: {  	v11 =	vadd.s32 s6, v2;
	[tilespmem:v13+s26+$0x0] =	vst.idx.add.f32.msk $0xffff, v6  }
0x4f5: {  	v13 =	vadd.s32 s7, v2;
	[tilespmem:v9+s26+$0x0] =	vst.idx.add.f32.msk $0xffff, v8  }
0x4f6: {  	v5 =	vld.idx.msk [tilespmem:v14+s23+$0x0], $0xffff  }
0x4f7: {  	v6 =	vld.idx.msk [tilespmem:v10+s23+$0x0], $0xffff  }
0x4f8: {  	v8 =	vld.idx.msk [tilespmem:v12+s23+$0x0], $0xffff  }
0x4f9: {  	v15 =	vld.idx.msk [tilespmem:v11+s23+$0x0], $0xffff  }
0x4fa: {  	v9 =	vld.idx.msk [tilespmem:v13+s23+$0x0], $0xffff  }
.Ltmp60:
0x4fb: {  	v7 =	vld.idx.msk [tilespmem:v14+s16+$0x0], $0xffff;
	(pc) =	sbr.rel @!p0 .LBB2_102-.Ltmp60, $4  }
0x4fc: {  	v4 =	vld.idx.msk [tilespmem:v10+s16+$0x0], $0xffff;
	v10 =	vsub.s32 v5, v3  }
0x4fd: {  	v5 =	vld.idx.msk [tilespmem:v12+s16+$0x0], $0xffff;
	v12 =	vsub.s32 v6, v3  }
0x4fe: {  	v6 =	vld.idx.msk [tilespmem:v11+s16+$0x0], $0xffff;
	v11 =	vsub.s32 v8, v3  }
0x4ff: {  	v8 =	vld.idx.msk [tilespmem:v13+s16+$0x0], $0xffff;
	v13 =	vsub.s32 v15, v3  }
0x500: {  	_ =	sdelay $0x2  }
0x501: {  	v9 =	vsub.s32 v9, v3  }
.Ltmp61:
0x502: {  	[tilespmem:v10+s26+$0x0] =	vst.idx.add.f32.msk $0xffff, v7;
	(pc) =	sbr.rel .LBB2_105-.Ltmp61, $4  }
0x503: {  	[tilespmem:v12+s26+$0x0] =	vst.idx.add.f32.msk $0xffff, v4  }
0x504: {  	[tilespmem:v11+s26+$0x0] =	vst.idx.add.f32.msk $0xffff, v5  }
0x505: {  	[tilespmem:v13+s26+$0x0] =	vst.idx.add.f32.msk $0xffff, v6  }
0x506: {  	[tilespmem:v9+s26+$0x0] =	vst.idx.add.f32.msk $0xffff, v8  }
.LBB2_104:
0x507: {  	[spmem:s10] =	stream.indirect.scatter.add.f32 [tilespmem:s16], [sflag:$0x9], $0x1, s23, s3, $0xb8;
	[tilespmem:$0x1A7D8] =	vst v63  }
0x508: {  	_ =	swait.ge [sflag:s17], $0x2710  }
0x509: {  	[sflag:s17] =	ssyncset.done $0x0  }
0x50a: {  	[sflag:s17] =	ssyncadd.s32 $0xFFFFD8F0  }
.LBB2_105:
0x50b: {  	s5 =	simm.s32 $0x0  }
0x50c: {  	v4 =	vadd.s32 s5, v3  }
0x50d: {  	v5 =	vbroadcast v4, $0x0;
	_ =	sdelay $0x1  }
0x50e: {  	s5 =	simm.s32 $0x9E00;
	v4 =	vor.u32 $0x2710, v0;
	v6 =	vadd.s32 v0, v5  }
0x50f: {  	s6 =	simm.s32 $0xC580;
	v5 =	vadd.s32 v4, v5;
	[tilespmem:s5+$0x0] =	vst v6  }
0x510: {  	s7 =	simm.s32 $0x10;
	[tilespmem:s6+$0x0] =	vst v5  }
.LBB2_106:
0x511: {  	v5 =	vadd.s32 s7, v3;
	p0 =	sne.s32 s7, $0x2700  }
.Ltmp62:
0x512: {  	s7 =	sadd.s32 $0x10, s7;
	v5 =	vbroadcast v5, $0x0;
	(pc) =	sbr.rel @p0 .LBB2_106-.Ltmp62, $4  }
0x513: {  	_ = 	snop  }
0x514: {  	s5 =	sadd.s32 $0x10, s5;
	v6 =	vadd.s32 v0, v5  }
0x515: {  	s6 =	sadd.s32 $0x10, s6;
	v5 =	vadd.s32 v4, v5;
	[tilespmem:s5+$0x0] =	vst v6  }
0x516: {  	[tilespmem:s6+$0x0] =	vst v5  }
0x517: {  	[spmem:s10] =	stream.indirect.scatter.add.f32 [tilespmem:s26], [sflag:$0x9], $0x1, s18, s3, $0xb8;
	[tilespmem:$0x1A7D8] =	vst v63  }
0x518: {  	_ =	swait.ge [sflag:s17], $0x2710  }
0x519: {  	[sflag:s17] =	ssyncset.done $0x0  }
0x51a: {  	s5 =	simm.s32 $0x16310;
	[sflag:s17] =	ssyncadd.s32 $0xFFFFD8F0  }
0x51b: {  	[spmem:s10] =	stream.indirect.scatter.add.f32 [tilespmem:s5], [sflag:$0x9], $0x1, s20, s3, $0xb8;
	[tilespmem:$0x1A7D8] =	vst v63  }
0x51c: {  	_ =	swait.ge [sflag:s17], $0x2710  }
0x51d: {  	[sflag:s17] =	ssyncset.done $0x0  }
0x51e: {  	[sflag:s17] =	ssyncadd.s32 $0xFFFFD8F0  }
0x51f: {  	[bflag:$0x0] =	sbarrier.arrive $0xFFFF  }
0x520: {  	[tilespmem:s1], [sflag:$0x9] =	stream.linear.gather [spmem:s13], $0x1D58, $0x38;
	[tilespmem:$0x1A7D8] =	vst v63  }
0x521: {  	s4 =	sadd.s32 $0x1, s4;
	_ =	swait.ge [sflag:s17], $0x1D58  }
0x522: {  	p0 =	sne.s32 s4, s15;
	[sflag:s17] =	ssyncset.done $0x0  }
.Ltmp63:
0x523: {  	[sflag:s17] =	ssyncadd.s32 $0xFFFFE2A8;
	(pc) =	sbr.rel @p0 .LBB2_1-.Ltmp63, $4  }
0x524: {  	[hbm4b:s14+s1] =	stream.linear.scatter [tilespmem:s1], [sflag:$0x9], $0x1D58, $0x38;
	[tilespmem:$0x1A7D8] =	vst v63  }
0x525: {  	_ =	swait.ge [sflag:s17], $0x1D58  }
0x526: {  	[sflag:s17] =	ssyncset.done $0x0  }
0x527: {  	[sflag:s17] =	ssyncadd.s32 $0xFFFFE2A8  }
0x528: {  	_ =	sfence.sel $0x180000  }
0x529: {  	[bflag:$0x0] =	sbarrier.arrive $0xFFFF  }
0x52a: {  	_ =	strace $0x90000047  }
0x52b: {  	s0 =	stileid.u32;
	[bflag:$0x2] =	sbarrier.arrive $0xFFFF  }
0x52c: {  	p0 =	sne.s32 s0, $0x0;
	s0 =	rddreg [dreg:$0x4]  }
0x52d: {  	s0 =	sadd.s32 @!p0 $0x100000, s0  }
0x52e: {  	[sflag:s0] =	ssyncadd.tile.s32 @!p0 $0x1;
	_ =	shalt  }
.Lfunc_end2:
_tile_overlayer_lowered:
.L_overlay_start_2:
0x52f: {  	(tag) =	ssettag $0x2  }
0x530: {  	s0 =	rddreg [dreg:$0x0];
	s2 =	stileid.u32  }
0x531: {  	s1 =	rddreg [dreg:$0x1];
	p0 =	sne.s32 s2, $0x0  }
0x532: {  	s3 =	rddreg [dreg:$0x2];
	[bflag:$0x3] =	sbarrier.arrive $0xFFFF;
	s2 =	simm.s32 @!p0 $0x1C09  }
0x533: {  	[timem:s3], [sflag:s2] =	dma.local @!p0 [hbm:s0], s1  }
0x534: {  	s0 =	simm.s32 @!p0 $0x9  }
0x535: {  	_ =	swait.ge @!p0 [sflag:s0], s1  }
0x536: {  	s1 =	ssub.s32 @!p0 $0x0, s1;
	[sflag:s0] =	ssyncset.done @!p0 $0x0  }
0x537: {  	[sflag:s0] =	ssyncadd.s32 @!p0 s1  }
0x538: {  	[bflag:$0x3] =	sbarrier.arrive $0xFFFF  }
0x539: {  	_ =	shalt  }

</sc_bundles>
